<compile_context>
chip_gen: v7x
topology: tpu7x:2x2x1
jax: 0.10.2.dev20260603
libtpu: 0.0.44.dev20260713+nightly
codegen_flags: <defaults>
</compile_context>

<pallas_src>
import functools

import jax
import jax.numpy as jnp
from jax import lax
from jax.experimental import pallas as pl
from jax.experimental.pallas import tpu as pltpu
from jax.experimental.pallas import tpu_sc as plsc

N_NODES = 10000
N_PAD = 10112
N_EDGES = 320000
C_DIM = 128

NC = 2
NS = 16
NW = NC * NS
L = 16

CHUNK = 64
E_PAD = 327680
EPW = E_PAD // NW
NCHUNK = EPW // CHUNK
ROWS_PER_TILE = N_PAD // NS
NBUF = 2
G = 40
NBATCH = NCHUNK // G



def _mm_body(x_ref, w_ref, b_ref, h_ref, hb_ref):
    h = jnp.dot(x_ref[...], w_ref[...], preferred_element_type=jnp.float32)
    h_ref[...] = h
    hb_ref[...] = h + b_ref[...]


def _matmul(x, w, bias2d):
    m = x.shape[0]
    bm = 632
    return pl.pallas_call(
        _mm_body,
        grid=(m // bm,),
        in_specs=[
            pl.BlockSpec((bm, C_DIM), lambda i: (i, 0)),
            pl.BlockSpec((C_DIM, C_DIM), lambda i: (0, 0)),
            pl.BlockSpec((1, C_DIM), lambda i: (0, 0)),
        ],
        out_specs=[
            pl.BlockSpec((bm, C_DIM), lambda i: (i, 0)),
            pl.BlockSpec((bm, C_DIM), lambda i: (i, 0)),
        ],
        out_shape=[
            jax.ShapeDtypeStruct((m, C_DIM), jnp.float32),
            jax.ShapeDtypeStruct((m, C_DIM), jnp.float32),
        ],
    )(x, w, bias2d)



def _add_body(a_ref, b_ref, o_ref):
    o_ref[...] = a_ref[...] + b_ref[...]


def _final_add(a, b):
    m = N_NODES
    bm = 2000
    return pl.pallas_call(
        _add_body,
        grid=(m // bm,),
        in_specs=[
            pl.BlockSpec((bm, C_DIM), lambda i: (i, 0)),
            pl.BlockSpec((bm, C_DIM), lambda i: (i, 0)),
        ],
        out_specs=pl.BlockSpec((bm, C_DIM), lambda i: (i, 0)),
        out_shape=jax.ShapeDtypeStruct((m, C_DIM), jnp.float32),
    )(a, b)



def _sc_body(h_hbm, src_hbm, dst_hbm, d_hbm, cvec_hbm, hb_hbm, zeros_hbm,
             p0_hbm, p1_hbm,
             src_b, dst_b, d_b, rows_v, cv, accum, sem0, sem1, sem2, sem3):
    c = lax.axis_index("c")
    s = lax.axis_index("s")
    wid = s * NC + c
    cbase = wid * NCHUNK
    rbase = s * ROWS_PER_TILE
    sems = (sem0, sem1)

    @pl.when(c == 0)
    def _():
        pltpu.sync_copy(hb_hbm.at[pl.ds(rbase, ROWS_PER_TILE)],
                        accum.at[pl.ds(rbase, ROWS_PER_TILE)])

    @pl.when(c != 0)
    def _():
        pltpu.sync_copy(zeros_hbm.at[pl.ds(rbase, ROWS_PER_TILE)],
                        accum.at[pl.ds(rbase, ROWS_PER_TILE)])

    pltpu.sync_copy(cvec_hbm, cv)
    plsc.subcore_barrier()

    def start_gather(k, b):
        pltpu.make_async_copy(h_hbm.at[src_b.at[k]], rows_v.at[b],
                              sems[b]).start()

    def compute_chunk(k, b):
        pltpu.make_async_copy(h_hbm.at[src_b.at[k]], rows_v.at[b],
                              sems[b]).wait()
        cvec = cv[...]

        @plsc.parallel_loop(0, CHUNK // L, unroll=2)
        def group_body(t):
            dv = d_b[k, pl.ds(t * L, L)]
            wv = jnp.exp(dv * dv * cvec)
            for e2 in range(L):
                wb = lax.gather(
                    wv, jnp.full((L, 1), e2, jnp.int32),
                    lax.GatherDimensionNumbers(offset_dims=(),
                                               collapsed_slice_dims=(0,),
                                               start_index_map=(0,)),
                    slice_sizes=(1,),
                    mode=lax.GatherScatterMode.PROMISE_IN_BOUNDS)
                e = t * L + e2
                for j in range(C_DIM // L):
                    sl = pl.ds(j * L, L)
                    rows_v[b, e, sl] = rows_v[b, e, sl] * wb
        pltpu.sync_copy(rows_v.at[b], accum.at[dst_b.at[k]], add=True)

    def batch_body(q, carry):
        qbase = cbase + q * G
        pltpu.sync_copy(src_hbm.at[pl.ds(qbase, G)], src_b)
        pltpu.sync_copy(dst_hbm.at[pl.ds(qbase, G)], dst_b)
        pltpu.sync_copy(d_hbm.at[pl.ds(qbase, G)], d_b)
        for b in range(NBUF):
            start_gather(b, b)

        def pair_body(k2, carry2):
            for b in range(NBUF):
                k = k2 * NBUF + b
                compute_chunk(k, b)

                @pl.when(k2 < G // NBUF - 1)
                def _():
                    start_gather(k + NBUF, b)
            return carry2

        lax.fori_loop(0, G // NBUF, pair_body, 0)
        return carry

    lax.fori_loop(0, NBATCH, batch_body, 0)
    plsc.subcore_barrier()

    @pl.when(c == 0)
    def _():
        pltpu.sync_copy(accum.at[pl.ds(rbase, ROWS_PER_TILE)],
                        p0_hbm.at[pl.ds(rbase, ROWS_PER_TILE)])

    @pl.when(c != 0)
    def _():
        pltpu.sync_copy(accum.at[pl.ds(rbase, ROWS_PER_TILE)],
                        p1_hbm.at[pl.ds(rbase, ROWS_PER_TILE)])


_sc_scatter = functools.partial(
    pl.kernel,
    out_type=(
        jax.ShapeDtypeStruct((N_PAD, C_DIM), jnp.float32),
        jax.ShapeDtypeStruct((N_PAD, C_DIM), jnp.float32),
    ),
    mesh=plsc.VectorSubcoreMesh(core_axis_name="c", subcore_axis_name="s"),
    scratch_types=[
        pltpu.VMEM((G, CHUNK), jnp.int32),
        pltpu.VMEM((G, CHUNK), jnp.int32),
        pltpu.VMEM((G, CHUNK), jnp.float32),
        pltpu.VMEM((NBUF, CHUNK, C_DIM), jnp.float32),
        pltpu.VMEM((L,), jnp.float32),
        pltpu.VMEM_SHARED((N_PAD, C_DIM), jnp.float32),
        pltpu.SemaphoreType.DMA,
        pltpu.SemaphoreType.DMA,
        pltpu.SemaphoreType.DMA,
        pltpu.SemaphoreType.DMA,
    ],
)(_sc_body)



def kernel(x, edge_index, edge_attr, root_weight, bias, gaussian_param):
    src = edge_index[0].astype(jnp.int32)
    dst = edge_index[1].astype(jnp.int32)
    d = edge_attr[:, 0]
    n_pad = E_PAD - src.shape[0]
    src_p = jnp.concatenate([src, jnp.zeros((n_pad,), jnp.int32)]).reshape(-1, CHUNK)
    dst_p = jnp.concatenate([dst, jnp.zeros((n_pad,), jnp.int32)]).reshape(-1, CHUNK)
    d_p = jnp.concatenate([d, jnp.full((n_pad,), 1e30, jnp.float32)]).reshape(-1, CHUNK)
    cvec = jnp.full((L,), -1.0 / (gaussian_param[0] ** 2 + 1e-8), jnp.float32)
    zeros = jnp.zeros((N_PAD, C_DIM), jnp.float32)

    x_p = jnp.concatenate([x, jnp.zeros((N_PAD - N_NODES, C_DIM), jnp.float32)])
    h, hb = _matmul(x_p, root_weight, bias.reshape(1, C_DIM))
    p0, p1 = _sc_scatter(h, src_p, dst_p, d_p, cvec, hb, zeros)
    return _final_add(p0, p1)

# --- scband reference (transcript-rebuilt; emitter-appended) ---
"""Pipeline reference for scband-graph-conv-layer-7404523619174 (READ-ONLY COPY).

The authoritative reference and input builder live on the scoring server;
editing this copy changes nothing except your own understanding.
"""

import jax, jax.numpy as jnp
import numpy as np

N_NODES = 10000
N_EDGES = 320000
IN_C = 128
OUT_C = 128


def setup_inputs(seed: int = 0) -> dict:
    key = jax.random.key(seed)
    k1, k2, k3, k4, k5, k6 = jax.random.split(key, 6)
    x = jax.random.normal(k1, (N_NODES, IN_C), dtype=jnp.float32)
    edge_index = jax.random.randint(k2, (2, N_EDGES), 0, N_NODES, dtype=jnp.int64)
    edge_attr = jax.random.uniform(k3, (N_EDGES, 4), dtype=jnp.float32)
    root_weight = jax.random.normal(k4, (IN_C, OUT_C), dtype=jnp.float32)
    bias = jax.random.normal(k5, (OUT_C,), dtype=jnp.float32)
    gaussian_param = jnp.ones((1,), dtype=jnp.float32)
    return {
        "x": x,
        "edge_index": edge_index,
        "edge_attr": edge_attr,
        "root_weight": root_weight,
        "bias": bias,
        "gaussian_param": gaussian_param,
    }


def reference(x, edge_index, edge_attr, root_weight, bias, gaussian_param):
    num_nodes = x.shape[0]
    source_nodes = edge_index[0]
    target_nodes = edge_index[1]
    # gather source node features
    x_source = jnp.take(x, source_nodes, axis=0)
    distances = edge_attr[:, 0:1]
    gaussian_weights = jnp.exp(-distances ** 2 / (gaussian_param ** 2 + 1e-08))
    gaussian_weights = jnp.tile(gaussian_weights, (1, OUT_C))
    messages = jnp.matmul(x_source, root_weight)
    messages = messages * gaussian_weights
    # scatter-add messages to target nodes
    out = jnp.zeros((num_nodes, OUT_C), dtype=x.dtype).at[target_nodes].add(messages)
    out = out + jnp.matmul(x, root_weight)
    out = out + bias
    return out

if __name__ == "__main__":
    import jax
    _d = setup_inputs()
    print(jax.jit(kernel)(*tuple(_d.values())))

</pallas_src>

<mosaic_0001>
#map = affine_map<(d0, d1) -> (0, 0)>
#map1 = affine_map<(d0, d1) -> (0)>
module attributes {stable_mosaic.version = 14 : i64} {
  func.func @_sc_body(%arg0: i32, %arg1: i32, %arg2: memref<10112x128xf32, #tpu.memory_space<hbm>>, %arg3: memref<5120x64xi32, #tpu.memory_space<hbm>>, %arg4: memref<5120x64xi32, #tpu.memory_space<hbm>>, %arg5: memref<5120x64xf32, #tpu.memory_space<hbm>>, %arg6: memref<16xf32, #tpu.memory_space<hbm>>, %arg7: memref<10112x128xf32, #tpu.memory_space<hbm>>, %arg8: memref<10112x128xf32, #tpu.memory_space<hbm>>, %arg9: memref<10112x128xf32, #tpu.memory_space<hbm>>, %arg10: memref<10112x128xf32, #tpu.memory_space<hbm>>, %arg11: memref<40x64xi32, #tpu.memory_space<vmem>>, %arg12: memref<40x64xi32, #tpu.memory_space<vmem>>, %arg13: memref<40x64xf32, #tpu.memory_space<vmem>>, %arg14: memref<2x64x128xf32, #tpu.memory_space<vmem>>, %arg15: memref<16xf32, #tpu.memory_space<vmem>>, %arg16: memref<10112x128xf32, #tpu.memory_space<vmem_shared>>, %arg17: memref<!tpu.dma_semaphore, #tpu.memory_space<semaphore_mem>>, %arg18: memref<!tpu.dma_semaphore, #tpu.memory_space<semaphore_mem>>, %arg19: memref<!tpu.dma_semaphore, #tpu.memory_space<semaphore_mem>>, %arg20: memref<!tpu.dma_semaphore, #tpu.memory_space<semaphore_mem>>) attributes {dimension_semantics = [#tpu.dimension_semantics<core_parallel>, #tpu.dimension_semantics<subcore_parallel>], iteration_bounds = array<i64: 2, 16>, scalar_prefetch = 0 : i64, scratch_operands = 10 : i64, tpu.core_type = #tpu.core_type<sc_vector_subcore>, window_params = [{transform_indices = #map}, {transform_indices = #map}, {transform_indices = #map}, {transform_indices = #map}, {transform_indices = #map1}, {transform_indices = #map}, {transform_indices = #map}, {transform_indices = #map}, {transform_indices = #map}]} {
    %mul3A = arith.constant 2 : i32
    %mul3A_0 = arith.muli %arg1, %mul3A : i32
    %add3A = arith.addi %mul3A_0, %arg0 : i32
    %mul3A_1 = arith.constant 160 : i32
    %mul3A_2 = arith.muli %add3A, %mul3A_1 : i32
    %mul3A_3 = arith.constant 632 : i32
    %mul3A_4 = arith.muli %arg1, %mul3A_3 : i32
    %eq3A = arith.constant 0 : i32
    %eq3A_5 = arith.cmpi eq, %arg0, %eq3A : i32
    %convert_element_type3A = arith.extui %eq3A_5 : i1 to i32
    %cond3A = arith.constant 0 : i32
    %cond3A_6 = arith.cmpi ne, %convert_element_type3A, %cond3A : i32
    scf.if %cond3A_6 {
      "tpu.region"() ({
        %run_scoped3A = tpu.sem_alloc : memref<!tpu.dma_semaphore, #tpu.memory_space<semaphore_mem>>
        %dma_start3A = arith.constant 0 : i32
        %dma_start3A_27 = tpu.memref_slice %arg16[%mul3A_4, %dma_start3A] : memref<10112x128xf32, #tpu.memory_space<vmem_shared>> -> memref<632x128xf32, #tpu.memory_space<vmem_shared>>
        %dma_start3A_28 = arith.constant 0 : i32
        %dma_start3A_29 = tpu.memref_slice %arg7[%mul3A_4, %dma_start3A_28] : memref<10112x128xf32, #tpu.memory_space<hbm>> -> memref<632x128xf32, #tpu.memory_space<hbm>>
        tpu.enqueue_dma source(%dma_start3A_29 : memref<632x128xf32, #tpu.memory_space<hbm>>) target(%dma_start3A_27 : memref<632x128xf32, #tpu.memory_space<vmem_shared>>) target_semaphore(%run_scoped3A : memref<!tpu.dma_semaphore, #tpu.memory_space<semaphore_mem>>)
        %dma_wait3A = arith.constant 0 : i32
        %dma_wait3A_30 = tpu.memref_slice %arg16[%mul3A_4, %dma_wait3A] : memref<10112x128xf32, #tpu.memory_space<vmem_shared>> -> memref<632x128xf32, #tpu.memory_space<vmem_shared>>
        %dma_wait3A_31 = arith.constant 0 : i32
        %dma_wait3A_32 = tpu.memref_slice %arg7[%mul3A_4, %dma_wait3A_31] : memref<10112x128xf32, #tpu.memory_space<hbm>> -> memref<632x128xf32, #tpu.memory_space<hbm>>
        tpu.wait_dma2 semaphore(%run_scoped3A : memref<!tpu.dma_semaphore, #tpu.memory_space<semaphore_mem>>) src(%dma_wait3A_32 : memref<632x128xf32, #tpu.memory_space<hbm>>) dst(%dma_wait3A_30 : memref<632x128xf32, #tpu.memory_space<vmem_shared>>)
        tpu.yield
      }) : () -> ()
    } else {
    }
    %ne3A = arith.constant 0 : i32
    %ne3A_7 = arith.cmpi ne, %arg0, %ne3A : i32
    %convert_element_type3A_8 = arith.extui %ne3A_7 : i1 to i32
    %cond3A_9 = arith.constant 0 : i32
    %cond3A_10 = arith.cmpi ne, %convert_element_type3A_8, %cond3A_9 : i32
    scf.if %cond3A_10 {
      "tpu.region"() ({
        %run_scoped3A = tpu.sem_alloc : memref<!tpu.dma_semaphore, #tpu.memory_space<semaphore_mem>>
        %dma_start3A = arith.constant 0 : i32
        %dma_start3A_27 = tpu.memref_slice %arg16[%mul3A_4, %dma_start3A] : memref<10112x128xf32, #tpu.memory_space<vmem_shared>> -> memref<632x128xf32, #tpu.memory_space<vmem_shared>>
        %dma_start3A_28 = arith.constant 0 : i32
        %dma_start3A_29 = tpu.memref_slice %arg8[%mul3A_4, %dma_start3A_28] : memref<10112x128xf32, #tpu.memory_space<hbm>> -> memref<632x128xf32, #tpu.memory_space<hbm>>
        tpu.enqueue_dma source(%dma_start3A_29 : memref<632x128xf32, #tpu.memory_space<hbm>>) target(%dma_start3A_27 : memref<632x128xf32, #tpu.memory_space<vmem_shared>>) target_semaphore(%run_scoped3A : memref<!tpu.dma_semaphore, #tpu.memory_space<semaphore_mem>>)
        %dma_wait3A = arith.constant 0 : i32
        %dma_wait3A_30 = tpu.memref_slice %arg16[%mul3A_4, %dma_wait3A] : memref<10112x128xf32, #tpu.memory_space<vmem_shared>> -> memref<632x128xf32, #tpu.memory_space<vmem_shared>>
        %dma_wait3A_31 = arith.constant 0 : i32
        %dma_wait3A_32 = tpu.memref_slice %arg8[%mul3A_4, %dma_wait3A_31] : memref<10112x128xf32, #tpu.memory_space<hbm>> -> memref<632x128xf32, #tpu.memory_space<hbm>>
        tpu.wait_dma2 semaphore(%run_scoped3A : memref<!tpu.dma_semaphore, #tpu.memory_space<semaphore_mem>>) src(%dma_wait3A_32 : memref<632x128xf32, #tpu.memory_space<hbm>>) dst(%dma_wait3A_30 : memref<632x128xf32, #tpu.memory_space<vmem_shared>>)
        tpu.yield
      }) : () -> ()
    } else {
    }
    "tpu.region"() ({
      %run_scoped3A = tpu.sem_alloc : memref<!tpu.dma_semaphore, #tpu.memory_space<semaphore_mem>>
      tpu.enqueue_dma source(%arg6 : memref<16xf32, #tpu.memory_space<hbm>>) target(%arg15 : memref<16xf32, #tpu.memory_space<vmem>>) target_semaphore(%run_scoped3A : memref<!tpu.dma_semaphore, #tpu.memory_space<semaphore_mem>>)
      tpu.wait_dma2 semaphore(%run_scoped3A : memref<!tpu.dma_semaphore, #tpu.memory_space<semaphore_mem>>) src(%arg6 : memref<16xf32, #tpu.memory_space<hbm>>) dst(%arg15 : memref<16xf32, #tpu.memory_space<vmem>>)
      tpu.yield
    }) : () -> ()
    %barrier3A = arith.constant 0 : index
    tpu.barrier barrier_id(%barrier3A)
    %scan3A = arith.constant 0 : i32
    %scan3A_11 = arith.constant 0 : i32
    %scan3A_12 = arith.constant 4 : i32
    %scan3A_13 = arith.addi %scan3A_11, %scan3A_12 : i32
    %scan3A_14 = arith.constant 1 : i32
    scf.for %scan3A_27 = %scan3A_11 to %scan3A_13 step %scan3A_14  : i32 {
      %mul3A_28 = arith.constant 40 : i32
      %mul3A_29 = arith.muli %scan3A_27, %mul3A_28 : i32
      %add3A_30 = arith.addi %mul3A_2, %mul3A_29 : i32
      "tpu.region"() ({
        %run_scoped3A = tpu.sem_alloc : memref<!tpu.dma_semaphore, #tpu.memory_space<semaphore_mem>>
        %dma_start3A_60 = arith.constant 0 : i32
        %dma_start3A_61 = tpu.memref_slice %arg3[%add3A_30, %dma_start3A_60] : memref<5120x64xi32, #tpu.memory_space<hbm>> -> memref<40x64xi32, #tpu.memory_space<hbm>>
        %dma_start3A_62 = arith.constant 0 : i32
        %dma_start3A_63 = tpu.memref_slice %arg3[%add3A_30, %dma_start3A_62] : memref<5120x64xi32, #tpu.memory_space<hbm>> -> memref<40x64xi32, #tpu.memory_space<hbm>>
        tpu.enqueue_dma source(%dma_start3A_63 : memref<40x64xi32, #tpu.memory_space<hbm>>) target(%arg11 : memref<40x64xi32, #tpu.memory_space<vmem>>) target_semaphore(%run_scoped3A : memref<!tpu.dma_semaphore, #tpu.memory_space<semaphore_mem>>)
        %dma_wait3A = arith.constant 0 : i32
        %dma_wait3A_64 = tpu.memref_slice %arg3[%add3A_30, %dma_wait3A] : memref<5120x64xi32, #tpu.memory_space<hbm>> -> memref<40x64xi32, #tpu.memory_space<hbm>>
        %dma_wait3A_65 = arith.constant 0 : i32
        %dma_wait3A_66 = tpu.memref_slice %arg3[%add3A_30, %dma_wait3A_65] : memref<5120x64xi32, #tpu.memory_space<hbm>> -> memref<40x64xi32, #tpu.memory_space<hbm>>
        tpu.wait_dma2 semaphore(%run_scoped3A : memref<!tpu.dma_semaphore, #tpu.memory_space<semaphore_mem>>) src(%dma_wait3A_66 : memref<40x64xi32, #tpu.memory_space<hbm>>) dst(%arg11 : memref<40x64xi32, #tpu.memory_space<vmem>>)
        tpu.yield
      }) : () -> ()
      "tpu.region"() ({
        %run_scoped3A = tpu.sem_alloc : memref<!tpu.dma_semaphore, #tpu.memory_space<semaphore_mem>>
        %dma_start3A_60 = arith.constant 0 : i32
        %dma_start3A_61 = tpu.memref_slice %arg4[%add3A_30, %dma_start3A_60] : memref<5120x64xi32, #tpu.memory_space<hbm>> -> memref<40x64xi32, #tpu.memory_space<hbm>>
        %dma_start3A_62 = arith.constant 0 : i32
        %dma_start3A_63 = tpu.memref_slice %arg4[%add3A_30, %dma_start3A_62] : memref<5120x64xi32, #tpu.memory_space<hbm>> -> memref<40x64xi32, #tpu.memory_space<hbm>>
        tpu.enqueue_dma source(%dma_start3A_63 : memref<40x64xi32, #tpu.memory_space<hbm>>) target(%arg12 : memref<40x64xi32, #tpu.memory_space<vmem>>) target_semaphore(%run_scoped3A : memref<!tpu.dma_semaphore, #tpu.memory_space<semaphore_mem>>)
        %dma_wait3A = arith.constant 0 : i32
        %dma_wait3A_64 = tpu.memref_slice %arg4[%add3A_30, %dma_wait3A] : memref<5120x64xi32, #tpu.memory_space<hbm>> -> memref<40x64xi32, #tpu.memory_space<hbm>>
        %dma_wait3A_65 = arith.constant 0 : i32
        %dma_wait3A_66 = tpu.memref_slice %arg4[%add3A_30, %dma_wait3A_65] : memref<5120x64xi32, #tpu.memory_space<hbm>> -> memref<40x64xi32, #tpu.memory_space<hbm>>
        tpu.wait_dma2 semaphore(%run_scoped3A : memref<!tpu.dma_semaphore, #tpu.memory_space<semaphore_mem>>) src(%dma_wait3A_66 : memref<40x64xi32, #tpu.memory_space<hbm>>) dst(%arg12 : memref<40x64xi32, #tpu.memory_space<vmem>>)
        tpu.yield
      }) : () -> ()
      "tpu.region"() ({
        %run_scoped3A = tpu.sem_alloc : memref<!tpu.dma_semaphore, #tpu.memory_space<semaphore_mem>>
        %dma_start3A_60 = arith.constant 0 : i32
        %dma_start3A_61 = tpu.memref_slice %arg5[%add3A_30, %dma_start3A_60] : memref<5120x64xf32, #tpu.memory_space<hbm>> -> memref<40x64xf32, #tpu.memory_space<hbm>>
        %dma_start3A_62 = arith.constant 0 : i32
        %dma_start3A_63 = tpu.memref_slice %arg5[%add3A_30, %dma_start3A_62] : memref<5120x64xf32, #tpu.memory_space<hbm>> -> memref<40x64xf32, #tpu.memory_space<hbm>>
        tpu.enqueue_dma source(%dma_start3A_63 : memref<40x64xf32, #tpu.memory_space<hbm>>) target(%arg13 : memref<40x64xf32, #tpu.memory_space<vmem>>) target_semaphore(%run_scoped3A : memref<!tpu.dma_semaphore, #tpu.memory_space<semaphore_mem>>)
        %dma_wait3A = arith.constant 0 : i32
        %dma_wait3A_64 = tpu.memref_slice %arg5[%add3A_30, %dma_wait3A] : memref<5120x64xf32, #tpu.memory_space<hbm>> -> memref<40x64xf32, #tpu.memory_space<hbm>>
        %dma_wait3A_65 = arith.constant 0 : i32
        %dma_wait3A_66 = tpu.memref_slice %arg5[%add3A_30, %dma_wait3A_65] : memref<5120x64xf32, #tpu.memory_space<hbm>> -> memref<40x64xf32, #tpu.memory_space<hbm>>
        tpu.wait_dma2 semaphore(%run_scoped3A : memref<!tpu.dma_semaphore, #tpu.memory_space<semaphore_mem>>) src(%dma_wait3A_66 : memref<40x64xf32, #tpu.memory_space<hbm>>) dst(%arg13 : memref<40x64xf32, #tpu.memory_space<vmem>>)
        tpu.yield
      }) : () -> ()
      %dma_start3A = arith.constant 0 : i32
      %dma_start3A_31 = arith.constant 0 : i32
      %dma_start3A_32 = arith.constant 0 : i32
      %dma_start3A_33 = arith.constant 0 : i32
      %dma_start3A_34 = tpu.memref_slice %arg14[%dma_start3A_31, %dma_start3A_32, %dma_start3A_33] : memref<2x64x128xf32, #tpu.memory_space<vmem>> -> memref<1x64x128xf32, #tpu.memory_space<vmem>>
      %dma_start3A_35 = tpu.memref_squeeze %dma_start3A_34 : memref<1x64x128xf32, #tpu.memory_space<vmem>> -> memref<64x128xf32, #tpu.memory_space<vmem>>
      %dma_start3A_36 = arith.constant 0 : i32
      %dma_start3A_37 = tpu.memref_slice %arg11[%dma_start3A, %dma_start3A_36] : memref<40x64xi32, #tpu.memory_space<vmem>> -> memref<1x64xi32, #tpu.memory_space<vmem>>
      %dma_start3A_38 = tpu.memref_squeeze %dma_start3A_37 : memref<1x64xi32, #tpu.memory_space<vmem>> -> memref<64xi32, #tpu.memory_space<vmem>>
      %dma_start3A_39 = arith.constant 0 : i32
      %dma_start3A_40 = arith.constant 0 : i32
      %dma_start3A_41 = tpu.memref_slice %arg2[%dma_start3A_39, %dma_start3A_40] : memref<10112x128xf32, #tpu.memory_space<hbm>> -> memref<10112x128xf32, #tpu.memory_space<hbm>>
      tpu.enqueue_indirect_dma source(%dma_start3A_41 : memref<10112x128xf32, #tpu.memory_space<hbm>>) target(%dma_start3A_35 : memref<64x128xf32, #tpu.memory_space<vmem>>) offsets(%dma_start3A_38 : memref<64xi32, #tpu.memory_space<vmem>>) semaphore(%arg17 : memref<!tpu.dma_semaphore, #tpu.memory_space<semaphore_mem>>)
      %dma_start3A_42 = arith.constant 1 : i32
      %dma_start3A_43 = arith.constant 1 : i32
      %dma_start3A_44 = arith.constant 0 : i32
      %dma_start3A_45 = arith.constant 0 : i32
      %dma_start3A_46 = tpu.memref_slice %arg14[%dma_start3A_43, %dma_start3A_44, %dma_start3A_45] : memref<2x64x128xf32, #tpu.memory_space<vmem>> -> memref<1x64x128xf32, #tpu.memory_space<vmem>>
      %dma_start3A_47 = tpu.memref_squeeze %dma_start3A_46 : memref<1x64x128xf32, #tpu.memory_space<vmem>> -> memref<64x128xf32, #tpu.memory_space<vmem>>
      %dma_start3A_48 = arith.constant 0 : i32
      %dma_start3A_49 = tpu.memref_slice %arg11[%dma_start3A_42, %dma_start3A_48] : memref<40x64xi32, #tpu.memory_space<vmem>> -> memref<1x64xi32, #tpu.memory_space<vmem>>
      %dma_start3A_50 = tpu.memref_squeeze %dma_start3A_49 : memref<1x64xi32, #tpu.memory_space<vmem>> -> memref<64xi32, #tpu.memory_space<vmem>>
      %dma_start3A_51 = arith.constant 0 : i32
      %dma_start3A_52 = arith.constant 0 : i32
      %dma_start3A_53 = tpu.memref_slice %arg2[%dma_start3A_51, %dma_start3A_52] : memref<10112x128xf32, #tpu.memory_space<hbm>> -> memref<10112x128xf32, #tpu.memory_space<hbm>>
      tpu.enqueue_indirect_dma source(%dma_start3A_53 : memref<10112x128xf32, #tpu.memory_space<hbm>>) target(%dma_start3A_47 : memref<64x128xf32, #tpu.memory_space<vmem>>) offsets(%dma_start3A_50 : memref<64xi32, #tpu.memory_space<vmem>>) semaphore(%arg18 : memref<!tpu.dma_semaphore, #tpu.memory_space<semaphore_mem>>)
      %scan3A_54 = arith.constant 0 : i32
      %scan3A_55 = arith.constant 0 : i32
      %scan3A_56 = arith.constant 20 : i32
      %scan3A_57 = arith.addi %scan3A_55, %scan3A_56 : i32
      %scan3A_58 = arith.constant 1 : i32
      scf.for %scan3A_60 = %scan3A_55 to %scan3A_57 step %scan3A_58  : i32 {
        %mul3A_61 = arith.constant 2 : i32
        %mul3A_62 = arith.muli %scan3A_60, %mul3A_61 : i32
        %add3A_63 = arith.constant 0 : i32
        %add3A_64 = arith.addi %mul3A_62, %add3A_63 : i32
        %dma_wait3A = arith.constant 0 : i32
        %dma_wait3A_65 = arith.constant 0 : i32
        %dma_wait3A_66 = arith.constant 0 : i32
        %dma_wait3A_67 = tpu.memref_slice %arg14[%dma_wait3A, %dma_wait3A_65, %dma_wait3A_66] : memref<2x64x128xf32, #tpu.memory_space<vmem>> -> memref<1x64x128xf32, #tpu.memory_space<vmem>>
        %dma_wait3A_68 = tpu.memref_squeeze %dma_wait3A_67 : memref<1x64x128xf32, #tpu.memory_space<vmem>> -> memref<64x128xf32, #tpu.memory_space<vmem>>
        %dma_wait3A_69 = arith.constant 0 : i32
        %dma_wait3A_70 = tpu.memref_slice %arg11[%add3A_64, %dma_wait3A_69] : memref<40x64xi32, #tpu.memory_space<vmem>> -> memref<1x64xi32, #tpu.memory_space<vmem>>
        %dma_wait3A_71 = tpu.memref_squeeze %dma_wait3A_70 : memref<1x64xi32, #tpu.memory_space<vmem>> -> memref<64xi32, #tpu.memory_space<vmem>>
        %dma_wait3A_72 = arith.constant 0 : i32
        %dma_wait3A_73 = arith.constant 0 : i32
        %dma_wait3A_74 = tpu.memref_slice %arg2[%dma_wait3A_72, %dma_wait3A_73] : memref<10112x128xf32, #tpu.memory_space<hbm>> -> memref<10112x128xf32, #tpu.memory_space<hbm>>
        tpu.wait_indirect_dma semaphore(%arg17 : memref<!tpu.dma_semaphore, #tpu.memory_space<semaphore_mem>>) src(%dma_wait3A_74 : memref<10112x128xf32, #tpu.memory_space<hbm>>) dst(%dma_wait3A_68 : memref<64x128xf32, #tpu.memory_space<vmem>>)
        %get3A = arith.constant 0 : index
        %get3A_75 = tpu.vector_load %arg15[%get3A] {strides = array<i32>} : memref<16xf32, #tpu.memory_space<vmem>>, vector<16xf32>,
        %get3A_76 = vector.shape_cast %get3A_75 : vector<16xf32> to vector<16xf32>
        %parallel_loop3A = arith.constant 0 : i32
        %parallel_loop3A_77 = arith.constant 4 : i32
        %parallel_loop3A_78 = arith.constant 1 : i32
        scf.for %parallel_loop3A_110 = %parallel_loop3A to %parallel_loop3A_77 step %parallel_loop3A_78  : i32 {
          %parallel_loop3A_111 = arith.constant 16 : i32
          %parallel_loop3A_112 = arith.muli %parallel_loop3A_110, %parallel_loop3A_111 : i32
          %parallel_loop3A_113 = arith.index_cast %add3A_64 : i32 to index
          %parallel_loop3A_114 = arith.index_cast %parallel_loop3A_112 : i32 to index
          %parallel_loop3A_115 = tpu.vector_load %arg13[%parallel_loop3A_113, %parallel_loop3A_114] {strides = array<i32>} : memref<40x64xf32, #tpu.memory_space<vmem>>, vector<1x16xf32>,
          %parallel_loop3A_116 = vector.shape_cast %parallel_loop3A_115 : vector<1x16xf32> to vector<16xf32>
          %parallel_loop3A_117 = arith.mulf %parallel_loop3A_116, %parallel_loop3A_116 : vector<16xf32>
          %parallel_loop3A_118 = arith.mulf %parallel_loop3A_117, %get3A_76 : vector<16xf32>
          %parallel_loop3A_119 = math.exp %parallel_loop3A_118 : vector<16xf32>
          %parallel_loop3A_120 = arith.constant 0 : i32
          %parallel_loop3A_121 = vector.broadcast %parallel_loop3A_120 : i32 to vector<16x1xi32>
          %parallel_loop3A_122 = vector.shape_cast %parallel_loop3A_121 : vector<16x1xi32> to vector<16xi32>
          %parallel_loop3A_123 = tpu.dynamic_gather %parallel_loop3A_119[%parallel_loop3A_122] in [0] : vector<16xf32>, vector<16xi32> -> vector<16xf32>
          %parallel_loop3A_124 = arith.constant 16 : i32
          %parallel_loop3A_125 = arith.muli %parallel_loop3A_110, %parallel_loop3A_124 : i32
          %parallel_loop3A_126 = arith.constant 0 : i32
          %parallel_loop3A_127 = arith.addi %parallel_loop3A_125, %parallel_loop3A_126 : i32
          %parallel_loop3A_128 = arith.constant 0 : i32
          %parallel_loop3A_129 = arith.index_cast %parallel_loop3A_128 : i32 to index
          %parallel_loop3A_130 = arith.index_cast %parallel_loop3A_127 : i32 to index
          %parallel_loop3A_131 = arith.constant 0 : index
          %parallel_loop3A_132 = tpu.vector_load %arg14[%parallel_loop3A_129, %parallel_loop3A_130, %parallel_loop3A_131] {strides = array<i32>} : memref<2x64x128xf32, #tpu.memory_space<vmem>>, vector<1x1x16xf32>,
          %parallel_loop3A_133 = vector.shape_cast %parallel_loop3A_132 : vector<1x1x16xf32> to vector<16xf32>
          %parallel_loop3A_134 = arith.mulf %parallel_loop3A_133, %parallel_loop3A_123 : vector<16xf32>
          %parallel_loop3A_135 = arith.constant 0 : i32
          %parallel_loop3A_136 = arith.index_cast %parallel_loop3A_135 : i32 to index
          %parallel_loop3A_137 = arith.index_cast %parallel_loop3A_127 : i32 to index
          %parallel_loop3A_138 = arith.constant 0 : index
          %parallel_loop3A_139 = tpu.vector_load %arg14[%parallel_loop3A_136, %parallel_loop3A_137, %parallel_loop3A_138] {strides = array<i32>} : memref<2x64x128xf32, #tpu.memory_space<vmem>>, vector<1x1x16xf32>,
          %parallel_loop3A_140 = vector.shape_cast %parallel_loop3A_139 : vector<1x1x16xf32> to vector<16xf32>
          %parallel_loop3A_141 = vector.shape_cast %parallel_loop3A_134 : vector<16xf32> to vector<1x1x16xf32>
          tpu.vector_store %arg14[%parallel_loop3A_136, %parallel_loop3A_137, %parallel_loop3A_138], %parallel_loop3A_141 {strides = array<i32>} : memref<2x64x128xf32, #tpu.memory_space<vmem>>, vector<1x1x16xf32>,
          %parallel_loop3A_142 = arith.constant 0 : i32
          %parallel_loop3A_143 = arith.index_cast %parallel_loop3A_142 : i32 to index
          %parallel_loop3A_144 = arith.index_cast %parallel_loop3A_127 : i32 to index
          %parallel_loop3A_145 = arith.constant 16 : index
          %parallel_loop3A_146 = tpu.vector_load %arg14[%parallel_loop3A_143, %parallel_loop3A_144, %parallel_loop3A_145] {strides = array<i32>} : memref<2x64x128xf32, #tpu.memory_space<vmem>>, vector<1x1x16xf32>,
          %parallel_loop3A_147 = vector.shape_cast %parallel_loop3A_146 : vector<1x1x16xf32> to vector<16xf32>
          %parallel_loop3A_148 = arith.mulf %parallel_loop3A_147, %parallel_loop3A_123 : vector<16xf32>
          %parallel_loop3A_149 = arith.constant 0 : i32
          %parallel_loop3A_150 = arith.index_cast %parallel_loop3A_149 : i32 to index
          %parallel_loop3A_151 = arith.index_cast %parallel_loop3A_127 : i32 to index
          %parallel_loop3A_152 = arith.constant 16 : index
          %parallel_loop3A_153 = tpu.vector_load %arg14[%parallel_loop3A_150, %parallel_loop3A_151, %parallel_loop3A_152] {strides = array<i32>} : memref<2x64x128xf32, #tpu.memory_space<vmem>>, vector<1x1x16xf32>,
          %parallel_loop3A_154 = vector.shape_cast %parallel_loop3A_153 : vector<1x1x16xf32> to vector<16xf32>
          %parallel_loop3A_155 = vector.shape_cast %parallel_loop3A_148 : vector<16xf32> to vector<1x1x16xf32>
          tpu.vector_store %arg14[%parallel_loop3A_150, %parallel_loop3A_151, %parallel_loop3A_152], %parallel_loop3A_155 {strides = array<i32>} : memref<2x64x128xf32, #tpu.memory_space<vmem>>, vector<1x1x16xf32>,
          %parallel_loop3A_156 = arith.constant 0 : i32
          %parallel_loop3A_157 = arith.index_cast %parallel_loop3A_156 : i32 to index
          %parallel_loop3A_158 = arith.index_cast %parallel_loop3A_127 : i32 to index
          %parallel_loop3A_159 = arith.constant 32 : index
          %parallel_loop3A_160 = tpu.vector_load %arg14[%parallel_loop3A_157, %parallel_loop3A_158, %parallel_loop3A_159] {strides = array<i32>} : memref<2x64x128xf32, #tpu.memory_space<vmem>>, vector<1x1x16xf32>,
          %parallel_loop3A_161 = vector.shape_cast %parallel_loop3A_160 : vector<1x1x16xf32> to vector<16xf32>
          %parallel_loop3A_162 = arith.mulf %parallel_loop3A_161, %parallel_loop3A_123 : vector<16xf32>
          %parallel_loop3A_163 = arith.constant 0 : i32
          %parallel_loop3A_164 = arith.index_cast %parallel_loop3A_163 : i32 to index
          %parallel_loop3A_165 = arith.index_cast %parallel_loop3A_127 : i32 to index
          %parallel_loop3A_166 = arith.constant 32 : index
          %parallel_loop3A_167 = tpu.vector_load %arg14[%parallel_loop3A_164, %parallel_loop3A_165, %parallel_loop3A_166] {strides = array<i32>} : memref<2x64x128xf32, #tpu.memory_space<vmem>>, vector<1x1x16xf32>,
          %parallel_loop3A_168 = vector.shape_cast %parallel_loop3A_167 : vector<1x1x16xf32> to vector<16xf32>
          %parallel_loop3A_169 = vector.shape_cast %parallel_loop3A_162 : vector<16xf32> to vector<1x1x16xf32>
          tpu.vector_store %arg14[%parallel_loop3A_164, %parallel_loop3A_165, %parallel_loop3A_166], %parallel_loop3A_169 {strides = array<i32>} : memref<2x64x128xf32, #tpu.memory_space<vmem>>, vector<1x1x16xf32>,
          %parallel_loop3A_170 = arith.constant 0 : i32
          %parallel_loop3A_171 = arith.index_cast %parallel_loop3A_170 : i32 to index
          %parallel_loop3A_172 = arith.index_cast %parallel_loop3A_127 : i32 to index
          %parallel_loop3A_173 = arith.constant 48 : index
          %parallel_loop3A_174 = tpu.vector_load %arg14[%parallel_loop3A_171, %parallel_loop3A_172, %parallel_loop3A_173] {strides = array<i32>} : memref<2x64x128xf32, #tpu.memory_space<vmem>>, vector<1x1x16xf32>,
          %parallel_loop3A_175 = vector.shape_cast %parallel_loop3A_174 : vector<1x1x16xf32> to vector<16xf32>
          %parallel_loop3A_176 = arith.mulf %parallel_loop3A_175, %parallel_loop3A_123 : vector<16xf32>
          %parallel_loop3A_177 = arith.constant 0 : i32
          %parallel_loop3A_178 = arith.index_cast %parallel_loop3A_177 : i32 to index
          %parallel_loop3A_179 = arith.index_cast %parallel_loop3A_127 : i32 to index
          %parallel_loop3A_180 = arith.constant 48 : index
          %parallel_loop3A_181 = tpu.vector_load %arg14[%parallel_loop3A_178, %parallel_loop3A_179, %parallel_loop3A_180] {strides = array<i32>} : memref<2x64x128xf32, #tpu.memory_space<vmem>>, vector<1x1x16xf32>,
          %parallel_loop3A_182 = vector.shape_cast %parallel_loop3A_181 : vector<1x1x16xf32> to vector<16xf32>
          %parallel_loop3A_183 = vector.shape_cast %parallel_loop3A_176 : vector<16xf32> to vector<1x1x16xf32>
          tpu.vector_store %arg14[%parallel_loop3A_178, %parallel_loop3A_179, %parallel_loop3A_180], %parallel_loop3A_183 {strides = array<i32>} : memref<2x64x128xf32, #tpu.memory_space<vmem>>, vector<1x1x16xf32>,
          %parallel_loop3A_184 = arith.constant 0 : i32
          %parallel_loop3A_185 = arith.index_cast %parallel_loop3A_184 : i32 to index
          %parallel_loop3A_186 = arith.index_cast %parallel_loop3A_127 : i32 to index
          %parallel_loop3A_187 = arith.constant 64 : index
          %parallel_loop3A_188 = tpu.vector_load %arg14[%parallel_loop3A_185, %parallel_loop3A_186, %parallel_loop3A_187] {strides = array<i32>} : memref<2x64x128xf32, #tpu.memory_space<vmem>>, vector<1x1x16xf32>,
          %parallel_loop3A_189 = vector.shape_cast %parallel_loop3A_188 : vector<1x1x16xf32> to vector<16xf32>
          %parallel_loop3A_190 = arith.mulf %parallel_loop3A_189, %parallel_loop3A_123 : vector<16xf32>
          %parallel_loop3A_191 = arith.constant 0 : i32
          %parallel_loop3A_192 = arith.index_cast %parallel_loop3A_191 : i32 to index
          %parallel_loop3A_193 = arith.index_cast %parallel_loop3A_127 : i32 to index
          %parallel_loop3A_194 = arith.constant 64 : index
          %parallel_loop3A_195 = tpu.vector_load %arg14[%parallel_loop3A_192, %parallel_loop3A_193, %parallel_loop3A_194] {strides = array<i32>} : memref<2x64x128xf32, #tpu.memory_space<vmem>>, vector<1x1x16xf32>,
          %parallel_loop3A_196 = vector.shape_cast %parallel_loop3A_195 : vector<1x1x16xf32> to vector<16xf32>
          %parallel_loop3A_197 = vector.shape_cast %parallel_loop3A_190 : vector<16xf32> to vector<1x1x16xf32>
          tpu.vector_store %arg14[%parallel_loop3A_192, %parallel_loop3A_193, %parallel_loop3A_194], %parallel_loop3A_197 {strides = array<i32>} : memref<2x64x128xf32, #tpu.memory_space<vmem>>, vector<1x1x16xf32>,
          %parallel_loop3A_198 = arith.constant 0 : i32
          %parallel_loop3A_199 = arith.index_cast %parallel_loop3A_198 : i32 to index
          %parallel_loop3A_200 = arith.index_cast %parallel_loop3A_127 : i32 to index
          %parallel_loop3A_201 = arith.constant 80 : index
          %parallel_loop3A_202 = tpu.vector_load %arg14[%parallel_loop3A_199, %parallel_loop3A_200, %parallel_loop3A_201] {strides = array<i32>} : memref<2x64x128xf32, #tpu.memory_space<vmem>>, vector<1x1x16xf32>,
          %parallel_loop3A_203 = vector.shape_cast %parallel_loop3A_202 : vector<1x1x16xf32> to vector<16xf32>
          %parallel_loop3A_204 = arith.mulf %parallel_loop3A_203, %parallel_loop3A_123 : vector<16xf32>
          %parallel_loop3A_205 = arith.constant 0 : i32
          %parallel_loop3A_206 = arith.index_cast %parallel_loop3A_205 : i32 to index
          %parallel_loop3A_207 = arith.index_cast %parallel_loop3A_127 : i32 to index
          %parallel_loop3A_208 = arith.constant 80 : index
          %parallel_loop3A_209 = tpu.vector_load %arg14[%parallel_loop3A_206, %parallel_loop3A_207, %parallel_loop3A_208] {strides = array<i32>} : memref<2x64x128xf32, #tpu.memory_space<vmem>>, vector<1x1x16xf32>,
          %parallel_loop3A_210 = vector.shape_cast %parallel_loop3A_209 : vector<1x1x16xf32> to vector<16xf32>
          %parallel_loop3A_211 = vector.shape_cast %parallel_loop3A_204 : vector<16xf32> to vector<1x1x16xf32>
          tpu.vector_store %arg14[%parallel_loop3A_206, %parallel_loop3A_207, %parallel_loop3A_208], %parallel_loop3A_211 {strides = array<i32>} : memref<2x64x128xf32, #tpu.memory_space<vmem>>, vector<1x1x16xf32>,
          %parallel_loop3A_212 = arith.constant 0 : i32
          %parallel_loop3A_213 = arith.index_cast %parallel_loop3A_212 : i32 to index
          %parallel_loop3A_214 = arith.index_cast %parallel_loop3A_127 : i32 to index
          %parallel_loop3A_215 = arith.constant 96 : index
          %parallel_loop3A_216 = tpu.vector_load %arg14[%parallel_loop3A_213, %parallel_loop3A_214, %parallel_loop3A_215] {strides = array<i32>} : memref<2x64x128xf32, #tpu.memory_space<vmem>>, vector<1x1x16xf32>,
          %parallel_loop3A_217 = vector.shape_cast %parallel_loop3A_216 : vector<1x1x16xf32> to vector<16xf32>
          %parallel_loop3A_218 = arith.mulf %parallel_loop3A_217, %parallel_loop3A_123 : vector<16xf32>
          %parallel_loop3A_219 = arith.constant 0 : i32
          %parallel_loop3A_220 = arith.index_cast %parallel_loop3A_219 : i32 to index
          %parallel_loop3A_221 = arith.index_cast %parallel_loop3A_127 : i32 to index
          %parallel_loop3A_222 = arith.constant 96 : index
          %parallel_loop3A_223 = tpu.vector_load %arg14[%parallel_loop3A_220, %parallel_loop3A_221, %parallel_loop3A_222] {strides = array<i32>} : memref<2x64x128xf32, #tpu.memory_space<vmem>>, vector<1x1x16xf32>,
          %parallel_loop3A_224 = vector.shape_cast %parallel_loop3A_223 : vector<1x1x16xf32> to vector<16xf32>
          %parallel_loop3A_225 = vector.shape_cast %parallel_loop3A_218 : vector<16xf32> to vector<1x1x16xf32>
          tpu.vector_store %arg14[%parallel_loop3A_220, %parallel_loop3A_221, %parallel_loop3A_222], %parallel_loop3A_225 {strides = array<i32>} : memref<2x64x128xf32, #tpu.memory_space<vmem>>, vector<1x1x16xf32>,
          %parallel_loop3A_226 = arith.constant 0 : i32
          %parallel_loop3A_227 = arith.index_cast %parallel_loop3A_226 : i32 to index
          %parallel_loop3A_228 = arith.index_cast %parallel_loop3A_127 : i32 to index
          %parallel_loop3A_229 = arith.constant 112 : index
          %parallel_loop3A_230 = tpu.vector_load %arg14[%parallel_loop3A_227, %parallel_loop3A_228, %parallel_loop3A_229] {strides = array<i32>} : memref<2x64x128xf32, #tpu.memory_space<vmem>>, vector<1x1x16xf32>,
          %parallel_loop3A_231 = vector.shape_cast %parallel_loop3A_230 : vector<1x1x16xf32> to vector<16xf32>
          %parallel_loop3A_232 = arith.mulf %parallel_loop3A_231, %parallel_loop3A_123 : vector<16xf32>
          %parallel_loop3A_233 = arith.constant 0 : i32
          %parallel_loop3A_234 = arith.index_cast %parallel_loop3A_233 : i32 to index
          %parallel_loop3A_235 = arith.index_cast %parallel_loop3A_127 : i32 to index
          %parallel_loop3A_236 = arith.constant 112 : index
          %parallel_loop3A_237 = tpu.vector_load %arg14[%parallel_loop3A_234, %parallel_loop3A_235, %parallel_loop3A_236] {strides = array<i32>} : memref<2x64x128xf32, #tpu.memory_space<vmem>>, vector<1x1x16xf32>,
          %parallel_loop3A_238 = vector.shape_cast %parallel_loop3A_237 : vector<1x1x16xf32> to vector<16xf32>
          %parallel_loop3A_239 = vector.shape_cast %parallel_loop3A_232 : vector<16xf32> to vector<1x1x16xf32>
          tpu.vector_store %arg14[%parallel_loop3A_234, %parallel_loop3A_235, %parallel_loop3A_236], %parallel_loop3A_239 {strides = array<i32>} : memref<2x64x128xf32, #tpu.memory_space<vmem>>, vector<1x1x16xf32>,
          %parallel_loop3A_240 = arith.constant 1 : i32
          %parallel_loop3A_241 = vector.broadcast %parallel_loop3A_240 : i32 to vector<16x1xi32>
          %parallel_loop3A_242 = vector.shape_cast %parallel_loop3A_241 : vector<16x1xi32> to vector<16xi32>
          %parallel_loop3A_243 = tpu.dynamic_gather %parallel_loop3A_119[%parallel_loop3A_242] in [0] : vector<16xf32>, vector<16xi32> -> vector<16xf32>
          %parallel_loop3A_244 = arith.constant 16 : i32
          %parallel_loop3A_245 = arith.muli %parallel_loop3A_110, %parallel_loop3A_244 : i32
          %parallel_loop3A_246 = arith.constant 1 : i32
          %parallel_loop3A_247 = arith.addi %parallel_loop3A_245, %parallel_loop3A_246 : i32
          %parallel_loop3A_248 = arith.constant 0 : i32
          %parallel_loop3A_249 = arith.index_cast %parallel_loop3A_248 : i32 to index
          %parallel_loop3A_250 = arith.index_cast %parallel_loop3A_247 : i32 to index
          %parallel_loop3A_251 = arith.constant 0 : index
          %parallel_loop3A_252 = tpu.vector_load %arg14[%parallel_loop3A_249, %parallel_loop3A_250, %parallel_loop3A_251] {strides = array<i32>} : memref<2x64x128xf32, #tpu.memory_space<vmem>>, vector<1x1x16xf32>,
          %parallel_loop3A_253 = vector.shape_cast %parallel_loop3A_252 : vector<1x1x16xf32> to vector<16xf32>
          %parallel_loop3A_254 = arith.mulf %parallel_loop3A_253, %parallel_loop3A_243 : vector<16xf32>
          %parallel_loop3A_255 = arith.constant 0 : i32
          %parallel_loop3A_256 = arith.index_cast %parallel_loop3A_255 : i32 to index
          %parallel_loop3A_257 = arith.index_cast %parallel_loop3A_247 : i32 to index
          %parallel_loop3A_258 = arith.constant 0 : index
          %parallel_loop3A_259 = tpu.vector_load %arg14[%parallel_loop3A_256, %parallel_loop3A_257, %parallel_loop3A_258] {strides = array<i32>} : memref<2x64x128xf32, #tpu.memory_space<vmem>>, vector<1x1x16xf32>,
          %parallel_loop3A_260 = vector.shape_cast %parallel_loop3A_259 : vector<1x1x16xf32> to vector<16xf32>
          %parallel_loop3A_261 = vector.shape_cast %parallel_loop3A_254 : vector<16xf32> to vector<1x1x16xf32>
          tpu.vector_store %arg14[%parallel_loop3A_256, %parallel_loop3A_257, %parallel_loop3A_258], %parallel_loop3A_261 {strides = array<i32>} : memref<2x64x128xf32, #tpu.memory_space<vmem>>, vector<1x1x16xf32>,
          %parallel_loop3A_262 = arith.constant 0 : i32
          %parallel_loop3A_263 = arith.index_cast %parallel_loop3A_262 : i32 to index
          %parallel_loop3A_264 = arith.index_cast %parallel_loop3A_247 : i32 to index
          %parallel_loop3A_265 = arith.constant 16 : index
          %parallel_loop3A_266 = tpu.vector_load %arg14[%parallel_loop3A_263, %parallel_loop3A_264, %parallel_loop3A_265] {strides = array<i32>} : memref<2x64x128xf32, #tpu.memory_space<vmem>>, vector<1x1x16xf32>,
          %parallel_loop3A_267 = vector.shape_cast %parallel_loop3A_266 : vector<1x1x16xf32> to vector<16xf32>
          %parallel_loop3A_268 = arith.mulf %parallel_loop3A_267, %parallel_loop3A_243 : vector<16xf32>
          %parallel_loop3A_269 = arith.constant 0 : i32
          %parallel_loop3A_270 = arith.index_cast %parallel_loop3A_269 : i32 to index
          %parallel_loop3A_271 = arith.index_cast %parallel_loop3A_247 : i32 to index
          %parallel_loop3A_272 = arith.constant 16 : index
          %parallel_loop3A_273 = tpu.vector_load %arg14[%parallel_loop3A_270, %parallel_loop3A_271, %parallel_loop3A_272] {strides = array<i32>} : memref<2x64x128xf32, #tpu.memory_space<vmem>>, vector<1x1x16xf32>,
          %parallel_loop3A_274 = vector.shape_cast %parallel_loop3A_273 : vector<1x1x16xf32> to vector<16xf32>
          %parallel_loop3A_275 = vector.shape_cast %parallel_loop3A_268 : vector<16xf32> to vector<1x1x16xf32>
          tpu.vector_store %arg14[%parallel_loop3A_270, %parallel_loop3A_271, %parallel_loop3A_272], %parallel_loop3A_275 {strides = array<i32>} : memref<2x64x128xf32, #tpu.memory_space<vmem>>, vector<1x1x16xf32>,
          %parallel_loop3A_276 = arith.constant 0 : i32
          %parallel_loop3A_277 = arith.index_cast %parallel_loop3A_276 : i32 to index
          %parallel_loop3A_278 = arith.index_cast %parallel_loop3A_247 : i32 to index
          %parallel_loop3A_279 = arith.constant 32 : index
          %parallel_loop3A_280 = tpu.vector_load %arg14[%parallel_loop3A_277, %parallel_loop3A_278, %parallel_loop3A_279] {strides = array<i32>} : memref<2x64x128xf32, #tpu.memory_space<vmem>>, vector<1x1x16xf32>,
          %parallel_loop3A_281 = vector.shape_cast %parallel_loop3A_280 : vector<1x1x16xf32> to vector<16xf32>
          %parallel_loop3A_282 = arith.mulf %parallel_loop3A_281, %parallel_loop3A_243 : vector<16xf32>
          %parallel_loop3A_283 = arith.constant 0 : i32
          %parallel_loop3A_284 = arith.index_cast %parallel_loop3A_283 : i32 to index
          %parallel_loop3A_285 = arith.index_cast %parallel_loop3A_247 : i32 to index
          %parallel_loop3A_286 = arith.constant 32 : index
          %parallel_loop3A_287 = tpu.vector_load %arg14[%parallel_loop3A_284, %parallel_loop3A_285, %parallel_loop3A_286] {strides = array<i32>} : memref<2x64x128xf32, #tpu.memory_space<vmem>>, vector<1x1x16xf32>,
          %parallel_loop3A_288 = vector.shape_cast %parallel_loop3A_287 : vector<1x1x16xf32> to vector<16xf32>
          %parallel_loop3A_289 = vector.shape_cast %parallel_loop3A_282 : vector<16xf32> to vector<1x1x16xf32>
          tpu.vector_store %arg14[%parallel_loop3A_284, %parallel_loop3A_285, %parallel_loop3A_286], %parallel_loop3A_289 {strides = array<i32>} : memref<2x64x128xf32, #tpu.memory_space<vmem>>, vector<1x1x16xf32>,
          %parallel_loop3A_290 = arith.constant 0 : i32
          %parallel_loop3A_291 = arith.index_cast %parallel_loop3A_290 : i32 to index
          %parallel_loop3A_292 = arith.index_cast %parallel_loop3A_247 : i32 to index
          %parallel_loop3A_293 = arith.constant 48 : index
          %parallel_loop3A_294 = tpu.vector_load %arg14[%parallel_loop3A_291, %parallel_loop3A_292, %parallel_loop3A_293] {strides = array<i32>} : memref<2x64x128xf32, #tpu.memory_space<vmem>>, vector<1x1x16xf32>,
          %parallel_loop3A_295 = vector.shape_cast %parallel_loop3A_294 : vector<1x1x16xf32> to vector<16xf32>
          %parallel_loop3A_296 = arith.mulf %parallel_loop3A_295, %parallel_loop3A_243 : vector<16xf32>
          %parallel_loop3A_297 = arith.constant 0 : i32
          %parallel_loop3A_298 = arith.index_cast %parallel_loop3A_297 : i32 to index
          %parallel_loop3A_299 = arith.index_cast %parallel_loop3A_247 : i32 to index
          %parallel_loop3A_300 = arith.constant 48 : index
          %parallel_loop3A_301 = tpu.vector_load %arg14[%parallel_loop3A_298, %parallel_loop3A_299, %parallel_loop3A_300] {strides = array<i32>} : memref<2x64x128xf32, #tpu.memory_space<vmem>>, vector<1x1x16xf32>,
          %parallel_loop3A_302 = vector.shape_cast %parallel_loop3A_301 : vector<1x1x16xf32> to vector<16xf32>
          %parallel_loop3A_303 = vector.shape_cast %parallel_loop3A_296 : vector<16xf32> to vector<1x1x16xf32>
          tpu.vector_store %arg14[%parallel_loop3A_298, %parallel_loop3A_299, %parallel_loop3A_300], %parallel_loop3A_303 {strides = array<i32>} : memref<2x64x128xf32, #tpu.memory_space<vmem>>, vector<1x1x16xf32>,
          %parallel_loop3A_304 = arith.constant 0 : i32
          %parallel_loop3A_305 = arith.index_cast %parallel_loop3A_304 : i32 to index
          %parallel_loop3A_306 = arith.index_cast %parallel_loop3A_247 : i32 to index
          %parallel_loop3A_307 = arith.constant 64 : index
          %parallel_loop3A_308 = tpu.vector_load %arg14[%parallel_loop3A_305, %parallel_loop3A_306, %parallel_loop3A_307] {strides = array<i32>} : memref<2x64x128xf32, #tpu.memory_space<vmem>>, vector<1x1x16xf32>,
          %parallel_loop3A_309 = vector.shape_cast %parallel_loop3A_308 : vector<1x1x16xf32> to vector<16xf32>
          %parallel_loop3A_310 = arith.mulf %parallel_loop3A_309, %parallel_loop3A_243 : vector<16xf32>
          %parallel_loop3A_311 = arith.constant 0 : i32
          %parallel_loop3A_312 = arith.index_cast %parallel_loop3A_311 : i32 to index
          %parallel_loop3A_313 = arith.index_cast %parallel_loop3A_247 : i32 to index
          %parallel_loop3A_314 = arith.constant 64 : index
          %parallel_loop3A_315 = tpu.vector_load %arg14[%parallel_loop3A_312, %parallel_loop3A_313, %parallel_loop3A_314] {strides = array<i32>} : memref<2x64x128xf32, #tpu.memory_space<vmem>>, vector<1x1x16xf32>,
          %parallel_loop3A_316 = vector.shape_cast %parallel_loop3A_315 : vector<1x1x16xf32> to vector<16xf32>
          %parallel_loop3A_317 = vector.shape_cast %parallel_loop3A_310 : vector<16xf32> to vector<1x1x16xf32>
          tpu.vector_store %arg14[%parallel_loop3A_312, %parallel_loop3A_313, %parallel_loop3A_314], %parallel_loop3A_317 {strides = array<i32>} : memref<2x64x128xf32, #tpu.memory_space<vmem>>, vector<1x1x16xf32>,
          %parallel_loop3A_318 = arith.constant 0 : i32
          %parallel_loop3A_319 = arith.index_cast %parallel_loop3A_318 : i32 to index
          %parallel_loop3A_320 = arith.index_cast %parallel_loop3A_247 : i32 to index
          %parallel_loop3A_321 = arith.constant 80 : index
          %parallel_loop3A_322 = tpu.vector_load %arg14[%parallel_loop3A_319, %parallel_loop3A_320, %parallel_loop3A_321] {strides = array<i32>} : memref<2x64x128xf32, #tpu.memory_space<vmem>>, vector<1x1x16xf32>,
          %parallel_loop3A_323 = vector.shape_cast %parallel_loop3A_322 : vector<1x1x16xf32> to vector<16xf32>
          %parallel_loop3A_324 = arith.mulf %parallel_loop3A_323, %parallel_loop3A_243 : vector<16xf32>
          %parallel_loop3A_325 = arith.constant 0 : i32
          %parallel_loop3A_326 = arith.index_cast %parallel_loop3A_325 : i32 to index
          %parallel_loop3A_327 = arith.index_cast %parallel_loop3A_247 : i32 to index
          %parallel_loop3A_328 = arith.constant 80 : index
          %parallel_loop3A_329 = tpu.vector_load %arg14[%parallel_loop3A_326, %parallel_loop3A_327, %parallel_loop3A_328] {strides = array<i32>} : memref<2x64x128xf32, #tpu.memory_space<vmem>>, vector<1x1x16xf32>,
          %parallel_loop3A_330 = vector.shape_cast %parallel_loop3A_329 : vector<1x1x16xf32> to vector<16xf32>
          %parallel_loop3A_331 = vector.shape_cast %parallel_loop3A_324 : vector<16xf32> to vector<1x1x16xf32>
          tpu.vector_store %arg14[%parallel_loop3A_326, %parallel_loop3A_327, %parallel_loop3A_328], %parallel_loop3A_331 {strides = array<i32>} : memref<2x64x128xf32, #tpu.memory_space<vmem>>, vector<1x1x16xf32>,
          %parallel_loop3A_332 = arith.constant 0 : i32
          %parallel_loop3A_333 = arith.index_cast %parallel_loop3A_332 : i32 to index
          %parallel_loop3A_334 = arith.index_cast %parallel_loop3A_247 : i32 to index
          %parallel_loop3A_335 = arith.constant 96 : index
          %parallel_loop3A_336 = tpu.vector_load %arg14[%parallel_loop3A_333, %parallel_loop3A_334, %parallel_loop3A_335] {strides = array<i32>} : memref<2x64x128xf32, #tpu.memory_space<vmem>>, vector<1x1x16xf32>,
          %parallel_loop3A_337 = vector.shape_cast %parallel_loop3A_336 : vector<1x1x16xf32> to vector<16xf32>
          %parallel_loop3A_338 = arith.mulf %parallel_loop3A_337, %parallel_loop3A_243 : vector<16xf32>
          %parallel_loop3A_339 = arith.constant 0 : i32
          %parallel_loop3A_340 = arith.index_cast %parallel_loop3A_339 : i32 to index
          %parallel_loop3A_341 = arith.index_cast %parallel_loop3A_247 : i32 to index
          %parallel_loop3A_342 = arith.constant 96 : index
          %parallel_loop3A_343 = tpu.vector_load %arg14[%parallel_loop3A_340, %parallel_loop3A_341, %parallel_loop3A_342] {strides = array<i32>} : memref<2x64x128xf32, #tpu.memory_space<vmem>>, vector<1x1x16xf32>,
          %parallel_loop3A_344 = vector.shape_cast %parallel_loop3A_343 : vector<1x1x16xf32> to vector<16xf32>
          %parallel_loop3A_345 = vector.shape_cast %parallel_loop3A_338 : vector<16xf32> to vector<1x1x16xf32>
          tpu.vector_store %arg14[%parallel_loop3A_340, %parallel_loop3A_341, %parallel_loop3A_342], %parallel_loop3A_345 {strides = array<i32>} : memref<2x64x128xf32, #tpu.memory_space<vmem>>, vector<1x1x16xf32>,
          %parallel_loop3A_346 = arith.constant 0 : i32
          %parallel_loop3A_347 = arith.index_cast %parallel_loop3A_346 : i32 to index
          %parallel_loop3A_348 = arith.index_cast %parallel_loop3A_247 : i32 to index
          %parallel_loop3A_349 = arith.constant 112 : index
          %parallel_loop3A_350 = tpu.vector_load %arg14[%parallel_loop3A_347, %parallel_loop3A_348, %parallel_loop3A_349] {strides = array<i32>} : memref<2x64x128xf32, #tpu.memory_space<vmem>>, vector<1x1x16xf32>,
          %parallel_loop3A_351 = vector.shape_cast %parallel_loop3A_350 : vector<1x1x16xf32> to vector<16xf32>
          %parallel_loop3A_352 = arith.mulf %parallel_loop3A_351, %parallel_loop3A_243 : vector<16xf32>
          %parallel_loop3A_353 = arith.constant 0 : i32
          %parallel_loop3A_354 = arith.index_cast %parallel_loop3A_353 : i32 to index
          %parallel_loop3A_355 = arith.index_cast %parallel_loop3A_247 : i32 to index
          %parallel_loop3A_356 = arith.constant 112 : index
          %parallel_loop3A_357 = tpu.vector_load %arg14[%parallel_loop3A_354, %parallel_loop3A_355, %parallel_loop3A_356] {strides = array<i32>} : memref<2x64x128xf32, #tpu.memory_space<vmem>>, vector<1x1x16xf32>,
          %parallel_loop3A_358 = vector.shape_cast %parallel_loop3A_357 : vector<1x1x16xf32> to vector<16xf32>
          %parallel_loop3A_359 = vector.shape_cast %parallel_loop3A_352 : vector<16xf32> to vector<1x1x16xf32>
          tpu.vector_store %arg14[%parallel_loop3A_354, %parallel_loop3A_355, %parallel_loop3A_356], %parallel_loop3A_359 {strides = array<i32>} : memref<2x64x128xf32, #tpu.memory_space<vmem>>, vector<1x1x16xf32>,
          %parallel_loop3A_360 = arith.constant 2 : i32
          %parallel_loop3A_361 = vector.broadcast %parallel_loop3A_360 : i32 to vector<16x1xi32>
          %parallel_loop3A_362 = vector.shape_cast %parallel_loop3A_361 : vector<16x1xi32> to vector<16xi32>
          %parallel_loop3A_363 = tpu.dynamic_gather %parallel_loop3A_119[%parallel_loop3A_362] in [0] : vector<16xf32>, vector<16xi32> -> vector<16xf32>
          %parallel_loop3A_364 = arith.constant 16 : i32
          %parallel_loop3A_365 = arith.muli %parallel_loop3A_110, %parallel_loop3A_364 : i32
          %parallel_loop3A_366 = arith.constant 2 : i32
          %parallel_loop3A_367 = arith.addi %parallel_loop3A_365, %parallel_loop3A_366 : i32
          %parallel_loop3A_368 = arith.constant 0 : i32
          %parallel_loop3A_369 = arith.index_cast %parallel_loop3A_368 : i32 to index
          %parallel_loop3A_370 = arith.index_cast %parallel_loop3A_367 : i32 to index
          %parallel_loop3A_371 = arith.constant 0 : index
          %parallel_loop3A_372 = tpu.vector_load %arg14[%parallel_loop3A_369, %parallel_loop3A_370, %parallel_loop3A_371] {strides = array<i32>} : memref<2x64x128xf32, #tpu.memory_space<vmem>>, vector<1x1x16xf32>,
          %parallel_loop3A_373 = vector.shape_cast %parallel_loop3A_372 : vector<1x1x16xf32> to vector<16xf32>
          %parallel_loop3A_374 = arith.mulf %parallel_loop3A_373, %parallel_loop3A_363 : vector<16xf32>
          %parallel_loop3A_375 = arith.constant 0 : i32
          %parallel_loop3A_376 = arith.index_cast %parallel_loop3A_375 : i32 to index
          %parallel_loop3A_377 = arith.index_cast %parallel_loop3A_367 : i32 to index
          %parallel_loop3A_378 = arith.constant 0 : index
          %parallel_loop3A_379 = tpu.vector_load %arg14[%parallel_loop3A_376, %parallel_loop3A_377, %parallel_loop3A_378] {strides = array<i32>} : memref<2x64x128xf32, #tpu.memory_space<vmem>>, vector<1x1x16xf32>,
          %parallel_loop3A_380 = vector.shape_cast %parallel_loop3A_379 : vector<1x1x16xf32> to vector<16xf32>
          %parallel_loop3A_381 = vector.shape_cast %parallel_loop3A_374 : vector<16xf32> to vector<1x1x16xf32>
          tpu.vector_store %arg14[%parallel_loop3A_376, %parallel_loop3A_377, %parallel_loop3A_378], %parallel_loop3A_381 {strides = array<i32>} : memref<2x64x128xf32, #tpu.memory_space<vmem>>, vector<1x1x16xf32>,
          %parallel_loop3A_382 = arith.constant 0 : i32
          %parallel_loop3A_383 = arith.index_cast %parallel_loop3A_382 : i32 to index
          %parallel_loop3A_384 = arith.index_cast %parallel_loop3A_367 : i32 to index
          %parallel_loop3A_385 = arith.constant 16 : index
          %parallel_loop3A_386 = tpu.vector_load %arg14[%parallel_loop3A_383, %parallel_loop3A_384, %parallel_loop3A_385] {strides = array<i32>} : memref<2x64x128xf32, #tpu.memory_space<vmem>>, vector<1x1x16xf32>,
          %parallel_loop3A_387 = vector.shape_cast %parallel_loop3A_386 : vector<1x1x16xf32> to vector<16xf32>
          %parallel_loop3A_388 = arith.mulf %parallel_loop3A_387, %parallel_loop3A_363 : vector<16xf32>
          %parallel_loop3A_389 = arith.constant 0 : i32
          %parallel_loop3A_390 = arith.index_cast %parallel_loop3A_389 : i32 to index
          %parallel_loop3A_391 = arith.index_cast %parallel_loop3A_367 : i32 to index
          %parallel_loop3A_392 = arith.constant 16 : index
          %parallel_loop3A_393 = tpu.vector_load %arg14[%parallel_loop3A_390, %parallel_loop3A_391, %parallel_loop3A_392] {strides = array<i32>} : memref<2x64x128xf32, #tpu.memory_space<vmem>>, vector<1x1x16xf32>,
          %parallel_loop3A_394 = vector.shape_cast %parallel_loop3A_393 : vector<1x1x16xf32> to vector<16xf32>
          %parallel_loop3A_395 = vector.shape_cast %parallel_loop3A_388 : vector<16xf32> to vector<1x1x16xf32>
          tpu.vector_store %arg14[%parallel_loop3A_390, %parallel_loop3A_391, %parallel_loop3A_392], %parallel_loop3A_395 {strides = array<i32>} : memref<2x64x128xf32, #tpu.memory_space<vmem>>, vector<1x1x16xf32>,
          %parallel_loop3A_396 = arith.constant 0 : i32
          %parallel_loop3A_397 = arith.index_cast %parallel_loop3A_396 : i32 to index
          %parallel_loop3A_398 = arith.index_cast %parallel_loop3A_367 : i32 to index
          %parallel_loop3A_399 = arith.constant 32 : index
          %parallel_loop3A_400 = tpu.vector_load %arg14[%parallel_loop3A_397, %parallel_loop3A_398, %parallel_loop3A_399] {strides = array<i32>} : memref<2x64x128xf32, #tpu.memory_space<vmem>>, vector<1x1x16xf32>,
          %parallel_loop3A_401 = vector.shape_cast %parallel_loop3A_400 : vector<1x1x16xf32> to vector<16xf32>
          %parallel_loop3A_402 = arith.mulf %parallel_loop3A_401, %parallel_loop3A_363 : vector<16xf32>
          %parallel_loop3A_403 = arith.constant 0 : i32
          %parallel_loop3A_404 = arith.index_cast %parallel_loop3A_403 : i32 to index
          %parallel_loop3A_405 = arith.index_cast %parallel_loop3A_367 : i32 to index
          %parallel_loop3A_406 = arith.constant 32 : index
          %parallel_loop3A_407 = tpu.vector_load %arg14[%parallel_loop3A_404, %parallel_loop3A_405, %parallel_loop3A_406] {strides = array<i32>} : memref<2x64x128xf32, #tpu.memory_space<vmem>>, vector<1x1x16xf32>,
          %parallel_loop3A_408 = vector.shape_cast %parallel_loop3A_407 : vector<1x1x16xf32> to vector<16xf32>
          %parallel_loop3A_409 = vector.shape_cast %parallel_loop3A_402 : vector<16xf32> to vector<1x1x16xf32>
          tpu.vector_store %arg14[%parallel_loop3A_404, %parallel_loop3A_405, %parallel_loop3A_406], %parallel_loop3A_409 {strides = array<i32>} : memref<2x64x128xf32, #tpu.memory_space<vmem>>, vector<1x1x16xf32>,
          %parallel_loop3A_410 = arith.constant 0 : i32
          %parallel_loop3A_411 = arith.index_cast %parallel_loop3A_410 : i32 to index
          %parallel_loop3A_412 = arith.index_cast %parallel_loop3A_367 : i32 to index
          %parallel_loop3A_413 = arith.constant 48 : index
          %parallel_loop3A_414 = tpu.vector_load %arg14[%parallel_loop3A_411, %parallel_loop3A_412, %parallel_loop3A_413] {strides = array<i32>} : memref<2x64x128xf32, #tpu.memory_space<vmem>>, vector<1x1x16xf32>,
          %parallel_loop3A_415 = vector.shape_cast %parallel_loop3A_414 : vector<1x1x16xf32> to vector<16xf32>
          %parallel_loop3A_416 = arith.mulf %parallel_loop3A_415, %parallel_loop3A_363 : vector<16xf32>
          %parallel_loop3A_417 = arith.constant 0 : i32
          %parallel_loop3A_418 = arith.index_cast %parallel_loop3A_417 : i32 to index
          %parallel_loop3A_419 = arith.index_cast %parallel_loop3A_367 : i32 to index
          %parallel_loop3A_420 = arith.constant 48 : index
          %parallel_loop3A_421 = tpu.vector_load %arg14[%parallel_loop3A_418, %parallel_loop3A_419, %parallel_loop3A_420] {strides = array<i32>} : memref<2x64x128xf32, #tpu.memory_space<vmem>>, vector<1x1x16xf32>,
          %parallel_loop3A_422 = vector.shape_cast %parallel_loop3A_421 : vector<1x1x16xf32> to vector<16xf32>
          %parallel_loop3A_423 = vector.shape_cast %parallel_loop3A_416 : vector<16xf32> to vector<1x1x16xf32>
          tpu.vector_store %arg14[%parallel_loop3A_418, %parallel_loop3A_419, %parallel_loop3A_420], %parallel_loop3A_423 {strides = array<i32>} : memref<2x64x128xf32, #tpu.memory_space<vmem>>, vector<1x1x16xf32>,
          %parallel_loop3A_424 = arith.constant 0 : i32
          %parallel_loop3A_425 = arith.index_cast %parallel_loop3A_424 : i32 to index
          %parallel_loop3A_426 = arith.index_cast %parallel_loop3A_367 : i32 to index
          %parallel_loop3A_427 = arith.constant 64 : index
          %parallel_loop3A_428 = tpu.vector_load %arg14[%parallel_loop3A_425, %parallel_loop3A_426, %parallel_loop3A_427] {strides = array<i32>} : memref<2x64x128xf32, #tpu.memory_space<vmem>>, vector<1x1x16xf32>,
          %parallel_loop3A_429 = vector.shape_cast %parallel_loop3A_428 : vector<1x1x16xf32> to vector<16xf32>
          %parallel_loop3A_430 = arith.mulf %parallel_loop3A_429, %parallel_loop3A_363 : vector<16xf32>
          %parallel_loop3A_431 = arith.constant 0 : i32
          %parallel_loop3A_432 = arith.index_cast %parallel_loop3A_431 : i32 to index
          %parallel_loop3A_433 = arith.index_cast %parallel_loop3A_367 : i32 to index
          %parallel_loop3A_434 = arith.constant 64 : index
          %parallel_loop3A_435 = tpu.vector_load %arg14[%parallel_loop3A_432, %parallel_loop3A_433, %parallel_loop3A_434] {strides = array<i32>} : memref<2x64x128xf32, #tpu.memory_space<vmem>>, vector<1x1x16xf32>,
          %parallel_loop3A_436 = vector.shape_cast %parallel_loop3A_435 : vector<1x1x16xf32> to vector<16xf32>
          %parallel_loop3A_437 = vector.shape_cast %parallel_loop3A_430 : vector<16xf32> to vector<1x1x16xf32>
          tpu.vector_store %arg14[%parallel_loop3A_432, %parallel_loop3A_433, %parallel_loop3A_434], %parallel_loop3A_437 {strides = array<i32>} : memref<2x64x128xf32, #tpu.memory_space<vmem>>, vector<1x1x16xf32>,
          %parallel_loop3A_438 = arith.constant 0 : i32
          %parallel_loop3A_439 = arith.index_cast %parallel_loop3A_438 : i32 to index
          %parallel_loop3A_440 = arith.index_cast %parallel_loop3A_367 : i32 to index
          %parallel_loop3A_441 = arith.constant 80 : index
          %parallel_loop3A_442 = tpu.vector_load %arg14[%parallel_loop3A_439, %parallel_loop3A_440, %parallel_loop3A_441] {strides = array<i32>} : memref<2x64x128xf32, #tpu.memory_space<vmem>>, vector<1x1x16xf32>,
          %parallel_loop3A_443 = vector.shape_cast %parallel_loop3A_442 : vector<1x1x16xf32> to vector<16xf32>
          %parallel_loop3A_444 = arith.mulf %parallel_loop3A_443, %parallel_loop3A_363 : vector<16xf32>
          %parallel_loop3A_445 = arith.constant 0 : i32
          %parallel_loop3A_446 = arith.index_cast %parallel_loop3A_445 : i32 to index
          %parallel_loop3A_447 = arith.index_cast %parallel_loop3A_367 : i32 to index
          %parallel_loop3A_448 = arith.constant 80 : index
          %parallel_loop3A_449 = tpu.vector_load %arg14[%parallel_loop3A_446, %parallel_loop3A_447, %parallel_loop3A_448] {strides = array<i32>} : memref<2x64x128xf32, #tpu.memory_space<vmem>>, vector<1x1x16xf32>,
          %parallel_loop3A_450 = vector.shape_cast %parallel_loop3A_449 : vector<1x1x16xf32> to vector<16xf32>
          %parallel_loop3A_451 = vector.shape_cast %parallel_loop3A_444 : vector<16xf32> to vector<1x1x16xf32>
          tpu.vector_store %arg14[%parallel_loop3A_446, %parallel_loop3A_447, %parallel_loop3A_448], %parallel_loop3A_451 {strides = array<i32>} : memref<2x64x128xf32, #tpu.memory_space<vmem>>, vector<1x1x16xf32>,
          %parallel_loop3A_452 = arith.constant 0 : i32
          %parallel_loop3A_453 = arith.index_cast %parallel_loop3A_452 : i32 to index
          %parallel_loop3A_454 = arith.index_cast %parallel_loop3A_367 : i32 to index
          %parallel_loop3A_455 = arith.constant 96 : index
          %parallel_loop3A_456 = tpu.vector_load %arg14[%parallel_loop3A_453, %parallel_loop3A_454, %parallel_loop3A_455] {strides = array<i32>} : memref<2x64x128xf32, #tpu.memory_space<vmem>>, vector<1x1x16xf32>,
          %parallel_loop3A_457 = vector.shape_cast %parallel_loop3A_456 : vector<1x1x16xf32> to vector<16xf32>
          %parallel_loop3A_458 = arith.mulf %parallel_loop3A_457, %parallel_loop3A_363 : vector<16xf32>
          %parallel_loop3A_459 = arith.constant 0 : i32
          %parallel_loop3A_460 = arith.index_cast %parallel_loop3A_459 : i32 to index
          %parallel_loop3A_461 = arith.index_cast %parallel_loop3A_367 : i32 to index
          %parallel_loop3A_462 = arith.constant 96 : index
          %parallel_loop3A_463 = tpu.vector_load %arg14[%parallel_loop3A_460, %parallel_loop3A_461, %parallel_loop3A_462] {strides = array<i32>} : memref<2x64x128xf32, #tpu.memory_space<vmem>>, vector<1x1x16xf32>,
          %parallel_loop3A_464 = vector.shape_cast %parallel_loop3A_463 : vector<1x1x16xf32> to vector<16xf32>
          %parallel_loop3A_465 = vector.shape_cast %parallel_loop3A_458 : vector<16xf32> to vector<1x1x16xf32>
          tpu.vector_store %arg14[%parallel_loop3A_460, %parallel_loop3A_461, %parallel_loop3A_462], %parallel_loop3A_465 {strides = array<i32>} : memref<2x64x128xf32, #tpu.memory_space<vmem>>, vector<1x1x16xf32>,
          %parallel_loop3A_466 = arith.constant 0 : i32
          %parallel_loop3A_467 = arith.index_cast %parallel_loop3A_466 : i32 to index
          %parallel_loop3A_468 = arith.index_cast %parallel_loop3A_367 : i32 to index
          %parallel_loop3A_469 = arith.constant 112 : index
          %parallel_loop3A_470 = tpu.vector_load %arg14[%parallel_loop3A_467, %parallel_loop3A_468, %parallel_loop3A_469] {strides = array<i32>} : memref<2x64x128xf32, #tpu.memory_space<vmem>>, vector<1x1x16xf32>,
          %parallel_loop3A_471 = vector.shape_cast %parallel_loop3A_470 : vector<1x1x16xf32> to vector<16xf32>
          %parallel_loop3A_472 = arith.mulf %parallel_loop3A_471, %parallel_loop3A_363 : vector<16xf32>
          %parallel_loop3A_473 = arith.constant 0 : i32
          %parallel_loop3A_474 = arith.index_cast %parallel_loop3A_473 : i32 to index
          %parallel_loop3A_475 = arith.index_cast %parallel_loop3A_367 : i32 to index
          %parallel_loop3A_476 = arith.constant 112 : index
          %parallel_loop3A_477 = tpu.vector_load %arg14[%parallel_loop3A_474, %parallel_loop3A_475, %parallel_loop3A_476] {strides = array<i32>} : memref<2x64x128xf32, #tpu.memory_space<vmem>>, vector<1x1x16xf32>,
          %parallel_loop3A_478 = vector.shape_cast %parallel_loop3A_477 : vector<1x1x16xf32> to vector<16xf32>
          %parallel_loop3A_479 = vector.shape_cast %parallel_loop3A_472 : vector<16xf32> to vector<1x1x16xf32>
          tpu.vector_store %arg14[%parallel_loop3A_474, %parallel_loop3A_475, %parallel_loop3A_476], %parallel_loop3A_479 {strides = array<i32>} : memref<2x64x128xf32, #tpu.memory_space<vmem>>, vector<1x1x16xf32>,
          %parallel_loop3A_480 = arith.constant 3 : i32
          %parallel_loop3A_481 = vector.broadcast %parallel_loop3A_480 : i32 to vector<16x1xi32>
          %parallel_loop3A_482 = vector.shape_cast %parallel_loop3A_481 : vector<16x1xi32> to vector<16xi32>
          %parallel_loop3A_483 = tpu.dynamic_gather %parallel_loop3A_119[%parallel_loop3A_482] in [0] : vector<16xf32>, vector<16xi32> -> vector<16xf32>
          %parallel_loop3A_484 = arith.constant 16 : i32
          %parallel_loop3A_485 = arith.muli %parallel_loop3A_110, %parallel_loop3A_484 : i32
          %parallel_loop3A_486 = arith.constant 3 : i32
          %parallel_loop3A_487 = arith.addi %parallel_loop3A_485, %parallel_loop3A_486 : i32
          %parallel_loop3A_488 = arith.constant 0 : i32
          %parallel_loop3A_489 = arith.index_cast %parallel_loop3A_488 : i32 to index
          %parallel_loop3A_490 = arith.index_cast %parallel_loop3A_487 : i32 to index
          %parallel_loop3A_491 = arith.constant 0 : index
          %parallel_loop3A_492 = tpu.vector_load %arg14[%parallel_loop3A_489, %parallel_loop3A_490, %parallel_loop3A_491] {strides = array<i32>} : memref<2x64x128xf32, #tpu.memory_space<vmem>>, vector<1x1x16xf32>,
          %parallel_loop3A_493 = vector.shape_cast %parallel_loop3A_492 : vector<1x1x16xf32> to vector<16xf32>
          %parallel_loop3A_494 = arith.mulf %parallel_loop3A_493, %parallel_loop3A_483 : vector<16xf32>
          %parallel_loop3A_495 = arith.constant 0 : i32
          %parallel_loop3A_496 = arith.index_cast %parallel_loop3A_495 : i32 to index
          %parallel_loop3A_497 = arith.index_cast %parallel_loop3A_487 : i32 to index
          %parallel_loop3A_498 = arith.constant 0 : index
          %parallel_loop3A_499 = tpu.vector_load %arg14[%parallel_loop3A_496, %parallel_loop3A_497, %parallel_loop3A_498] {strides = array<i32>} : memref<2x64x128xf32, #tpu.memory_space<vmem>>, vector<1x1x16xf32>,
          %parallel_loop3A_500 = vector.shape_cast %parallel_loop3A_499 : vector<1x1x16xf32> to vector<16xf32>
          %parallel_loop3A_501 = vector.shape_cast %parallel_loop3A_494 : vector<16xf32> to vector<1x1x16xf32>
          tpu.vector_store %arg14[%parallel_loop3A_496, %parallel_loop3A_497, %parallel_loop3A_498], %parallel_loop3A_501 {strides = array<i32>} : memref<2x64x128xf32, #tpu.memory_space<vmem>>, vector<1x1x16xf32>,
          %parallel_loop3A_502 = arith.constant 0 : i32
          %parallel_loop3A_503 = arith.index_cast %parallel_loop3A_502 : i32 to index
          %parallel_loop3A_504 = arith.index_cast %parallel_loop3A_487 : i32 to index
          %parallel_loop3A_505 = arith.constant 16 : index
          %parallel_loop3A_506 = tpu.vector_load %arg14[%parallel_loop3A_503, %parallel_loop3A_504, %parallel_loop3A_505] {strides = array<i32>} : memref<2x64x128xf32, #tpu.memory_space<vmem>>, vector<1x1x16xf32>,
          %parallel_loop3A_507 = vector.shape_cast %parallel_loop3A_506 : vector<1x1x16xf32> to vector<16xf32>
          %parallel_loop3A_508 = arith.mulf %parallel_loop3A_507, %parallel_loop3A_483 : vector<16xf32>
          %parallel_loop3A_509 = arith.constant 0 : i32
          %parallel_loop3A_510 = arith.index_cast %parallel_loop3A_509 : i32 to index
          %parallel_loop3A_511 = arith.index_cast %parallel_loop3A_487 : i32 to index
          %parallel_loop3A_512 = arith.constant 16 : index
          %parallel_loop3A_513 = tpu.vector_load %arg14[%parallel_loop3A_510, %parallel_loop3A_511, %parallel_loop3A_512] {strides = array<i32>} : memref<2x64x128xf32, #tpu.memory_space<vmem>>, vector<1x1x16xf32>,
          %parallel_loop3A_514 = vector.shape_cast %parallel_loop3A_513 : vector<1x1x16xf32> to vector<16xf32>
          %parallel_loop3A_515 = vector.shape_cast %parallel_loop3A_508 : vector<16xf32> to vector<1x1x16xf32>
          tpu.vector_store %arg14[%parallel_loop3A_510, %parallel_loop3A_511, %parallel_loop3A_512], %parallel_loop3A_515 {strides = array<i32>} : memref<2x64x128xf32, #tpu.memory_space<vmem>>, vector<1x1x16xf32>,
          %parallel_loop3A_516 = arith.constant 0 : i32
          %parallel_loop3A_517 = arith.index_cast %parallel_loop3A_516 : i32 to index
          %parallel_loop3A_518 = arith.index_cast %parallel_loop3A_487 : i32 to index
          %parallel_loop3A_519 = arith.constant 32 : index
          %parallel_loop3A_520 = tpu.vector_load %arg14[%parallel_loop3A_517, %parallel_loop3A_518, %parallel_loop3A_519] {strides = array<i32>} : memref<2x64x128xf32, #tpu.memory_space<vmem>>, vector<1x1x16xf32>,
          %parallel_loop3A_521 = vector.shape_cast %parallel_loop3A_520 : vector<1x1x16xf32> to vector<16xf32>
          %parallel_loop3A_522 = arith.mulf %parallel_loop3A_521, %parallel_loop3A_483 : vector<16xf32>
          %parallel_loop3A_523 = arith.constant 0 : i32
          %parallel_loop3A_524 = arith.index_cast %parallel_loop3A_523 : i32 to index
          %parallel_loop3A_525 = arith.index_cast %parallel_loop3A_487 : i32 to index
          %parallel_loop3A_526 = arith.constant 32 : index
          %parallel_loop3A_527 = tpu.vector_load %arg14[%parallel_loop3A_524, %parallel_loop3A_525, %parallel_loop3A_526] {strides = array<i32>} : memref<2x64x128xf32, #tpu.memory_space<vmem>>, vector<1x1x16xf32>,
          %parallel_loop3A_528 = vector.shape_cast %parallel_loop3A_527 : vector<1x1x16xf32> to vector<16xf32>
          %parallel_loop3A_529 = vector.shape_cast %parallel_loop3A_522 : vector<16xf32> to vector<1x1x16xf32>
          tpu.vector_store %arg14[%parallel_loop3A_524, %parallel_loop3A_525, %parallel_loop3A_526], %parallel_loop3A_529 {strides = array<i32>} : memref<2x64x128xf32, #tpu.memory_space<vmem>>, vector<1x1x16xf32>,
          %parallel_loop3A_530 = arith.constant 0 : i32
          %parallel_loop3A_531 = arith.index_cast %parallel_loop3A_530 : i32 to index
          %parallel_loop3A_532 = arith.index_cast %parallel_loop3A_487 : i32 to index
          %parallel_loop3A_533 = arith.constant 48 : index
          %parallel_loop3A_534 = tpu.vector_load %arg14[%parallel_loop3A_531, %parallel_loop3A_532, %parallel_loop3A_533] {strides = array<i32>} : memref<2x64x128xf32, #tpu.memory_space<vmem>>, vector<1x1x16xf32>,
          %parallel_loop3A_535 = vector.shape_cast %parallel_loop3A_534 : vector<1x1x16xf32> to vector<16xf32>
          %parallel_loop3A_536 = arith.mulf %parallel_loop3A_535, %parallel_loop3A_483 : vector<16xf32>
          %parallel_loop3A_537 = arith.constant 0 : i32
          %parallel_loop3A_538 = arith.index_cast %parallel_loop3A_537 : i32 to index
          %parallel_loop3A_539 = arith.index_cast %parallel_loop3A_487 : i32 to index
          %parallel_loop3A_540 = arith.constant 48 : index
          %parallel_loop3A_541 = tpu.vector_load %arg14[%parallel_loop3A_538, %parallel_loop3A_539, %parallel_loop3A_540] {strides = array<i32>} : memref<2x64x128xf32, #tpu.memory_space<vmem>>, vector<1x1x16xf32>,
          %parallel_loop3A_542 = vector.shape_cast %parallel_loop3A_541 : vector<1x1x16xf32> to vector<16xf32>
          %parallel_loop3A_543 = vector.shape_cast %parallel_loop3A_536 : vector<16xf32> to vector<1x1x16xf32>
          tpu.vector_store %arg14[%parallel_loop3A_538, %parallel_loop3A_539, %parallel_loop3A_540], %parallel_loop3A_543 {strides = array<i32>} : memref<2x64x128xf32, #tpu.memory_space<vmem>>, vector<1x1x16xf32>,
          %parallel_loop3A_544 = arith.constant 0 : i32
          %parallel_loop3A_545 = arith.index_cast %parallel_loop3A_544 : i32 to index
          %parallel_loop3A_546 = arith.index_cast %parallel_loop3A_487 : i32 to index
          %parallel_loop3A_547 = arith.constant 64 : index
          %parallel_loop3A_548 = tpu.vector_load %arg14[%parallel_loop3A_545, %parallel_loop3A_546, %parallel_loop3A_547] {strides = array<i32>} : memref<2x64x128xf32, #tpu.memory_space<vmem>>, vector<1x1x16xf32>,
          %parallel_loop3A_549 = vector.shape_cast %parallel_loop3A_548 : vector<1x1x16xf32> to vector<16xf32>
          %parallel_loop3A_550 = arith.mulf %parallel_loop3A_549, %parallel_loop3A_483 : vector<16xf32>
          %parallel_loop3A_551 = arith.constant 0 : i32
          %parallel_loop3A_552 = arith.index_cast %parallel_loop3A_551 : i32 to index
          %parallel_loop3A_553 = arith.index_cast %parallel_loop3A_487 : i32 to index
          %parallel_loop3A_554 = arith.constant 64 : index
          %parallel_loop3A_555 = tpu.vector_load %arg14[%parallel_loop3A_552, %parallel_loop3A_553, %parallel_loop3A_554] {strides = array<i32>} : memref<2x64x128xf32, #tpu.memory_space<vmem>>, vector<1x1x16xf32>,
          %parallel_loop3A_556 = vector.shape_cast %parallel_loop3A_555 : vector<1x1x16xf32> to vector<16xf32>
          %parallel_loop3A_557 = vector.shape_cast %parallel_loop3A_550 : vector<16xf32> to vector<1x1x16xf32>
          tpu.vector_store %arg14[%parallel_loop3A_552, %parallel_loop3A_553, %parallel_loop3A_554], %parallel_loop3A_557 {strides = array<i32>} : memref<2x64x128xf32, #tpu.memory_space<vmem>>, vector<1x1x16xf32>,
          %parallel_loop3A_558 = arith.constant 0 : i32
          %parallel_loop3A_559 = arith.index_cast %parallel_loop3A_558 : i32 to index
          %parallel_loop3A_560 = arith.index_cast %parallel_loop3A_487 : i32 to index
          %parallel_loop3A_561 = arith.constant 80 : index
          %parallel_loop3A_562 = tpu.vector_load %arg14[%parallel_loop3A_559, %parallel_loop3A_560, %parallel_loop3A_561] {strides = array<i32>} : memref<2x64x128xf32, #tpu.memory_space<vmem>>, vector<1x1x16xf32>,
          %parallel_loop3A_563 = vector.shape_cast %parallel_loop3A_562 : vector<1x1x16xf32> to vector<16xf32>
          %parallel_loop3A_564 = arith.mulf %parallel_loop3A_563, %parallel_loop3A_483 : vector<16xf32>
          %parallel_loop3A_565 = arith.constant 0 : i32
          %parallel_loop3A_566 = arith.index_cast %parallel_loop3A_565 : i32 to index
          %parallel_loop3A_567 = arith.index_cast %parallel_loop3A_487 : i32 to index
          %parallel_loop3A_568 = arith.constant 80 : index
          %parallel_loop3A_569 = tpu.vector_load %arg14[%parallel_loop3A_566, %parallel_loop3A_567, %parallel_loop3A_568] {strides = array<i32>} : memref<2x64x128xf32, #tpu.memory_space<vmem>>, vector<1x1x16xf32>,
          %parallel_loop3A_570 = vector.shape_cast %parallel_loop3A_569 : vector<1x1x16xf32> to vector<16xf32>
          %parallel_loop3A_571 = vector.shape_cast %parallel_loop3A_564 : vector<16xf32> to vector<1x1x16xf32>
          tpu.vector_store %arg14[%parallel_loop3A_566, %parallel_loop3A_567, %parallel_loop3A_568], %parallel_loop3A_571 {strides = array<i32>} : memref<2x64x128xf32, #tpu.memory_space<vmem>>, vector<1x1x16xf32>,
          %parallel_loop3A_572 = arith.constant 0 : i32
          %parallel_loop3A_573 = arith.index_cast %parallel_loop3A_572 : i32 to index
          %parallel_loop3A_574 = arith.index_cast %parallel_loop3A_487 : i32 to index
          %parallel_loop3A_575 = arith.constant 96 : index
          %parallel_loop3A_576 = tpu.vector_load %arg14[%parallel_loop3A_573, %parallel_loop3A_574, %parallel_loop3A_575] {strides = array<i32>} : memref<2x64x128xf32, #tpu.memory_space<vmem>>, vector<1x1x16xf32>,
          %parallel_loop3A_577 = vector.shape_cast %parallel_loop3A_576 : vector<1x1x16xf32> to vector<16xf32>
          %parallel_loop3A_578 = arith.mulf %parallel_loop3A_577, %parallel_loop3A_483 : vector<16xf32>
          %parallel_loop3A_579 = arith.constant 0 : i32
          %parallel_loop3A_580 = arith.index_cast %parallel_loop3A_579 : i32 to index
          %parallel_loop3A_581 = arith.index_cast %parallel_loop3A_487 : i32 to index
          %parallel_loop3A_582 = arith.constant 96 : index
          %parallel_loop3A_583 = tpu.vector_load %arg14[%parallel_loop3A_580, %parallel_loop3A_581, %parallel_loop3A_582] {strides = array<i32>} : memref<2x64x128xf32, #tpu.memory_space<vmem>>, vector<1x1x16xf32>,
          %parallel_loop3A_584 = vector.shape_cast %parallel_loop3A_583 : vector<1x1x16xf32> to vector<16xf32>
          %parallel_loop3A_585 = vector.shape_cast %parallel_loop3A_578 : vector<16xf32> to vector<1x1x16xf32>
          tpu.vector_store %arg14[%parallel_loop3A_580, %parallel_loop3A_581, %parallel_loop3A_582], %parallel_loop3A_585 {strides = array<i32>} : memref<2x64x128xf32, #tpu.memory_space<vmem>>, vector<1x1x16xf32>,
          %parallel_loop3A_586 = arith.constant 0 : i32
          %parallel_loop3A_587 = arith.index_cast %parallel_loop3A_586 : i32 to index
          %parallel_loop3A_588 = arith.index_cast %parallel_loop3A_487 : i32 to index
          %parallel_loop3A_589 = arith.constant 112 : index
          %parallel_loop3A_590 = tpu.vector_load %arg14[%parallel_loop3A_587, %parallel_loop3A_588, %parallel_loop3A_589] {strides = array<i32>} : memref<2x64x128xf32, #tpu.memory_space<vmem>>, vector<1x1x16xf32>,
          %parallel_loop3A_591 = vector.shape_cast %parallel_loop3A_590 : vector<1x1x16xf32> to vector<16xf32>
          %parallel_loop3A_592 = arith.mulf %parallel_loop3A_591, %parallel_loop3A_483 : vector<16xf32>
          %parallel_loop3A_593 = arith.constant 0 : i32
          %parallel_loop3A_594 = arith.index_cast %parallel_loop3A_593 : i32 to index
          %parallel_loop3A_595 = arith.index_cast %parallel_loop3A_487 : i32 to index
          %parallel_loop3A_596 = arith.constant 112 : index
          %parallel_loop3A_597 = tpu.vector_load %arg14[%parallel_loop3A_594, %parallel_loop3A_595, %parallel_loop3A_596] {strides = array<i32>} : memref<2x64x128xf32, #tpu.memory_space<vmem>>, vector<1x1x16xf32>,
          %parallel_loop3A_598 = vector.shape_cast %parallel_loop3A_597 : vector<1x1x16xf32> to vector<16xf32>
          %parallel_loop3A_599 = vector.shape_cast %parallel_loop3A_592 : vector<16xf32> to vector<1x1x16xf32>
          tpu.vector_store %arg14[%parallel_loop3A_594, %parallel_loop3A_595, %parallel_loop3A_596], %parallel_loop3A_599 {strides = array<i32>} : memref<2x64x128xf32, #tpu.memory_space<vmem>>, vector<1x1x16xf32>,
          %parallel_loop3A_600 = arith.constant 4 : i32
          %parallel_loop3A_601 = vector.broadcast %parallel_loop3A_600 : i32 to vector<16x1xi32>
          %parallel_loop3A_602 = vector.shape_cast %parallel_loop3A_601 : vector<16x1xi32> to vector<16xi32>
          %parallel_loop3A_603 = tpu.dynamic_gather %parallel_loop3A_119[%parallel_loop3A_602] in [0] : vector<16xf32>, vector<16xi32> -> vector<16xf32>
          %parallel_loop3A_604 = arith.constant 16 : i32
          %parallel_loop3A_605 = arith.muli %parallel_loop3A_110, %parallel_loop3A_604 : i32
          %parallel_loop3A_606 = arith.constant 4 : i32
          %parallel_loop3A_607 = arith.addi %parallel_loop3A_605, %parallel_loop3A_606 : i32
          %parallel_loop3A_608 = arith.constant 0 : i32
          %parallel_loop3A_609 = arith.index_cast %parallel_loop3A_608 : i32 to index
          %parallel_loop3A_610 = arith.index_cast %parallel_loop3A_607 : i32 to index
          %parallel_loop3A_611 = arith.constant 0 : index
          %parallel_loop3A_612 = tpu.vector_load %arg14[%parallel_loop3A_609, %parallel_loop3A_610, %parallel_loop3A_611] {strides = array<i32>} : memref<2x64x128xf32, #tpu.memory_space<vmem>>, vector<1x1x16xf32>,
          %parallel_loop3A_613 = vector.shape_cast %parallel_loop3A_612 : vector<1x1x16xf32> to vector<16xf32>
          %parallel_loop3A_614 = arith.mulf %parallel_loop3A_613, %parallel_loop3A_603 : vector<16xf32>
          %parallel_loop3A_615 = arith.constant 0 : i32
          %parallel_loop3A_616 = arith.index_cast %parallel_loop3A_615 : i32 to index
          %parallel_loop3A_617 = arith.index_cast %parallel_loop3A_607 : i32 to index
          %parallel_loop3A_618 = arith.constant 0 : index
          %parallel_loop3A_619 = tpu.vector_load %arg14[%parallel_loop3A_616, %parallel_loop3A_617, %parallel_loop3A_618] {strides = array<i32>} : memref<2x64x128xf32, #tpu.memory_space<vmem>>, vector<1x1x16xf32>,
          %parallel_loop3A_620 = vector.shape_cast %parallel_loop3A_619 : vector<1x1x16xf32> to vector<16xf32>
          %parallel_loop3A_621 = vector.shape_cast %parallel_loop3A_614 : vector<16xf32> to vector<1x1x16xf32>
          tpu.vector_store %arg14[%parallel_loop3A_616, %parallel_loop3A_617, %parallel_loop3A_618], %parallel_loop3A_621 {strides = array<i32>} : memref<2x64x128xf32, #tpu.memory_space<vmem>>, vector<1x1x16xf32>,
          %parallel_loop3A_622 = arith.constant 0 : i32
          %parallel_loop3A_623 = arith.index_cast %parallel_loop3A_622 : i32 to index
          %parallel_loop3A_624 = arith.index_cast %parallel_loop3A_607 : i32 to index
          %parallel_loop3A_625 = arith.constant 16 : index
          %parallel_loop3A_626 = tpu.vector_load %arg14[%parallel_loop3A_623, %parallel_loop3A_624, %parallel_loop3A_625] {strides = array<i32>} : memref<2x64x128xf32, #tpu.memory_space<vmem>>, vector<1x1x16xf32>,
          %parallel_loop3A_627 = vector.shape_cast %parallel_loop3A_626 : vector<1x1x16xf32> to vector<16xf32>
          %parallel_loop3A_628 = arith.mulf %parallel_loop3A_627, %parallel_loop3A_603 : vector<16xf32>
          %parallel_loop3A_629 = arith.constant 0 : i32
          %parallel_loop3A_630 = arith.index_cast %parallel_loop3A_629 : i32 to index
          %parallel_loop3A_631 = arith.index_cast %parallel_loop3A_607 : i32 to index
          %parallel_loop3A_632 = arith.constant 16 : index
          %parallel_loop3A_633 = tpu.vector_load %arg14[%parallel_loop3A_630, %parallel_loop3A_631, %parallel_loop3A_632] {strides = array<i32>} : memref<2x64x128xf32, #tpu.memory_space<vmem>>, vector<1x1x16xf32>,
          %parallel_loop3A_634 = vector.shape_cast %parallel_loop3A_633 : vector<1x1x16xf32> to vector<16xf32>
          %parallel_loop3A_635 = vector.shape_cast %parallel_loop3A_628 : vector<16xf32> to vector<1x1x16xf32>
          tpu.vector_store %arg14[%parallel_loop3A_630, %parallel_loop3A_631, %parallel_loop3A_632], %parallel_loop3A_635 {strides = array<i32>} : memref<2x64x128xf32, #tpu.memory_space<vmem>>, vector<1x1x16xf32>,
          %parallel_loop3A_636 = arith.constant 0 : i32
          %parallel_loop3A_637 = arith.index_cast %parallel_loop3A_636 : i32 to index
          %parallel_loop3A_638 = arith.index_cast %parallel_loop3A_607 : i32 to index
          %parallel_loop3A_639 = arith.constant 32 : index
          %parallel_loop3A_640 = tpu.vector_load %arg14[%parallel_loop3A_637, %parallel_loop3A_638, %parallel_loop3A_639] {strides = array<i32>} : memref<2x64x128xf32, #tpu.memory_space<vmem>>, vector<1x1x16xf32>,
          %parallel_loop3A_641 = vector.shape_cast %parallel_loop3A_640 : vector<1x1x16xf32> to vector<16xf32>
          %parallel_loop3A_642 = arith.mulf %parallel_loop3A_641, %parallel_loop3A_603 : vector<16xf32>
          %parallel_loop3A_643 = arith.constant 0 : i32
          %parallel_loop3A_644 = arith.index_cast %parallel_loop3A_643 : i32 to index
          %parallel_loop3A_645 = arith.index_cast %parallel_loop3A_607 : i32 to index
          %parallel_loop3A_646 = arith.constant 32 : index
          %parallel_loop3A_647 = tpu.vector_load %arg14[%parallel_loop3A_644, %parallel_loop3A_645, %parallel_loop3A_646] {strides = array<i32>} : memref<2x64x128xf32, #tpu.memory_space<vmem>>, vector<1x1x16xf32>,
          %parallel_loop3A_648 = vector.shape_cast %parallel_loop3A_647 : vector<1x1x16xf32> to vector<16xf32>
          %parallel_loop3A_649 = vector.shape_cast %parallel_loop3A_642 : vector<16xf32> to vector<1x1x16xf32>
          tpu.vector_store %arg14[%parallel_loop3A_644, %parallel_loop3A_645, %parallel_loop3A_646], %parallel_loop3A_649 {strides = array<i32>} : memref<2x64x128xf32, #tpu.memory_space<vmem>>, vector<1x1x16xf32>,
          %parallel_loop3A_650 = arith.constant 0 : i32
          %parallel_loop3A_651 = arith.index_cast %parallel_loop3A_650 : i32 to index
          %parallel_loop3A_652 = arith.index_cast %parallel_loop3A_607 : i32 to index
          %parallel_loop3A_653 = arith.constant 48 : index
          %parallel_loop3A_654 = tpu.vector_load %arg14[%parallel_loop3A_651, %parallel_loop3A_652, %parallel_loop3A_653] {strides = array<i32>} : memref<2x64x128xf32, #tpu.memory_space<vmem>>, vector<1x1x16xf32>,
          %parallel_loop3A_655 = vector.shape_cast %parallel_loop3A_654 : vector<1x1x16xf32> to vector<16xf32>
          %parallel_loop3A_656 = arith.mulf %parallel_loop3A_655, %parallel_loop3A_603 : vector<16xf32>
          %parallel_loop3A_657 = arith.constant 0 : i32
          %parallel_loop3A_658 = arith.index_cast %parallel_loop3A_657 : i32 to index
          %parallel_loop3A_659 = arith.index_cast %parallel_loop3A_607 : i32 to index
          %parallel_loop3A_660 = arith.constant 48 : index
          %parallel_loop3A_661 = tpu.vector_load %arg14[%parallel_loop3A_658, %parallel_loop3A_659, %parallel_loop3A_660] {strides = array<i32>} : memref<2x64x128xf32, #tpu.memory_space<vmem>>, vector<1x1x16xf32>,
          %parallel_loop3A_662 = vector.shape_cast %parallel_loop3A_661 : vector<1x1x16xf32> to vector<16xf32>
          %parallel_loop3A_663 = vector.shape_cast %parallel_loop3A_656 : vector<16xf32> to vector<1x1x16xf32>
          tpu.vector_store %arg14[%parallel_loop3A_658, %parallel_loop3A_659, %parallel_loop3A_660], %parallel_loop3A_663 {strides = array<i32>} : memref<2x64x128xf32, #tpu.memory_space<vmem>>, vector<1x1x16xf32>,
          %parallel_loop3A_664 = arith.constant 0 : i32
          %parallel_loop3A_665 = arith.index_cast %parallel_loop3A_664 : i32 to index
          %parallel_loop3A_666 = arith.index_cast %parallel_loop3A_607 : i32 to index
          %parallel_loop3A_667 = arith.constant 64 : index
          %parallel_loop3A_668 = tpu.vector_load %arg14[%parallel_loop3A_665, %parallel_loop3A_666, %parallel_loop3A_667] {strides = array<i32>} : memref<2x64x128xf32, #tpu.memory_space<vmem>>, vector<1x1x16xf32>,
          %parallel_loop3A_669 = vector.shape_cast %parallel_loop3A_668 : vector<1x1x16xf32> to vector<16xf32>
          %parallel_loop3A_670 = arith.mulf %parallel_loop3A_669, %parallel_loop3A_603 : vector<16xf32>
          %parallel_loop3A_671 = arith.constant 0 : i32
          %parallel_loop3A_672 = arith.index_cast %parallel_loop3A_671 : i32 to index
          %parallel_loop3A_673 = arith.index_cast %parallel_loop3A_607 : i32 to index
          %parallel_loop3A_674 = arith.constant 64 : index
          %parallel_loop3A_675 = tpu.vector_load %arg14[%parallel_loop3A_672, %parallel_loop3A_673, %parallel_loop3A_674] {strides = array<i32>} : memref<2x64x128xf32, #tpu.memory_space<vmem>>, vector<1x1x16xf32>,
          %parallel_loop3A_676 = vector.shape_cast %parallel_loop3A_675 : vector<1x1x16xf32> to vector<16xf32>
          %parallel_loop3A_677 = vector.shape_cast %parallel_loop3A_670 : vector<16xf32> to vector<1x1x16xf32>
          tpu.vector_store %arg14[%parallel_loop3A_672, %parallel_loop3A_673, %parallel_loop3A_674], %parallel_loop3A_677 {strides = array<i32>} : memref<2x64x128xf32, #tpu.memory_space<vmem>>, vector<1x1x16xf32>,
          %parallel_loop3A_678 = arith.constant 0 : i32
          %parallel_loop3A_679 = arith.index_cast %parallel_loop3A_678 : i32 to index
          %parallel_loop3A_680 = arith.index_cast %parallel_loop3A_607 : i32 to index
          %parallel_loop3A_681 = arith.constant 80 : index
          %parallel_loop3A_682 = tpu.vector_load %arg14[%parallel_loop3A_679, %parallel_loop3A_680, %parallel_loop3A_681] {strides = array<i32>} : memref<2x64x128xf32, #tpu.memory_space<vmem>>, vector<1x1x16xf32>,
          %parallel_loop3A_683 = vector.shape_cast %parallel_loop3A_682 : vector<1x1x16xf32> to vector<16xf32>
          %parallel_loop3A_684 = arith.mulf %parallel_loop3A_683, %parallel_loop3A_603 : vector<16xf32>
          %parallel_loop3A_685 = arith.constant 0 : i32
          %parallel_loop3A_686 = arith.index_cast %parallel_loop3A_685 : i32 to index
          %parallel_loop3A_687 = arith.index_cast %parallel_loop3A_607 : i32 to index
          %parallel_loop3A_688 = arith.constant 80 : index
          %parallel_loop3A_689 = tpu.vector_load %arg14[%parallel_loop3A_686, %parallel_loop3A_687, %parallel_loop3A_688] {strides = array<i32>} : memref<2x64x128xf32, #tpu.memory_space<vmem>>, vector<1x1x16xf32>,
          %parallel_loop3A_690 = vector.shape_cast %parallel_loop3A_689 : vector<1x1x16xf32> to vector<16xf32>
          %parallel_loop3A_691 = vector.shape_cast %parallel_loop3A_684 : vector<16xf32> to vector<1x1x16xf32>
          tpu.vector_store %arg14[%parallel_loop3A_686, %parallel_loop3A_687, %parallel_loop3A_688], %parallel_loop3A_691 {strides = array<i32>} : memref<2x64x128xf32, #tpu.memory_space<vmem>>, vector<1x1x16xf32>,
          %parallel_loop3A_692 = arith.constant 0 : i32
          %parallel_loop3A_693 = arith.index_cast %parallel_loop3A_692 : i32 to index
          %parallel_loop3A_694 = arith.index_cast %parallel_loop3A_607 : i32 to index
          %parallel_loop3A_695 = arith.constant 96 : index
          %parallel_loop3A_696 = tpu.vector_load %arg14[%parallel_loop3A_693, %parallel_loop3A_694, %parallel_loop3A_695] {strides = array<i32>} : memref<2x64x128xf32, #tpu.memory_space<vmem>>, vector<1x1x16xf32>,
          %parallel_loop3A_697 = vector.shape_cast %parallel_loop3A_696 : vector<1x1x16xf32> to vector<16xf32>
          %parallel_loop3A_698 = arith.mulf %parallel_loop3A_697, %parallel_loop3A_603 : vector<16xf32>
          %parallel_loop3A_699 = arith.constant 0 : i32
          %parallel_loop3A_700 = arith.index_cast %parallel_loop3A_699 : i32 to index
          %parallel_loop3A_701 = arith.index_cast %parallel_loop3A_607 : i32 to index
          %parallel_loop3A_702 = arith.constant 96 : index
          %parallel_loop3A_703 = tpu.vector_load %arg14[%parallel_loop3A_700, %parallel_loop3A_701, %parallel_loop3A_702] {strides = array<i32>} : memref<2x64x128xf32, #tpu.memory_space<vmem>>, vector<1x1x16xf32>,
          %parallel_loop3A_704 = vector.shape_cast %parallel_loop3A_703 : vector<1x1x16xf32> to vector<16xf32>
          %parallel_loop3A_705 = vector.shape_cast %parallel_loop3A_698 : vector<16xf32> to vector<1x1x16xf32>
          tpu.vector_store %arg14[%parallel_loop3A_700, %parallel_loop3A_701, %parallel_loop3A_702], %parallel_loop3A_705 {strides = array<i32>} : memref<2x64x128xf32, #tpu.memory_space<vmem>>, vector<1x1x16xf32>,
          %parallel_loop3A_706 = arith.constant 0 : i32
          %parallel_loop3A_707 = arith.index_cast %parallel_loop3A_706 : i32 to index
          %parallel_loop3A_708 = arith.index_cast %parallel_loop3A_607 : i32 to index
          %parallel_loop3A_709 = arith.constant 112 : index
          %parallel_loop3A_710 = tpu.vector_load %arg14[%parallel_loop3A_707, %parallel_loop3A_708, %parallel_loop3A_709] {strides = array<i32>} : memref<2x64x128xf32, #tpu.memory_space<vmem>>, vector<1x1x16xf32>,
          %parallel_loop3A_711 = vector.shape_cast %parallel_loop3A_710 : vector<1x1x16xf32> to vector<16xf32>
          %parallel_loop3A_712 = arith.mulf %parallel_loop3A_711, %parallel_loop3A_603 : vector<16xf32>
          %parallel_loop3A_713 = arith.constant 0 : i32
          %parallel_loop3A_714 = arith.index_cast %parallel_loop3A_713 : i32 to index
          %parallel_loop3A_715 = arith.index_cast %parallel_loop3A_607 : i32 to index
          %parallel_loop3A_716 = arith.constant 112 : index
          %parallel_loop3A_717 = tpu.vector_load %arg14[%parallel_loop3A_714, %parallel_loop3A_715, %parallel_loop3A_716] {strides = array<i32>} : memref<2x64x128xf32, #tpu.memory_space<vmem>>, vector<1x1x16xf32>,
          %parallel_loop3A_718 = vector.shape_cast %parallel_loop3A_717 : vector<1x1x16xf32> to vector<16xf32>
          %parallel_loop3A_719 = vector.shape_cast %parallel_loop3A_712 : vector<16xf32> to vector<1x1x16xf32>
          tpu.vector_store %arg14[%parallel_loop3A_714, %parallel_loop3A_715, %parallel_loop3A_716], %parallel_loop3A_719 {strides = array<i32>} : memref<2x64x128xf32, #tpu.memory_space<vmem>>, vector<1x1x16xf32>,
          %parallel_loop3A_720 = arith.constant 5 : i32
          %parallel_loop3A_721 = vector.broadcast %parallel_loop3A_720 : i32 to vector<16x1xi32>
          %parallel_loop3A_722 = vector.shape_cast %parallel_loop3A_721 : vector<16x1xi32> to vector<16xi32>
          %parallel_loop3A_723 = tpu.dynamic_gather %parallel_loop3A_119[%parallel_loop3A_722] in [0] : vector<16xf32>, vector<16xi32> -> vector<16xf32>
          %parallel_loop3A_724 = arith.constant 16 : i32
          %parallel_loop3A_725 = arith.muli %parallel_loop3A_110, %parallel_loop3A_724 : i32
          %parallel_loop3A_726 = arith.constant 5 : i32
          %parallel_loop3A_727 = arith.addi %parallel_loop3A_725, %parallel_loop3A_726 : i32
          %parallel_loop3A_728 = arith.constant 0 : i32
          %parallel_loop3A_729 = arith.index_cast %parallel_loop3A_728 : i32 to index
          %parallel_loop3A_730 = arith.index_cast %parallel_loop3A_727 : i32 to index
          %parallel_loop3A_731 = arith.constant 0 : index
          %parallel_loop3A_732 = tpu.vector_load %arg14[%parallel_loop3A_729, %parallel_loop3A_730, %parallel_loop3A_731] {strides = array<i32>} : memref<2x64x128xf32, #tpu.memory_space<vmem>>, vector<1x1x16xf32>,
          %parallel_loop3A_733 = vector.shape_cast %parallel_loop3A_732 : vector<1x1x16xf32> to vector<16xf32>
          %parallel_loop3A_734 = arith.mulf %parallel_loop3A_733, %parallel_loop3A_723 : vector<16xf32>
          %parallel_loop3A_735 = arith.constant 0 : i32
          %parallel_loop3A_736 = arith.index_cast %parallel_loop3A_735 : i32 to index
          %parallel_loop3A_737 = arith.index_cast %parallel_loop3A_727 : i32 to index
          %parallel_loop3A_738 = arith.constant 0 : index
          %parallel_loop3A_739 = tpu.vector_load %arg14[%parallel_loop3A_736, %parallel_loop3A_737, %parallel_loop3A_738] {strides = array<i32>} : memref<2x64x128xf32, #tpu.memory_space<vmem>>, vector<1x1x16xf32>,
          %parallel_loop3A_740 = vector.shape_cast %parallel_loop3A_739 : vector<1x1x16xf32> to vector<16xf32>
          %parallel_loop3A_741 = vector.shape_cast %parallel_loop3A_734 : vector<16xf32> to vector<1x1x16xf32>
          tpu.vector_store %arg14[%parallel_loop3A_736, %parallel_loop3A_737, %parallel_loop3A_738], %parallel_loop3A_741 {strides = array<i32>} : memref<2x64x128xf32, #tpu.memory_space<vmem>>, vector<1x1x16xf32>,
          %parallel_loop3A_742 = arith.constant 0 : i32
          %parallel_loop3A_743 = arith.index_cast %parallel_loop3A_742 : i32 to index
          %parallel_loop3A_744 = arith.index_cast %parallel_loop3A_727 : i32 to index
          %parallel_loop3A_745 = arith.constant 16 : index
          %parallel_loop3A_746 = tpu.vector_load %arg14[%parallel_loop3A_743, %parallel_loop3A_744, %parallel_loop3A_745] {strides = array<i32>} : memref<2x64x128xf32, #tpu.memory_space<vmem>>, vector<1x1x16xf32>,
          %parallel_loop3A_747 = vector.shape_cast %parallel_loop3A_746 : vector<1x1x16xf32> to vector<16xf32>
          %parallel_loop3A_748 = arith.mulf %parallel_loop3A_747, %parallel_loop3A_723 : vector<16xf32>
          %parallel_loop3A_749 = arith.constant 0 : i32
          %parallel_loop3A_750 = arith.index_cast %parallel_loop3A_749 : i32 to index
          %parallel_loop3A_751 = arith.index_cast %parallel_loop3A_727 : i32 to index
          %parallel_loop3A_752 = arith.constant 16 : index
          %parallel_loop3A_753 = tpu.vector_load %arg14[%parallel_loop3A_750, %parallel_loop3A_751, %parallel_loop3A_752] {strides = array<i32>} : memref<2x64x128xf32, #tpu.memory_space<vmem>>, vector<1x1x16xf32>,
          %parallel_loop3A_754 = vector.shape_cast %parallel_loop3A_753 : vector<1x1x16xf32> to vector<16xf32>
          %parallel_loop3A_755 = vector.shape_cast %parallel_loop3A_748 : vector<16xf32> to vector<1x1x16xf32>
          tpu.vector_store %arg14[%parallel_loop3A_750, %parallel_loop3A_751, %parallel_loop3A_752], %parallel_loop3A_755 {strides = array<i32>} : memref<2x64x128xf32, #tpu.memory_space<vmem>>, vector<1x1x16xf32>,
          %parallel_loop3A_756 = arith.constant 0 : i32
          %parallel_loop3A_757 = arith.index_cast %parallel_loop3A_756 : i32 to index
          %parallel_loop3A_758 = arith.index_cast %parallel_loop3A_727 : i32 to index
          %parallel_loop3A_759 = arith.constant 32 : index
          %parallel_loop3A_760 = tpu.vector_load %arg14[%parallel_loop3A_757, %parallel_loop3A_758, %parallel_loop3A_759] {strides = array<i32>} : memref<2x64x128xf32, #tpu.memory_space<vmem>>, vector<1x1x16xf32>,
          %parallel_loop3A_761 = vector.shape_cast %parallel_loop3A_760 : vector<1x1x16xf32> to vector<16xf32>
          %parallel_loop3A_762 = arith.mulf %parallel_loop3A_761, %parallel_loop3A_723 : vector<16xf32>
          %parallel_loop3A_763 = arith.constant 0 : i32
          %parallel_loop3A_764 = arith.index_cast %parallel_loop3A_763 : i32 to index
          %parallel_loop3A_765 = arith.index_cast %parallel_loop3A_727 : i32 to index
          %parallel_loop3A_766 = arith.constant 32 : index
          %parallel_loop3A_767 = tpu.vector_load %arg14[%parallel_loop3A_764, %parallel_loop3A_765, %parallel_loop3A_766] {strides = array<i32>} : memref<2x64x128xf32, #tpu.memory_space<vmem>>, vector<1x1x16xf32>,
          %parallel_loop3A_768 = vector.shape_cast %parallel_loop3A_767 : vector<1x1x16xf32> to vector<16xf32>
          %parallel_loop3A_769 = vector.shape_cast %parallel_loop3A_762 : vector<16xf32> to vector<1x1x16xf32>
          tpu.vector_store %arg14[%parallel_loop3A_764, %parallel_loop3A_765, %parallel_loop3A_766], %parallel_loop3A_769 {strides = array<i32>} : memref<2x64x128xf32, #tpu.memory_space<vmem>>, vector<1x1x16xf32>,
          %parallel_loop3A_770 = arith.constant 0 : i32
          %parallel_loop3A_771 = arith.index_cast %parallel_loop3A_770 : i32 to index
          %parallel_loop3A_772 = arith.index_cast %parallel_loop3A_727 : i32 to index
          %parallel_loop3A_773 = arith.constant 48 : index
          %parallel_loop3A_774 = tpu.vector_load %arg14[%parallel_loop3A_771, %parallel_loop3A_772, %parallel_loop3A_773] {strides = array<i32>} : memref<2x64x128xf32, #tpu.memory_space<vmem>>, vector<1x1x16xf32>,
          %parallel_loop3A_775 = vector.shape_cast %parallel_loop3A_774 : vector<1x1x16xf32> to vector<16xf32>
          %parallel_loop3A_776 = arith.mulf %parallel_loop3A_775, %parallel_loop3A_723 : vector<16xf32>
          %parallel_loop3A_777 = arith.constant 0 : i32
          %parallel_loop3A_778 = arith.index_cast %parallel_loop3A_777 : i32 to index
          %parallel_loop3A_779 = arith.index_cast %parallel_loop3A_727 : i32 to index
          %parallel_loop3A_780 = arith.constant 48 : index
          %parallel_loop3A_781 = tpu.vector_load %arg14[%parallel_loop3A_778, %parallel_loop3A_779, %parallel_loop3A_780] {strides = array<i32>} : memref<2x64x128xf32, #tpu.memory_space<vmem>>, vector<1x1x16xf32>,
          %parallel_loop3A_782 = vector.shape_cast %parallel_loop3A_781 : vector<1x1x16xf32> to vector<16xf32>
          %parallel_loop3A_783 = vector.shape_cast %parallel_loop3A_776 : vector<16xf32> to vector<1x1x16xf32>
          tpu.vector_store %arg14[%parallel_loop3A_778, %parallel_loop3A_779, %parallel_loop3A_780], %parallel_loop3A_783 {strides = array<i32>} : memref<2x64x128xf32, #tpu.memory_space<vmem>>, vector<1x1x16xf32>,
          %parallel_loop3A_784 = arith.constant 0 : i32
          %parallel_loop3A_785 = arith.index_cast %parallel_loop3A_784 : i32 to index
          %parallel_loop3A_786 = arith.index_cast %parallel_loop3A_727 : i32 to index
          %parallel_loop3A_787 = arith.constant 64 : index
          %parallel_loop3A_788 = tpu.vector_load %arg14[%parallel_loop3A_785, %parallel_loop3A_786, %parallel_loop3A_787] {strides = array<i32>} : memref<2x64x128xf32, #tpu.memory_space<vmem>>, vector<1x1x16xf32>,
          %parallel_loop3A_789 = vector.shape_cast %parallel_loop3A_788 : vector<1x1x16xf32> to vector<16xf32>
          %parallel_loop3A_790 = arith.mulf %parallel_loop3A_789, %parallel_loop3A_723 : vector<16xf32>
          %parallel_loop3A_791 = arith.constant 0 : i32
          %parallel_loop3A_792 = arith.index_cast %parallel_loop3A_791 : i32 to index
          %parallel_loop3A_793 = arith.index_cast %parallel_loop3A_727 : i32 to index
          %parallel_loop3A_794 = arith.constant 64 : index
          %parallel_loop3A_795 = tpu.vector_load %arg14[%parallel_loop3A_792, %parallel_loop3A_793, %parallel_loop3A_794] {strides = array<i32>} : memref<2x64x128xf32, #tpu.memory_space<vmem>>, vector<1x1x16xf32>,
          %parallel_loop3A_796 = vector.shape_cast %parallel_loop3A_795 : vector<1x1x16xf32> to vector<16xf32>
          %parallel_loop3A_797 = vector.shape_cast %parallel_loop3A_790 : vector<16xf32> to vector<1x1x16xf32>
          tpu.vector_store %arg14[%parallel_loop3A_792, %parallel_loop3A_793, %parallel_loop3A_794], %parallel_loop3A_797 {strides = array<i32>} : memref<2x64x128xf32, #tpu.memory_space<vmem>>, vector<1x1x16xf32>,
          %parallel_loop3A_798 = arith.constant 0 : i32
          %parallel_loop3A_799 = arith.index_cast %parallel_loop3A_798 : i32 to index
          %parallel_loop3A_800 = arith.index_cast %parallel_loop3A_727 : i32 to index
          %parallel_loop3A_801 = arith.constant 80 : index
          %parallel_loop3A_802 = tpu.vector_load %arg14[%parallel_loop3A_799, %parallel_loop3A_800, %parallel_loop3A_801] {strides = array<i32>} : memref<2x64x128xf32, #tpu.memory_space<vmem>>, vector<1x1x16xf32>,
          %parallel_loop3A_803 = vector.shape_cast %parallel_loop3A_802 : vector<1x1x16xf32> to vector<16xf32>
          %parallel_loop3A_804 = arith.mulf %parallel_loop3A_803, %parallel_loop3A_723 : vector<16xf32>
          %parallel_loop3A_805 = arith.constant 0 : i32
          %parallel_loop3A_806 = arith.index_cast %parallel_loop3A_805 : i32 to index
          %parallel_loop3A_807 = arith.index_cast %parallel_loop3A_727 : i32 to index
          %parallel_loop3A_808 = arith.constant 80 : index
          %parallel_loop3A_809 = tpu.vector_load %arg14[%parallel_loop3A_806, %parallel_loop3A_807, %parallel_loop3A_808] {strides = array<i32>} : memref<2x64x128xf32, #tpu.memory_space<vmem>>, vector<1x1x16xf32>,
          %parallel_loop3A_810 = vector.shape_cast %parallel_loop3A_809 : vector<1x1x16xf32> to vector<16xf32>
          %parallel_loop3A_811 = vector.shape_cast %parallel_loop3A_804 : vector<16xf32> to vector<1x1x16xf32>
          tpu.vector_store %arg14[%parallel_loop3A_806, %parallel_loop3A_807, %parallel_loop3A_808], %parallel_loop3A_811 {strides = array<i32>} : memref<2x64x128xf32, #tpu.memory_space<vmem>>, vector<1x1x16xf32>,
          %parallel_loop3A_812 = arith.constant 0 : i32
          %parallel_loop3A_813 = arith.index_cast %parallel_loop3A_812 : i32 to index
          %parallel_loop3A_814 = arith.index_cast %parallel_loop3A_727 : i32 to index
          %parallel_loop3A_815 = arith.constant 96 : index
          %parallel_loop3A_816 = tpu.vector_load %arg14[%parallel_loop3A_813, %parallel_loop3A_814, %parallel_loop3A_815] {strides = array<i32>} : memref<2x64x128xf32, #tpu.memory_space<vmem>>, vector<1x1x16xf32>,
          %parallel_loop3A_817 = vector.shape_cast %parallel_loop3A_816 : vector<1x1x16xf32> to vector<16xf32>
          %parallel_loop3A_818 = arith.mulf %parallel_loop3A_817, %parallel_loop3A_723 : vector<16xf32>
          %parallel_loop3A_819 = arith.constant 0 : i32
          %parallel_loop3A_820 = arith.index_cast %parallel_loop3A_819 : i32 to index
          %parallel_loop3A_821 = arith.index_cast %parallel_loop3A_727 : i32 to index
          %parallel_loop3A_822 = arith.constant 96 : index
          %parallel_loop3A_823 = tpu.vector_load %arg14[%parallel_loop3A_820, %parallel_loop3A_821, %parallel_loop3A_822] {strides = array<i32>} : memref<2x64x128xf32, #tpu.memory_space<vmem>>, vector<1x1x16xf32>,
          %parallel_loop3A_824 = vector.shape_cast %parallel_loop3A_823 : vector<1x1x16xf32> to vector<16xf32>
          %parallel_loop3A_825 = vector.shape_cast %parallel_loop3A_818 : vector<16xf32> to vector<1x1x16xf32>
          tpu.vector_store %arg14[%parallel_loop3A_820, %parallel_loop3A_821, %parallel_loop3A_822], %parallel_loop3A_825 {strides = array<i32>} : memref<2x64x128xf32, #tpu.memory_space<vmem>>, vector<1x1x16xf32>,
          %parallel_loop3A_826 = arith.constant 0 : i32
          %parallel_loop3A_827 = arith.index_cast %parallel_loop3A_826 : i32 to index
          %parallel_loop3A_828 = arith.index_cast %parallel_loop3A_727 : i32 to index
          %parallel_loop3A_829 = arith.constant 112 : index
          %parallel_loop3A_830 = tpu.vector_load %arg14[%parallel_loop3A_827, %parallel_loop3A_828, %parallel_loop3A_829] {strides = array<i32>} : memref<2x64x128xf32, #tpu.memory_space<vmem>>, vector<1x1x16xf32>,
          %parallel_loop3A_831 = vector.shape_cast %parallel_loop3A_830 : vector<1x1x16xf32> to vector<16xf32>
          %parallel_loop3A_832 = arith.mulf %parallel_loop3A_831, %parallel_loop3A_723 : vector<16xf32>
          %parallel_loop3A_833 = arith.constant 0 : i32
          %parallel_loop3A_834 = arith.index_cast %parallel_loop3A_833 : i32 to index
          %parallel_loop3A_835 = arith.index_cast %parallel_loop3A_727 : i32 to index
          %parallel_loop3A_836 = arith.constant 112 : index
          %parallel_loop3A_837 = tpu.vector_load %arg14[%parallel_loop3A_834, %parallel_loop3A_835, %parallel_loop3A_836] {strides = array<i32>} : memref<2x64x128xf32, #tpu.memory_space<vmem>>, vector<1x1x16xf32>,
          %parallel_loop3A_838 = vector.shape_cast %parallel_loop3A_837 : vector<1x1x16xf32> to vector<16xf32>
          %parallel_loop3A_839 = vector.shape_cast %parallel_loop3A_832 : vector<16xf32> to vector<1x1x16xf32>
          tpu.vector_store %arg14[%parallel_loop3A_834, %parallel_loop3A_835, %parallel_loop3A_836], %parallel_loop3A_839 {strides = array<i32>} : memref<2x64x128xf32, #tpu.memory_space<vmem>>, vector<1x1x16xf32>,
          %parallel_loop3A_840 = arith.constant 6 : i32
          %parallel_loop3A_841 = vector.broadcast %parallel_loop3A_840 : i32 to vector<16x1xi32>
          %parallel_loop3A_842 = vector.shape_cast %parallel_loop3A_841 : vector<16x1xi32> to vector<16xi32>
          %parallel_loop3A_843 = tpu.dynamic_gather %parallel_loop3A_119[%parallel_loop3A_842] in [0] : vector<16xf32>, vector<16xi32> -> vector<16xf32>
          %parallel_loop3A_844 = arith.constant 16 : i32
          %parallel_loop3A_845 = arith.muli %parallel_loop3A_110, %parallel_loop3A_844 : i32
          %parallel_loop3A_846 = arith.constant 6 : i32
          %parallel_loop3A_847 = arith.addi %parallel_loop3A_845, %parallel_loop3A_846 : i32
          %parallel_loop3A_848 = arith.constant 0 : i32
          %parallel_loop3A_849 = arith.index_cast %parallel_loop3A_848 : i32 to index
          %parallel_loop3A_850 = arith.index_cast %parallel_loop3A_847 : i32 to index
          %parallel_loop3A_851 = arith.constant 0 : index
          %parallel_loop3A_852 = tpu.vector_load %arg14[%parallel_loop3A_849, %parallel_loop3A_850, %parallel_loop3A_851] {strides = array<i32>} : memref<2x64x128xf32, #tpu.memory_space<vmem>>, vector<1x1x16xf32>,
          %parallel_loop3A_853 = vector.shape_cast %parallel_loop3A_852 : vector<1x1x16xf32> to vector<16xf32>
          %parallel_loop3A_854 = arith.mulf %parallel_loop3A_853, %parallel_loop3A_843 : vector<16xf32>
          %parallel_loop3A_855 = arith.constant 0 : i32
          %parallel_loop3A_856 = arith.index_cast %parallel_loop3A_855 : i32 to index
          %parallel_loop3A_857 = arith.index_cast %parallel_loop3A_847 : i32 to index
          %parallel_loop3A_858 = arith.constant 0 : index
          %parallel_loop3A_859 = tpu.vector_load %arg14[%parallel_loop3A_856, %parallel_loop3A_857, %parallel_loop3A_858] {strides = array<i32>} : memref<2x64x128xf32, #tpu.memory_space<vmem>>, vector<1x1x16xf32>,
          %parallel_loop3A_860 = vector.shape_cast %parallel_loop3A_859 : vector<1x1x16xf32> to vector<16xf32>
          %parallel_loop3A_861 = vector.shape_cast %parallel_loop3A_854 : vector<16xf32> to vector<1x1x16xf32>
          tpu.vector_store %arg14[%parallel_loop3A_856, %parallel_loop3A_857, %parallel_loop3A_858], %parallel_loop3A_861 {strides = array<i32>} : memref<2x64x128xf32, #tpu.memory_space<vmem>>, vector<1x1x16xf32>,
          %parallel_loop3A_862 = arith.constant 0 : i32
          %parallel_loop3A_863 = arith.index_cast %parallel_loop3A_862 : i32 to index
          %parallel_loop3A_864 = arith.index_cast %parallel_loop3A_847 : i32 to index
          %parallel_loop3A_865 = arith.constant 16 : index
          %parallel_loop3A_866 = tpu.vector_load %arg14[%parallel_loop3A_863, %parallel_loop3A_864, %parallel_loop3A_865] {strides = array<i32>} : memref<2x64x128xf32, #tpu.memory_space<vmem>>, vector<1x1x16xf32>,
          %parallel_loop3A_867 = vector.shape_cast %parallel_loop3A_866 : vector<1x1x16xf32> to vector<16xf32>
          %parallel_loop3A_868 = arith.mulf %parallel_loop3A_867, %parallel_loop3A_843 : vector<16xf32>
          %parallel_loop3A_869 = arith.constant 0 : i32
          %parallel_loop3A_870 = arith.index_cast %parallel_loop3A_869 : i32 to index
          %parallel_loop3A_871 = arith.index_cast %parallel_loop3A_847 : i32 to index
          %parallel_loop3A_872 = arith.constant 16 : index
          %parallel_loop3A_873 = tpu.vector_load %arg14[%parallel_loop3A_870, %parallel_loop3A_871, %parallel_loop3A_872] {strides = array<i32>} : memref<2x64x128xf32, #tpu.memory_space<vmem>>, vector<1x1x16xf32>,
          %parallel_loop3A_874 = vector.shape_cast %parallel_loop3A_873 : vector<1x1x16xf32> to vector<16xf32>
          %parallel_loop3A_875 = vector.shape_cast %parallel_loop3A_868 : vector<16xf32> to vector<1x1x16xf32>
          tpu.vector_store %arg14[%parallel_loop3A_870, %parallel_loop3A_871, %parallel_loop3A_872], %parallel_loop3A_875 {strides = array<i32>} : memref<2x64x128xf32, #tpu.memory_space<vmem>>, vector<1x1x16xf32>,
          %parallel_loop3A_876 = arith.constant 0 : i32
          %parallel_loop3A_877 = arith.index_cast %parallel_loop3A_876 : i32 to index
          %parallel_loop3A_878 = arith.index_cast %parallel_loop3A_847 : i32 to index
          %parallel_loop3A_879 = arith.constant 32 : index
          %parallel_loop3A_880 = tpu.vector_load %arg14[%parallel_loop3A_877, %parallel_loop3A_878, %parallel_loop3A_879] {strides = array<i32>} : memref<2x64x128xf32, #tpu.memory_space<vmem>>, vector<1x1x16xf32>,
          %parallel_loop3A_881 = vector.shape_cast %parallel_loop3A_880 : vector<1x1x16xf32> to vector<16xf32>
          %parallel_loop3A_882 = arith.mulf %parallel_loop3A_881, %parallel_loop3A_843 : vector<16xf32>
          %parallel_loop3A_883 = arith.constant 0 : i32
          %parallel_loop3A_884 = arith.index_cast %parallel_loop3A_883 : i32 to index
          %parallel_loop3A_885 = arith.index_cast %parallel_loop3A_847 : i32 to index
          %parallel_loop3A_886 = arith.constant 32 : index
          %parallel_loop3A_887 = tpu.vector_load %arg14[%parallel_loop3A_884, %parallel_loop3A_885, %parallel_loop3A_886] {strides = array<i32>} : memref<2x64x128xf32, #tpu.memory_space<vmem>>, vector<1x1x16xf32>,
          %parallel_loop3A_888 = vector.shape_cast %parallel_loop3A_887 : vector<1x1x16xf32> to vector<16xf32>
          %parallel_loop3A_889 = vector.shape_cast %parallel_loop3A_882 : vector<16xf32> to vector<1x1x16xf32>
          tpu.vector_store %arg14[%parallel_loop3A_884, %parallel_loop3A_885, %parallel_loop3A_886], %parallel_loop3A_889 {strides = array<i32>} : memref<2x64x128xf32, #tpu.memory_space<vmem>>, vector<1x1x16xf32>,
          %parallel_loop3A_890 = arith.constant 0 : i32
          %parallel_loop3A_891 = arith.index_cast %parallel_loop3A_890 : i32 to index
          %parallel_loop3A_892 = arith.index_cast %parallel_loop3A_847 : i32 to index
          %parallel_loop3A_893 = arith.constant 48 : index
          %parallel_loop3A_894 = tpu.vector_load %arg14[%parallel_loop3A_891, %parallel_loop3A_892, %parallel_loop3A_893] {strides = array<i32>} : memref<2x64x128xf32, #tpu.memory_space<vmem>>, vector<1x1x16xf32>,
          %parallel_loop3A_895 = vector.shape_cast %parallel_loop3A_894 : vector<1x1x16xf32> to vector<16xf32>
          %parallel_loop3A_896 = arith.mulf %parallel_loop3A_895, %parallel_loop3A_843 : vector<16xf32>
          %parallel_loop3A_897 = arith.constant 0 : i32
          %parallel_loop3A_898 = arith.index_cast %parallel_loop3A_897 : i32 to index
          %parallel_loop3A_899 = arith.index_cast %parallel_loop3A_847 : i32 to index
          %parallel_loop3A_900 = arith.constant 48 : index
          %parallel_loop3A_901 = tpu.vector_load %arg14[%parallel_loop3A_898, %parallel_loop3A_899, %parallel_loop3A_900] {strides = array<i32>} : memref<2x64x128xf32, #tpu.memory_space<vmem>>, vector<1x1x16xf32>,
          %parallel_loop3A_902 = vector.shape_cast %parallel_loop3A_901 : vector<1x1x16xf32> to vector<16xf32>
          %parallel_loop3A_903 = vector.shape_cast %parallel_loop3A_896 : vector<16xf32> to vector<1x1x16xf32>
          tpu.vector_store %arg14[%parallel_loop3A_898, %parallel_loop3A_899, %parallel_loop3A_900], %parallel_loop3A_903 {strides = array<i32>} : memref<2x64x128xf32, #tpu.memory_space<vmem>>, vector<1x1x16xf32>,
          %parallel_loop3A_904 = arith.constant 0 : i32
          %parallel_loop3A_905 = arith.index_cast %parallel_loop3A_904 : i32 to index
          %parallel_loop3A_906 = arith.index_cast %parallel_loop3A_847 : i32 to index
          %parallel_loop3A_907 = arith.constant 64 : index
          %parallel_loop3A_908 = tpu.vector_load %arg14[%parallel_loop3A_905, %parallel_loop3A_906, %parallel_loop3A_907] {strides = array<i32>} : memref<2x64x128xf32, #tpu.memory_space<vmem>>, vector<1x1x16xf32>,
          %parallel_loop3A_909 = vector.shape_cast %parallel_loop3A_908 : vector<1x1x16xf32> to vector<16xf32>
          %parallel_loop3A_910 = arith.mulf %parallel_loop3A_909, %parallel_loop3A_843 : vector<16xf32>
          %parallel_loop3A_911 = arith.constant 0 : i32
          %parallel_loop3A_912 = arith.index_cast %parallel_loop3A_911 : i32 to index
          %parallel_loop3A_913 = arith.index_cast %parallel_loop3A_847 : i32 to index
          %parallel_loop3A_914 = arith.constant 64 : index
          %parallel_loop3A_915 = tpu.vector_load %arg14[%parallel_loop3A_912, %parallel_loop3A_913, %parallel_loop3A_914] {strides = array<i32>} : memref<2x64x128xf32, #tpu.memory_space<vmem>>, vector<1x1x16xf32>,
          %parallel_loop3A_916 = vector.shape_cast %parallel_loop3A_915 : vector<1x1x16xf32> to vector<16xf32>
          %parallel_loop3A_917 = vector.shape_cast %parallel_loop3A_910 : vector<16xf32> to vector<1x1x16xf32>
          tpu.vector_store %arg14[%parallel_loop3A_912, %parallel_loop3A_913, %parallel_loop3A_914], %parallel_loop3A_917 {strides = array<i32>} : memref<2x64x128xf32, #tpu.memory_space<vmem>>, vector<1x1x16xf32>,
          %parallel_loop3A_918 = arith.constant 0 : i32
          %parallel_loop3A_919 = arith.index_cast %parallel_loop3A_918 : i32 to index
          %parallel_loop3A_920 = arith.index_cast %parallel_loop3A_847 : i32 to index
          %parallel_loop3A_921 = arith.constant 80 : index
          %parallel_loop3A_922 = tpu.vector_load %arg14[%parallel_loop3A_919, %parallel_loop3A_920, %parallel_loop3A_921] {strides = array<i32>} : memref<2x64x128xf32, #tpu.memory_space<vmem>>, vector<1x1x16xf32>,
          %parallel_loop3A_923 = vector.shape_cast %parallel_loop3A_922 : vector<1x1x16xf32> to vector<16xf32>
          %parallel_loop3A_924 = arith.mulf %parallel_loop3A_923, %parallel_loop3A_843 : vector<16xf32>
          %parallel_loop3A_925 = arith.constant 0 : i32
          %parallel_loop3A_926 = arith.index_cast %parallel_loop3A_925 : i32 to index
          %parallel_loop3A_927 = arith.index_cast %parallel_loop3A_847 : i32 to index
          %parallel_loop3A_928 = arith.constant 80 : index
          %parallel_loop3A_929 = tpu.vector_load %arg14[%parallel_loop3A_926, %parallel_loop3A_927, %parallel_loop3A_928] {strides = array<i32>} : memref<2x64x128xf32, #tpu.memory_space<vmem>>, vector<1x1x16xf32>,
          %parallel_loop3A_930 = vector.shape_cast %parallel_loop3A_929 : vector<1x1x16xf32> to vector<16xf32>
          %parallel_loop3A_931 = vector.shape_cast %parallel_loop3A_924 : vector<16xf32> to vector<1x1x16xf32>
          tpu.vector_store %arg14[%parallel_loop3A_926, %parallel_loop3A_927, %parallel_loop3A_928], %parallel_loop3A_931 {strides = array<i32>} : memref<2x64x128xf32, #tpu.memory_space<vmem>>, vector<1x1x16xf32>,
          %parallel_loop3A_932 = arith.constant 0 : i32
          %parallel_loop3A_933 = arith.index_cast %parallel_loop3A_932 : i32 to index
          %parallel_loop3A_934 = arith.index_cast %parallel_loop3A_847 : i32 to index
          %parallel_loop3A_935 = arith.constant 96 : index
          %parallel_loop3A_936 = tpu.vector_load %arg14[%parallel_loop3A_933, %parallel_loop3A_934, %parallel_loop3A_935] {strides = array<i32>} : memref<2x64x128xf32, #tpu.memory_space<vmem>>, vector<1x1x16xf32>,
          %parallel_loop3A_937 = vector.shape_cast %parallel_loop3A_936 : vector<1x1x16xf32> to vector<16xf32>
          %parallel_loop3A_938 = arith.mulf %parallel_loop3A_937, %parallel_loop3A_843 : vector<16xf32>
          %parallel_loop3A_939 = arith.constant 0 : i32
          %parallel_loop3A_940 = arith.index_cast %parallel_loop3A_939 : i32 to index
          %parallel_loop3A_941 = arith.index_cast %parallel_loop3A_847 : i32 to index
          %parallel_loop3A_942 = arith.constant 96 : index
          %parallel_loop3A_943 = tpu.vector_load %arg14[%parallel_loop3A_940, %parallel_loop3A_941, %parallel_loop3A_942] {strides = array<i32>} : memref<2x64x128xf32, #tpu.memory_space<vmem>>, vector<1x1x16xf32>,
          %parallel_loop3A_944 = vector.shape_cast %parallel_loop3A_943 : vector<1x1x16xf32> to vector<16xf32>
          %parallel_loop3A_945 = vector.shape_cast %parallel_loop3A_938 : vector<16xf32> to vector<1x1x16xf32>
          tpu.vector_store %arg14[%parallel_loop3A_940, %parallel_loop3A_941, %parallel_loop3A_942], %parallel_loop3A_945 {strides = array<i32>} : memref<2x64x128xf32, #tpu.memory_space<vmem>>, vector<1x1x16xf32>,
          %parallel_loop3A_946 = arith.constant 0 : i32
          %parallel_loop3A_947 = arith.index_cast %parallel_loop3A_946 : i32 to index
          %parallel_loop3A_948 = arith.index_cast %parallel_loop3A_847 : i32 to index
          %parallel_loop3A_949 = arith.constant 112 : index
          %parallel_loop3A_950 = tpu.vector_load %arg14[%parallel_loop3A_947, %parallel_loop3A_948, %parallel_loop3A_949] {strides = array<i32>} : memref<2x64x128xf32, #tpu.memory_space<vmem>>, vector<1x1x16xf32>,
          %parallel_loop3A_951 = vector.shape_cast %parallel_loop3A_950 : vector<1x1x16xf32> to vector<16xf32>
          %parallel_loop3A_952 = arith.mulf %parallel_loop3A_951, %parallel_loop3A_843 : vector<16xf32>
          %parallel_loop3A_953 = arith.constant 0 : i32
          %parallel_loop3A_954 = arith.index_cast %parallel_loop3A_953 : i32 to index
          %parallel_loop3A_955 = arith.index_cast %parallel_loop3A_847 : i32 to index
          %parallel_loop3A_956 = arith.constant 112 : index
          %parallel_loop3A_957 = tpu.vector_load %arg14[%parallel_loop3A_954, %parallel_loop3A_955, %parallel_loop3A_956] {strides = array<i32>} : memref<2x64x128xf32, #tpu.memory_space<vmem>>, vector<1x1x16xf32>,
          %parallel_loop3A_958 = vector.shape_cast %parallel_loop3A_957 : vector<1x1x16xf32> to vector<16xf32>
          %parallel_loop3A_959 = vector.shape_cast %parallel_loop3A_952 : vector<16xf32> to vector<1x1x16xf32>
          tpu.vector_store %arg14[%parallel_loop3A_954, %parallel_loop3A_955, %parallel_loop3A_956], %parallel_loop3A_959 {strides = array<i32>} : memref<2x64x128xf32, #tpu.memory_space<vmem>>, vector<1x1x16xf32>,
          %parallel_loop3A_960 = arith.constant 7 : i32
          %parallel_loop3A_961 = vector.broadcast %parallel_loop3A_960 : i32 to vector<16x1xi32>
          %parallel_loop3A_962 = vector.shape_cast %parallel_loop3A_961 : vector<16x1xi32> to vector<16xi32>
          %parallel_loop3A_963 = tpu.dynamic_gather %parallel_loop3A_119[%parallel_loop3A_962] in [0] : vector<16xf32>, vector<16xi32> -> vector<16xf32>
          %parallel_loop3A_964 = arith.constant 16 : i32
          %parallel_loop3A_965 = arith.muli %parallel_loop3A_110, %parallel_loop3A_964 : i32
          %parallel_loop3A_966 = arith.constant 7 : i32
          %parallel_loop3A_967 = arith.addi %parallel_loop3A_965, %parallel_loop3A_966 : i32
          %parallel_loop3A_968 = arith.constant 0 : i32
          %parallel_loop3A_969 = arith.index_cast %parallel_loop3A_968 : i32 to index
          %parallel_loop3A_970 = arith.index_cast %parallel_loop3A_967 : i32 to index
          %parallel_loop3A_971 = arith.constant 0 : index
          %parallel_loop3A_972 = tpu.vector_load %arg14[%parallel_loop3A_969, %parallel_loop3A_970, %parallel_loop3A_971] {strides = array<i32>} : memref<2x64x128xf32, #tpu.memory_space<vmem>>, vector<1x1x16xf32>,
          %parallel_loop3A_973 = vector.shape_cast %parallel_loop3A_972 : vector<1x1x16xf32> to vector<16xf32>
          %parallel_loop3A_974 = arith.mulf %parallel_loop3A_973, %parallel_loop3A_963 : vector<16xf32>
          %parallel_loop3A_975 = arith.constant 0 : i32
          %parallel_loop3A_976 = arith.index_cast %parallel_loop3A_975 : i32 to index
          %parallel_loop3A_977 = arith.index_cast %parallel_loop3A_967 : i32 to index
          %parallel_loop3A_978 = arith.constant 0 : index
          %parallel_loop3A_979 = tpu.vector_load %arg14[%parallel_loop3A_976, %parallel_loop3A_977, %parallel_loop3A_978] {strides = array<i32>} : memref<2x64x128xf32, #tpu.memory_space<vmem>>, vector<1x1x16xf32>,
          %parallel_loop3A_980 = vector.shape_cast %parallel_loop3A_979 : vector<1x1x16xf32> to vector<16xf32>
          %parallel_loop3A_981 = vector.shape_cast %parallel_loop3A_974 : vector<16xf32> to vector<1x1x16xf32>
          tpu.vector_store %arg14[%parallel_loop3A_976, %parallel_loop3A_977, %parallel_loop3A_978], %parallel_loop3A_981 {strides = array<i32>} : memref<2x64x128xf32, #tpu.memory_space<vmem>>, vector<1x1x16xf32>,
          %parallel_loop3A_982 = arith.constant 0 : i32
          %parallel_loop3A_983 = arith.index_cast %parallel_loop3A_982 : i32 to index
          %parallel_loop3A_984 = arith.index_cast %parallel_loop3A_967 : i32 to index
          %parallel_loop3A_985 = arith.constant 16 : index
          %parallel_loop3A_986 = tpu.vector_load %arg14[%parallel_loop3A_983, %parallel_loop3A_984, %parallel_loop3A_985] {strides = array<i32>} : memref<2x64x128xf32, #tpu.memory_space<vmem>>, vector<1x1x16xf32>,
          %parallel_loop3A_987 = vector.shape_cast %parallel_loop3A_986 : vector<1x1x16xf32> to vector<16xf32>
          %parallel_loop3A_988 = arith.mulf %parallel_loop3A_987, %parallel_loop3A_963 : vector<16xf32>
          %parallel_loop3A_989 = arith.constant 0 : i32
          %parallel_loop3A_990 = arith.index_cast %parallel_loop3A_989 : i32 to index
          %parallel_loop3A_991 = arith.index_cast %parallel_loop3A_967 : i32 to index
          %parallel_loop3A_992 = arith.constant 16 : index
          %parallel_loop3A_993 = tpu.vector_load %arg14[%parallel_loop3A_990, %parallel_loop3A_991, %parallel_loop3A_992] {strides = array<i32>} : memref<2x64x128xf32, #tpu.memory_space<vmem>>, vector<1x1x16xf32>,
          %parallel_loop3A_994 = vector.shape_cast %parallel_loop3A_993 : vector<1x1x16xf32> to vector<16xf32>
          %parallel_loop3A_995 = vector.shape_cast %parallel_loop3A_988 : vector<16xf32> to vector<1x1x16xf32>
          tpu.vector_store %arg14[%parallel_loop3A_990, %parallel_loop3A_991, %parallel_loop3A_992], %parallel_loop3A_995 {strides = array<i32>} : memref<2x64x128xf32, #tpu.memory_space<vmem>>, vector<1x1x16xf32>,
          %parallel_loop3A_996 = arith.constant 0 : i32
          %parallel_loop3A_997 = arith.index_cast %parallel_loop3A_996 : i32 to index
          %parallel_loop3A_998 = arith.index_cast %parallel_loop3A_967 : i32 to index
          %parallel_loop3A_999 = arith.constant 32 : index
          %parallel_loop3A_1000 = tpu.vector_load %arg14[%parallel_loop3A_997, %parallel_loop3A_998, %parallel_loop3A_999] {strides = array<i32>} : memref<2x64x128xf32, #tpu.memory_space<vmem>>, vector<1x1x16xf32>,
          %parallel_loop3A_1001 = vector.shape_cast %parallel_loop3A_1000 : vector<1x1x16xf32> to vector<16xf32>
          %parallel_loop3A_1002 = arith.mulf %parallel_loop3A_1001, %parallel_loop3A_963 : vector<16xf32>
          %parallel_loop3A_1003 = arith.constant 0 : i32
          %parallel_loop3A_1004 = arith.index_cast %parallel_loop3A_1003 : i32 to index
          %parallel_loop3A_1005 = arith.index_cast %parallel_loop3A_967 : i32 to index
          %parallel_loop3A_1006 = arith.constant 32 : index
          %parallel_loop3A_1007 = tpu.vector_load %arg14[%parallel_loop3A_1004, %parallel_loop3A_1005, %parallel_loop3A_1006] {strides = array<i32>} : memref<2x64x128xf32, #tpu.memory_space<vmem>>, vector<1x1x16xf32>,
          %parallel_loop3A_1008 = vector.shape_cast %parallel_loop3A_1007 : vector<1x1x16xf32> to vector<16xf32>
          %parallel_loop3A_1009 = vector.shape_cast %parallel_loop3A_1002 : vector<16xf32> to vector<1x1x16xf32>
          tpu.vector_store %arg14[%parallel_loop3A_1004, %parallel_loop3A_1005, %parallel_loop3A_1006], %parallel_loop3A_1009 {strides = array<i32>} : memref<2x64x128xf32, #tpu.memory_space<vmem>>, vector<1x1x16xf32>,
          %parallel_loop3A_1010 = arith.constant 0 : i32
          %parallel_loop3A_1011 = arith.index_cast %parallel_loop3A_1010 : i32 to index
          %parallel_loop3A_1012 = arith.index_cast %parallel_loop3A_967 : i32 to index
          %parallel_loop3A_1013 = arith.constant 48 : index
          %parallel_loop3A_1014 = tpu.vector_load %arg14[%parallel_loop3A_1011, %parallel_loop3A_1012, %parallel_loop3A_1013] {strides = array<i32>} : memref<2x64x128xf32, #tpu.memory_space<vmem>>, vector<1x1x16xf32>,
          %parallel_loop3A_1015 = vector.shape_cast %parallel_loop3A_1014 : vector<1x1x16xf32> to vector<16xf32>
          %parallel_loop3A_1016 = arith.mulf %parallel_loop3A_1015, %parallel_loop3A_963 : vector<16xf32>
          %parallel_loop3A_1017 = arith.constant 0 : i32
          %parallel_loop3A_1018 = arith.index_cast %parallel_loop3A_1017 : i32 to index
          %parallel_loop3A_1019 = arith.index_cast %parallel_loop3A_967 : i32 to index
          %parallel_loop3A_1020 = arith.constant 48 : index
          %parallel_loop3A_1021 = tpu.vector_load %arg14[%parallel_loop3A_1018, %parallel_loop3A_1019, %parallel_loop3A_1020] {strides = array<i32>} : memref<2x64x128xf32, #tpu.memory_space<vmem>>, vector<1x1x16xf32>,
          %parallel_loop3A_1022 = vector.shape_cast %parallel_loop3A_1021 : vector<1x1x16xf32> to vector<16xf32>
          %parallel_loop3A_1023 = vector.shape_cast %parallel_loop3A_1016 : vector<16xf32> to vector<1x1x16xf32>
          tpu.vector_store %arg14[%parallel_loop3A_1018, %parallel_loop3A_1019, %parallel_loop3A_1020], %parallel_loop3A_1023 {strides = array<i32>} : memref<2x64x128xf32, #tpu.memory_space<vmem>>, vector<1x1x16xf32>,
          %parallel_loop3A_1024 = arith.constant 0 : i32
          %parallel_loop3A_1025 = arith.index_cast %parallel_loop3A_1024 : i32 to index
          %parallel_loop3A_1026 = arith.index_cast %parallel_loop3A_967 : i32 to index
          %parallel_loop3A_1027 = arith.constant 64 : index
          %parallel_loop3A_1028 = tpu.vector_load %arg14[%parallel_loop3A_1025, %parallel_loop3A_1026, %parallel_loop3A_1027] {strides = array<i32>} : memref<2x64x128xf32, #tpu.memory_space<vmem>>, vector<1x1x16xf32>,
          %parallel_loop3A_1029 = vector.shape_cast %parallel_loop3A_1028 : vector<1x1x16xf32> to vector<16xf32>
          %parallel_loop3A_1030 = arith.mulf %parallel_loop3A_1029, %parallel_loop3A_963 : vector<16xf32>
          %parallel_loop3A_1031 = arith.constant 0 : i32
          %parallel_loop3A_1032 = arith.index_cast %parallel_loop3A_1031 : i32 to index
          %parallel_loop3A_1033 = arith.index_cast %parallel_loop3A_967 : i32 to index
          %parallel_loop3A_1034 = arith.constant 64 : index
          %parallel_loop3A_1035 = tpu.vector_load %arg14[%parallel_loop3A_1032, %parallel_loop3A_1033, %parallel_loop3A_1034] {strides = array<i32>} : memref<2x64x128xf32, #tpu.memory_space<vmem>>, vector<1x1x16xf32>,
          %parallel_loop3A_1036 = vector.shape_cast %parallel_loop3A_1035 : vector<1x1x16xf32> to vector<16xf32>
          %parallel_loop3A_1037 = vector.shape_cast %parallel_loop3A_1030 : vector<16xf32> to vector<1x1x16xf32>
          tpu.vector_store %arg14[%parallel_loop3A_1032, %parallel_loop3A_1033, %parallel_loop3A_1034], %parallel_loop3A_1037 {strides = array<i32>} : memref<2x64x128xf32, #tpu.memory_space<vmem>>, vector<1x1x16xf32>,
          %parallel_loop3A_1038 = arith.constant 0 : i32
          %parallel_loop3A_1039 = arith.index_cast %parallel_loop3A_1038 : i32 to index
          %parallel_loop3A_1040 = arith.index_cast %parallel_loop3A_967 : i32 to index
          %parallel_loop3A_1041 = arith.constant 80 : index
          %parallel_loop3A_1042 = tpu.vector_load %arg14[%parallel_loop3A_1039, %parallel_loop3A_1040, %parallel_loop3A_1041] {strides = array<i32>} : memref<2x64x128xf32, #tpu.memory_space<vmem>>, vector<1x1x16xf32>,
          %parallel_loop3A_1043 = vector.shape_cast %parallel_loop3A_1042 : vector<1x1x16xf32> to vector<16xf32>
          %parallel_loop3A_1044 = arith.mulf %parallel_loop3A_1043, %parallel_loop3A_963 : vector<16xf32>
          %parallel_loop3A_1045 = arith.constant 0 : i32
          %parallel_loop3A_1046 = arith.index_cast %parallel_loop3A_1045 : i32 to index
          %parallel_loop3A_1047 = arith.index_cast %parallel_loop3A_967 : i32 to index
          %parallel_loop3A_1048 = arith.constant 80 : index
          %parallel_loop3A_1049 = tpu.vector_load %arg14[%parallel_loop3A_1046, %parallel_loop3A_1047, %parallel_loop3A_1048] {strides = array<i32>} : memref<2x64x128xf32, #tpu.memory_space<vmem>>, vector<1x1x16xf32>,
          %parallel_loop3A_1050 = vector.shape_cast %parallel_loop3A_1049 : vector<1x1x16xf32> to vector<16xf32>
          %parallel_loop3A_1051 = vector.shape_cast %parallel_loop3A_1044 : vector<16xf32> to vector<1x1x16xf32>
          tpu.vector_store %arg14[%parallel_loop3A_1046, %parallel_loop3A_1047, %parallel_loop3A_1048], %parallel_loop3A_1051 {strides = array<i32>} : memref<2x64x128xf32, #tpu.memory_space<vmem>>, vector<1x1x16xf32>,
          %parallel_loop3A_1052 = arith.constant 0 : i32
          %parallel_loop3A_1053 = arith.index_cast %parallel_loop3A_1052 : i32 to index
          %parallel_loop3A_1054 = arith.index_cast %parallel_loop3A_967 : i32 to index
          %parallel_loop3A_1055 = arith.constant 96 : index
          %parallel_loop3A_1056 = tpu.vector_load %arg14[%parallel_loop3A_1053, %parallel_loop3A_1054, %parallel_loop3A_1055] {strides = array<i32>} : memref<2x64x128xf32, #tpu.memory_space<vmem>>, vector<1x1x16xf32>,
          %parallel_loop3A_1057 = vector.shape_cast %parallel_loop3A_1056 : vector<1x1x16xf32> to vector<16xf32>
          %parallel_loop3A_1058 = arith.mulf %parallel_loop3A_1057, %parallel_loop3A_963 : vector<16xf32>
          %parallel_loop3A_1059 = arith.constant 0 : i32
          %parallel_loop3A_1060 = arith.index_cast %parallel_loop3A_1059 : i32 to index
          %parallel_loop3A_1061 = arith.index_cast %parallel_loop3A_967 : i32 to index
          %parallel_loop3A_1062 = arith.constant 96 : index
          %parallel_loop3A_1063 = tpu.vector_load %arg14[%parallel_loop3A_1060, %parallel_loop3A_1061, %parallel_loop3A_1062] {strides = array<i32>} : memref<2x64x128xf32, #tpu.memory_space<vmem>>, vector<1x1x16xf32>,
          %parallel_loop3A_1064 = vector.shape_cast %parallel_loop3A_1063 : vector<1x1x16xf32> to vector<16xf32>
          %parallel_loop3A_1065 = vector.shape_cast %parallel_loop3A_1058 : vector<16xf32> to vector<1x1x16xf32>
          tpu.vector_store %arg14[%parallel_loop3A_1060, %parallel_loop3A_1061, %parallel_loop3A_1062], %parallel_loop3A_1065 {strides = array<i32>} : memref<2x64x128xf32, #tpu.memory_space<vmem>>, vector<1x1x16xf32>,
          %parallel_loop3A_1066 = arith.constant 0 : i32
          %parallel_loop3A_1067 = arith.index_cast %parallel_loop3A_1066 : i32 to index
          %parallel_loop3A_1068 = arith.index_cast %parallel_loop3A_967 : i32 to index
          %parallel_loop3A_1069 = arith.constant 112 : index
          %parallel_loop3A_1070 = tpu.vector_load %arg14[%parallel_loop3A_1067, %parallel_loop3A_1068, %parallel_loop3A_1069] {strides = array<i32>} : memref<2x64x128xf32, #tpu.memory_space<vmem>>, vector<1x1x16xf32>,
          %parallel_loop3A_1071 = vector.shape_cast %parallel_loop3A_1070 : vector<1x1x16xf32> to vector<16xf32>
          %parallel_loop3A_1072 = arith.mulf %parallel_loop3A_1071, %parallel_loop3A_963 : vector<16xf32>
          %parallel_loop3A_1073 = arith.constant 0 : i32
          %parallel_loop3A_1074 = arith.index_cast %parallel_loop3A_1073 : i32 to index
          %parallel_loop3A_1075 = arith.index_cast %parallel_loop3A_967 : i32 to index
          %parallel_loop3A_1076 = arith.constant 112 : index
          %parallel_loop3A_1077 = tpu.vector_load %arg14[%parallel_loop3A_1074, %parallel_loop3A_1075, %parallel_loop3A_1076] {strides = array<i32>} : memref<2x64x128xf32, #tpu.memory_space<vmem>>, vector<1x1x16xf32>,
          %parallel_loop3A_1078 = vector.shape_cast %parallel_loop3A_1077 : vector<1x1x16xf32> to vector<16xf32>
          %parallel_loop3A_1079 = vector.shape_cast %parallel_loop3A_1072 : vector<16xf32> to vector<1x1x16xf32>
          tpu.vector_store %arg14[%parallel_loop3A_1074, %parallel_loop3A_1075, %parallel_loop3A_1076], %parallel_loop3A_1079 {strides = array<i32>} : memref<2x64x128xf32, #tpu.memory_space<vmem>>, vector<1x1x16xf32>,
          %parallel_loop3A_1080 = arith.constant 8 : i32
          %parallel_loop3A_1081 = vector.broadcast %parallel_loop3A_1080 : i32 to vector<16x1xi32>
          %parallel_loop3A_1082 = vector.shape_cast %parallel_loop3A_1081 : vector<16x1xi32> to vector<16xi32>
          %parallel_loop3A_1083 = tpu.dynamic_gather %parallel_loop3A_119[%parallel_loop3A_1082] in [0] : vector<16xf32>, vector<16xi32> -> vector<16xf32>
          %parallel_loop3A_1084 = arith.constant 16 : i32
          %parallel_loop3A_1085 = arith.muli %parallel_loop3A_110, %parallel_loop3A_1084 : i32
          %parallel_loop3A_1086 = arith.constant 8 : i32
          %parallel_loop3A_1087 = arith.addi %parallel_loop3A_1085, %parallel_loop3A_1086 : i32
          %parallel_loop3A_1088 = arith.constant 0 : i32
          %parallel_loop3A_1089 = arith.index_cast %parallel_loop3A_1088 : i32 to index
          %parallel_loop3A_1090 = arith.index_cast %parallel_loop3A_1087 : i32 to index
          %parallel_loop3A_1091 = arith.constant 0 : index
          %parallel_loop3A_1092 = tpu.vector_load %arg14[%parallel_loop3A_1089, %parallel_loop3A_1090, %parallel_loop3A_1091] {strides = array<i32>} : memref<2x64x128xf32, #tpu.memory_space<vmem>>, vector<1x1x16xf32>,
          %parallel_loop3A_1093 = vector.shape_cast %parallel_loop3A_1092 : vector<1x1x16xf32> to vector<16xf32>
          %parallel_loop3A_1094 = arith.mulf %parallel_loop3A_1093, %parallel_loop3A_1083 : vector<16xf32>
          %parallel_loop3A_1095 = arith.constant 0 : i32
          %parallel_loop3A_1096 = arith.index_cast %parallel_loop3A_1095 : i32 to index
          %parallel_loop3A_1097 = arith.index_cast %parallel_loop3A_1087 : i32 to index
          %parallel_loop3A_1098 = arith.constant 0 : index
          %parallel_loop3A_1099 = tpu.vector_load %arg14[%parallel_loop3A_1096, %parallel_loop3A_1097, %parallel_loop3A_1098] {strides = array<i32>} : memref<2x64x128xf32, #tpu.memory_space<vmem>>, vector<1x1x16xf32>,
          %parallel_loop3A_1100 = vector.shape_cast %parallel_loop3A_1099 : vector<1x1x16xf32> to vector<16xf32>
          %parallel_loop3A_1101 = vector.shape_cast %parallel_loop3A_1094 : vector<16xf32> to vector<1x1x16xf32>
          tpu.vector_store %arg14[%parallel_loop3A_1096, %parallel_loop3A_1097, %parallel_loop3A_1098], %parallel_loop3A_1101 {strides = array<i32>} : memref<2x64x128xf32, #tpu.memory_space<vmem>>, vector<1x1x16xf32>,
          %parallel_loop3A_1102 = arith.constant 0 : i32
          %parallel_loop3A_1103 = arith.index_cast %parallel_loop3A_1102 : i32 to index
          %parallel_loop3A_1104 = arith.index_cast %parallel_loop3A_1087 : i32 to index
          %parallel_loop3A_1105 = arith.constant 16 : index
          %parallel_loop3A_1106 = tpu.vector_load %arg14[%parallel_loop3A_1103, %parallel_loop3A_1104, %parallel_loop3A_1105] {strides = array<i32>} : memref<2x64x128xf32, #tpu.memory_space<vmem>>, vector<1x1x16xf32>,
          %parallel_loop3A_1107 = vector.shape_cast %parallel_loop3A_1106 : vector<1x1x16xf32> to vector<16xf32>
          %parallel_loop3A_1108 = arith.mulf %parallel_loop3A_1107, %parallel_loop3A_1083 : vector<16xf32>
          %parallel_loop3A_1109 = arith.constant 0 : i32
          %parallel_loop3A_1110 = arith.index_cast %parallel_loop3A_1109 : i32 to index
          %parallel_loop3A_1111 = arith.index_cast %parallel_loop3A_1087 : i32 to index
          %parallel_loop3A_1112 = arith.constant 16 : index
          %parallel_loop3A_1113 = tpu.vector_load %arg14[%parallel_loop3A_1110, %parallel_loop3A_1111, %parallel_loop3A_1112] {strides = array<i32>} : memref<2x64x128xf32, #tpu.memory_space<vmem>>, vector<1x1x16xf32>,
          %parallel_loop3A_1114 = vector.shape_cast %parallel_loop3A_1113 : vector<1x1x16xf32> to vector<16xf32>
          %parallel_loop3A_1115 = vector.shape_cast %parallel_loop3A_1108 : vector<16xf32> to vector<1x1x16xf32>
          tpu.vector_store %arg14[%parallel_loop3A_1110, %parallel_loop3A_1111, %parallel_loop3A_1112], %parallel_loop3A_1115 {strides = array<i32>} : memref<2x64x128xf32, #tpu.memory_space<vmem>>, vector<1x1x16xf32>,
          %parallel_loop3A_1116 = arith.constant 0 : i32
          %parallel_loop3A_1117 = arith.index_cast %parallel_loop3A_1116 : i32 to index
          %parallel_loop3A_1118 = arith.index_cast %parallel_loop3A_1087 : i32 to index
          %parallel_loop3A_1119 = arith.constant 32 : index
          %parallel_loop3A_1120 = tpu.vector_load %arg14[%parallel_loop3A_1117, %parallel_loop3A_1118, %parallel_loop3A_1119] {strides = array<i32>} : memref<2x64x128xf32, #tpu.memory_space<vmem>>, vector<1x1x16xf32>,
          %parallel_loop3A_1121 = vector.shape_cast %parallel_loop3A_1120 : vector<1x1x16xf32> to vector<16xf32>
          %parallel_loop3A_1122 = arith.mulf %parallel_loop3A_1121, %parallel_loop3A_1083 : vector<16xf32>
          %parallel_loop3A_1123 = arith.constant 0 : i32
          %parallel_loop3A_1124 = arith.index_cast %parallel_loop3A_1123 : i32 to index
          %parallel_loop3A_1125 = arith.index_cast %parallel_loop3A_1087 : i32 to index
          %parallel_loop3A_1126 = arith.constant 32 : index
          %parallel_loop3A_1127 = tpu.vector_load %arg14[%parallel_loop3A_1124, %parallel_loop3A_1125, %parallel_loop3A_1126] {strides = array<i32>} : memref<2x64x128xf32, #tpu.memory_space<vmem>>, vector<1x1x16xf32>,
          %parallel_loop3A_1128 = vector.shape_cast %parallel_loop3A_1127 : vector<1x1x16xf32> to vector<16xf32>
          %parallel_loop3A_1129 = vector.shape_cast %parallel_loop3A_1122 : vector<16xf32> to vector<1x1x16xf32>
          tpu.vector_store %arg14[%parallel_loop3A_1124, %parallel_loop3A_1125, %parallel_loop3A_1126], %parallel_loop3A_1129 {strides = array<i32>} : memref<2x64x128xf32, #tpu.memory_space<vmem>>, vector<1x1x16xf32>,
          %parallel_loop3A_1130 = arith.constant 0 : i32
          %parallel_loop3A_1131 = arith.index_cast %parallel_loop3A_1130 : i32 to index
          %parallel_loop3A_1132 = arith.index_cast %parallel_loop3A_1087 : i32 to index
          %parallel_loop3A_1133 = arith.constant 48 : index
          %parallel_loop3A_1134 = tpu.vector_load %arg14[%parallel_loop3A_1131, %parallel_loop3A_1132, %parallel_loop3A_1133] {strides = array<i32>} : memref<2x64x128xf32, #tpu.memory_space<vmem>>, vector<1x1x16xf32>,
          %parallel_loop3A_1135 = vector.shape_cast %parallel_loop3A_1134 : vector<1x1x16xf32> to vector<16xf32>
          %parallel_loop3A_1136 = arith.mulf %parallel_loop3A_1135, %parallel_loop3A_1083 : vector<16xf32>
          %parallel_loop3A_1137 = arith.constant 0 : i32
          %parallel_loop3A_1138 = arith.index_cast %parallel_loop3A_1137 : i32 to index
          %parallel_loop3A_1139 = arith.index_cast %parallel_loop3A_1087 : i32 to index
          %parallel_loop3A_1140 = arith.constant 48 : index
          %parallel_loop3A_1141 = tpu.vector_load %arg14[%parallel_loop3A_1138, %parallel_loop3A_1139, %parallel_loop3A_1140] {strides = array<i32>} : memref<2x64x128xf32, #tpu.memory_space<vmem>>, vector<1x1x16xf32>,
          %parallel_loop3A_1142 = vector.shape_cast %parallel_loop3A_1141 : vector<1x1x16xf32> to vector<16xf32>
          %parallel_loop3A_1143 = vector.shape_cast %parallel_loop3A_1136 : vector<16xf32> to vector<1x1x16xf32>
          tpu.vector_store %arg14[%parallel_loop3A_1138, %parallel_loop3A_1139, %parallel_loop3A_1140], %parallel_loop3A_1143 {strides = array<i32>} : memref<2x64x128xf32, #tpu.memory_space<vmem>>, vector<1x1x16xf32>,
          %parallel_loop3A_1144 = arith.constant 0 : i32
          %parallel_loop3A_1145 = arith.index_cast %parallel_loop3A_1144 : i32 to index
          %parallel_loop3A_1146 = arith.index_cast %parallel_loop3A_1087 : i32 to index
          %parallel_loop3A_1147 = arith.constant 64 : index
          %parallel_loop3A_1148 = tpu.vector_load %arg14[%parallel_loop3A_1145, %parallel_loop3A_1146, %parallel_loop3A_1147] {strides = array<i32>} : memref<2x64x128xf32, #tpu.memory_space<vmem>>, vector<1x1x16xf32>,
          %parallel_loop3A_1149 = vector.shape_cast %parallel_loop3A_1148 : vector<1x1x16xf32> to vector<16xf32>
          %parallel_loop3A_1150 = arith.mulf %parallel_loop3A_1149, %parallel_loop3A_1083 : vector<16xf32>
          %parallel_loop3A_1151 = arith.constant 0 : i32
          %parallel_loop3A_1152 = arith.index_cast %parallel_loop3A_1151 : i32 to index
          %parallel_loop3A_1153 = arith.index_cast %parallel_loop3A_1087 : i32 to index
          %parallel_loop3A_1154 = arith.constant 64 : index
          %parallel_loop3A_1155 = tpu.vector_load %arg14[%parallel_loop3A_1152, %parallel_loop3A_1153, %parallel_loop3A_1154] {strides = array<i32>} : memref<2x64x128xf32, #tpu.memory_space<vmem>>, vector<1x1x16xf32>,
          %parallel_loop3A_1156 = vector.shape_cast %parallel_loop3A_1155 : vector<1x1x16xf32> to vector<16xf32>
          %parallel_loop3A_1157 = vector.shape_cast %parallel_loop3A_1150 : vector<16xf32> to vector<1x1x16xf32>
          tpu.vector_store %arg14[%parallel_loop3A_1152, %parallel_loop3A_1153, %parallel_loop3A_1154], %parallel_loop3A_1157 {strides = array<i32>} : memref<2x64x128xf32, #tpu.memory_space<vmem>>, vector<1x1x16xf32>,
          %parallel_loop3A_1158 = arith.constant 0 : i32
          %parallel_loop3A_1159 = arith.index_cast %parallel_loop3A_1158 : i32 to index
          %parallel_loop3A_1160 = arith.index_cast %parallel_loop3A_1087 : i32 to index
          %parallel_loop3A_1161 = arith.constant 80 : index
          %parallel_loop3A_1162 = tpu.vector_load %arg14[%parallel_loop3A_1159, %parallel_loop3A_1160, %parallel_loop3A_1161] {strides = array<i32>} : memref<2x64x128xf32, #tpu.memory_space<vmem>>, vector<1x1x16xf32>,
          %parallel_loop3A_1163 = vector.shape_cast %parallel_loop3A_1162 : vector<1x1x16xf32> to vector<16xf32>
          %parallel_loop3A_1164 = arith.mulf %parallel_loop3A_1163, %parallel_loop3A_1083 : vector<16xf32>
          %parallel_loop3A_1165 = arith.constant 0 : i32
          %parallel_loop3A_1166 = arith.index_cast %parallel_loop3A_1165 : i32 to index
          %parallel_loop3A_1167 = arith.index_cast %parallel_loop3A_1087 : i32 to index
          %parallel_loop3A_1168 = arith.constant 80 : index
          %parallel_loop3A_1169 = tpu.vector_load %arg14[%parallel_loop3A_1166, %parallel_loop3A_1167, %parallel_loop3A_1168] {strides = array<i32>} : memref<2x64x128xf32, #tpu.memory_space<vmem>>, vector<1x1x16xf32>,
          %parallel_loop3A_1170 = vector.shape_cast %parallel_loop3A_1169 : vector<1x1x16xf32> to vector<16xf32>
          %parallel_loop3A_1171 = vector.shape_cast %parallel_loop3A_1164 : vector<16xf32> to vector<1x1x16xf32>
          tpu.vector_store %arg14[%parallel_loop3A_1166, %parallel_loop3A_1167, %parallel_loop3A_1168], %parallel_loop3A_1171 {strides = array<i32>} : memref<2x64x128xf32, #tpu.memory_space<vmem>>, vector<1x1x16xf32>,
          %parallel_loop3A_1172 = arith.constant 0 : i32
          %parallel_loop3A_1173 = arith.index_cast %parallel_loop3A_1172 : i32 to index
          %parallel_loop3A_1174 = arith.index_cast %parallel_loop3A_1087 : i32 to index
          %parallel_loop3A_1175 = arith.constant 96 : index
          %parallel_loop3A_1176 = tpu.vector_load %arg14[%parallel_loop3A_1173, %parallel_loop3A_1174, %parallel_loop3A_1175] {strides = array<i32>} : memref<2x64x128xf32, #tpu.memory_space<vmem>>, vector<1x1x16xf32>,
          %parallel_loop3A_1177 = vector.shape_cast %parallel_loop3A_1176 : vector<1x1x16xf32> to vector<16xf32>
          %parallel_loop3A_1178 = arith.mulf %parallel_loop3A_1177, %parallel_loop3A_1083 : vector<16xf32>
          %parallel_loop3A_1179 = arith.constant 0 : i32
          %parallel_loop3A_1180 = arith.index_cast %parallel_loop3A_1179 : i32 to index
          %parallel_loop3A_1181 = arith.index_cast %parallel_loop3A_1087 : i32 to index
          %parallel_loop3A_1182 = arith.constant 96 : index
          %parallel_loop3A_1183 = tpu.vector_load %arg14[%parallel_loop3A_1180, %parallel_loop3A_1181, %parallel_loop3A_1182] {strides = array<i32>} : memref<2x64x128xf32, #tpu.memory_space<vmem>>, vector<1x1x16xf32>,
          %parallel_loop3A_1184 = vector.shape_cast %parallel_loop3A_1183 : vector<1x1x16xf32> to vector<16xf32>
          %parallel_loop3A_1185 = vector.shape_cast %parallel_loop3A_1178 : vector<16xf32> to vector<1x1x16xf32>
          tpu.vector_store %arg14[%parallel_loop3A_1180, %parallel_loop3A_1181, %parallel_loop3A_1182], %parallel_loop3A_1185 {strides = array<i32>} : memref<2x64x128xf32, #tpu.memory_space<vmem>>, vector<1x1x16xf32>,
          %parallel_loop3A_1186 = arith.constant 0 : i32
          %parallel_loop3A_1187 = arith.index_cast %parallel_loop3A_1186 : i32 to index
          %parallel_loop3A_1188 = arith.index_cast %parallel_loop3A_1087 : i32 to index
          %parallel_loop3A_1189 = arith.constant 112 : index
          %parallel_loop3A_1190 = tpu.vector_load %arg14[%parallel_loop3A_1187, %parallel_loop3A_1188, %parallel_loop3A_1189] {strides = array<i32>} : memref<2x64x128xf32, #tpu.memory_space<vmem>>, vector<1x1x16xf32>,
          %parallel_loop3A_1191 = vector.shape_cast %parallel_loop3A_1190 : vector<1x1x16xf32> to vector<16xf32>
          %parallel_loop3A_1192 = arith.mulf %parallel_loop3A_1191, %parallel_loop3A_1083 : vector<16xf32>
          %parallel_loop3A_1193 = arith.constant 0 : i32
          %parallel_loop3A_1194 = arith.index_cast %parallel_loop3A_1193 : i32 to index
          %parallel_loop3A_1195 = arith.index_cast %parallel_loop3A_1087 : i32 to index
          %parallel_loop3A_1196 = arith.constant 112 : index
          %parallel_loop3A_1197 = tpu.vector_load %arg14[%parallel_loop3A_1194, %parallel_loop3A_1195, %parallel_loop3A_1196] {strides = array<i32>} : memref<2x64x128xf32, #tpu.memory_space<vmem>>, vector<1x1x16xf32>,
          %parallel_loop3A_1198 = vector.shape_cast %parallel_loop3A_1197 : vector<1x1x16xf32> to vector<16xf32>
          %parallel_loop3A_1199 = vector.shape_cast %parallel_loop3A_1192 : vector<16xf32> to vector<1x1x16xf32>
          tpu.vector_store %arg14[%parallel_loop3A_1194, %parallel_loop3A_1195, %parallel_loop3A_1196], %parallel_loop3A_1199 {strides = array<i32>} : memref<2x64x128xf32, #tpu.memory_space<vmem>>, vector<1x1x16xf32>,
          %parallel_loop3A_1200 = arith.constant 9 : i32
          %parallel_loop3A_1201 = vector.broadcast %parallel_loop3A_1200 : i32 to vector<16x1xi32>
          %parallel_loop3A_1202 = vector.shape_cast %parallel_loop3A_1201 : vector<16x1xi32> to vector<16xi32>
          %parallel_loop3A_1203 = tpu.dynamic_gather %parallel_loop3A_119[%parallel_loop3A_1202] in [0] : vector<16xf32>, vector<16xi32> -> vector<16xf32>
          %parallel_loop3A_1204 = arith.constant 16 : i32
          %parallel_loop3A_1205 = arith.muli %parallel_loop3A_110, %parallel_loop3A_1204 : i32
          %parallel_loop3A_1206 = arith.constant 9 : i32
          %parallel_loop3A_1207 = arith.addi %parallel_loop3A_1205, %parallel_loop3A_1206 : i32
          %parallel_loop3A_1208 = arith.constant 0 : i32
          %parallel_loop3A_1209 = arith.index_cast %parallel_loop3A_1208 : i32 to index
          %parallel_loop3A_1210 = arith.index_cast %parallel_loop3A_1207 : i32 to index
          %parallel_loop3A_1211 = arith.constant 0 : index
          %parallel_loop3A_1212 = tpu.vector_load %arg14[%parallel_loop3A_1209, %parallel_loop3A_1210, %parallel_loop3A_1211] {strides = array<i32>} : memref<2x64x128xf32, #tpu.memory_space<vmem>>, vector<1x1x16xf32>,
          %parallel_loop3A_1213 = vector.shape_cast %parallel_loop3A_1212 : vector<1x1x16xf32> to vector<16xf32>
          %parallel_loop3A_1214 = arith.mulf %parallel_loop3A_1213, %parallel_loop3A_1203 : vector<16xf32>
          %parallel_loop3A_1215 = arith.constant 0 : i32
          %parallel_loop3A_1216 = arith.index_cast %parallel_loop3A_1215 : i32 to index
          %parallel_loop3A_1217 = arith.index_cast %parallel_loop3A_1207 : i32 to index
          %parallel_loop3A_1218 = arith.constant 0 : index
          %parallel_loop3A_1219 = tpu.vector_load %arg14[%parallel_loop3A_1216, %parallel_loop3A_1217, %parallel_loop3A_1218] {strides = array<i32>} : memref<2x64x128xf32, #tpu.memory_space<vmem>>, vector<1x1x16xf32>,
          %parallel_loop3A_1220 = vector.shape_cast %parallel_loop3A_1219 : vector<1x1x16xf32> to vector<16xf32>
          %parallel_loop3A_1221 = vector.shape_cast %parallel_loop3A_1214 : vector<16xf32> to vector<1x1x16xf32>
          tpu.vector_store %arg14[%parallel_loop3A_1216, %parallel_loop3A_1217, %parallel_loop3A_1218], %parallel_loop3A_1221 {strides = array<i32>} : memref<2x64x128xf32, #tpu.memory_space<vmem>>, vector<1x1x16xf32>,
          %parallel_loop3A_1222 = arith.constant 0 : i32
          %parallel_loop3A_1223 = arith.index_cast %parallel_loop3A_1222 : i32 to index
          %parallel_loop3A_1224 = arith.index_cast %parallel_loop3A_1207 : i32 to index
          %parallel_loop3A_1225 = arith.constant 16 : index
          %parallel_loop3A_1226 = tpu.vector_load %arg14[%parallel_loop3A_1223, %parallel_loop3A_1224, %parallel_loop3A_1225] {strides = array<i32>} : memref<2x64x128xf32, #tpu.memory_space<vmem>>, vector<1x1x16xf32>,
          %parallel_loop3A_1227 = vector.shape_cast %parallel_loop3A_1226 : vector<1x1x16xf32> to vector<16xf32>
          %parallel_loop3A_1228 = arith.mulf %parallel_loop3A_1227, %parallel_loop3A_1203 : vector<16xf32>
          %parallel_loop3A_1229 = arith.constant 0 : i32
          %parallel_loop3A_1230 = arith.index_cast %parallel_loop3A_1229 : i32 to index
          %parallel_loop3A_1231 = arith.index_cast %parallel_loop3A_1207 : i32 to index
          %parallel_loop3A_1232 = arith.constant 16 : index
          %parallel_loop3A_1233 = tpu.vector_load %arg14[%parallel_loop3A_1230, %parallel_loop3A_1231, %parallel_loop3A_1232] {strides = array<i32>} : memref<2x64x128xf32, #tpu.memory_space<vmem>>, vector<1x1x16xf32>,
          %parallel_loop3A_1234 = vector.shape_cast %parallel_loop3A_1233 : vector<1x1x16xf32> to vector<16xf32>
          %parallel_loop3A_1235 = vector.shape_cast %parallel_loop3A_1228 : vector<16xf32> to vector<1x1x16xf32>
          tpu.vector_store %arg14[%parallel_loop3A_1230, %parallel_loop3A_1231, %parallel_loop3A_1232], %parallel_loop3A_1235 {strides = array<i32>} : memref<2x64x128xf32, #tpu.memory_space<vmem>>, vector<1x1x16xf32>,
          %parallel_loop3A_1236 = arith.constant 0 : i32
          %parallel_loop3A_1237 = arith.index_cast %parallel_loop3A_1236 : i32 to index
          %parallel_loop3A_1238 = arith.index_cast %parallel_loop3A_1207 : i32 to index
          %parallel_loop3A_1239 = arith.constant 32 : index
          %parallel_loop3A_1240 = tpu.vector_load %arg14[%parallel_loop3A_1237, %parallel_loop3A_1238, %parallel_loop3A_1239] {strides = array<i32>} : memref<2x64x128xf32, #tpu.memory_space<vmem>>, vector<1x1x16xf32>,
          %parallel_loop3A_1241 = vector.shape_cast %parallel_loop3A_1240 : vector<1x1x16xf32> to vector<16xf32>
          %parallel_loop3A_1242 = arith.mulf %parallel_loop3A_1241, %parallel_loop3A_1203 : vector<16xf32>
          %parallel_loop3A_1243 = arith.constant 0 : i32
          %parallel_loop3A_1244 = arith.index_cast %parallel_loop3A_1243 : i32 to index
          %parallel_loop3A_1245 = arith.index_cast %parallel_loop3A_1207 : i32 to index
          %parallel_loop3A_1246 = arith.constant 32 : index
          %parallel_loop3A_1247 = tpu.vector_load %arg14[%parallel_loop3A_1244, %parallel_loop3A_1245, %parallel_loop3A_1246] {strides = array<i32>} : memref<2x64x128xf32, #tpu.memory_space<vmem>>, vector<1x1x16xf32>,
          %parallel_loop3A_1248 = vector.shape_cast %parallel_loop3A_1247 : vector<1x1x16xf32> to vector<16xf32>
          %parallel_loop3A_1249 = vector.shape_cast %parallel_loop3A_1242 : vector<16xf32> to vector<1x1x16xf32>
          tpu.vector_store %arg14[%parallel_loop3A_1244, %parallel_loop3A_1245, %parallel_loop3A_1246], %parallel_loop3A_1249 {strides = array<i32>} : memref<2x64x128xf32, #tpu.memory_space<vmem>>, vector<1x1x16xf32>,
          %parallel_loop3A_1250 = arith.constant 0 : i32
          %parallel_loop3A_1251 = arith.index_cast %parallel_loop3A_1250 : i32 to index
          %parallel_loop3A_1252 = arith.index_cast %parallel_loop3A_1207 : i32 to index
          %parallel_loop3A_1253 = arith.constant 48 : index
          %parallel_loop3A_1254 = tpu.vector_load %arg14[%parallel_loop3A_1251, %parallel_loop3A_1252, %parallel_loop3A_1253] {strides = array<i32>} : memref<2x64x128xf32, #tpu.memory_space<vmem>>, vector<1x1x16xf32>,
          %parallel_loop3A_1255 = vector.shape_cast %parallel_loop3A_1254 : vector<1x1x16xf32> to vector<16xf32>
          %parallel_loop3A_1256 = arith.mulf %parallel_loop3A_1255, %parallel_loop3A_1203 : vector<16xf32>
          %parallel_loop3A_1257 = arith.constant 0 : i32
          %parallel_loop3A_1258 = arith.index_cast %parallel_loop3A_1257 : i32 to index
          %parallel_loop3A_1259 = arith.index_cast %parallel_loop3A_1207 : i32 to index
          %parallel_loop3A_1260 = arith.constant 48 : index
          %parallel_loop3A_1261 = tpu.vector_load %arg14[%parallel_loop3A_1258, %parallel_loop3A_1259, %parallel_loop3A_1260] {strides = array<i32>} : memref<2x64x128xf32, #tpu.memory_space<vmem>>, vector<1x1x16xf32>,
          %parallel_loop3A_1262 = vector.shape_cast %parallel_loop3A_1261 : vector<1x1x16xf32> to vector<16xf32>
          %parallel_loop3A_1263 = vector.shape_cast %parallel_loop3A_1256 : vector<16xf32> to vector<1x1x16xf32>
          tpu.vector_store %arg14[%parallel_loop3A_1258, %parallel_loop3A_1259, %parallel_loop3A_1260], %parallel_loop3A_1263 {strides = array<i32>} : memref<2x64x128xf32, #tpu.memory_space<vmem>>, vector<1x1x16xf32>,
          %parallel_loop3A_1264 = arith.constant 0 : i32
          %parallel_loop3A_1265 = arith.index_cast %parallel_loop3A_1264 : i32 to index
          %parallel_loop3A_1266 = arith.index_cast %parallel_loop3A_1207 : i32 to index
          %parallel_loop3A_1267 = arith.constant 64 : index
          %parallel_loop3A_1268 = tpu.vector_load %arg14[%parallel_loop3A_1265, %parallel_loop3A_1266, %parallel_loop3A_1267] {strides = array<i32>} : memref<2x64x128xf32, #tpu.memory_space<vmem>>, vector<1x1x16xf32>,
          %parallel_loop3A_1269 = vector.shape_cast %parallel_loop3A_1268 : vector<1x1x16xf32> to vector<16xf32>
          %parallel_loop3A_1270 = arith.mulf %parallel_loop3A_1269, %parallel_loop3A_1203 : vector<16xf32>
          %parallel_loop3A_1271 = arith.constant 0 : i32
          %parallel_loop3A_1272 = arith.index_cast %parallel_loop3A_1271 : i32 to index
          %parallel_loop3A_1273 = arith.index_cast %parallel_loop3A_1207 : i32 to index
          %parallel_loop3A_1274 = arith.constant 64 : index
          %parallel_loop3A_1275 = tpu.vector_load %arg14[%parallel_loop3A_1272, %parallel_loop3A_1273, %parallel_loop3A_1274] {strides = array<i32>} : memref<2x64x128xf32, #tpu.memory_space<vmem>>, vector<1x1x16xf32>,
          %parallel_loop3A_1276 = vector.shape_cast %parallel_loop3A_1275 : vector<1x1x16xf32> to vector<16xf32>
          %parallel_loop3A_1277 = vector.shape_cast %parallel_loop3A_1270 : vector<16xf32> to vector<1x1x16xf32>
          tpu.vector_store %arg14[%parallel_loop3A_1272, %parallel_loop3A_1273, %parallel_loop3A_1274], %parallel_loop3A_1277 {strides = array<i32>} : memref<2x64x128xf32, #tpu.memory_space<vmem>>, vector<1x1x16xf32>,
          %parallel_loop3A_1278 = arith.constant 0 : i32
          %parallel_loop3A_1279 = arith.index_cast %parallel_loop3A_1278 : i32 to index
          %parallel_loop3A_1280 = arith.index_cast %parallel_loop3A_1207 : i32 to index
          %parallel_loop3A_1281 = arith.constant 80 : index
          %parallel_loop3A_1282 = tpu.vector_load %arg14[%parallel_loop3A_1279, %parallel_loop3A_1280, %parallel_loop3A_1281] {strides = array<i32>} : memref<2x64x128xf32, #tpu.memory_space<vmem>>, vector<1x1x16xf32>,
          %parallel_loop3A_1283 = vector.shape_cast %parallel_loop3A_1282 : vector<1x1x16xf32> to vector<16xf32>
          %parallel_loop3A_1284 = arith.mulf %parallel_loop3A_1283, %parallel_loop3A_1203 : vector<16xf32>
          %parallel_loop3A_1285 = arith.constant 0 : i32
          %parallel_loop3A_1286 = arith.index_cast %parallel_loop3A_1285 : i32 to index
          %parallel_loop3A_1287 = arith.index_cast %parallel_loop3A_1207 : i32 to index
          %parallel_loop3A_1288 = arith.constant 80 : index
          %parallel_loop3A_1289 = tpu.vector_load %arg14[%parallel_loop3A_1286, %parallel_loop3A_1287, %parallel_loop3A_1288] {strides = array<i32>} : memref<2x64x128xf32, #tpu.memory_space<vmem>>, vector<1x1x16xf32>,
          %parallel_loop3A_1290 = vector.shape_cast %parallel_loop3A_1289 : vector<1x1x16xf32> to vector<16xf32>
          %parallel_loop3A_1291 = vector.shape_cast %parallel_loop3A_1284 : vector<16xf32> to vector<1x1x16xf32>
          tpu.vector_store %arg14[%parallel_loop3A_1286, %parallel_loop3A_1287, %parallel_loop3A_1288], %parallel_loop3A_1291 {strides = array<i32>} : memref<2x64x128xf32, #tpu.memory_space<vmem>>, vector<1x1x16xf32>,
          %parallel_loop3A_1292 = arith.constant 0 : i32
          %parallel_loop3A_1293 = arith.index_cast %parallel_loop3A_1292 : i32 to index
          %parallel_loop3A_1294 = arith.index_cast %parallel_loop3A_1207 : i32 to index
          %parallel_loop3A_1295 = arith.constant 96 : index
          %parallel_loop3A_1296 = tpu.vector_load %arg14[%parallel_loop3A_1293, %parallel_loop3A_1294, %parallel_loop3A_1295] {strides = array<i32>} : memref<2x64x128xf32, #tpu.memory_space<vmem>>, vector<1x1x16xf32>,
          %parallel_loop3A_1297 = vector.shape_cast %parallel_loop3A_1296 : vector<1x1x16xf32> to vector<16xf32>
          %parallel_loop3A_1298 = arith.mulf %parallel_loop3A_1297, %parallel_loop3A_1203 : vector<16xf32>
          %parallel_loop3A_1299 = arith.constant 0 : i32
          %parallel_loop3A_1300 = arith.index_cast %parallel_loop3A_1299 : i32 to index
          %parallel_loop3A_1301 = arith.index_cast %parallel_loop3A_1207 : i32 to index
          %parallel_loop3A_1302 = arith.constant 96 : index
          %parallel_loop3A_1303 = tpu.vector_load %arg14[%parallel_loop3A_1300, %parallel_loop3A_1301, %parallel_loop3A_1302] {strides = array<i32>} : memref<2x64x128xf32, #tpu.memory_space<vmem>>, vector<1x1x16xf32>,
          %parallel_loop3A_1304 = vector.shape_cast %parallel_loop3A_1303 : vector<1x1x16xf32> to vector<16xf32>
          %parallel_loop3A_1305 = vector.shape_cast %parallel_loop3A_1298 : vector<16xf32> to vector<1x1x16xf32>
          tpu.vector_store %arg14[%parallel_loop3A_1300, %parallel_loop3A_1301, %parallel_loop3A_1302], %parallel_loop3A_1305 {strides = array<i32>} : memref<2x64x128xf32, #tpu.memory_space<vmem>>, vector<1x1x16xf32>,
          %parallel_loop3A_1306 = arith.constant 0 : i32
          %parallel_loop3A_1307 = arith.index_cast %parallel_loop3A_1306 : i32 to index
          %parallel_loop3A_1308 = arith.index_cast %parallel_loop3A_1207 : i32 to index
          %parallel_loop3A_1309 = arith.constant 112 : index
          %parallel_loop3A_1310 = tpu.vector_load %arg14[%parallel_loop3A_1307, %parallel_loop3A_1308, %parallel_loop3A_1309] {strides = array<i32>} : memref<2x64x128xf32, #tpu.memory_space<vmem>>, vector<1x1x16xf32>,
          %parallel_loop3A_1311 = vector.shape_cast %parallel_loop3A_1310 : vector<1x1x16xf32> to vector<16xf32>
          %parallel_loop3A_1312 = arith.mulf %parallel_loop3A_1311, %parallel_loop3A_1203 : vector<16xf32>
          %parallel_loop3A_1313 = arith.constant 0 : i32
          %parallel_loop3A_1314 = arith.index_cast %parallel_loop3A_1313 : i32 to index
          %parallel_loop3A_1315 = arith.index_cast %parallel_loop3A_1207 : i32 to index
          %parallel_loop3A_1316 = arith.constant 112 : index
          %parallel_loop3A_1317 = tpu.vector_load %arg14[%parallel_loop3A_1314, %parallel_loop3A_1315, %parallel_loop3A_1316] {strides = array<i32>} : memref<2x64x128xf32, #tpu.memory_space<vmem>>, vector<1x1x16xf32>,
          %parallel_loop3A_1318 = vector.shape_cast %parallel_loop3A_1317 : vector<1x1x16xf32> to vector<16xf32>
          %parallel_loop3A_1319 = vector.shape_cast %parallel_loop3A_1312 : vector<16xf32> to vector<1x1x16xf32>
          tpu.vector_store %arg14[%parallel_loop3A_1314, %parallel_loop3A_1315, %parallel_loop3A_1316], %parallel_loop3A_1319 {strides = array<i32>} : memref<2x64x128xf32, #tpu.memory_space<vmem>>, vector<1x1x16xf32>,
          %parallel_loop3A_1320 = arith.constant 10 : i32
          %parallel_loop3A_1321 = vector.broadcast %parallel_loop3A_1320 : i32 to vector<16x1xi32>
          %parallel_loop3A_1322 = vector.shape_cast %parallel_loop3A_1321 : vector<16x1xi32> to vector<16xi32>
          %parallel_loop3A_1323 = tpu.dynamic_gather %parallel_loop3A_119[%parallel_loop3A_1322] in [0] : vector<16xf32>, vector<16xi32> -> vector<16xf32>
          %parallel_loop3A_1324 = arith.constant 16 : i32
          %parallel_loop3A_1325 = arith.muli %parallel_loop3A_110, %parallel_loop3A_1324 : i32
          %parallel_loop3A_1326 = arith.constant 10 : i32
          %parallel_loop3A_1327 = arith.addi %parallel_loop3A_1325, %parallel_loop3A_1326 : i32
          %parallel_loop3A_1328 = arith.constant 0 : i32
          %parallel_loop3A_1329 = arith.index_cast %parallel_loop3A_1328 : i32 to index
          %parallel_loop3A_1330 = arith.index_cast %parallel_loop3A_1327 : i32 to index
          %parallel_loop3A_1331 = arith.constant 0 : index
          %parallel_loop3A_1332 = tpu.vector_load %arg14[%parallel_loop3A_1329, %parallel_loop3A_1330, %parallel_loop3A_1331] {strides = array<i32>} : memref<2x64x128xf32, #tpu.memory_space<vmem>>, vector<1x1x16xf32>,
          %parallel_loop3A_1333 = vector.shape_cast %parallel_loop3A_1332 : vector<1x1x16xf32> to vector<16xf32>
          %parallel_loop3A_1334 = arith.mulf %parallel_loop3A_1333, %parallel_loop3A_1323 : vector<16xf32>
          %parallel_loop3A_1335 = arith.constant 0 : i32
          %parallel_loop3A_1336 = arith.index_cast %parallel_loop3A_1335 : i32 to index
          %parallel_loop3A_1337 = arith.index_cast %parallel_loop3A_1327 : i32 to index
          %parallel_loop3A_1338 = arith.constant 0 : index
          %parallel_loop3A_1339 = tpu.vector_load %arg14[%parallel_loop3A_1336, %parallel_loop3A_1337, %parallel_loop3A_1338] {strides = array<i32>} : memref<2x64x128xf32, #tpu.memory_space<vmem>>, vector<1x1x16xf32>,
          %parallel_loop3A_1340 = vector.shape_cast %parallel_loop3A_1339 : vector<1x1x16xf32> to vector<16xf32>
          %parallel_loop3A_1341 = vector.shape_cast %parallel_loop3A_1334 : vector<16xf32> to vector<1x1x16xf32>
          tpu.vector_store %arg14[%parallel_loop3A_1336, %parallel_loop3A_1337, %parallel_loop3A_1338], %parallel_loop3A_1341 {strides = array<i32>} : memref<2x64x128xf32, #tpu.memory_space<vmem>>, vector<1x1x16xf32>,
          %parallel_loop3A_1342 = arith.constant 0 : i32
          %parallel_loop3A_1343 = arith.index_cast %parallel_loop3A_1342 : i32 to index
          %parallel_loop3A_1344 = arith.index_cast %parallel_loop3A_1327 : i32 to index
          %parallel_loop3A_1345 = arith.constant 16 : index
          %parallel_loop3A_1346 = tpu.vector_load %arg14[%parallel_loop3A_1343, %parallel_loop3A_1344, %parallel_loop3A_1345] {strides = array<i32>} : memref<2x64x128xf32, #tpu.memory_space<vmem>>, vector<1x1x16xf32>,
          %parallel_loop3A_1347 = vector.shape_cast %parallel_loop3A_1346 : vector<1x1x16xf32> to vector<16xf32>
          %parallel_loop3A_1348 = arith.mulf %parallel_loop3A_1347, %parallel_loop3A_1323 : vector<16xf32>
          %parallel_loop3A_1349 = arith.constant 0 : i32
          %parallel_loop3A_1350 = arith.index_cast %parallel_loop3A_1349 : i32 to index
          %parallel_loop3A_1351 = arith.index_cast %parallel_loop3A_1327 : i32 to index
          %parallel_loop3A_1352 = arith.constant 16 : index
          %parallel_loop3A_1353 = tpu.vector_load %arg14[%parallel_loop3A_1350, %parallel_loop3A_1351, %parallel_loop3A_1352] {strides = array<i32>} : memref<2x64x128xf32, #tpu.memory_space<vmem>>, vector<1x1x16xf32>,
          %parallel_loop3A_1354 = vector.shape_cast %parallel_loop3A_1353 : vector<1x1x16xf32> to vector<16xf32>
          %parallel_loop3A_1355 = vector.shape_cast %parallel_loop3A_1348 : vector<16xf32> to vector<1x1x16xf32>
          tpu.vector_store %arg14[%parallel_loop3A_1350, %parallel_loop3A_1351, %parallel_loop3A_1352], %parallel_loop3A_1355 {strides = array<i32>} : memref<2x64x128xf32, #tpu.memory_space<vmem>>, vector<1x1x16xf32>,
          %parallel_loop3A_1356 = arith.constant 0 : i32
          %parallel_loop3A_1357 = arith.index_cast %parallel_loop3A_1356 : i32 to index
          %parallel_loop3A_1358 = arith.index_cast %parallel_loop3A_1327 : i32 to index
          %parallel_loop3A_1359 = arith.constant 32 : index
          %parallel_loop3A_1360 = tpu.vector_load %arg14[%parallel_loop3A_1357, %parallel_loop3A_1358, %parallel_loop3A_1359] {strides = array<i32>} : memref<2x64x128xf32, #tpu.memory_space<vmem>>, vector<1x1x16xf32>,
          %parallel_loop3A_1361 = vector.shape_cast %parallel_loop3A_1360 : vector<1x1x16xf32> to vector<16xf32>
          %parallel_loop3A_1362 = arith.mulf %parallel_loop3A_1361, %parallel_loop3A_1323 : vector<16xf32>
          %parallel_loop3A_1363 = arith.constant 0 : i32
          %parallel_loop3A_1364 = arith.index_cast %parallel_loop3A_1363 : i32 to index
          %parallel_loop3A_1365 = arith.index_cast %parallel_loop3A_1327 : i32 to index
          %parallel_loop3A_1366 = arith.constant 32 : index
          %parallel_loop3A_1367 = tpu.vector_load %arg14[%parallel_loop3A_1364, %parallel_loop3A_1365, %parallel_loop3A_1366] {strides = array<i32>} : memref<2x64x128xf32, #tpu.memory_space<vmem>>, vector<1x1x16xf32>,
          %parallel_loop3A_1368 = vector.shape_cast %parallel_loop3A_1367 : vector<1x1x16xf32> to vector<16xf32>
          %parallel_loop3A_1369 = vector.shape_cast %parallel_loop3A_1362 : vector<16xf32> to vector<1x1x16xf32>
          tpu.vector_store %arg14[%parallel_loop3A_1364, %parallel_loop3A_1365, %parallel_loop3A_1366], %parallel_loop3A_1369 {strides = array<i32>} : memref<2x64x128xf32, #tpu.memory_space<vmem>>, vector<1x1x16xf32>,
          %parallel_loop3A_1370 = arith.constant 0 : i32
          %parallel_loop3A_1371 = arith.index_cast %parallel_loop3A_1370 : i32 to index
          %parallel_loop3A_1372 = arith.index_cast %parallel_loop3A_1327 : i32 to index
          %parallel_loop3A_1373 = arith.constant 48 : index
          %parallel_loop3A_1374 = tpu.vector_load %arg14[%parallel_loop3A_1371, %parallel_loop3A_1372, %parallel_loop3A_1373] {strides = array<i32>} : memref<2x64x128xf32, #tpu.memory_space<vmem>>, vector<1x1x16xf32>,
          %parallel_loop3A_1375 = vector.shape_cast %parallel_loop3A_1374 : vector<1x1x16xf32> to vector<16xf32>
          %parallel_loop3A_1376 = arith.mulf %parallel_loop3A_1375, %parallel_loop3A_1323 : vector<16xf32>
          %parallel_loop3A_1377 = arith.constant 0 : i32
          %parallel_loop3A_1378 = arith.index_cast %parallel_loop3A_1377 : i32 to index
          %parallel_loop3A_1379 = arith.index_cast %parallel_loop3A_1327 : i32 to index
          %parallel_loop3A_1380 = arith.constant 48 : index
          %parallel_loop3A_1381 = tpu.vector_load %arg14[%parallel_loop3A_1378, %parallel_loop3A_1379, %parallel_loop3A_1380] {strides = array<i32>} : memref<2x64x128xf32, #tpu.memory_space<vmem>>, vector<1x1x16xf32>,
          %parallel_loop3A_1382 = vector.shape_cast %parallel_loop3A_1381 : vector<1x1x16xf32> to vector<16xf32>
          %parallel_loop3A_1383 = vector.shape_cast %parallel_loop3A_1376 : vector<16xf32> to vector<1x1x16xf32>
          tpu.vector_store %arg14[%parallel_loop3A_1378, %parallel_loop3A_1379, %parallel_loop3A_1380], %parallel_loop3A_1383 {strides = array<i32>} : memref<2x64x128xf32, #tpu.memory_space<vmem>>, vector<1x1x16xf32>,
          %parallel_loop3A_1384 = arith.constant 0 : i32
          %parallel_loop3A_1385 = arith.index_cast %parallel_loop3A_1384 : i32 to index
          %parallel_loop3A_1386 = arith.index_cast %parallel_loop3A_1327 : i32 to index
          %parallel_loop3A_1387 = arith.constant 64 : index
          %parallel_loop3A_1388 = tpu.vector_load %arg14[%parallel_loop3A_1385, %parallel_loop3A_1386, %parallel_loop3A_1387] {strides = array<i32>} : memref<2x64x128xf32, #tpu.memory_space<vmem>>, vector<1x1x16xf32>,
          %parallel_loop3A_1389 = vector.shape_cast %parallel_loop3A_1388 : vector<1x1x16xf32> to vector<16xf32>
          %parallel_loop3A_1390 = arith.mulf %parallel_loop3A_1389, %parallel_loop3A_1323 : vector<16xf32>
          %parallel_loop3A_1391 = arith.constant 0 : i32
          %parallel_loop3A_1392 = arith.index_cast %parallel_loop3A_1391 : i32 to index
          %parallel_loop3A_1393 = arith.index_cast %parallel_loop3A_1327 : i32 to index
          %parallel_loop3A_1394 = arith.constant 64 : index
          %parallel_loop3A_1395 = tpu.vector_load %arg14[%parallel_loop3A_1392, %parallel_loop3A_1393, %parallel_loop3A_1394] {strides = array<i32>} : memref<2x64x128xf32, #tpu.memory_space<vmem>>, vector<1x1x16xf32>,
          %parallel_loop3A_1396 = vector.shape_cast %parallel_loop3A_1395 : vector<1x1x16xf32> to vector<16xf32>
          %parallel_loop3A_1397 = vector.shape_cast %parallel_loop3A_1390 : vector<16xf32> to vector<1x1x16xf32>
          tpu.vector_store %arg14[%parallel_loop3A_1392, %parallel_loop3A_1393, %parallel_loop3A_1394], %parallel_loop3A_1397 {strides = array<i32>} : memref<2x64x128xf32, #tpu.memory_space<vmem>>, vector<1x1x16xf32>,
          %parallel_loop3A_1398 = arith.constant 0 : i32
          %parallel_loop3A_1399 = arith.index_cast %parallel_loop3A_1398 : i32 to index
          %parallel_loop3A_1400 = arith.index_cast %parallel_loop3A_1327 : i32 to index
          %parallel_loop3A_1401 = arith.constant 80 : index
          %parallel_loop3A_1402 = tpu.vector_load %arg14[%parallel_loop3A_1399, %parallel_loop3A_1400, %parallel_loop3A_1401] {strides = array<i32>} : memref<2x64x128xf32, #tpu.memory_space<vmem>>, vector<1x1x16xf32>,
          %parallel_loop3A_1403 = vector.shape_cast %parallel_loop3A_1402 : vector<1x1x16xf32> to vector<16xf32>
          %parallel_loop3A_1404 = arith.mulf %parallel_loop3A_1403, %parallel_loop3A_1323 : vector<16xf32>
          %parallel_loop3A_1405 = arith.constant 0 : i32
          %parallel_loop3A_1406 = arith.index_cast %parallel_loop3A_1405 : i32 to index
          %parallel_loop3A_1407 = arith.index_cast %parallel_loop3A_1327 : i32 to index
          %parallel_loop3A_1408 = arith.constant 80 : index
          %parallel_loop3A_1409 = tpu.vector_load %arg14[%parallel_loop3A_1406, %parallel_loop3A_1407, %parallel_loop3A_1408] {strides = array<i32>} : memref<2x64x128xf32, #tpu.memory_space<vmem>>, vector<1x1x16xf32>,
          %parallel_loop3A_1410 = vector.shape_cast %parallel_loop3A_1409 : vector<1x1x16xf32> to vector<16xf32>
          %parallel_loop3A_1411 = vector.shape_cast %parallel_loop3A_1404 : vector<16xf32> to vector<1x1x16xf32>
          tpu.vector_store %arg14[%parallel_loop3A_1406, %parallel_loop3A_1407, %parallel_loop3A_1408], %parallel_loop3A_1411 {strides = array<i32>} : memref<2x64x128xf32, #tpu.memory_space<vmem>>, vector<1x1x16xf32>,
          %parallel_loop3A_1412 = arith.constant 0 : i32
          %parallel_loop3A_1413 = arith.index_cast %parallel_loop3A_1412 : i32 to index
          %parallel_loop3A_1414 = arith.index_cast %parallel_loop3A_1327 : i32 to index
          %parallel_loop3A_1415 = arith.constant 96 : index
          %parallel_loop3A_1416 = tpu.vector_load %arg14[%parallel_loop3A_1413, %parallel_loop3A_1414, %parallel_loop3A_1415] {strides = array<i32>} : memref<2x64x128xf32, #tpu.memory_space<vmem>>, vector<1x1x16xf32>,
          %parallel_loop3A_1417 = vector.shape_cast %parallel_loop3A_1416 : vector<1x1x16xf32> to vector<16xf32>
          %parallel_loop3A_1418 = arith.mulf %parallel_loop3A_1417, %parallel_loop3A_1323 : vector<16xf32>
          %parallel_loop3A_1419 = arith.constant 0 : i32
          %parallel_loop3A_1420 = arith.index_cast %parallel_loop3A_1419 : i32 to index
          %parallel_loop3A_1421 = arith.index_cast %parallel_loop3A_1327 : i32 to index
          %parallel_loop3A_1422 = arith.constant 96 : index
          %parallel_loop3A_1423 = tpu.vector_load %arg14[%parallel_loop3A_1420, %parallel_loop3A_1421, %parallel_loop3A_1422] {strides = array<i32>} : memref<2x64x128xf32, #tpu.memory_space<vmem>>, vector<1x1x16xf32>,
          %parallel_loop3A_1424 = vector.shape_cast %parallel_loop3A_1423 : vector<1x1x16xf32> to vector<16xf32>
          %parallel_loop3A_1425 = vector.shape_cast %parallel_loop3A_1418 : vector<16xf32> to vector<1x1x16xf32>
          tpu.vector_store %arg14[%parallel_loop3A_1420, %parallel_loop3A_1421, %parallel_loop3A_1422], %parallel_loop3A_1425 {strides = array<i32>} : memref<2x64x128xf32, #tpu.memory_space<vmem>>, vector<1x1x16xf32>,
          %parallel_loop3A_1426 = arith.constant 0 : i32
          %parallel_loop3A_1427 = arith.index_cast %parallel_loop3A_1426 : i32 to index
          %parallel_loop3A_1428 = arith.index_cast %parallel_loop3A_1327 : i32 to index
          %parallel_loop3A_1429 = arith.constant 112 : index
          %parallel_loop3A_1430 = tpu.vector_load %arg14[%parallel_loop3A_1427, %parallel_loop3A_1428, %parallel_loop3A_1429] {strides = array<i32>} : memref<2x64x128xf32, #tpu.memory_space<vmem>>, vector<1x1x16xf32>,
          %parallel_loop3A_1431 = vector.shape_cast %parallel_loop3A_1430 : vector<1x1x16xf32> to vector<16xf32>
          %parallel_loop3A_1432 = arith.mulf %parallel_loop3A_1431, %parallel_loop3A_1323 : vector<16xf32>
          %parallel_loop3A_1433 = arith.constant 0 : i32
          %parallel_loop3A_1434 = arith.index_cast %parallel_loop3A_1433 : i32 to index
          %parallel_loop3A_1435 = arith.index_cast %parallel_loop3A_1327 : i32 to index
          %parallel_loop3A_1436 = arith.constant 112 : index
          %parallel_loop3A_1437 = tpu.vector_load %arg14[%parallel_loop3A_1434, %parallel_loop3A_1435, %parallel_loop3A_1436] {strides = array<i32>} : memref<2x64x128xf32, #tpu.memory_space<vmem>>, vector<1x1x16xf32>,
          %parallel_loop3A_1438 = vector.shape_cast %parallel_loop3A_1437 : vector<1x1x16xf32> to vector<16xf32>
          %parallel_loop3A_1439 = vector.shape_cast %parallel_loop3A_1432 : vector<16xf32> to vector<1x1x16xf32>
          tpu.vector_store %arg14[%parallel_loop3A_1434, %parallel_loop3A_1435, %parallel_loop3A_1436], %parallel_loop3A_1439 {strides = array<i32>} : memref<2x64x128xf32, #tpu.memory_space<vmem>>, vector<1x1x16xf32>,
          %parallel_loop3A_1440 = arith.constant 11 : i32
          %parallel_loop3A_1441 = vector.broadcast %parallel_loop3A_1440 : i32 to vector<16x1xi32>
          %parallel_loop3A_1442 = vector.shape_cast %parallel_loop3A_1441 : vector<16x1xi32> to vector<16xi32>
          %parallel_loop3A_1443 = tpu.dynamic_gather %parallel_loop3A_119[%parallel_loop3A_1442] in [0] : vector<16xf32>, vector<16xi32> -> vector<16xf32>
          %parallel_loop3A_1444 = arith.constant 16 : i32
          %parallel_loop3A_1445 = arith.muli %parallel_loop3A_110, %parallel_loop3A_1444 : i32
          %parallel_loop3A_1446 = arith.constant 11 : i32
          %parallel_loop3A_1447 = arith.addi %parallel_loop3A_1445, %parallel_loop3A_1446 : i32
          %parallel_loop3A_1448 = arith.constant 0 : i32
          %parallel_loop3A_1449 = arith.index_cast %parallel_loop3A_1448 : i32 to index
          %parallel_loop3A_1450 = arith.index_cast %parallel_loop3A_1447 : i32 to index
          %parallel_loop3A_1451 = arith.constant 0 : index
          %parallel_loop3A_1452 = tpu.vector_load %arg14[%parallel_loop3A_1449, %parallel_loop3A_1450, %parallel_loop3A_1451] {strides = array<i32>} : memref<2x64x128xf32, #tpu.memory_space<vmem>>, vector<1x1x16xf32>,
          %parallel_loop3A_1453 = vector.shape_cast %parallel_loop3A_1452 : vector<1x1x16xf32> to vector<16xf32>
          %parallel_loop3A_1454 = arith.mulf %parallel_loop3A_1453, %parallel_loop3A_1443 : vector<16xf32>
          %parallel_loop3A_1455 = arith.constant 0 : i32
          %parallel_loop3A_1456 = arith.index_cast %parallel_loop3A_1455 : i32 to index
          %parallel_loop3A_1457 = arith.index_cast %parallel_loop3A_1447 : i32 to index
          %parallel_loop3A_1458 = arith.constant 0 : index
          %parallel_loop3A_1459 = tpu.vector_load %arg14[%parallel_loop3A_1456, %parallel_loop3A_1457, %parallel_loop3A_1458] {strides = array<i32>} : memref<2x64x128xf32, #tpu.memory_space<vmem>>, vector<1x1x16xf32>,
          %parallel_loop3A_1460 = vector.shape_cast %parallel_loop3A_1459 : vector<1x1x16xf32> to vector<16xf32>
          %parallel_loop3A_1461 = vector.shape_cast %parallel_loop3A_1454 : vector<16xf32> to vector<1x1x16xf32>
          tpu.vector_store %arg14[%parallel_loop3A_1456, %parallel_loop3A_1457, %parallel_loop3A_1458], %parallel_loop3A_1461 {strides = array<i32>} : memref<2x64x128xf32, #tpu.memory_space<vmem>>, vector<1x1x16xf32>,
          %parallel_loop3A_1462 = arith.constant 0 : i32
          %parallel_loop3A_1463 = arith.index_cast %parallel_loop3A_1462 : i32 to index
          %parallel_loop3A_1464 = arith.index_cast %parallel_loop3A_1447 : i32 to index
          %parallel_loop3A_1465 = arith.constant 16 : index
          %parallel_loop3A_1466 = tpu.vector_load %arg14[%parallel_loop3A_1463, %parallel_loop3A_1464, %parallel_loop3A_1465] {strides = array<i32>} : memref<2x64x128xf32, #tpu.memory_space<vmem>>, vector<1x1x16xf32>,
          %parallel_loop3A_1467 = vector.shape_cast %parallel_loop3A_1466 : vector<1x1x16xf32> to vector<16xf32>
          %parallel_loop3A_1468 = arith.mulf %parallel_loop3A_1467, %parallel_loop3A_1443 : vector<16xf32>
          %parallel_loop3A_1469 = arith.constant 0 : i32
          %parallel_loop3A_1470 = arith.index_cast %parallel_loop3A_1469 : i32 to index
          %parallel_loop3A_1471 = arith.index_cast %parallel_loop3A_1447 : i32 to index
          %parallel_loop3A_1472 = arith.constant 16 : index
          %parallel_loop3A_1473 = tpu.vector_load %arg14[%parallel_loop3A_1470, %parallel_loop3A_1471, %parallel_loop3A_1472] {strides = array<i32>} : memref<2x64x128xf32, #tpu.memory_space<vmem>>, vector<1x1x16xf32>,
          %parallel_loop3A_1474 = vector.shape_cast %parallel_loop3A_1473 : vector<1x1x16xf32> to vector<16xf32>
          %parallel_loop3A_1475 = vector.shape_cast %parallel_loop3A_1468 : vector<16xf32> to vector<1x1x16xf32>
          tpu.vector_store %arg14[%parallel_loop3A_1470, %parallel_loop3A_1471, %parallel_loop3A_1472], %parallel_loop3A_1475 {strides = array<i32>} : memref<2x64x128xf32, #tpu.memory_space<vmem>>, vector<1x1x16xf32>,
          %parallel_loop3A_1476 = arith.constant 0 : i32
          %parallel_loop3A_1477 = arith.index_cast %parallel_loop3A_1476 : i32 to index
          %parallel_loop3A_1478 = arith.index_cast %parallel_loop3A_1447 : i32 to index
          %parallel_loop3A_1479 = arith.constant 32 : index
          %parallel_loop3A_1480 = tpu.vector_load %arg14[%parallel_loop3A_1477, %parallel_loop3A_1478, %parallel_loop3A_1479] {strides = array<i32>} : memref<2x64x128xf32, #tpu.memory_space<vmem>>, vector<1x1x16xf32>,
          %parallel_loop3A_1481 = vector.shape_cast %parallel_loop3A_1480 : vector<1x1x16xf32> to vector<16xf32>
          %parallel_loop3A_1482 = arith.mulf %parallel_loop3A_1481, %parallel_loop3A_1443 : vector<16xf32>
          %parallel_loop3A_1483 = arith.constant 0 : i32
          %parallel_loop3A_1484 = arith.index_cast %parallel_loop3A_1483 : i32 to index
          %parallel_loop3A_1485 = arith.index_cast %parallel_loop3A_1447 : i32 to index
          %parallel_loop3A_1486 = arith.constant 32 : index
          %parallel_loop3A_1487 = tpu.vector_load %arg14[%parallel_loop3A_1484, %parallel_loop3A_1485, %parallel_loop3A_1486] {strides = array<i32>} : memref<2x64x128xf32, #tpu.memory_space<vmem>>, vector<1x1x16xf32>,
          %parallel_loop3A_1488 = vector.shape_cast %parallel_loop3A_1487 : vector<1x1x16xf32> to vector<16xf32>
          %parallel_loop3A_1489 = vector.shape_cast %parallel_loop3A_1482 : vector<16xf32> to vector<1x1x16xf32>
          tpu.vector_store %arg14[%parallel_loop3A_1484, %parallel_loop3A_1485, %parallel_loop3A_1486], %parallel_loop3A_1489 {strides = array<i32>} : memref<2x64x128xf32, #tpu.memory_space<vmem>>, vector<1x1x16xf32>,
          %parallel_loop3A_1490 = arith.constant 0 : i32
          %parallel_loop3A_1491 = arith.index_cast %parallel_loop3A_1490 : i32 to index
          %parallel_loop3A_1492 = arith.index_cast %parallel_loop3A_1447 : i32 to index
          %parallel_loop3A_1493 = arith.constant 48 : index
          %parallel_loop3A_1494 = tpu.vector_load %arg14[%parallel_loop3A_1491, %parallel_loop3A_1492, %parallel_loop3A_1493] {strides = array<i32>} : memref<2x64x128xf32, #tpu.memory_space<vmem>>, vector<1x1x16xf32>,
          %parallel_loop3A_1495 = vector.shape_cast %parallel_loop3A_1494 : vector<1x1x16xf32> to vector<16xf32>
          %parallel_loop3A_1496 = arith.mulf %parallel_loop3A_1495, %parallel_loop3A_1443 : vector<16xf32>
          %parallel_loop3A_1497 = arith.constant 0 : i32
          %parallel_loop3A_1498 = arith.index_cast %parallel_loop3A_1497 : i32 to index
          %parallel_loop3A_1499 = arith.index_cast %parallel_loop3A_1447 : i32 to index
          %parallel_loop3A_1500 = arith.constant 48 : index
          %parallel_loop3A_1501 = tpu.vector_load %arg14[%parallel_loop3A_1498, %parallel_loop3A_1499, %parallel_loop3A_1500] {strides = array<i32>} : memref<2x64x128xf32, #tpu.memory_space<vmem>>, vector<1x1x16xf32>,
          %parallel_loop3A_1502 = vector.shape_cast %parallel_loop3A_1501 : vector<1x1x16xf32> to vector<16xf32>
          %parallel_loop3A_1503 = vector.shape_cast %parallel_loop3A_1496 : vector<16xf32> to vector<1x1x16xf32>
          tpu.vector_store %arg14[%parallel_loop3A_1498, %parallel_loop3A_1499, %parallel_loop3A_1500], %parallel_loop3A_1503 {strides = array<i32>} : memref<2x64x128xf32, #tpu.memory_space<vmem>>, vector<1x1x16xf32>,
          %parallel_loop3A_1504 = arith.constant 0 : i32
          %parallel_loop3A_1505 = arith.index_cast %parallel_loop3A_1504 : i32 to index
          %parallel_loop3A_1506 = arith.index_cast %parallel_loop3A_1447 : i32 to index
          %parallel_loop3A_1507 = arith.constant 64 : index
          %parallel_loop3A_1508 = tpu.vector_load %arg14[%parallel_loop3A_1505, %parallel_loop3A_1506, %parallel_loop3A_1507] {strides = array<i32>} : memref<2x64x128xf32, #tpu.memory_space<vmem>>, vector<1x1x16xf32>,
          %parallel_loop3A_1509 = vector.shape_cast %parallel_loop3A_1508 : vector<1x1x16xf32> to vector<16xf32>
          %parallel_loop3A_1510 = arith.mulf %parallel_loop3A_1509, %parallel_loop3A_1443 : vector<16xf32>
          %parallel_loop3A_1511 = arith.constant 0 : i32
          %parallel_loop3A_1512 = arith.index_cast %parallel_loop3A_1511 : i32 to index
          %parallel_loop3A_1513 = arith.index_cast %parallel_loop3A_1447 : i32 to index
          %parallel_loop3A_1514 = arith.constant 64 : index
          %parallel_loop3A_1515 = tpu.vector_load %arg14[%parallel_loop3A_1512, %parallel_loop3A_1513, %parallel_loop3A_1514] {strides = array<i32>} : memref<2x64x128xf32, #tpu.memory_space<vmem>>, vector<1x1x16xf32>,
          %parallel_loop3A_1516 = vector.shape_cast %parallel_loop3A_1515 : vector<1x1x16xf32> to vector<16xf32>
          %parallel_loop3A_1517 = vector.shape_cast %parallel_loop3A_1510 : vector<16xf32> to vector<1x1x16xf32>
          tpu.vector_store %arg14[%parallel_loop3A_1512, %parallel_loop3A_1513, %parallel_loop3A_1514], %parallel_loop3A_1517 {strides = array<i32>} : memref<2x64x128xf32, #tpu.memory_space<vmem>>, vector<1x1x16xf32>,
          %parallel_loop3A_1518 = arith.constant 0 : i32
          %parallel_loop3A_1519 = arith.index_cast %parallel_loop3A_1518 : i32 to index
          %parallel_loop3A_1520 = arith.index_cast %parallel_loop3A_1447 : i32 to index
          %parallel_loop3A_1521 = arith.constant 80 : index
          %parallel_loop3A_1522 = tpu.vector_load %arg14[%parallel_loop3A_1519, %parallel_loop3A_1520, %parallel_loop3A_1521] {strides = array<i32>} : memref<2x64x128xf32, #tpu.memory_space<vmem>>, vector<1x1x16xf32>,
          %parallel_loop3A_1523 = vector.shape_cast %parallel_loop3A_1522 : vector<1x1x16xf32> to vector<16xf32>
          %parallel_loop3A_1524 = arith.mulf %parallel_loop3A_1523, %parallel_loop3A_1443 : vector<16xf32>
          %parallel_loop3A_1525 = arith.constant 0 : i32
          %parallel_loop3A_1526 = arith.index_cast %parallel_loop3A_1525 : i32 to index
          %parallel_loop3A_1527 = arith.index_cast %parallel_loop3A_1447 : i32 to index
          %parallel_loop3A_1528 = arith.constant 80 : index
          %parallel_loop3A_1529 = tpu.vector_load %arg14[%parallel_loop3A_1526, %parallel_loop3A_1527, %parallel_loop3A_1528] {strides = array<i32>} : memref<2x64x128xf32, #tpu.memory_space<vmem>>, vector<1x1x16xf32>,
          %parallel_loop3A_1530 = vector.shape_cast %parallel_loop3A_1529 : vector<1x1x16xf32> to vector<16xf32>
          %parallel_loop3A_1531 = vector.shape_cast %parallel_loop3A_1524 : vector<16xf32> to vector<1x1x16xf32>
          tpu.vector_store %arg14[%parallel_loop3A_1526, %parallel_loop3A_1527, %parallel_loop3A_1528], %parallel_loop3A_1531 {strides = array<i32>} : memref<2x64x128xf32, #tpu.memory_space<vmem>>, vector<1x1x16xf32>,
          %parallel_loop3A_1532 = arith.constant 0 : i32
          %parallel_loop3A_1533 = arith.index_cast %parallel_loop3A_1532 : i32 to index
          %parallel_loop3A_1534 = arith.index_cast %parallel_loop3A_1447 : i32 to index
          %parallel_loop3A_1535 = arith.constant 96 : index
          %parallel_loop3A_1536 = tpu.vector_load %arg14[%parallel_loop3A_1533, %parallel_loop3A_1534, %parallel_loop3A_1535] {strides = array<i32>} : memref<2x64x128xf32, #tpu.memory_space<vmem>>, vector<1x1x16xf32>,
          %parallel_loop3A_1537 = vector.shape_cast %parallel_loop3A_1536 : vector<1x1x16xf32> to vector<16xf32>
          %parallel_loop3A_1538 = arith.mulf %parallel_loop3A_1537, %parallel_loop3A_1443 : vector<16xf32>
          %parallel_loop3A_1539 = arith.constant 0 : i32
          %parallel_loop3A_1540 = arith.index_cast %parallel_loop3A_1539 : i32 to index
          %parallel_loop3A_1541 = arith.index_cast %parallel_loop3A_1447 : i32 to index
          %parallel_loop3A_1542 = arith.constant 96 : index
          %parallel_loop3A_1543 = tpu.vector_load %arg14[%parallel_loop3A_1540, %parallel_loop3A_1541, %parallel_loop3A_1542] {strides = array<i32>} : memref<2x64x128xf32, #tpu.memory_space<vmem>>, vector<1x1x16xf32>,
          %parallel_loop3A_1544 = vector.shape_cast %parallel_loop3A_1543 : vector<1x1x16xf32> to vector<16xf32>
          %parallel_loop3A_1545 = vector.shape_cast %parallel_loop3A_1538 : vector<16xf32> to vector<1x1x16xf32>
          tpu.vector_store %arg14[%parallel_loop3A_1540, %parallel_loop3A_1541, %parallel_loop3A_1542], %parallel_loop3A_1545 {strides = array<i32>} : memref<2x64x128xf32, #tpu.memory_space<vmem>>, vector<1x1x16xf32>,
          %parallel_loop3A_1546 = arith.constant 0 : i32
          %parallel_loop3A_1547 = arith.index_cast %parallel_loop3A_1546 : i32 to index
          %parallel_loop3A_1548 = arith.index_cast %parallel_loop3A_1447 : i32 to index
          %parallel_loop3A_1549 = arith.constant 112 : index
          %parallel_loop3A_1550 = tpu.vector_load %arg14[%parallel_loop3A_1547, %parallel_loop3A_1548, %parallel_loop3A_1549] {strides = array<i32>} : memref<2x64x128xf32, #tpu.memory_space<vmem>>, vector<1x1x16xf32>,
          %parallel_loop3A_1551 = vector.shape_cast %parallel_loop3A_1550 : vector<1x1x16xf32> to vector<16xf32>
          %parallel_loop3A_1552 = arith.mulf %parallel_loop3A_1551, %parallel_loop3A_1443 : vector<16xf32>
          %parallel_loop3A_1553 = arith.constant 0 : i32
          %parallel_loop3A_1554 = arith.index_cast %parallel_loop3A_1553 : i32 to index
          %parallel_loop3A_1555 = arith.index_cast %parallel_loop3A_1447 : i32 to index
          %parallel_loop3A_1556 = arith.constant 112 : index
          %parallel_loop3A_1557 = tpu.vector_load %arg14[%parallel_loop3A_1554, %parallel_loop3A_1555, %parallel_loop3A_1556] {strides = array<i32>} : memref<2x64x128xf32, #tpu.memory_space<vmem>>, vector<1x1x16xf32>,
          %parallel_loop3A_1558 = vector.shape_cast %parallel_loop3A_1557 : vector<1x1x16xf32> to vector<16xf32>
          %parallel_loop3A_1559 = vector.shape_cast %parallel_loop3A_1552 : vector<16xf32> to vector<1x1x16xf32>
          tpu.vector_store %arg14[%parallel_loop3A_1554, %parallel_loop3A_1555, %parallel_loop3A_1556], %parallel_loop3A_1559 {strides = array<i32>} : memref<2x64x128xf32, #tpu.memory_space<vmem>>, vector<1x1x16xf32>,
          %parallel_loop3A_1560 = arith.constant 12 : i32
          %parallel_loop3A_1561 = vector.broadcast %parallel_loop3A_1560 : i32 to vector<16x1xi32>
          %parallel_loop3A_1562 = vector.shape_cast %parallel_loop3A_1561 : vector<16x1xi32> to vector<16xi32>
          %parallel_loop3A_1563 = tpu.dynamic_gather %parallel_loop3A_119[%parallel_loop3A_1562] in [0] : vector<16xf32>, vector<16xi32> -> vector<16xf32>
          %parallel_loop3A_1564 = arith.constant 16 : i32
          %parallel_loop3A_1565 = arith.muli %parallel_loop3A_110, %parallel_loop3A_1564 : i32
          %parallel_loop3A_1566 = arith.constant 12 : i32
          %parallel_loop3A_1567 = arith.addi %parallel_loop3A_1565, %parallel_loop3A_1566 : i32
          %parallel_loop3A_1568 = arith.constant 0 : i32
          %parallel_loop3A_1569 = arith.index_cast %parallel_loop3A_1568 : i32 to index
          %parallel_loop3A_1570 = arith.index_cast %parallel_loop3A_1567 : i32 to index
          %parallel_loop3A_1571 = arith.constant 0 : index
          %parallel_loop3A_1572 = tpu.vector_load %arg14[%parallel_loop3A_1569, %parallel_loop3A_1570, %parallel_loop3A_1571] {strides = array<i32>} : memref<2x64x128xf32, #tpu.memory_space<vmem>>, vector<1x1x16xf32>,
          %parallel_loop3A_1573 = vector.shape_cast %parallel_loop3A_1572 : vector<1x1x16xf32> to vector<16xf32>
          %parallel_loop3A_1574 = arith.mulf %parallel_loop3A_1573, %parallel_loop3A_1563 : vector<16xf32>
          %parallel_loop3A_1575 = arith.constant 0 : i32
          %parallel_loop3A_1576 = arith.index_cast %parallel_loop3A_1575 : i32 to index
          %parallel_loop3A_1577 = arith.index_cast %parallel_loop3A_1567 : i32 to index
          %parallel_loop3A_1578 = arith.constant 0 : index
          %parallel_loop3A_1579 = tpu.vector_load %arg14[%parallel_loop3A_1576, %parallel_loop3A_1577, %parallel_loop3A_1578] {strides = array<i32>} : memref<2x64x128xf32, #tpu.memory_space<vmem>>, vector<1x1x16xf32>,
          %parallel_loop3A_1580 = vector.shape_cast %parallel_loop3A_1579 : vector<1x1x16xf32> to vector<16xf32>
          %parallel_loop3A_1581 = vector.shape_cast %parallel_loop3A_1574 : vector<16xf32> to vector<1x1x16xf32>
          tpu.vector_store %arg14[%parallel_loop3A_1576, %parallel_loop3A_1577, %parallel_loop3A_1578], %parallel_loop3A_1581 {strides = array<i32>} : memref<2x64x128xf32, #tpu.memory_space<vmem>>, vector<1x1x16xf32>,
          %parallel_loop3A_1582 = arith.constant 0 : i32
          %parallel_loop3A_1583 = arith.index_cast %parallel_loop3A_1582 : i32 to index
          %parallel_loop3A_1584 = arith.index_cast %parallel_loop3A_1567 : i32 to index
          %parallel_loop3A_1585 = arith.constant 16 : index
          %parallel_loop3A_1586 = tpu.vector_load %arg14[%parallel_loop3A_1583, %parallel_loop3A_1584, %parallel_loop3A_1585] {strides = array<i32>} : memref<2x64x128xf32, #tpu.memory_space<vmem>>, vector<1x1x16xf32>,
          %parallel_loop3A_1587 = vector.shape_cast %parallel_loop3A_1586 : vector<1x1x16xf32> to vector<16xf32>
          %parallel_loop3A_1588 = arith.mulf %parallel_loop3A_1587, %parallel_loop3A_1563 : vector<16xf32>
          %parallel_loop3A_1589 = arith.constant 0 : i32
          %parallel_loop3A_1590 = arith.index_cast %parallel_loop3A_1589 : i32 to index
          %parallel_loop3A_1591 = arith.index_cast %parallel_loop3A_1567 : i32 to index
          %parallel_loop3A_1592 = arith.constant 16 : index
          %parallel_loop3A_1593 = tpu.vector_load %arg14[%parallel_loop3A_1590, %parallel_loop3A_1591, %parallel_loop3A_1592] {strides = array<i32>} : memref<2x64x128xf32, #tpu.memory_space<vmem>>, vector<1x1x16xf32>,
          %parallel_loop3A_1594 = vector.shape_cast %parallel_loop3A_1593 : vector<1x1x16xf32> to vector<16xf32>
          %parallel_loop3A_1595 = vector.shape_cast %parallel_loop3A_1588 : vector<16xf32> to vector<1x1x16xf32>
          tpu.vector_store %arg14[%parallel_loop3A_1590, %parallel_loop3A_1591, %parallel_loop3A_1592], %parallel_loop3A_1595 {strides = array<i32>} : memref<2x64x128xf32, #tpu.memory_space<vmem>>, vector<1x1x16xf32>,
          %parallel_loop3A_1596 = arith.constant 0 : i32
          %parallel_loop3A_1597 = arith.index_cast %parallel_loop3A_1596 : i32 to index
          %parallel_loop3A_1598 = arith.index_cast %parallel_loop3A_1567 : i32 to index
          %parallel_loop3A_1599 = arith.constant 32 : index
          %parallel_loop3A_1600 = tpu.vector_load %arg14[%parallel_loop3A_1597, %parallel_loop3A_1598, %parallel_loop3A_1599] {strides = array<i32>} : memref<2x64x128xf32, #tpu.memory_space<vmem>>, vector<1x1x16xf32>,
          %parallel_loop3A_1601 = vector.shape_cast %parallel_loop3A_1600 : vector<1x1x16xf32> to vector<16xf32>
          %parallel_loop3A_1602 = arith.mulf %parallel_loop3A_1601, %parallel_loop3A_1563 : vector<16xf32>
          %parallel_loop3A_1603 = arith.constant 0 : i32
          %parallel_loop3A_1604 = arith.index_cast %parallel_loop3A_1603 : i32 to index
          %parallel_loop3A_1605 = arith.index_cast %parallel_loop3A_1567 : i32 to index
          %parallel_loop3A_1606 = arith.constant 32 : index
          %parallel_loop3A_1607 = tpu.vector_load %arg14[%parallel_loop3A_1604, %parallel_loop3A_1605, %parallel_loop3A_1606] {strides = array<i32>} : memref<2x64x128xf32, #tpu.memory_space<vmem>>, vector<1x1x16xf32>,
          %parallel_loop3A_1608 = vector.shape_cast %parallel_loop3A_1607 : vector<1x1x16xf32> to vector<16xf32>
          %parallel_loop3A_1609 = vector.shape_cast %parallel_loop3A_1602 : vector<16xf32> to vector<1x1x16xf32>
          tpu.vector_store %arg14[%parallel_loop3A_1604, %parallel_loop3A_1605, %parallel_loop3A_1606], %parallel_loop3A_1609 {strides = array<i32>} : memref<2x64x128xf32, #tpu.memory_space<vmem>>, vector<1x1x16xf32>,
          %parallel_loop3A_1610 = arith.constant 0 : i32
          %parallel_loop3A_1611 = arith.index_cast %parallel_loop3A_1610 : i32 to index
          %parallel_loop3A_1612 = arith.index_cast %parallel_loop3A_1567 : i32 to index
          %parallel_loop3A_1613 = arith.constant 48 : index
          %parallel_loop3A_1614 = tpu.vector_load %arg14[%parallel_loop3A_1611, %parallel_loop3A_1612, %parallel_loop3A_1613] {strides = array<i32>} : memref<2x64x128xf32, #tpu.memory_space<vmem>>, vector<1x1x16xf32>,
          %parallel_loop3A_1615 = vector.shape_cast %parallel_loop3A_1614 : vector<1x1x16xf32> to vector<16xf32>
          %parallel_loop3A_1616 = arith.mulf %parallel_loop3A_1615, %parallel_loop3A_1563 : vector<16xf32>
          %parallel_loop3A_1617 = arith.constant 0 : i32
          %parallel_loop3A_1618 = arith.index_cast %parallel_loop3A_1617 : i32 to index
          %parallel_loop3A_1619 = arith.index_cast %parallel_loop3A_1567 : i32 to index
          %parallel_loop3A_1620 = arith.constant 48 : index
          %parallel_loop3A_1621 = tpu.vector_load %arg14[%parallel_loop3A_1618, %parallel_loop3A_1619, %parallel_loop3A_1620] {strides = array<i32>} : memref<2x64x128xf32, #tpu.memory_space<vmem>>, vector<1x1x16xf32>,
          %parallel_loop3A_1622 = vector.shape_cast %parallel_loop3A_1621 : vector<1x1x16xf32> to vector<16xf32>
          %parallel_loop3A_1623 = vector.shape_cast %parallel_loop3A_1616 : vector<16xf32> to vector<1x1x16xf32>
          tpu.vector_store %arg14[%parallel_loop3A_1618, %parallel_loop3A_1619, %parallel_loop3A_1620], %parallel_loop3A_1623 {strides = array<i32>} : memref<2x64x128xf32, #tpu.memory_space<vmem>>, vector<1x1x16xf32>,
          %parallel_loop3A_1624 = arith.constant 0 : i32
          %parallel_loop3A_1625 = arith.index_cast %parallel_loop3A_1624 : i32 to index
          %parallel_loop3A_1626 = arith.index_cast %parallel_loop3A_1567 : i32 to index
          %parallel_loop3A_1627 = arith.constant 64 : index
          %parallel_loop3A_1628 = tpu.vector_load %arg14[%parallel_loop3A_1625, %parallel_loop3A_1626, %parallel_loop3A_1627] {strides = array<i32>} : memref<2x64x128xf32, #tpu.memory_space<vmem>>, vector<1x1x16xf32>,
          %parallel_loop3A_1629 = vector.shape_cast %parallel_loop3A_1628 : vector<1x1x16xf32> to vector<16xf32>
          %parallel_loop3A_1630 = arith.mulf %parallel_loop3A_1629, %parallel_loop3A_1563 : vector<16xf32>
          %parallel_loop3A_1631 = arith.constant 0 : i32
          %parallel_loop3A_1632 = arith.index_cast %parallel_loop3A_1631 : i32 to index
          %parallel_loop3A_1633 = arith.index_cast %parallel_loop3A_1567 : i32 to index
          %parallel_loop3A_1634 = arith.constant 64 : index
          %parallel_loop3A_1635 = tpu.vector_load %arg14[%parallel_loop3A_1632, %parallel_loop3A_1633, %parallel_loop3A_1634] {strides = array<i32>} : memref<2x64x128xf32, #tpu.memory_space<vmem>>, vector<1x1x16xf32>,
          %parallel_loop3A_1636 = vector.shape_cast %parallel_loop3A_1635 : vector<1x1x16xf32> to vector<16xf32>
          %parallel_loop3A_1637 = vector.shape_cast %parallel_loop3A_1630 : vector<16xf32> to vector<1x1x16xf32>
          tpu.vector_store %arg14[%parallel_loop3A_1632, %parallel_loop3A_1633, %parallel_loop3A_1634], %parallel_loop3A_1637 {strides = array<i32>} : memref<2x64x128xf32, #tpu.memory_space<vmem>>, vector<1x1x16xf32>,
          %parallel_loop3A_1638 = arith.constant 0 : i32
          %parallel_loop3A_1639 = arith.index_cast %parallel_loop3A_1638 : i32 to index
          %parallel_loop3A_1640 = arith.index_cast %parallel_loop3A_1567 : i32 to index
          %parallel_loop3A_1641 = arith.constant 80 : index
          %parallel_loop3A_1642 = tpu.vector_load %arg14[%parallel_loop3A_1639, %parallel_loop3A_1640, %parallel_loop3A_1641] {strides = array<i32>} : memref<2x64x128xf32, #tpu.memory_space<vmem>>, vector<1x1x16xf32>,
          %parallel_loop3A_1643 = vector.shape_cast %parallel_loop3A_1642 : vector<1x1x16xf32> to vector<16xf32>
          %parallel_loop3A_1644 = arith.mulf %parallel_loop3A_1643, %parallel_loop3A_1563 : vector<16xf32>
          %parallel_loop3A_1645 = arith.constant 0 : i32
          %parallel_loop3A_1646 = arith.index_cast %parallel_loop3A_1645 : i32 to index
          %parallel_loop3A_1647 = arith.index_cast %parallel_loop3A_1567 : i32 to index
          %parallel_loop3A_1648 = arith.constant 80 : index
          %parallel_loop3A_1649 = tpu.vector_load %arg14[%parallel_loop3A_1646, %parallel_loop3A_1647, %parallel_loop3A_1648] {strides = array<i32>} : memref<2x64x128xf32, #tpu.memory_space<vmem>>, vector<1x1x16xf32>,
          %parallel_loop3A_1650 = vector.shape_cast %parallel_loop3A_1649 : vector<1x1x16xf32> to vector<16xf32>
          %parallel_loop3A_1651 = vector.shape_cast %parallel_loop3A_1644 : vector<16xf32> to vector<1x1x16xf32>
          tpu.vector_store %arg14[%parallel_loop3A_1646, %parallel_loop3A_1647, %parallel_loop3A_1648], %parallel_loop3A_1651 {strides = array<i32>} : memref<2x64x128xf32, #tpu.memory_space<vmem>>, vector<1x1x16xf32>,
          %parallel_loop3A_1652 = arith.constant 0 : i32
          %parallel_loop3A_1653 = arith.index_cast %parallel_loop3A_1652 : i32 to index
          %parallel_loop3A_1654 = arith.index_cast %parallel_loop3A_1567 : i32 to index
          %parallel_loop3A_1655 = arith.constant 96 : index
          %parallel_loop3A_1656 = tpu.vector_load %arg14[%parallel_loop3A_1653, %parallel_loop3A_1654, %parallel_loop3A_1655] {strides = array<i32>} : memref<2x64x128xf32, #tpu.memory_space<vmem>>, vector<1x1x16xf32>,
          %parallel_loop3A_1657 = vector.shape_cast %parallel_loop3A_1656 : vector<1x1x16xf32> to vector<16xf32>
          %parallel_loop3A_1658 = arith.mulf %parallel_loop3A_1657, %parallel_loop3A_1563 : vector<16xf32>
          %parallel_loop3A_1659 = arith.constant 0 : i32
          %parallel_loop3A_1660 = arith.index_cast %parallel_loop3A_1659 : i32 to index
          %parallel_loop3A_1661 = arith.index_cast %parallel_loop3A_1567 : i32 to index
          %parallel_loop3A_1662 = arith.constant 96 : index
          %parallel_loop3A_1663 = tpu.vector_load %arg14[%parallel_loop3A_1660, %parallel_loop3A_1661, %parallel_loop3A_1662] {strides = array<i32>} : memref<2x64x128xf32, #tpu.memory_space<vmem>>, vector<1x1x16xf32>,
          %parallel_loop3A_1664 = vector.shape_cast %parallel_loop3A_1663 : vector<1x1x16xf32> to vector<16xf32>
          %parallel_loop3A_1665 = vector.shape_cast %parallel_loop3A_1658 : vector<16xf32> to vector<1x1x16xf32>
          tpu.vector_store %arg14[%parallel_loop3A_1660, %parallel_loop3A_1661, %parallel_loop3A_1662], %parallel_loop3A_1665 {strides = array<i32>} : memref<2x64x128xf32, #tpu.memory_space<vmem>>, vector<1x1x16xf32>,
          %parallel_loop3A_1666 = arith.constant 0 : i32
          %parallel_loop3A_1667 = arith.index_cast %parallel_loop3A_1666 : i32 to index
          %parallel_loop3A_1668 = arith.index_cast %parallel_loop3A_1567 : i32 to index
          %parallel_loop3A_1669 = arith.constant 112 : index
          %parallel_loop3A_1670 = tpu.vector_load %arg14[%parallel_loop3A_1667, %parallel_loop3A_1668, %parallel_loop3A_1669] {strides = array<i32>} : memref<2x64x128xf32, #tpu.memory_space<vmem>>, vector<1x1x16xf32>,
          %parallel_loop3A_1671 = vector.shape_cast %parallel_loop3A_1670 : vector<1x1x16xf32> to vector<16xf32>
          %parallel_loop3A_1672 = arith.mulf %parallel_loop3A_1671, %parallel_loop3A_1563 : vector<16xf32>
          %parallel_loop3A_1673 = arith.constant 0 : i32
          %parallel_loop3A_1674 = arith.index_cast %parallel_loop3A_1673 : i32 to index
          %parallel_loop3A_1675 = arith.index_cast %parallel_loop3A_1567 : i32 to index
          %parallel_loop3A_1676 = arith.constant 112 : index
          %parallel_loop3A_1677 = tpu.vector_load %arg14[%parallel_loop3A_1674, %parallel_loop3A_1675, %parallel_loop3A_1676] {strides = array<i32>} : memref<2x64x128xf32, #tpu.memory_space<vmem>>, vector<1x1x16xf32>,
          %parallel_loop3A_1678 = vector.shape_cast %parallel_loop3A_1677 : vector<1x1x16xf32> to vector<16xf32>
          %parallel_loop3A_1679 = vector.shape_cast %parallel_loop3A_1672 : vector<16xf32> to vector<1x1x16xf32>
          tpu.vector_store %arg14[%parallel_loop3A_1674, %parallel_loop3A_1675, %parallel_loop3A_1676], %parallel_loop3A_1679 {strides = array<i32>} : memref<2x64x128xf32, #tpu.memory_space<vmem>>, vector<1x1x16xf32>,
          %parallel_loop3A_1680 = arith.constant 13 : i32
          %parallel_loop3A_1681 = vector.broadcast %parallel_loop3A_1680 : i32 to vector<16x1xi32>
          %parallel_loop3A_1682 = vector.shape_cast %parallel_loop3A_1681 : vector<16x1xi32> to vector<16xi32>
          %parallel_loop3A_1683 = tpu.dynamic_gather %parallel_loop3A_119[%parallel_loop3A_1682] in [0] : vector<16xf32>, vector<16xi32> -> vector<16xf32>
          %parallel_loop3A_1684 = arith.constant 16 : i32
          %parallel_loop3A_1685 = arith.muli %parallel_loop3A_110, %parallel_loop3A_1684 : i32
          %parallel_loop3A_1686 = arith.constant 13 : i32
          %parallel_loop3A_1687 = arith.addi %parallel_loop3A_1685, %parallel_loop3A_1686 : i32
          %parallel_loop3A_1688 = arith.constant 0 : i32
          %parallel_loop3A_1689 = arith.index_cast %parallel_loop3A_1688 : i32 to index
          %parallel_loop3A_1690 = arith.index_cast %parallel_loop3A_1687 : i32 to index
          %parallel_loop3A_1691 = arith.constant 0 : index
          %parallel_loop3A_1692 = tpu.vector_load %arg14[%parallel_loop3A_1689, %parallel_loop3A_1690, %parallel_loop3A_1691] {strides = array<i32>} : memref<2x64x128xf32, #tpu.memory_space<vmem>>, vector<1x1x16xf32>,
          %parallel_loop3A_1693 = vector.shape_cast %parallel_loop3A_1692 : vector<1x1x16xf32> to vector<16xf32>
          %parallel_loop3A_1694 = arith.mulf %parallel_loop3A_1693, %parallel_loop3A_1683 : vector<16xf32>
          %parallel_loop3A_1695 = arith.constant 0 : i32
          %parallel_loop3A_1696 = arith.index_cast %parallel_loop3A_1695 : i32 to index
          %parallel_loop3A_1697 = arith.index_cast %parallel_loop3A_1687 : i32 to index
          %parallel_loop3A_1698 = arith.constant 0 : index
          %parallel_loop3A_1699 = tpu.vector_load %arg14[%parallel_loop3A_1696, %parallel_loop3A_1697, %parallel_loop3A_1698] {strides = array<i32>} : memref<2x64x128xf32, #tpu.memory_space<vmem>>, vector<1x1x16xf32>,
          %parallel_loop3A_1700 = vector.shape_cast %parallel_loop3A_1699 : vector<1x1x16xf32> to vector<16xf32>
          %parallel_loop3A_1701 = vector.shape_cast %parallel_loop3A_1694 : vector<16xf32> to vector<1x1x16xf32>
          tpu.vector_store %arg14[%parallel_loop3A_1696, %parallel_loop3A_1697, %parallel_loop3A_1698], %parallel_loop3A_1701 {strides = array<i32>} : memref<2x64x128xf32, #tpu.memory_space<vmem>>, vector<1x1x16xf32>,
          %parallel_loop3A_1702 = arith.constant 0 : i32
          %parallel_loop3A_1703 = arith.index_cast %parallel_loop3A_1702 : i32 to index
          %parallel_loop3A_1704 = arith.index_cast %parallel_loop3A_1687 : i32 to index
          %parallel_loop3A_1705 = arith.constant 16 : index
          %parallel_loop3A_1706 = tpu.vector_load %arg14[%parallel_loop3A_1703, %parallel_loop3A_1704, %parallel_loop3A_1705] {strides = array<i32>} : memref<2x64x128xf32, #tpu.memory_space<vmem>>, vector<1x1x16xf32>,
          %parallel_loop3A_1707 = vector.shape_cast %parallel_loop3A_1706 : vector<1x1x16xf32> to vector<16xf32>
          %parallel_loop3A_1708 = arith.mulf %parallel_loop3A_1707, %parallel_loop3A_1683 : vector<16xf32>
          %parallel_loop3A_1709 = arith.constant 0 : i32
          %parallel_loop3A_1710 = arith.index_cast %parallel_loop3A_1709 : i32 to index
          %parallel_loop3A_1711 = arith.index_cast %parallel_loop3A_1687 : i32 to index
          %parallel_loop3A_1712 = arith.constant 16 : index
          %parallel_loop3A_1713 = tpu.vector_load %arg14[%parallel_loop3A_1710, %parallel_loop3A_1711, %parallel_loop3A_1712] {strides = array<i32>} : memref<2x64x128xf32, #tpu.memory_space<vmem>>, vector<1x1x16xf32>,
          %parallel_loop3A_1714 = vector.shape_cast %parallel_loop3A_1713 : vector<1x1x16xf32> to vector<16xf32>
          %parallel_loop3A_1715 = vector.shape_cast %parallel_loop3A_1708 : vector<16xf32> to vector<1x1x16xf32>
          tpu.vector_store %arg14[%parallel_loop3A_1710, %parallel_loop3A_1711, %parallel_loop3A_1712], %parallel_loop3A_1715 {strides = array<i32>} : memref<2x64x128xf32, #tpu.memory_space<vmem>>, vector<1x1x16xf32>,
          %parallel_loop3A_1716 = arith.constant 0 : i32
          %parallel_loop3A_1717 = arith.index_cast %parallel_loop3A_1716 : i32 to index
          %parallel_loop3A_1718 = arith.index_cast %parallel_loop3A_1687 : i32 to index
          %parallel_loop3A_1719 = arith.constant 32 : index
          %parallel_loop3A_1720 = tpu.vector_load %arg14[%parallel_loop3A_1717, %parallel_loop3A_1718, %parallel_loop3A_1719] {strides = array<i32>} : memref<2x64x128xf32, #tpu.memory_space<vmem>>, vector<1x1x16xf32>,
          %parallel_loop3A_1721 = vector.shape_cast %parallel_loop3A_1720 : vector<1x1x16xf32> to vector<16xf32>
          %parallel_loop3A_1722 = arith.mulf %parallel_loop3A_1721, %parallel_loop3A_1683 : vector<16xf32>
          %parallel_loop3A_1723 = arith.constant 0 : i32
          %parallel_loop3A_1724 = arith.index_cast %parallel_loop3A_1723 : i32 to index
          %parallel_loop3A_1725 = arith.index_cast %parallel_loop3A_1687 : i32 to index
          %parallel_loop3A_1726 = arith.constant 32 : index
          %parallel_loop3A_1727 = tpu.vector_load %arg14[%parallel_loop3A_1724, %parallel_loop3A_1725, %parallel_loop3A_1726] {strides = array<i32>} : memref<2x64x128xf32, #tpu.memory_space<vmem>>, vector<1x1x16xf32>,
          %parallel_loop3A_1728 = vector.shape_cast %parallel_loop3A_1727 : vector<1x1x16xf32> to vector<16xf32>
          %parallel_loop3A_1729 = vector.shape_cast %parallel_loop3A_1722 : vector<16xf32> to vector<1x1x16xf32>
          tpu.vector_store %arg14[%parallel_loop3A_1724, %parallel_loop3A_1725, %parallel_loop3A_1726], %parallel_loop3A_1729 {strides = array<i32>} : memref<2x64x128xf32, #tpu.memory_space<vmem>>, vector<1x1x16xf32>,
          %parallel_loop3A_1730 = arith.constant 0 : i32
          %parallel_loop3A_1731 = arith.index_cast %parallel_loop3A_1730 : i32 to index
          %parallel_loop3A_1732 = arith.index_cast %parallel_loop3A_1687 : i32 to index
          %parallel_loop3A_1733 = arith.constant 48 : index
          %parallel_loop3A_1734 = tpu.vector_load %arg14[%parallel_loop3A_1731, %parallel_loop3A_1732, %parallel_loop3A_1733] {strides = array<i32>} : memref<2x64x128xf32, #tpu.memory_space<vmem>>, vector<1x1x16xf32>,
          %parallel_loop3A_1735 = vector.shape_cast %parallel_loop3A_1734 : vector<1x1x16xf32> to vector<16xf32>
          %parallel_loop3A_1736 = arith.mulf %parallel_loop3A_1735, %parallel_loop3A_1683 : vector<16xf32>
          %parallel_loop3A_1737 = arith.constant 0 : i32
          %parallel_loop3A_1738 = arith.index_cast %parallel_loop3A_1737 : i32 to index
          %parallel_loop3A_1739 = arith.index_cast %parallel_loop3A_1687 : i32 to index
          %parallel_loop3A_1740 = arith.constant 48 : index
          %parallel_loop3A_1741 = tpu.vector_load %arg14[%parallel_loop3A_1738, %parallel_loop3A_1739, %parallel_loop3A_1740] {strides = array<i32>} : memref<2x64x128xf32, #tpu.memory_space<vmem>>, vector<1x1x16xf32>,
          %parallel_loop3A_1742 = vector.shape_cast %parallel_loop3A_1741 : vector<1x1x16xf32> to vector<16xf32>
          %parallel_loop3A_1743 = vector.shape_cast %parallel_loop3A_1736 : vector<16xf32> to vector<1x1x16xf32>
          tpu.vector_store %arg14[%parallel_loop3A_1738, %parallel_loop3A_1739, %parallel_loop3A_1740], %parallel_loop3A_1743 {strides = array<i32>} : memref<2x64x128xf32, #tpu.memory_space<vmem>>, vector<1x1x16xf32>,
          %parallel_loop3A_1744 = arith.constant 0 : i32
          %parallel_loop3A_1745 = arith.index_cast %parallel_loop3A_1744 : i32 to index
          %parallel_loop3A_1746 = arith.index_cast %parallel_loop3A_1687 : i32 to index
          %parallel_loop3A_1747 = arith.constant 64 : index
          %parallel_loop3A_1748 = tpu.vector_load %arg14[%parallel_loop3A_1745, %parallel_loop3A_1746, %parallel_loop3A_1747] {strides = array<i32>} : memref<2x64x128xf32, #tpu.memory_space<vmem>>, vector<1x1x16xf32>,
          %parallel_loop3A_1749 = vector.shape_cast %parallel_loop3A_1748 : vector<1x1x16xf32> to vector<16xf32>
          %parallel_loop3A_1750 = arith.mulf %parallel_loop3A_1749, %parallel_loop3A_1683 : vector<16xf32>
          %parallel_loop3A_1751 = arith.constant 0 : i32
          %parallel_loop3A_1752 = arith.index_cast %parallel_loop3A_1751 : i32 to index
          %parallel_loop3A_1753 = arith.index_cast %parallel_loop3A_1687 : i32 to index
          %parallel_loop3A_1754 = arith.constant 64 : index
          %parallel_loop3A_1755 = tpu.vector_load %arg14[%parallel_loop3A_1752, %parallel_loop3A_1753, %parallel_loop3A_1754] {strides = array<i32>} : memref<2x64x128xf32, #tpu.memory_space<vmem>>, vector<1x1x16xf32>,
          %parallel_loop3A_1756 = vector.shape_cast %parallel_loop3A_1755 : vector<1x1x16xf32> to vector<16xf32>
          %parallel_loop3A_1757 = vector.shape_cast %parallel_loop3A_1750 : vector<16xf32> to vector<1x1x16xf32>
          tpu.vector_store %arg14[%parallel_loop3A_1752, %parallel_loop3A_1753, %parallel_loop3A_1754], %parallel_loop3A_1757 {strides = array<i32>} : memref<2x64x128xf32, #tpu.memory_space<vmem>>, vector<1x1x16xf32>,
          %parallel_loop3A_1758 = arith.constant 0 : i32
          %parallel_loop3A_1759 = arith.index_cast %parallel_loop3A_1758 : i32 to index
          %parallel_loop3A_1760 = arith.index_cast %parallel_loop3A_1687 : i32 to index
          %parallel_loop3A_1761 = arith.constant 80 : index
          %parallel_loop3A_1762 = tpu.vector_load %arg14[%parallel_loop3A_1759, %parallel_loop3A_1760, %parallel_loop3A_1761] {strides = array<i32>} : memref<2x64x128xf32, #tpu.memory_space<vmem>>, vector<1x1x16xf32>,
          %parallel_loop3A_1763 = vector.shape_cast %parallel_loop3A_1762 : vector<1x1x16xf32> to vector<16xf32>
          %parallel_loop3A_1764 = arith.mulf %parallel_loop3A_1763, %parallel_loop3A_1683 : vector<16xf32>
          %parallel_loop3A_1765 = arith.constant 0 : i32
          %parallel_loop3A_1766 = arith.index_cast %parallel_loop3A_1765 : i32 to index
          %parallel_loop3A_1767 = arith.index_cast %parallel_loop3A_1687 : i32 to index
          %parallel_loop3A_1768 = arith.constant 80 : index
          %parallel_loop3A_1769 = tpu.vector_load %arg14[%parallel_loop3A_1766, %parallel_loop3A_1767, %parallel_loop3A_1768] {strides = array<i32>} : memref<2x64x128xf32, #tpu.memory_space<vmem>>, vector<1x1x16xf32>,
          %parallel_loop3A_1770 = vector.shape_cast %parallel_loop3A_1769 : vector<1x1x16xf32> to vector<16xf32>
          %parallel_loop3A_1771 = vector.shape_cast %parallel_loop3A_1764 : vector<16xf32> to vector<1x1x16xf32>
          tpu.vector_store %arg14[%parallel_loop3A_1766, %parallel_loop3A_1767, %parallel_loop3A_1768], %parallel_loop3A_1771 {strides = array<i32>} : memref<2x64x128xf32, #tpu.memory_space<vmem>>, vector<1x1x16xf32>,
          %parallel_loop3A_1772 = arith.constant 0 : i32
          %parallel_loop3A_1773 = arith.index_cast %parallel_loop3A_1772 : i32 to index
          %parallel_loop3A_1774 = arith.index_cast %parallel_loop3A_1687 : i32 to index
          %parallel_loop3A_1775 = arith.constant 96 : index
          %parallel_loop3A_1776 = tpu.vector_load %arg14[%parallel_loop3A_1773, %parallel_loop3A_1774, %parallel_loop3A_1775] {strides = array<i32>} : memref<2x64x128xf32, #tpu.memory_space<vmem>>, vector<1x1x16xf32>,
          %parallel_loop3A_1777 = vector.shape_cast %parallel_loop3A_1776 : vector<1x1x16xf32> to vector<16xf32>
          %parallel_loop3A_1778 = arith.mulf %parallel_loop3A_1777, %parallel_loop3A_1683 : vector<16xf32>
          %parallel_loop3A_1779 = arith.constant 0 : i32
          %parallel_loop3A_1780 = arith.index_cast %parallel_loop3A_1779 : i32 to index
          %parallel_loop3A_1781 = arith.index_cast %parallel_loop3A_1687 : i32 to index
          %parallel_loop3A_1782 = arith.constant 96 : index
          %parallel_loop3A_1783 = tpu.vector_load %arg14[%parallel_loop3A_1780, %parallel_loop3A_1781, %parallel_loop3A_1782] {strides = array<i32>} : memref<2x64x128xf32, #tpu.memory_space<vmem>>, vector<1x1x16xf32>,
          %parallel_loop3A_1784 = vector.shape_cast %parallel_loop3A_1783 : vector<1x1x16xf32> to vector<16xf32>
          %parallel_loop3A_1785 = vector.shape_cast %parallel_loop3A_1778 : vector<16xf32> to vector<1x1x16xf32>
          tpu.vector_store %arg14[%parallel_loop3A_1780, %parallel_loop3A_1781, %parallel_loop3A_1782], %parallel_loop3A_1785 {strides = array<i32>} : memref<2x64x128xf32, #tpu.memory_space<vmem>>, vector<1x1x16xf32>,
          %parallel_loop3A_1786 = arith.constant 0 : i32
          %parallel_loop3A_1787 = arith.index_cast %parallel_loop3A_1786 : i32 to index
          %parallel_loop3A_1788 = arith.index_cast %parallel_loop3A_1687 : i32 to index
          %parallel_loop3A_1789 = arith.constant 112 : index
          %parallel_loop3A_1790 = tpu.vector_load %arg14[%parallel_loop3A_1787, %parallel_loop3A_1788, %parallel_loop3A_1789] {strides = array<i32>} : memref<2x64x128xf32, #tpu.memory_space<vmem>>, vector<1x1x16xf32>,
          %parallel_loop3A_1791 = vector.shape_cast %parallel_loop3A_1790 : vector<1x1x16xf32> to vector<16xf32>
          %parallel_loop3A_1792 = arith.mulf %parallel_loop3A_1791, %parallel_loop3A_1683 : vector<16xf32>
          %parallel_loop3A_1793 = arith.constant 0 : i32
          %parallel_loop3A_1794 = arith.index_cast %parallel_loop3A_1793 : i32 to index
          %parallel_loop3A_1795 = arith.index_cast %parallel_loop3A_1687 : i32 to index
          %parallel_loop3A_1796 = arith.constant 112 : index
          %parallel_loop3A_1797 = tpu.vector_load %arg14[%parallel_loop3A_1794, %parallel_loop3A_1795, %parallel_loop3A_1796] {strides = array<i32>} : memref<2x64x128xf32, #tpu.memory_space<vmem>>, vector<1x1x16xf32>,
          %parallel_loop3A_1798 = vector.shape_cast %parallel_loop3A_1797 : vector<1x1x16xf32> to vector<16xf32>
          %parallel_loop3A_1799 = vector.shape_cast %parallel_loop3A_1792 : vector<16xf32> to vector<1x1x16xf32>
          tpu.vector_store %arg14[%parallel_loop3A_1794, %parallel_loop3A_1795, %parallel_loop3A_1796], %parallel_loop3A_1799 {strides = array<i32>} : memref<2x64x128xf32, #tpu.memory_space<vmem>>, vector<1x1x16xf32>,
          %parallel_loop3A_1800 = arith.constant 14 : i32
          %parallel_loop3A_1801 = vector.broadcast %parallel_loop3A_1800 : i32 to vector<16x1xi32>
          %parallel_loop3A_1802 = vector.shape_cast %parallel_loop3A_1801 : vector<16x1xi32> to vector<16xi32>
          %parallel_loop3A_1803 = tpu.dynamic_gather %parallel_loop3A_119[%parallel_loop3A_1802] in [0] : vector<16xf32>, vector<16xi32> -> vector<16xf32>
          %parallel_loop3A_1804 = arith.constant 16 : i32
          %parallel_loop3A_1805 = arith.muli %parallel_loop3A_110, %parallel_loop3A_1804 : i32
          %parallel_loop3A_1806 = arith.constant 14 : i32
          %parallel_loop3A_1807 = arith.addi %parallel_loop3A_1805, %parallel_loop3A_1806 : i32
          %parallel_loop3A_1808 = arith.constant 0 : i32
          %parallel_loop3A_1809 = arith.index_cast %parallel_loop3A_1808 : i32 to index
          %parallel_loop3A_1810 = arith.index_cast %parallel_loop3A_1807 : i32 to index
          %parallel_loop3A_1811 = arith.constant 0 : index
          %parallel_loop3A_1812 = tpu.vector_load %arg14[%parallel_loop3A_1809, %parallel_loop3A_1810, %parallel_loop3A_1811] {strides = array<i32>} : memref<2x64x128xf32, #tpu.memory_space<vmem>>, vector<1x1x16xf32>,
          %parallel_loop3A_1813 = vector.shape_cast %parallel_loop3A_1812 : vector<1x1x16xf32> to vector<16xf32>
          %parallel_loop3A_1814 = arith.mulf %parallel_loop3A_1813, %parallel_loop3A_1803 : vector<16xf32>
          %parallel_loop3A_1815 = arith.constant 0 : i32
          %parallel_loop3A_1816 = arith.index_cast %parallel_loop3A_1815 : i32 to index
          %parallel_loop3A_1817 = arith.index_cast %parallel_loop3A_1807 : i32 to index
          %parallel_loop3A_1818 = arith.constant 0 : index
          %parallel_loop3A_1819 = tpu.vector_load %arg14[%parallel_loop3A_1816, %parallel_loop3A_1817, %parallel_loop3A_1818] {strides = array<i32>} : memref<2x64x128xf32, #tpu.memory_space<vmem>>, vector<1x1x16xf32>,
          %parallel_loop3A_1820 = vector.shape_cast %parallel_loop3A_1819 : vector<1x1x16xf32> to vector<16xf32>
          %parallel_loop3A_1821 = vector.shape_cast %parallel_loop3A_1814 : vector<16xf32> to vector<1x1x16xf32>
          tpu.vector_store %arg14[%parallel_loop3A_1816, %parallel_loop3A_1817, %parallel_loop3A_1818], %parallel_loop3A_1821 {strides = array<i32>} : memref<2x64x128xf32, #tpu.memory_space<vmem>>, vector<1x1x16xf32>,
          %parallel_loop3A_1822 = arith.constant 0 : i32
          %parallel_loop3A_1823 = arith.index_cast %parallel_loop3A_1822 : i32 to index
          %parallel_loop3A_1824 = arith.index_cast %parallel_loop3A_1807 : i32 to index
          %parallel_loop3A_1825 = arith.constant 16 : index
          %parallel_loop3A_1826 = tpu.vector_load %arg14[%parallel_loop3A_1823, %parallel_loop3A_1824, %parallel_loop3A_1825] {strides = array<i32>} : memref<2x64x128xf32, #tpu.memory_space<vmem>>, vector<1x1x16xf32>,
          %parallel_loop3A_1827 = vector.shape_cast %parallel_loop3A_1826 : vector<1x1x16xf32> to vector<16xf32>
          %parallel_loop3A_1828 = arith.mulf %parallel_loop3A_1827, %parallel_loop3A_1803 : vector<16xf32>
          %parallel_loop3A_1829 = arith.constant 0 : i32
          %parallel_loop3A_1830 = arith.index_cast %parallel_loop3A_1829 : i32 to index
          %parallel_loop3A_1831 = arith.index_cast %parallel_loop3A_1807 : i32 to index
          %parallel_loop3A_1832 = arith.constant 16 : index
          %parallel_loop3A_1833 = tpu.vector_load %arg14[%parallel_loop3A_1830, %parallel_loop3A_1831, %parallel_loop3A_1832] {strides = array<i32>} : memref<2x64x128xf32, #tpu.memory_space<vmem>>, vector<1x1x16xf32>,
          %parallel_loop3A_1834 = vector.shape_cast %parallel_loop3A_1833 : vector<1x1x16xf32> to vector<16xf32>
          %parallel_loop3A_1835 = vector.shape_cast %parallel_loop3A_1828 : vector<16xf32> to vector<1x1x16xf32>
          tpu.vector_store %arg14[%parallel_loop3A_1830, %parallel_loop3A_1831, %parallel_loop3A_1832], %parallel_loop3A_1835 {strides = array<i32>} : memref<2x64x128xf32, #tpu.memory_space<vmem>>, vector<1x1x16xf32>,
          %parallel_loop3A_1836 = arith.constant 0 : i32
          %parallel_loop3A_1837 = arith.index_cast %parallel_loop3A_1836 : i32 to index
          %parallel_loop3A_1838 = arith.index_cast %parallel_loop3A_1807 : i32 to index
          %parallel_loop3A_1839 = arith.constant 32 : index
          %parallel_loop3A_1840 = tpu.vector_load %arg14[%parallel_loop3A_1837, %parallel_loop3A_1838, %parallel_loop3A_1839] {strides = array<i32>} : memref<2x64x128xf32, #tpu.memory_space<vmem>>, vector<1x1x16xf32>,
          %parallel_loop3A_1841 = vector.shape_cast %parallel_loop3A_1840 : vector<1x1x16xf32> to vector<16xf32>
          %parallel_loop3A_1842 = arith.mulf %parallel_loop3A_1841, %parallel_loop3A_1803 : vector<16xf32>
          %parallel_loop3A_1843 = arith.constant 0 : i32
          %parallel_loop3A_1844 = arith.index_cast %parallel_loop3A_1843 : i32 to index
          %parallel_loop3A_1845 = arith.index_cast %parallel_loop3A_1807 : i32 to index
          %parallel_loop3A_1846 = arith.constant 32 : index
          %parallel_loop3A_1847 = tpu.vector_load %arg14[%parallel_loop3A_1844, %parallel_loop3A_1845, %parallel_loop3A_1846] {strides = array<i32>} : memref<2x64x128xf32, #tpu.memory_space<vmem>>, vector<1x1x16xf32>,
          %parallel_loop3A_1848 = vector.shape_cast %parallel_loop3A_1847 : vector<1x1x16xf32> to vector<16xf32>
          %parallel_loop3A_1849 = vector.shape_cast %parallel_loop3A_1842 : vector<16xf32> to vector<1x1x16xf32>
          tpu.vector_store %arg14[%parallel_loop3A_1844, %parallel_loop3A_1845, %parallel_loop3A_1846], %parallel_loop3A_1849 {strides = array<i32>} : memref<2x64x128xf32, #tpu.memory_space<vmem>>, vector<1x1x16xf32>,
          %parallel_loop3A_1850 = arith.constant 0 : i32
          %parallel_loop3A_1851 = arith.index_cast %parallel_loop3A_1850 : i32 to index
          %parallel_loop3A_1852 = arith.index_cast %parallel_loop3A_1807 : i32 to index
          %parallel_loop3A_1853 = arith.constant 48 : index
          %parallel_loop3A_1854 = tpu.vector_load %arg14[%parallel_loop3A_1851, %parallel_loop3A_1852, %parallel_loop3A_1853] {strides = array<i32>} : memref<2x64x128xf32, #tpu.memory_space<vmem>>, vector<1x1x16xf32>,
          %parallel_loop3A_1855 = vector.shape_cast %parallel_loop3A_1854 : vector<1x1x16xf32> to vector<16xf32>
          %parallel_loop3A_1856 = arith.mulf %parallel_loop3A_1855, %parallel_loop3A_1803 : vector<16xf32>
          %parallel_loop3A_1857 = arith.constant 0 : i32
          %parallel_loop3A_1858 = arith.index_cast %parallel_loop3A_1857 : i32 to index
          %parallel_loop3A_1859 = arith.index_cast %parallel_loop3A_1807 : i32 to index
          %parallel_loop3A_1860 = arith.constant 48 : index
          %parallel_loop3A_1861 = tpu.vector_load %arg14[%parallel_loop3A_1858, %parallel_loop3A_1859, %parallel_loop3A_1860] {strides = array<i32>} : memref<2x64x128xf32, #tpu.memory_space<vmem>>, vector<1x1x16xf32>,
          %parallel_loop3A_1862 = vector.shape_cast %parallel_loop3A_1861 : vector<1x1x16xf32> to vector<16xf32>
          %parallel_loop3A_1863 = vector.shape_cast %parallel_loop3A_1856 : vector<16xf32> to vector<1x1x16xf32>
          tpu.vector_store %arg14[%parallel_loop3A_1858, %parallel_loop3A_1859, %parallel_loop3A_1860], %parallel_loop3A_1863 {strides = array<i32>} : memref<2x64x128xf32, #tpu.memory_space<vmem>>, vector<1x1x16xf32>,
          %parallel_loop3A_1864 = arith.constant 0 : i32
          %parallel_loop3A_1865 = arith.index_cast %parallel_loop3A_1864 : i32 to index
          %parallel_loop3A_1866 = arith.index_cast %parallel_loop3A_1807 : i32 to index
          %parallel_loop3A_1867 = arith.constant 64 : index
          %parallel_loop3A_1868 = tpu.vector_load %arg14[%parallel_loop3A_1865, %parallel_loop3A_1866, %parallel_loop3A_1867] {strides = array<i32>} : memref<2x64x128xf32, #tpu.memory_space<vmem>>, vector<1x1x16xf32>,
          %parallel_loop3A_1869 = vector.shape_cast %parallel_loop3A_1868 : vector<1x1x16xf32> to vector<16xf32>
          %parallel_loop3A_1870 = arith.mulf %parallel_loop3A_1869, %parallel_loop3A_1803 : vector<16xf32>
          %parallel_loop3A_1871 = arith.constant 0 : i32
          %parallel_loop3A_1872 = arith.index_cast %parallel_loop3A_1871 : i32 to index
          %parallel_loop3A_1873 = arith.index_cast %parallel_loop3A_1807 : i32 to index
          %parallel_loop3A_1874 = arith.constant 64 : index
          %parallel_loop3A_1875 = tpu.vector_load %arg14[%parallel_loop3A_1872, %parallel_loop3A_1873, %parallel_loop3A_1874] {strides = array<i32>} : memref<2x64x128xf32, #tpu.memory_space<vmem>>, vector<1x1x16xf32>,
          %parallel_loop3A_1876 = vector.shape_cast %parallel_loop3A_1875 : vector<1x1x16xf32> to vector<16xf32>
          %parallel_loop3A_1877 = vector.shape_cast %parallel_loop3A_1870 : vector<16xf32> to vector<1x1x16xf32>
          tpu.vector_store %arg14[%parallel_loop3A_1872, %parallel_loop3A_1873, %parallel_loop3A_1874], %parallel_loop3A_1877 {strides = array<i32>} : memref<2x64x128xf32, #tpu.memory_space<vmem>>, vector<1x1x16xf32>,
          %parallel_loop3A_1878 = arith.constant 0 : i32
          %parallel_loop3A_1879 = arith.index_cast %parallel_loop3A_1878 : i32 to index
          %parallel_loop3A_1880 = arith.index_cast %parallel_loop3A_1807 : i32 to index
          %parallel_loop3A_1881 = arith.constant 80 : index
          %parallel_loop3A_1882 = tpu.vector_load %arg14[%parallel_loop3A_1879, %parallel_loop3A_1880, %parallel_loop3A_1881] {strides = array<i32>} : memref<2x64x128xf32, #tpu.memory_space<vmem>>, vector<1x1x16xf32>,
          %parallel_loop3A_1883 = vector.shape_cast %parallel_loop3A_1882 : vector<1x1x16xf32> to vector<16xf32>
          %parallel_loop3A_1884 = arith.mulf %parallel_loop3A_1883, %parallel_loop3A_1803 : vector<16xf32>
          %parallel_loop3A_1885 = arith.constant 0 : i32
          %parallel_loop3A_1886 = arith.index_cast %parallel_loop3A_1885 : i32 to index
          %parallel_loop3A_1887 = arith.index_cast %parallel_loop3A_1807 : i32 to index
          %parallel_loop3A_1888 = arith.constant 80 : index
          %parallel_loop3A_1889 = tpu.vector_load %arg14[%parallel_loop3A_1886, %parallel_loop3A_1887, %parallel_loop3A_1888] {strides = array<i32>} : memref<2x64x128xf32, #tpu.memory_space<vmem>>, vector<1x1x16xf32>,
          %parallel_loop3A_1890 = vector.shape_cast %parallel_loop3A_1889 : vector<1x1x16xf32> to vector<16xf32>
          %parallel_loop3A_1891 = vector.shape_cast %parallel_loop3A_1884 : vector<16xf32> to vector<1x1x16xf32>
          tpu.vector_store %arg14[%parallel_loop3A_1886, %parallel_loop3A_1887, %parallel_loop3A_1888], %parallel_loop3A_1891 {strides = array<i32>} : memref<2x64x128xf32, #tpu.memory_space<vmem>>, vector<1x1x16xf32>,
          %parallel_loop3A_1892 = arith.constant 0 : i32
          %parallel_loop3A_1893 = arith.index_cast %parallel_loop3A_1892 : i32 to index
          %parallel_loop3A_1894 = arith.index_cast %parallel_loop3A_1807 : i32 to index
          %parallel_loop3A_1895 = arith.constant 96 : index
          %parallel_loop3A_1896 = tpu.vector_load %arg14[%parallel_loop3A_1893, %parallel_loop3A_1894, %parallel_loop3A_1895] {strides = array<i32>} : memref<2x64x128xf32, #tpu.memory_space<vmem>>, vector<1x1x16xf32>,
          %parallel_loop3A_1897 = vector.shape_cast %parallel_loop3A_1896 : vector<1x1x16xf32> to vector<16xf32>
          %parallel_loop3A_1898 = arith.mulf %parallel_loop3A_1897, %parallel_loop3A_1803 : vector<16xf32>
          %parallel_loop3A_1899 = arith.constant 0 : i32
          %parallel_loop3A_1900 = arith.index_cast %parallel_loop3A_1899 : i32 to index
          %parallel_loop3A_1901 = arith.index_cast %parallel_loop3A_1807 : i32 to index
          %parallel_loop3A_1902 = arith.constant 96 : index
          %parallel_loop3A_1903 = tpu.vector_load %arg14[%parallel_loop3A_1900, %parallel_loop3A_1901, %parallel_loop3A_1902] {strides = array<i32>} : memref<2x64x128xf32, #tpu.memory_space<vmem>>, vector<1x1x16xf32>,
          %parallel_loop3A_1904 = vector.shape_cast %parallel_loop3A_1903 : vector<1x1x16xf32> to vector<16xf32>
          %parallel_loop3A_1905 = vector.shape_cast %parallel_loop3A_1898 : vector<16xf32> to vector<1x1x16xf32>
          tpu.vector_store %arg14[%parallel_loop3A_1900, %parallel_loop3A_1901, %parallel_loop3A_1902], %parallel_loop3A_1905 {strides = array<i32>} : memref<2x64x128xf32, #tpu.memory_space<vmem>>, vector<1x1x16xf32>,
          %parallel_loop3A_1906 = arith.constant 0 : i32
          %parallel_loop3A_1907 = arith.index_cast %parallel_loop3A_1906 : i32 to index
          %parallel_loop3A_1908 = arith.index_cast %parallel_loop3A_1807 : i32 to index
          %parallel_loop3A_1909 = arith.constant 112 : index
          %parallel_loop3A_1910 = tpu.vector_load %arg14[%parallel_loop3A_1907, %parallel_loop3A_1908, %parallel_loop3A_1909] {strides = array<i32>} : memref<2x64x128xf32, #tpu.memory_space<vmem>>, vector<1x1x16xf32>,
          %parallel_loop3A_1911 = vector.shape_cast %parallel_loop3A_1910 : vector<1x1x16xf32> to vector<16xf32>
          %parallel_loop3A_1912 = arith.mulf %parallel_loop3A_1911, %parallel_loop3A_1803 : vector<16xf32>
          %parallel_loop3A_1913 = arith.constant 0 : i32
          %parallel_loop3A_1914 = arith.index_cast %parallel_loop3A_1913 : i32 to index
          %parallel_loop3A_1915 = arith.index_cast %parallel_loop3A_1807 : i32 to index
          %parallel_loop3A_1916 = arith.constant 112 : index
          %parallel_loop3A_1917 = tpu.vector_load %arg14[%parallel_loop3A_1914, %parallel_loop3A_1915, %parallel_loop3A_1916] {strides = array<i32>} : memref<2x64x128xf32, #tpu.memory_space<vmem>>, vector<1x1x16xf32>,
          %parallel_loop3A_1918 = vector.shape_cast %parallel_loop3A_1917 : vector<1x1x16xf32> to vector<16xf32>
          %parallel_loop3A_1919 = vector.shape_cast %parallel_loop3A_1912 : vector<16xf32> to vector<1x1x16xf32>
          tpu.vector_store %arg14[%parallel_loop3A_1914, %parallel_loop3A_1915, %parallel_loop3A_1916], %parallel_loop3A_1919 {strides = array<i32>} : memref<2x64x128xf32, #tpu.memory_space<vmem>>, vector<1x1x16xf32>,
          %parallel_loop3A_1920 = arith.constant 15 : i32
          %parallel_loop3A_1921 = vector.broadcast %parallel_loop3A_1920 : i32 to vector<16x1xi32>
          %parallel_loop3A_1922 = vector.shape_cast %parallel_loop3A_1921 : vector<16x1xi32> to vector<16xi32>
          %parallel_loop3A_1923 = tpu.dynamic_gather %parallel_loop3A_119[%parallel_loop3A_1922] in [0] : vector<16xf32>, vector<16xi32> -> vector<16xf32>
          %parallel_loop3A_1924 = arith.constant 16 : i32
          %parallel_loop3A_1925 = arith.muli %parallel_loop3A_110, %parallel_loop3A_1924 : i32
          %parallel_loop3A_1926 = arith.constant 15 : i32
          %parallel_loop3A_1927 = arith.addi %parallel_loop3A_1925, %parallel_loop3A_1926 : i32
          %parallel_loop3A_1928 = arith.constant 0 : i32
          %parallel_loop3A_1929 = arith.index_cast %parallel_loop3A_1928 : i32 to index
          %parallel_loop3A_1930 = arith.index_cast %parallel_loop3A_1927 : i32 to index
          %parallel_loop3A_1931 = arith.constant 0 : index
          %parallel_loop3A_1932 = tpu.vector_load %arg14[%parallel_loop3A_1929, %parallel_loop3A_1930, %parallel_loop3A_1931] {strides = array<i32>} : memref<2x64x128xf32, #tpu.memory_space<vmem>>, vector<1x1x16xf32>,
          %parallel_loop3A_1933 = vector.shape_cast %parallel_loop3A_1932 : vector<1x1x16xf32> to vector<16xf32>
          %parallel_loop3A_1934 = arith.mulf %parallel_loop3A_1933, %parallel_loop3A_1923 : vector<16xf32>
          %parallel_loop3A_1935 = arith.constant 0 : i32
          %parallel_loop3A_1936 = arith.index_cast %parallel_loop3A_1935 : i32 to index
          %parallel_loop3A_1937 = arith.index_cast %parallel_loop3A_1927 : i32 to index
          %parallel_loop3A_1938 = arith.constant 0 : index
          %parallel_loop3A_1939 = tpu.vector_load %arg14[%parallel_loop3A_1936, %parallel_loop3A_1937, %parallel_loop3A_1938] {strides = array<i32>} : memref<2x64x128xf32, #tpu.memory_space<vmem>>, vector<1x1x16xf32>,
          %parallel_loop3A_1940 = vector.shape_cast %parallel_loop3A_1939 : vector<1x1x16xf32> to vector<16xf32>
          %parallel_loop3A_1941 = vector.shape_cast %parallel_loop3A_1934 : vector<16xf32> to vector<1x1x16xf32>
          tpu.vector_store %arg14[%parallel_loop3A_1936, %parallel_loop3A_1937, %parallel_loop3A_1938], %parallel_loop3A_1941 {strides = array<i32>} : memref<2x64x128xf32, #tpu.memory_space<vmem>>, vector<1x1x16xf32>,
          %parallel_loop3A_1942 = arith.constant 0 : i32
          %parallel_loop3A_1943 = arith.index_cast %parallel_loop3A_1942 : i32 to index
          %parallel_loop3A_1944 = arith.index_cast %parallel_loop3A_1927 : i32 to index
          %parallel_loop3A_1945 = arith.constant 16 : index
          %parallel_loop3A_1946 = tpu.vector_load %arg14[%parallel_loop3A_1943, %parallel_loop3A_1944, %parallel_loop3A_1945] {strides = array<i32>} : memref<2x64x128xf32, #tpu.memory_space<vmem>>, vector<1x1x16xf32>,
          %parallel_loop3A_1947 = vector.shape_cast %parallel_loop3A_1946 : vector<1x1x16xf32> to vector<16xf32>
          %parallel_loop3A_1948 = arith.mulf %parallel_loop3A_1947, %parallel_loop3A_1923 : vector<16xf32>
          %parallel_loop3A_1949 = arith.constant 0 : i32
          %parallel_loop3A_1950 = arith.index_cast %parallel_loop3A_1949 : i32 to index
          %parallel_loop3A_1951 = arith.index_cast %parallel_loop3A_1927 : i32 to index
          %parallel_loop3A_1952 = arith.constant 16 : index
          %parallel_loop3A_1953 = tpu.vector_load %arg14[%parallel_loop3A_1950, %parallel_loop3A_1951, %parallel_loop3A_1952] {strides = array<i32>} : memref<2x64x128xf32, #tpu.memory_space<vmem>>, vector<1x1x16xf32>,
          %parallel_loop3A_1954 = vector.shape_cast %parallel_loop3A_1953 : vector<1x1x16xf32> to vector<16xf32>
          %parallel_loop3A_1955 = vector.shape_cast %parallel_loop3A_1948 : vector<16xf32> to vector<1x1x16xf32>
          tpu.vector_store %arg14[%parallel_loop3A_1950, %parallel_loop3A_1951, %parallel_loop3A_1952], %parallel_loop3A_1955 {strides = array<i32>} : memref<2x64x128xf32, #tpu.memory_space<vmem>>, vector<1x1x16xf32>,
          %parallel_loop3A_1956 = arith.constant 0 : i32
          %parallel_loop3A_1957 = arith.index_cast %parallel_loop3A_1956 : i32 to index
          %parallel_loop3A_1958 = arith.index_cast %parallel_loop3A_1927 : i32 to index
          %parallel_loop3A_1959 = arith.constant 32 : index
          %parallel_loop3A_1960 = tpu.vector_load %arg14[%parallel_loop3A_1957, %parallel_loop3A_1958, %parallel_loop3A_1959] {strides = array<i32>} : memref<2x64x128xf32, #tpu.memory_space<vmem>>, vector<1x1x16xf32>,
          %parallel_loop3A_1961 = vector.shape_cast %parallel_loop3A_1960 : vector<1x1x16xf32> to vector<16xf32>
          %parallel_loop3A_1962 = arith.mulf %parallel_loop3A_1961, %parallel_loop3A_1923 : vector<16xf32>
          %parallel_loop3A_1963 = arith.constant 0 : i32
          %parallel_loop3A_1964 = arith.index_cast %parallel_loop3A_1963 : i32 to index
          %parallel_loop3A_1965 = arith.index_cast %parallel_loop3A_1927 : i32 to index
          %parallel_loop3A_1966 = arith.constant 32 : index
          %parallel_loop3A_1967 = tpu.vector_load %arg14[%parallel_loop3A_1964, %parallel_loop3A_1965, %parallel_loop3A_1966] {strides = array<i32>} : memref<2x64x128xf32, #tpu.memory_space<vmem>>, vector<1x1x16xf32>,
          %parallel_loop3A_1968 = vector.shape_cast %parallel_loop3A_1967 : vector<1x1x16xf32> to vector<16xf32>
          %parallel_loop3A_1969 = vector.shape_cast %parallel_loop3A_1962 : vector<16xf32> to vector<1x1x16xf32>
          tpu.vector_store %arg14[%parallel_loop3A_1964, %parallel_loop3A_1965, %parallel_loop3A_1966], %parallel_loop3A_1969 {strides = array<i32>} : memref<2x64x128xf32, #tpu.memory_space<vmem>>, vector<1x1x16xf32>,
          %parallel_loop3A_1970 = arith.constant 0 : i32
          %parallel_loop3A_1971 = arith.index_cast %parallel_loop3A_1970 : i32 to index
          %parallel_loop3A_1972 = arith.index_cast %parallel_loop3A_1927 : i32 to index
          %parallel_loop3A_1973 = arith.constant 48 : index
          %parallel_loop3A_1974 = tpu.vector_load %arg14[%parallel_loop3A_1971, %parallel_loop3A_1972, %parallel_loop3A_1973] {strides = array<i32>} : memref<2x64x128xf32, #tpu.memory_space<vmem>>, vector<1x1x16xf32>,
          %parallel_loop3A_1975 = vector.shape_cast %parallel_loop3A_1974 : vector<1x1x16xf32> to vector<16xf32>
          %parallel_loop3A_1976 = arith.mulf %parallel_loop3A_1975, %parallel_loop3A_1923 : vector<16xf32>
          %parallel_loop3A_1977 = arith.constant 0 : i32
          %parallel_loop3A_1978 = arith.index_cast %parallel_loop3A_1977 : i32 to index
          %parallel_loop3A_1979 = arith.index_cast %parallel_loop3A_1927 : i32 to index
          %parallel_loop3A_1980 = arith.constant 48 : index
          %parallel_loop3A_1981 = tpu.vector_load %arg14[%parallel_loop3A_1978, %parallel_loop3A_1979, %parallel_loop3A_1980] {strides = array<i32>} : memref<2x64x128xf32, #tpu.memory_space<vmem>>, vector<1x1x16xf32>,
          %parallel_loop3A_1982 = vector.shape_cast %parallel_loop3A_1981 : vector<1x1x16xf32> to vector<16xf32>
          %parallel_loop3A_1983 = vector.shape_cast %parallel_loop3A_1976 : vector<16xf32> to vector<1x1x16xf32>
          tpu.vector_store %arg14[%parallel_loop3A_1978, %parallel_loop3A_1979, %parallel_loop3A_1980], %parallel_loop3A_1983 {strides = array<i32>} : memref<2x64x128xf32, #tpu.memory_space<vmem>>, vector<1x1x16xf32>,
          %parallel_loop3A_1984 = arith.constant 0 : i32
          %parallel_loop3A_1985 = arith.index_cast %parallel_loop3A_1984 : i32 to index
          %parallel_loop3A_1986 = arith.index_cast %parallel_loop3A_1927 : i32 to index
          %parallel_loop3A_1987 = arith.constant 64 : index
          %parallel_loop3A_1988 = tpu.vector_load %arg14[%parallel_loop3A_1985, %parallel_loop3A_1986, %parallel_loop3A_1987] {strides = array<i32>} : memref<2x64x128xf32, #tpu.memory_space<vmem>>, vector<1x1x16xf32>,
          %parallel_loop3A_1989 = vector.shape_cast %parallel_loop3A_1988 : vector<1x1x16xf32> to vector<16xf32>
          %parallel_loop3A_1990 = arith.mulf %parallel_loop3A_1989, %parallel_loop3A_1923 : vector<16xf32>
          %parallel_loop3A_1991 = arith.constant 0 : i32
          %parallel_loop3A_1992 = arith.index_cast %parallel_loop3A_1991 : i32 to index
          %parallel_loop3A_1993 = arith.index_cast %parallel_loop3A_1927 : i32 to index
          %parallel_loop3A_1994 = arith.constant 64 : index
          %parallel_loop3A_1995 = tpu.vector_load %arg14[%parallel_loop3A_1992, %parallel_loop3A_1993, %parallel_loop3A_1994] {strides = array<i32>} : memref<2x64x128xf32, #tpu.memory_space<vmem>>, vector<1x1x16xf32>,
          %parallel_loop3A_1996 = vector.shape_cast %parallel_loop3A_1995 : vector<1x1x16xf32> to vector<16xf32>
          %parallel_loop3A_1997 = vector.shape_cast %parallel_loop3A_1990 : vector<16xf32> to vector<1x1x16xf32>
          tpu.vector_store %arg14[%parallel_loop3A_1992, %parallel_loop3A_1993, %parallel_loop3A_1994], %parallel_loop3A_1997 {strides = array<i32>} : memref<2x64x128xf32, #tpu.memory_space<vmem>>, vector<1x1x16xf32>,
          %parallel_loop3A_1998 = arith.constant 0 : i32
          %parallel_loop3A_1999 = arith.index_cast %parallel_loop3A_1998 : i32 to index
          %parallel_loop3A_2000 = arith.index_cast %parallel_loop3A_1927 : i32 to index
          %parallel_loop3A_2001 = arith.constant 80 : index
          %parallel_loop3A_2002 = tpu.vector_load %arg14[%parallel_loop3A_1999, %parallel_loop3A_2000, %parallel_loop3A_2001] {strides = array<i32>} : memref<2x64x128xf32, #tpu.memory_space<vmem>>, vector<1x1x16xf32>,
          %parallel_loop3A_2003 = vector.shape_cast %parallel_loop3A_2002 : vector<1x1x16xf32> to vector<16xf32>
          %parallel_loop3A_2004 = arith.mulf %parallel_loop3A_2003, %parallel_loop3A_1923 : vector<16xf32>
          %parallel_loop3A_2005 = arith.constant 0 : i32
          %parallel_loop3A_2006 = arith.index_cast %parallel_loop3A_2005 : i32 to index
          %parallel_loop3A_2007 = arith.index_cast %parallel_loop3A_1927 : i32 to index
          %parallel_loop3A_2008 = arith.constant 80 : index
          %parallel_loop3A_2009 = tpu.vector_load %arg14[%parallel_loop3A_2006, %parallel_loop3A_2007, %parallel_loop3A_2008] {strides = array<i32>} : memref<2x64x128xf32, #tpu.memory_space<vmem>>, vector<1x1x16xf32>,
          %parallel_loop3A_2010 = vector.shape_cast %parallel_loop3A_2009 : vector<1x1x16xf32> to vector<16xf32>
          %parallel_loop3A_2011 = vector.shape_cast %parallel_loop3A_2004 : vector<16xf32> to vector<1x1x16xf32>
          tpu.vector_store %arg14[%parallel_loop3A_2006, %parallel_loop3A_2007, %parallel_loop3A_2008], %parallel_loop3A_2011 {strides = array<i32>} : memref<2x64x128xf32, #tpu.memory_space<vmem>>, vector<1x1x16xf32>,
          %parallel_loop3A_2012 = arith.constant 0 : i32
          %parallel_loop3A_2013 = arith.index_cast %parallel_loop3A_2012 : i32 to index
          %parallel_loop3A_2014 = arith.index_cast %parallel_loop3A_1927 : i32 to index
          %parallel_loop3A_2015 = arith.constant 96 : index
          %parallel_loop3A_2016 = tpu.vector_load %arg14[%parallel_loop3A_2013, %parallel_loop3A_2014, %parallel_loop3A_2015] {strides = array<i32>} : memref<2x64x128xf32, #tpu.memory_space<vmem>>, vector<1x1x16xf32>,
          %parallel_loop3A_2017 = vector.shape_cast %parallel_loop3A_2016 : vector<1x1x16xf32> to vector<16xf32>
          %parallel_loop3A_2018 = arith.mulf %parallel_loop3A_2017, %parallel_loop3A_1923 : vector<16xf32>
          %parallel_loop3A_2019 = arith.constant 0 : i32
          %parallel_loop3A_2020 = arith.index_cast %parallel_loop3A_2019 : i32 to index
          %parallel_loop3A_2021 = arith.index_cast %parallel_loop3A_1927 : i32 to index
          %parallel_loop3A_2022 = arith.constant 96 : index
          %parallel_loop3A_2023 = tpu.vector_load %arg14[%parallel_loop3A_2020, %parallel_loop3A_2021, %parallel_loop3A_2022] {strides = array<i32>} : memref<2x64x128xf32, #tpu.memory_space<vmem>>, vector<1x1x16xf32>,
          %parallel_loop3A_2024 = vector.shape_cast %parallel_loop3A_2023 : vector<1x1x16xf32> to vector<16xf32>
          %parallel_loop3A_2025 = vector.shape_cast %parallel_loop3A_2018 : vector<16xf32> to vector<1x1x16xf32>
          tpu.vector_store %arg14[%parallel_loop3A_2020, %parallel_loop3A_2021, %parallel_loop3A_2022], %parallel_loop3A_2025 {strides = array<i32>} : memref<2x64x128xf32, #tpu.memory_space<vmem>>, vector<1x1x16xf32>,
          %parallel_loop3A_2026 = arith.constant 0 : i32
          %parallel_loop3A_2027 = arith.index_cast %parallel_loop3A_2026 : i32 to index
          %parallel_loop3A_2028 = arith.index_cast %parallel_loop3A_1927 : i32 to index
          %parallel_loop3A_2029 = arith.constant 112 : index
          %parallel_loop3A_2030 = tpu.vector_load %arg14[%parallel_loop3A_2027, %parallel_loop3A_2028, %parallel_loop3A_2029] {strides = array<i32>} : memref<2x64x128xf32, #tpu.memory_space<vmem>>, vector<1x1x16xf32>,
          %parallel_loop3A_2031 = vector.shape_cast %parallel_loop3A_2030 : vector<1x1x16xf32> to vector<16xf32>
          %parallel_loop3A_2032 = arith.mulf %parallel_loop3A_2031, %parallel_loop3A_1923 : vector<16xf32>
          %parallel_loop3A_2033 = arith.constant 0 : i32
          %parallel_loop3A_2034 = arith.index_cast %parallel_loop3A_2033 : i32 to index
          %parallel_loop3A_2035 = arith.index_cast %parallel_loop3A_1927 : i32 to index
          %parallel_loop3A_2036 = arith.constant 112 : index
          %parallel_loop3A_2037 = tpu.vector_load %arg14[%parallel_loop3A_2034, %parallel_loop3A_2035, %parallel_loop3A_2036] {strides = array<i32>} : memref<2x64x128xf32, #tpu.memory_space<vmem>>, vector<1x1x16xf32>,
          %parallel_loop3A_2038 = vector.shape_cast %parallel_loop3A_2037 : vector<1x1x16xf32> to vector<16xf32>
          %parallel_loop3A_2039 = vector.shape_cast %parallel_loop3A_2032 : vector<16xf32> to vector<1x1x16xf32>
          tpu.vector_store %arg14[%parallel_loop3A_2034, %parallel_loop3A_2035, %parallel_loop3A_2036], %parallel_loop3A_2039 {strides = array<i32>} : memref<2x64x128xf32, #tpu.memory_space<vmem>>, vector<1x1x16xf32>,
        } {sc.loop_unroll_factor = 2 : i64, sc.parallel_access}
        %run_scoped3A = arith.constant 0 : i32
        "tpu.region"() ({
          %run_scoped3A_110 = tpu.sem_alloc : memref<!tpu.dma_semaphore, #tpu.memory_space<semaphore_mem>>
          %dma_start3A_111 = arith.constant 0 : i32
          %dma_start3A_112 = arith.constant 0 : i32
          %dma_start3A_113 = tpu.memref_slice %arg14[%run_scoped3A, %dma_start3A_111, %dma_start3A_112] : memref<2x64x128xf32, #tpu.memory_space<vmem>> -> memref<1x64x128xf32, #tpu.memory_space<vmem>>
          %dma_start3A_114 = tpu.memref_squeeze %dma_start3A_113 : memref<1x64x128xf32, #tpu.memory_space<vmem>> -> memref<64x128xf32, #tpu.memory_space<vmem>>
          %dma_start3A_115 = arith.constant 0 : i32
          %dma_start3A_116 = tpu.memref_slice %arg12[%add3A_64, %dma_start3A_115] : memref<40x64xi32, #tpu.memory_space<vmem>> -> memref<1x64xi32, #tpu.memory_space<vmem>>
          %dma_start3A_117 = tpu.memref_squeeze %dma_start3A_116 : memref<1x64xi32, #tpu.memory_space<vmem>> -> memref<64xi32, #tpu.memory_space<vmem>>
          %dma_start3A_118 = arith.constant 0 : i32
          %dma_start3A_119 = arith.constant 0 : i32
          %dma_start3A_120 = tpu.memref_slice %arg16[%dma_start3A_118, %dma_start3A_119] : memref<10112x128xf32, #tpu.memory_space<vmem_shared>> -> memref<10112x128xf32, #tpu.memory_space<vmem_shared>>
          tpu.enqueue_indirect_dma source(%dma_start3A_114 : memref<64x128xf32, #tpu.memory_space<vmem>>) target(%dma_start3A_120 : memref<10112x128xf32, #tpu.memory_space<vmem_shared>>) offsets(%dma_start3A_117 : memref<64xi32, #tpu.memory_space<vmem>>) semaphore(%run_scoped3A_110 : memref<!tpu.dma_semaphore, #tpu.memory_space<semaphore_mem>>) {add = true}
          %dma_wait3A_121 = arith.constant 0 : i32
          %dma_wait3A_122 = arith.constant 0 : i32
          %dma_wait3A_123 = tpu.memref_slice %arg14[%run_scoped3A, %dma_wait3A_121, %dma_wait3A_122] : memref<2x64x128xf32, #tpu.memory_space<vmem>> -> memref<1x64x128xf32, #tpu.memory_space<vmem>>
          %dma_wait3A_124 = tpu.memref_squeeze %dma_wait3A_123 : memref<1x64x128xf32, #tpu.memory_space<vmem>> -> memref<64x128xf32, #tpu.memory_space<vmem>>
          %dma_wait3A_125 = arith.constant 0 : i32
          %dma_wait3A_126 = tpu.memref_slice %arg12[%add3A_64, %dma_wait3A_125] : memref<40x64xi32, #tpu.memory_space<vmem>> -> memref<1x64xi32, #tpu.memory_space<vmem>>
          %dma_wait3A_127 = tpu.memref_squeeze %dma_wait3A_126 : memref<1x64xi32, #tpu.memory_space<vmem>> -> memref<64xi32, #tpu.memory_space<vmem>>
          %dma_wait3A_128 = arith.constant 0 : i32
          %dma_wait3A_129 = arith.constant 0 : i32
          %dma_wait3A_130 = tpu.memref_slice %arg16[%dma_wait3A_128, %dma_wait3A_129] : memref<10112x128xf32, #tpu.memory_space<vmem_shared>> -> memref<10112x128xf32, #tpu.memory_space<vmem_shared>>
          tpu.wait_indirect_dma semaphore(%run_scoped3A_110 : memref<!tpu.dma_semaphore, #tpu.memory_space<semaphore_mem>>) src(%dma_wait3A_124 : memref<64x128xf32, #tpu.memory_space<vmem>>) dst(%dma_wait3A_130 : memref<10112x128xf32, #tpu.memory_space<vmem_shared>>)
          tpu.yield
        }) : () -> ()
        %lt3A = arith.constant 19 : i32
        %lt3A_79 = arith.cmpi slt, %scan3A_60, %lt3A : i32
        %convert_element_type3A_80 = arith.extui %lt3A_79 : i1 to i32
        %cond3A_81 = arith.constant 0 : i32
        %cond3A_82 = arith.cmpi ne, %convert_element_type3A_80, %cond3A_81 : i32
        scf.if %cond3A_82 {
          %add3A_110 = arith.constant 2 : i32
          %add3A_111 = arith.addi %add3A_64, %add3A_110 : i32
          %dma_start3A_112 = arith.constant 0 : i32
          %dma_start3A_113 = arith.constant 0 : i32
          %dma_start3A_114 = arith.constant 0 : i32
          %dma_start3A_115 = tpu.memref_slice %arg14[%dma_start3A_112, %dma_start3A_113, %dma_start3A_114] : memref<2x64x128xf32, #tpu.memory_space<vmem>> -> memref<1x64x128xf32, #tpu.memory_space<vmem>>
          %dma_start3A_116 = tpu.memref_squeeze %dma_start3A_115 : memref<1x64x128xf32, #tpu.memory_space<vmem>> -> memref<64x128xf32, #tpu.memory_space<vmem>>
          %dma_start3A_117 = arith.constant 0 : i32
          %dma_start3A_118 = tpu.memref_slice %arg11[%add3A_111, %dma_start3A_117] : memref<40x64xi32, #tpu.memory_space<vmem>> -> memref<1x64xi32, #tpu.memory_space<vmem>>
          %dma_start3A_119 = tpu.memref_squeeze %dma_start3A_118 : memref<1x64xi32, #tpu.memory_space<vmem>> -> memref<64xi32, #tpu.memory_space<vmem>>
          %dma_start3A_120 = arith.constant 0 : i32
          %dma_start3A_121 = arith.constant 0 : i32
          %dma_start3A_122 = tpu.memref_slice %arg2[%dma_start3A_120, %dma_start3A_121] : memref<10112x128xf32, #tpu.memory_space<hbm>> -> memref<10112x128xf32, #tpu.memory_space<hbm>>
          tpu.enqueue_indirect_dma source(%dma_start3A_122 : memref<10112x128xf32, #tpu.memory_space<hbm>>) target(%dma_start3A_116 : memref<64x128xf32, #tpu.memory_space<vmem>>) offsets(%dma_start3A_119 : memref<64xi32, #tpu.memory_space<vmem>>) semaphore(%arg17 : memref<!tpu.dma_semaphore, #tpu.memory_space<semaphore_mem>>)
        } else {
        }
        %mul3A_83 = arith.constant 2 : i32
        %mul3A_84 = arith.muli %scan3A_60, %mul3A_83 : i32
        %add3A_85 = arith.constant 1 : i32
        %add3A_86 = arith.addi %mul3A_84, %add3A_85 : i32
        %dma_wait3A_87 = arith.constant 1 : i32
        %dma_wait3A_88 = arith.constant 0 : i32
        %dma_wait3A_89 = arith.constant 0 : i32
        %dma_wait3A_90 = tpu.memref_slice %arg14[%dma_wait3A_87, %dma_wait3A_88, %dma_wait3A_89] : memref<2x64x128xf32, #tpu.memory_space<vmem>> -> memref<1x64x128xf32, #tpu.memory_space<vmem>>
        %dma_wait3A_91 = tpu.memref_squeeze %dma_wait3A_90 : memref<1x64x128xf32, #tpu.memory_space<vmem>> -> memref<64x128xf32, #tpu.memory_space<vmem>>
        %dma_wait3A_92 = arith.constant 0 : i32
        %dma_wait3A_93 = tpu.memref_slice %arg11[%add3A_86, %dma_wait3A_92] : memref<40x64xi32, #tpu.memory_space<vmem>> -> memref<1x64xi32, #tpu.memory_space<vmem>>
        %dma_wait3A_94 = tpu.memref_squeeze %dma_wait3A_93 : memref<1x64xi32, #tpu.memory_space<vmem>> -> memref<64xi32, #tpu.memory_space<vmem>>
        %dma_wait3A_95 = arith.constant 0 : i32
        %dma_wait3A_96 = arith.constant 0 : i32
        %dma_wait3A_97 = tpu.memref_slice %arg2[%dma_wait3A_95, %dma_wait3A_96] : memref<10112x128xf32, #tpu.memory_space<hbm>> -> memref<10112x128xf32, #tpu.memory_space<hbm>>
        tpu.wait_indirect_dma semaphore(%arg18 : memref<!tpu.dma_semaphore, #tpu.memory_space<semaphore_mem>>) src(%dma_wait3A_97 : memref<10112x128xf32, #tpu.memory_space<hbm>>) dst(%dma_wait3A_91 : memref<64x128xf32, #tpu.memory_space<vmem>>)
        %get3A_98 = arith.constant 0 : index
        %get3A_99 = tpu.vector_load %arg15[%get3A_98] {strides = array<i32>} : memref<16xf32, #tpu.memory_space<vmem>>, vector<16xf32>,
        %get3A_100 = vector.shape_cast %get3A_99 : vector<16xf32> to vector<16xf32>
        %parallel_loop3A_101 = arith.constant 0 : i32
        %parallel_loop3A_102 = arith.constant 4 : i32
        %parallel_loop3A_103 = arith.constant 1 : i32
        scf.for %parallel_loop3A_110 = %parallel_loop3A_101 to %parallel_loop3A_102 step %parallel_loop3A_103  : i32 {
          %parallel_loop3A_111 = arith.constant 16 : i32
          %parallel_loop3A_112 = arith.muli %parallel_loop3A_110, %parallel_loop3A_111 : i32
          %parallel_loop3A_113 = arith.index_cast %add3A_86 : i32 to index
          %parallel_loop3A_114 = arith.index_cast %parallel_loop3A_112 : i32 to index
          %parallel_loop3A_115 = tpu.vector_load %arg13[%parallel_loop3A_113, %parallel_loop3A_114] {strides = array<i32>} : memref<40x64xf32, #tpu.memory_space<vmem>>, vector<1x16xf32>,
          %parallel_loop3A_116 = vector.shape_cast %parallel_loop3A_115 : vector<1x16xf32> to vector<16xf32>
          %parallel_loop3A_117 = arith.mulf %parallel_loop3A_116, %parallel_loop3A_116 : vector<16xf32>
          %parallel_loop3A_118 = arith.mulf %parallel_loop3A_117, %get3A_100 : vector<16xf32>
          %parallel_loop3A_119 = math.exp %parallel_loop3A_118 : vector<16xf32>
          %parallel_loop3A_120 = arith.constant 0 : i32
          %parallel_loop3A_121 = vector.broadcast %parallel_loop3A_120 : i32 to vector<16x1xi32>
          %parallel_loop3A_122 = vector.shape_cast %parallel_loop3A_121 : vector<16x1xi32> to vector<16xi32>
          %parallel_loop3A_123 = tpu.dynamic_gather %parallel_loop3A_119[%parallel_loop3A_122] in [0] : vector<16xf32>, vector<16xi32> -> vector<16xf32>
          %parallel_loop3A_124 = arith.constant 16 : i32
          %parallel_loop3A_125 = arith.muli %parallel_loop3A_110, %parallel_loop3A_124 : i32
          %parallel_loop3A_126 = arith.constant 0 : i32
          %parallel_loop3A_127 = arith.addi %parallel_loop3A_125, %parallel_loop3A_126 : i32
          %parallel_loop3A_128 = arith.constant 1 : i32
          %parallel_loop3A_129 = arith.index_cast %parallel_loop3A_128 : i32 to index
          %parallel_loop3A_130 = arith.index_cast %parallel_loop3A_127 : i32 to index
          %parallel_loop3A_131 = arith.constant 0 : index
          %parallel_loop3A_132 = tpu.vector_load %arg14[%parallel_loop3A_129, %parallel_loop3A_130, %parallel_loop3A_131] {strides = array<i32>} : memref<2x64x128xf32, #tpu.memory_space<vmem>>, vector<1x1x16xf32>,
          %parallel_loop3A_133 = vector.shape_cast %parallel_loop3A_132 : vector<1x1x16xf32> to vector<16xf32>
          %parallel_loop3A_134 = arith.mulf %parallel_loop3A_133, %parallel_loop3A_123 : vector<16xf32>
          %parallel_loop3A_135 = arith.constant 1 : i32
          %parallel_loop3A_136 = arith.index_cast %parallel_loop3A_135 : i32 to index
          %parallel_loop3A_137 = arith.index_cast %parallel_loop3A_127 : i32 to index
          %parallel_loop3A_138 = arith.constant 0 : index
          %parallel_loop3A_139 = tpu.vector_load %arg14[%parallel_loop3A_136, %parallel_loop3A_137, %parallel_loop3A_138] {strides = array<i32>} : memref<2x64x128xf32, #tpu.memory_space<vmem>>, vector<1x1x16xf32>,
          %parallel_loop3A_140 = vector.shape_cast %parallel_loop3A_139 : vector<1x1x16xf32> to vector<16xf32>
          %parallel_loop3A_141 = vector.shape_cast %parallel_loop3A_134 : vector<16xf32> to vector<1x1x16xf32>
          tpu.vector_store %arg14[%parallel_loop3A_136, %parallel_loop3A_137, %parallel_loop3A_138], %parallel_loop3A_141 {strides = array<i32>} : memref<2x64x128xf32, #tpu.memory_space<vmem>>, vector<1x1x16xf32>,
          %parallel_loop3A_142 = arith.constant 1 : i32
          %parallel_loop3A_143 = arith.index_cast %parallel_loop3A_142 : i32 to index
          %parallel_loop3A_144 = arith.index_cast %parallel_loop3A_127 : i32 to index
          %parallel_loop3A_145 = arith.constant 16 : index
          %parallel_loop3A_146 = tpu.vector_load %arg14[%parallel_loop3A_143, %parallel_loop3A_144, %parallel_loop3A_145] {strides = array<i32>} : memref<2x64x128xf32, #tpu.memory_space<vmem>>, vector<1x1x16xf32>,
          %parallel_loop3A_147 = vector.shape_cast %parallel_loop3A_146 : vector<1x1x16xf32> to vector<16xf32>
          %parallel_loop3A_148 = arith.mulf %parallel_loop3A_147, %parallel_loop3A_123 : vector<16xf32>
          %parallel_loop3A_149 = arith.constant 1 : i32
          %parallel_loop3A_150 = arith.index_cast %parallel_loop3A_149 : i32 to index
          %parallel_loop3A_151 = arith.index_cast %parallel_loop3A_127 : i32 to index
          %parallel_loop3A_152 = arith.constant 16 : index
          %parallel_loop3A_153 = tpu.vector_load %arg14[%parallel_loop3A_150, %parallel_loop3A_151, %parallel_loop3A_152] {strides = array<i32>} : memref<2x64x128xf32, #tpu.memory_space<vmem>>, vector<1x1x16xf32>,
          %parallel_loop3A_154 = vector.shape_cast %parallel_loop3A_153 : vector<1x1x16xf32> to vector<16xf32>
          %parallel_loop3A_155 = vector.shape_cast %parallel_loop3A_148 : vector<16xf32> to vector<1x1x16xf32>
          tpu.vector_store %arg14[%parallel_loop3A_150, %parallel_loop3A_151, %parallel_loop3A_152], %parallel_loop3A_155 {strides = array<i32>} : memref<2x64x128xf32, #tpu.memory_space<vmem>>, vector<1x1x16xf32>,
          %parallel_loop3A_156 = arith.constant 1 : i32
          %parallel_loop3A_157 = arith.index_cast %parallel_loop3A_156 : i32 to index
          %parallel_loop3A_158 = arith.index_cast %parallel_loop3A_127 : i32 to index
          %parallel_loop3A_159 = arith.constant 32 : index
          %parallel_loop3A_160 = tpu.vector_load %arg14[%parallel_loop3A_157, %parallel_loop3A_158, %parallel_loop3A_159] {strides = array<i32>} : memref<2x64x128xf32, #tpu.memory_space<vmem>>, vector<1x1x16xf32>,
          %parallel_loop3A_161 = vector.shape_cast %parallel_loop3A_160 : vector<1x1x16xf32> to vector<16xf32>
          %parallel_loop3A_162 = arith.mulf %parallel_loop3A_161, %parallel_loop3A_123 : vector<16xf32>
          %parallel_loop3A_163 = arith.constant 1 : i32
          %parallel_loop3A_164 = arith.index_cast %parallel_loop3A_163 : i32 to index
          %parallel_loop3A_165 = arith.index_cast %parallel_loop3A_127 : i32 to index
          %parallel_loop3A_166 = arith.constant 32 : index
          %parallel_loop3A_167 = tpu.vector_load %arg14[%parallel_loop3A_164, %parallel_loop3A_165, %parallel_loop3A_166] {strides = array<i32>} : memref<2x64x128xf32, #tpu.memory_space<vmem>>, vector<1x1x16xf32>,
          %parallel_loop3A_168 = vector.shape_cast %parallel_loop3A_167 : vector<1x1x16xf32> to vector<16xf32>
          %parallel_loop3A_169 = vector.shape_cast %parallel_loop3A_162 : vector<16xf32> to vector<1x1x16xf32>
          tpu.vector_store %arg14[%parallel_loop3A_164, %parallel_loop3A_165, %parallel_loop3A_166], %parallel_loop3A_169 {strides = array<i32>} : memref<2x64x128xf32, #tpu.memory_space<vmem>>, vector<1x1x16xf32>,
          %parallel_loop3A_170 = arith.constant 1 : i32
          %parallel_loop3A_171 = arith.index_cast %parallel_loop3A_170 : i32 to index
          %parallel_loop3A_172 = arith.index_cast %parallel_loop3A_127 : i32 to index
          %parallel_loop3A_173 = arith.constant 48 : index
          %parallel_loop3A_174 = tpu.vector_load %arg14[%parallel_loop3A_171, %parallel_loop3A_172, %parallel_loop3A_173] {strides = array<i32>} : memref<2x64x128xf32, #tpu.memory_space<vmem>>, vector<1x1x16xf32>,
          %parallel_loop3A_175 = vector.shape_cast %parallel_loop3A_174 : vector<1x1x16xf32> to vector<16xf32>
          %parallel_loop3A_176 = arith.mulf %parallel_loop3A_175, %parallel_loop3A_123 : vector<16xf32>
          %parallel_loop3A_177 = arith.constant 1 : i32
          %parallel_loop3A_178 = arith.index_cast %parallel_loop3A_177 : i32 to index
          %parallel_loop3A_179 = arith.index_cast %parallel_loop3A_127 : i32 to index
          %parallel_loop3A_180 = arith.constant 48 : index
          %parallel_loop3A_181 = tpu.vector_load %arg14[%parallel_loop3A_178, %parallel_loop3A_179, %parallel_loop3A_180] {strides = array<i32>} : memref<2x64x128xf32, #tpu.memory_space<vmem>>, vector<1x1x16xf32>,
          %parallel_loop3A_182 = vector.shape_cast %parallel_loop3A_181 : vector<1x1x16xf32> to vector<16xf32>
          %parallel_loop3A_183 = vector.shape_cast %parallel_loop3A_176 : vector<16xf32> to vector<1x1x16xf32>
          tpu.vector_store %arg14[%parallel_loop3A_178, %parallel_loop3A_179, %parallel_loop3A_180], %parallel_loop3A_183 {strides = array<i32>} : memref<2x64x128xf32, #tpu.memory_space<vmem>>, vector<1x1x16xf32>,
          %parallel_loop3A_184 = arith.constant 1 : i32
          %parallel_loop3A_185 = arith.index_cast %parallel_loop3A_184 : i32 to index
          %parallel_loop3A_186 = arith.index_cast %parallel_loop3A_127 : i32 to index
          %parallel_loop3A_187 = arith.constant 64 : index
          %parallel_loop3A_188 = tpu.vector_load %arg14[%parallel_loop3A_185, %parallel_loop3A_186, %parallel_loop3A_187] {strides = array<i32>} : memref<2x64x128xf32, #tpu.memory_space<vmem>>, vector<1x1x16xf32>,
          %parallel_loop3A_189 = vector.shape_cast %parallel_loop3A_188 : vector<1x1x16xf32> to vector<16xf32>
          %parallel_loop3A_190 = arith.mulf %parallel_loop3A_189, %parallel_loop3A_123 : vector<16xf32>
          %parallel_loop3A_191 = arith.constant 1 : i32
          %parallel_loop3A_192 = arith.index_cast %parallel_loop3A_191 : i32 to index
          %parallel_loop3A_193 = arith.index_cast %parallel_loop3A_127 : i32 to index
          %parallel_loop3A_194 = arith.constant 64 : index
          %parallel_loop3A_195 = tpu.vector_load %arg14[%parallel_loop3A_192, %parallel_loop3A_193, %parallel_loop3A_194] {strides = array<i32>} : memref<2x64x128xf32, #tpu.memory_space<vmem>>, vector<1x1x16xf32>,
          %parallel_loop3A_196 = vector.shape_cast %parallel_loop3A_195 : vector<1x1x16xf32> to vector<16xf32>
          %parallel_loop3A_197 = vector.shape_cast %parallel_loop3A_190 : vector<16xf32> to vector<1x1x16xf32>
          tpu.vector_store %arg14[%parallel_loop3A_192, %parallel_loop3A_193, %parallel_loop3A_194], %parallel_loop3A_197 {strides = array<i32>} : memref<2x64x128xf32, #tpu.memory_space<vmem>>, vector<1x1x16xf32>,
          %parallel_loop3A_198 = arith.constant 1 : i32
          %parallel_loop3A_199 = arith.index_cast %parallel_loop3A_198 : i32 to index
          %parallel_loop3A_200 = arith.index_cast %parallel_loop3A_127 : i32 to index
          %parallel_loop3A_201 = arith.constant 80 : index
          %parallel_loop3A_202 = tpu.vector_load %arg14[%parallel_loop3A_199, %parallel_loop3A_200, %parallel_loop3A_201] {strides = array<i32>} : memref<2x64x128xf32, #tpu.memory_space<vmem>>, vector<1x1x16xf32>,
          %parallel_loop3A_203 = vector.shape_cast %parallel_loop3A_202 : vector<1x1x16xf32> to vector<16xf32>
          %parallel_loop3A_204 = arith.mulf %parallel_loop3A_203, %parallel_loop3A_123 : vector<16xf32>
          %parallel_loop3A_205 = arith.constant 1 : i32
          %parallel_loop3A_206 = arith.index_cast %parallel_loop3A_205 : i32 to index
          %parallel_loop3A_207 = arith.index_cast %parallel_loop3A_127 : i32 to index
          %parallel_loop3A_208 = arith.constant 80 : index
          %parallel_loop3A_209 = tpu.vector_load %arg14[%parallel_loop3A_206, %parallel_loop3A_207, %parallel_loop3A_208] {strides = array<i32>} : memref<2x64x128xf32, #tpu.memory_space<vmem>>, vector<1x1x16xf32>,
          %parallel_loop3A_210 = vector.shape_cast %parallel_loop3A_209 : vector<1x1x16xf32> to vector<16xf32>
          %parallel_loop3A_211 = vector.shape_cast %parallel_loop3A_204 : vector<16xf32> to vector<1x1x16xf32>
          tpu.vector_store %arg14[%parallel_loop3A_206, %parallel_loop3A_207, %parallel_loop3A_208], %parallel_loop3A_211 {strides = array<i32>} : memref<2x64x128xf32, #tpu.memory_space<vmem>>, vector<1x1x16xf32>,
          %parallel_loop3A_212 = arith.constant 1 : i32
          %parallel_loop3A_213 = arith.index_cast %parallel_loop3A_212 : i32 to index
          %parallel_loop3A_214 = arith.index_cast %parallel_loop3A_127 : i32 to index
          %parallel_loop3A_215 = arith.constant 96 : index
          %parallel_loop3A_216 = tpu.vector_load %arg14[%parallel_loop3A_213, %parallel_loop3A_214, %parallel_loop3A_215] {strides = array<i32>} : memref<2x64x128xf32, #tpu.memory_space<vmem>>, vector<1x1x16xf32>,
          %parallel_loop3A_217 = vector.shape_cast %parallel_loop3A_216 : vector<1x1x16xf32> to vector<16xf32>
          %parallel_loop3A_218 = arith.mulf %parallel_loop3A_217, %parallel_loop3A_123 : vector<16xf32>
          %parallel_loop3A_219 = arith.constant 1 : i32
          %parallel_loop3A_220 = arith.index_cast %parallel_loop3A_219 : i32 to index
          %parallel_loop3A_221 = arith.index_cast %parallel_loop3A_127 : i32 to index
          %parallel_loop3A_222 = arith.constant 96 : index
          %parallel_loop3A_223 = tpu.vector_load %arg14[%parallel_loop3A_220, %parallel_loop3A_221, %parallel_loop3A_222] {strides = array<i32>} : memref<2x64x128xf32, #tpu.memory_space<vmem>>, vector<1x1x16xf32>,
          %parallel_loop3A_224 = vector.shape_cast %parallel_loop3A_223 : vector<1x1x16xf32> to vector<16xf32>
          %parallel_loop3A_225 = vector.shape_cast %parallel_loop3A_218 : vector<16xf32> to vector<1x1x16xf32>
          tpu.vector_store %arg14[%parallel_loop3A_220, %parallel_loop3A_221, %parallel_loop3A_222], %parallel_loop3A_225 {strides = array<i32>} : memref<2x64x128xf32, #tpu.memory_space<vmem>>, vector<1x1x16xf32>,
          %parallel_loop3A_226 = arith.constant 1 : i32
          %parallel_loop3A_227 = arith.index_cast %parallel_loop3A_226 : i32 to index
          %parallel_loop3A_228 = arith.index_cast %parallel_loop3A_127 : i32 to index
          %parallel_loop3A_229 = arith.constant 112 : index
          %parallel_loop3A_230 = tpu.vector_load %arg14[%parallel_loop3A_227, %parallel_loop3A_228, %parallel_loop3A_229] {strides = array<i32>} : memref<2x64x128xf32, #tpu.memory_space<vmem>>, vector<1x1x16xf32>,
          %parallel_loop3A_231 = vector.shape_cast %parallel_loop3A_230 : vector<1x1x16xf32> to vector<16xf32>
          %parallel_loop3A_232 = arith.mulf %parallel_loop3A_231, %parallel_loop3A_123 : vector<16xf32>
          %parallel_loop3A_233 = arith.constant 1 : i32
          %parallel_loop3A_234 = arith.index_cast %parallel_loop3A_233 : i32 to index
          %parallel_loop3A_235 = arith.index_cast %parallel_loop3A_127 : i32 to index
          %parallel_loop3A_236 = arith.constant 112 : index
          %parallel_loop3A_237 = tpu.vector_load %arg14[%parallel_loop3A_234, %parallel_loop3A_235, %parallel_loop3A_236] {strides = array<i32>} : memref<2x64x128xf32, #tpu.memory_space<vmem>>, vector<1x1x16xf32>,
          %parallel_loop3A_238 = vector.shape_cast %parallel_loop3A_237 : vector<1x1x16xf32> to vector<16xf32>
          %parallel_loop3A_239 = vector.shape_cast %parallel_loop3A_232 : vector<16xf32> to vector<1x1x16xf32>
          tpu.vector_store %arg14[%parallel_loop3A_234, %parallel_loop3A_235, %parallel_loop3A_236], %parallel_loop3A_239 {strides = array<i32>} : memref<2x64x128xf32, #tpu.memory_space<vmem>>, vector<1x1x16xf32>,
          %parallel_loop3A_240 = arith.constant 1 : i32
          %parallel_loop3A_241 = vector.broadcast %parallel_loop3A_240 : i32 to vector<16x1xi32>
          %parallel_loop3A_242 = vector.shape_cast %parallel_loop3A_241 : vector<16x1xi32> to vector<16xi32>
          %parallel_loop3A_243 = tpu.dynamic_gather %parallel_loop3A_119[%parallel_loop3A_242] in [0] : vector<16xf32>, vector<16xi32> -> vector<16xf32>
          %parallel_loop3A_244 = arith.constant 16 : i32
          %parallel_loop3A_245 = arith.muli %parallel_loop3A_110, %parallel_loop3A_244 : i32
          %parallel_loop3A_246 = arith.constant 1 : i32
          %parallel_loop3A_247 = arith.addi %parallel_loop3A_245, %parallel_loop3A_246 : i32
          %parallel_loop3A_248 = arith.constant 1 : i32
          %parallel_loop3A_249 = arith.index_cast %parallel_loop3A_248 : i32 to index
          %parallel_loop3A_250 = arith.index_cast %parallel_loop3A_247 : i32 to index
          %parallel_loop3A_251 = arith.constant 0 : index
          %parallel_loop3A_252 = tpu.vector_load %arg14[%parallel_loop3A_249, %parallel_loop3A_250, %parallel_loop3A_251] {strides = array<i32>} : memref<2x64x128xf32, #tpu.memory_space<vmem>>, vector<1x1x16xf32>,
          %parallel_loop3A_253 = vector.shape_cast %parallel_loop3A_252 : vector<1x1x16xf32> to vector<16xf32>
          %parallel_loop3A_254 = arith.mulf %parallel_loop3A_253, %parallel_loop3A_243 : vector<16xf32>
          %parallel_loop3A_255 = arith.constant 1 : i32
          %parallel_loop3A_256 = arith.index_cast %parallel_loop3A_255 : i32 to index
          %parallel_loop3A_257 = arith.index_cast %parallel_loop3A_247 : i32 to index
          %parallel_loop3A_258 = arith.constant 0 : index
          %parallel_loop3A_259 = tpu.vector_load %arg14[%parallel_loop3A_256, %parallel_loop3A_257, %parallel_loop3A_258] {strides = array<i32>} : memref<2x64x128xf32, #tpu.memory_space<vmem>>, vector<1x1x16xf32>,
          %parallel_loop3A_260 = vector.shape_cast %parallel_loop3A_259 : vector<1x1x16xf32> to vector<16xf32>
          %parallel_loop3A_261 = vector.shape_cast %parallel_loop3A_254 : vector<16xf32> to vector<1x1x16xf32>
          tpu.vector_store %arg14[%parallel_loop3A_256, %parallel_loop3A_257, %parallel_loop3A_258], %parallel_loop3A_261 {strides = array<i32>} : memref<2x64x128xf32, #tpu.memory_space<vmem>>, vector<1x1x16xf32>,
          %parallel_loop3A_262 = arith.constant 1 : i32
          %parallel_loop3A_263 = arith.index_cast %parallel_loop3A_262 : i32 to index
          %parallel_loop3A_264 = arith.index_cast %parallel_loop3A_247 : i32 to index
          %parallel_loop3A_265 = arith.constant 16 : index
          %parallel_loop3A_266 = tpu.vector_load %arg14[%parallel_loop3A_263, %parallel_loop3A_264, %parallel_loop3A_265] {strides = array<i32>} : memref<2x64x128xf32, #tpu.memory_space<vmem>>, vector<1x1x16xf32>,
          %parallel_loop3A_267 = vector.shape_cast %parallel_loop3A_266 : vector<1x1x16xf32> to vector<16xf32>
          %parallel_loop3A_268 = arith.mulf %parallel_loop3A_267, %parallel_loop3A_243 : vector<16xf32>
          %parallel_loop3A_269 = arith.constant 1 : i32
          %parallel_loop3A_270 = arith.index_cast %parallel_loop3A_269 : i32 to index
          %parallel_loop3A_271 = arith.index_cast %parallel_loop3A_247 : i32 to index
          %parallel_loop3A_272 = arith.constant 16 : index
          %parallel_loop3A_273 = tpu.vector_load %arg14[%parallel_loop3A_270, %parallel_loop3A_271, %parallel_loop3A_272] {strides = array<i32>} : memref<2x64x128xf32, #tpu.memory_space<vmem>>, vector<1x1x16xf32>,
          %parallel_loop3A_274 = vector.shape_cast %parallel_loop3A_273 : vector<1x1x16xf32> to vector<16xf32>
          %parallel_loop3A_275 = vector.shape_cast %parallel_loop3A_268 : vector<16xf32> to vector<1x1x16xf32>
          tpu.vector_store %arg14[%parallel_loop3A_270, %parallel_loop3A_271, %parallel_loop3A_272], %parallel_loop3A_275 {strides = array<i32>} : memref<2x64x128xf32, #tpu.memory_space<vmem>>, vector<1x1x16xf32>,
          %parallel_loop3A_276 = arith.constant 1 : i32
          %parallel_loop3A_277 = arith.index_cast %parallel_loop3A_276 : i32 to index
          %parallel_loop3A_278 = arith.index_cast %parallel_loop3A_247 : i32 to index
          %parallel_loop3A_279 = arith.constant 32 : index
          %parallel_loop3A_280 = tpu.vector_load %arg14[%parallel_loop3A_277, %parallel_loop3A_278, %parallel_loop3A_279] {strides = array<i32>} : memref<2x64x128xf32, #tpu.memory_space<vmem>>, vector<1x1x16xf32>,
          %parallel_loop3A_281 = vector.shape_cast %parallel_loop3A_280 : vector<1x1x16xf32> to vector<16xf32>
          %parallel_loop3A_282 = arith.mulf %parallel_loop3A_281, %parallel_loop3A_243 : vector<16xf32>
          %parallel_loop3A_283 = arith.constant 1 : i32
          %parallel_loop3A_284 = arith.index_cast %parallel_loop3A_283 : i32 to index
          %parallel_loop3A_285 = arith.index_cast %parallel_loop3A_247 : i32 to index
          %parallel_loop3A_286 = arith.constant 32 : index
          %parallel_loop3A_287 = tpu.vector_load %arg14[%parallel_loop3A_284, %parallel_loop3A_285, %parallel_loop3A_286] {strides = array<i32>} : memref<2x64x128xf32, #tpu.memory_space<vmem>>, vector<1x1x16xf32>,
          %parallel_loop3A_288 = vector.shape_cast %parallel_loop3A_287 : vector<1x1x16xf32> to vector<16xf32>
          %parallel_loop3A_289 = vector.shape_cast %parallel_loop3A_282 : vector<16xf32> to vector<1x1x16xf32>
          tpu.vector_store %arg14[%parallel_loop3A_284, %parallel_loop3A_285, %parallel_loop3A_286], %parallel_loop3A_289 {strides = array<i32>} : memref<2x64x128xf32, #tpu.memory_space<vmem>>, vector<1x1x16xf32>,
          %parallel_loop3A_290 = arith.constant 1 : i32
          %parallel_loop3A_291 = arith.index_cast %parallel_loop3A_290 : i32 to index
          %parallel_loop3A_292 = arith.index_cast %parallel_loop3A_247 : i32 to index
          %parallel_loop3A_293 = arith.constant 48 : index
          %parallel_loop3A_294 = tpu.vector_load %arg14[%parallel_loop3A_291, %parallel_loop3A_292, %parallel_loop3A_293] {strides = array<i32>} : memref<2x64x128xf32, #tpu.memory_space<vmem>>, vector<1x1x16xf32>,
          %parallel_loop3A_295 = vector.shape_cast %parallel_loop3A_294 : vector<1x1x16xf32> to vector<16xf32>
          %parallel_loop3A_296 = arith.mulf %parallel_loop3A_295, %parallel_loop3A_243 : vector<16xf32>
          %parallel_loop3A_297 = arith.constant 1 : i32
          %parallel_loop3A_298 = arith.index_cast %parallel_loop3A_297 : i32 to index
          %parallel_loop3A_299 = arith.index_cast %parallel_loop3A_247 : i32 to index
          %parallel_loop3A_300 = arith.constant 48 : index
          %parallel_loop3A_301 = tpu.vector_load %arg14[%parallel_loop3A_298, %parallel_loop3A_299, %parallel_loop3A_300] {strides = array<i32>} : memref<2x64x128xf32, #tpu.memory_space<vmem>>, vector<1x1x16xf32>,
          %parallel_loop3A_302 = vector.shape_cast %parallel_loop3A_301 : vector<1x1x16xf32> to vector<16xf32>
          %parallel_loop3A_303 = vector.shape_cast %parallel_loop3A_296 : vector<16xf32> to vector<1x1x16xf32>
          tpu.vector_store %arg14[%parallel_loop3A_298, %parallel_loop3A_299, %parallel_loop3A_300], %parallel_loop3A_303 {strides = array<i32>} : memref<2x64x128xf32, #tpu.memory_space<vmem>>, vector<1x1x16xf32>,
          %parallel_loop3A_304 = arith.constant 1 : i32
          %parallel_loop3A_305 = arith.index_cast %parallel_loop3A_304 : i32 to index
          %parallel_loop3A_306 = arith.index_cast %parallel_loop3A_247 : i32 to index
          %parallel_loop3A_307 = arith.constant 64 : index
          %parallel_loop3A_308 = tpu.vector_load %arg14[%parallel_loop3A_305, %parallel_loop3A_306, %parallel_loop3A_307] {strides = array<i32>} : memref<2x64x128xf32, #tpu.memory_space<vmem>>, vector<1x1x16xf32>,
          %parallel_loop3A_309 = vector.shape_cast %parallel_loop3A_308 : vector<1x1x16xf32> to vector<16xf32>
          %parallel_loop3A_310 = arith.mulf %parallel_loop3A_309, %parallel_loop3A_243 : vector<16xf32>
          %parallel_loop3A_311 = arith.constant 1 : i32
          %parallel_loop3A_312 = arith.index_cast %parallel_loop3A_311 : i32 to index
          %parallel_loop3A_313 = arith.index_cast %parallel_loop3A_247 : i32 to index
          %parallel_loop3A_314 = arith.constant 64 : index
          %parallel_loop3A_315 = tpu.vector_load %arg14[%parallel_loop3A_312, %parallel_loop3A_313, %parallel_loop3A_314] {strides = array<i32>} : memref<2x64x128xf32, #tpu.memory_space<vmem>>, vector<1x1x16xf32>,
          %parallel_loop3A_316 = vector.shape_cast %parallel_loop3A_315 : vector<1x1x16xf32> to vector<16xf32>
          %parallel_loop3A_317 = vector.shape_cast %parallel_loop3A_310 : vector<16xf32> to vector<1x1x16xf32>
          tpu.vector_store %arg14[%parallel_loop3A_312, %parallel_loop3A_313, %parallel_loop3A_314], %parallel_loop3A_317 {strides = array<i32>} : memref<2x64x128xf32, #tpu.memory_space<vmem>>, vector<1x1x16xf32>,
          %parallel_loop3A_318 = arith.constant 1 : i32
          %parallel_loop3A_319 = arith.index_cast %parallel_loop3A_318 : i32 to index
          %parallel_loop3A_320 = arith.index_cast %parallel_loop3A_247 : i32 to index
          %parallel_loop3A_321 = arith.constant 80 : index
          %parallel_loop3A_322 = tpu.vector_load %arg14[%parallel_loop3A_319, %parallel_loop3A_320, %parallel_loop3A_321] {strides = array<i32>} : memref<2x64x128xf32, #tpu.memory_space<vmem>>, vector<1x1x16xf32>,
          %parallel_loop3A_323 = vector.shape_cast %parallel_loop3A_322 : vector<1x1x16xf32> to vector<16xf32>
          %parallel_loop3A_324 = arith.mulf %parallel_loop3A_323, %parallel_loop3A_243 : vector<16xf32>
          %parallel_loop3A_325 = arith.constant 1 : i32
          %parallel_loop3A_326 = arith.index_cast %parallel_loop3A_325 : i32 to index
          %parallel_loop3A_327 = arith.index_cast %parallel_loop3A_247 : i32 to index
          %parallel_loop3A_328 = arith.constant 80 : index
          %parallel_loop3A_329 = tpu.vector_load %arg14[%parallel_loop3A_326, %parallel_loop3A_327, %parallel_loop3A_328] {strides = array<i32>} : memref<2x64x128xf32, #tpu.memory_space<vmem>>, vector<1x1x16xf32>,
          %parallel_loop3A_330 = vector.shape_cast %parallel_loop3A_329 : vector<1x1x16xf32> to vector<16xf32>
          %parallel_loop3A_331 = vector.shape_cast %parallel_loop3A_324 : vector<16xf32> to vector<1x1x16xf32>
          tpu.vector_store %arg14[%parallel_loop3A_326, %parallel_loop3A_327, %parallel_loop3A_328], %parallel_loop3A_331 {strides = array<i32>} : memref<2x64x128xf32, #tpu.memory_space<vmem>>, vector<1x1x16xf32>,
          %parallel_loop3A_332 = arith.constant 1 : i32
          %parallel_loop3A_333 = arith.index_cast %parallel_loop3A_332 : i32 to index
          %parallel_loop3A_334 = arith.index_cast %parallel_loop3A_247 : i32 to index
          %parallel_loop3A_335 = arith.constant 96 : index
          %parallel_loop3A_336 = tpu.vector_load %arg14[%parallel_loop3A_333, %parallel_loop3A_334, %parallel_loop3A_335] {strides = array<i32>} : memref<2x64x128xf32, #tpu.memory_space<vmem>>, vector<1x1x16xf32>,
          %parallel_loop3A_337 = vector.shape_cast %parallel_loop3A_336 : vector<1x1x16xf32> to vector<16xf32>
          %parallel_loop3A_338 = arith.mulf %parallel_loop3A_337, %parallel_loop3A_243 : vector<16xf32>
          %parallel_loop3A_339 = arith.constant 1 : i32
          %parallel_loop3A_340 = arith.index_cast %parallel_loop3A_339 : i32 to index
          %parallel_loop3A_341 = arith.index_cast %parallel_loop3A_247 : i32 to index
          %parallel_loop3A_342 = arith.constant 96 : index
          %parallel_loop3A_343 = tpu.vector_load %arg14[%parallel_loop3A_340, %parallel_loop3A_341, %parallel_loop3A_342] {strides = array<i32>} : memref<2x64x128xf32, #tpu.memory_space<vmem>>, vector<1x1x16xf32>,
          %parallel_loop3A_344 = vector.shape_cast %parallel_loop3A_343 : vector<1x1x16xf32> to vector<16xf32>
          %parallel_loop3A_345 = vector.shape_cast %parallel_loop3A_338 : vector<16xf32> to vector<1x1x16xf32>
          tpu.vector_store %arg14[%parallel_loop3A_340, %parallel_loop3A_341, %parallel_loop3A_342], %parallel_loop3A_345 {strides = array<i32>} : memref<2x64x128xf32, #tpu.memory_space<vmem>>, vector<1x1x16xf32>,
          %parallel_loop3A_346 = arith.constant 1 : i32
          %parallel_loop3A_347 = arith.index_cast %parallel_loop3A_346 : i32 to index
          %parallel_loop3A_348 = arith.index_cast %parallel_loop3A_247 : i32 to index
          %parallel_loop3A_349 = arith.constant 112 : index
          %parallel_loop3A_350 = tpu.vector_load %arg14[%parallel_loop3A_347, %parallel_loop3A_348, %parallel_loop3A_349] {strides = array<i32>} : memref<2x64x128xf32, #tpu.memory_space<vmem>>, vector<1x1x16xf32>,
          %parallel_loop3A_351 = vector.shape_cast %parallel_loop3A_350 : vector<1x1x16xf32> to vector<16xf32>
          %parallel_loop3A_352 = arith.mulf %parallel_loop3A_351, %parallel_loop3A_243 : vector<16xf32>
          %parallel_loop3A_353 = arith.constant 1 : i32
          %parallel_loop3A_354 = arith.index_cast %parallel_loop3A_353 : i32 to index
          %parallel_loop3A_355 = arith.index_cast %parallel_loop3A_247 : i32 to index
          %parallel_loop3A_356 = arith.constant 112 : index
          %parallel_loop3A_357 = tpu.vector_load %arg14[%parallel_loop3A_354, %parallel_loop3A_355, %parallel_loop3A_356] {strides = array<i32>} : memref<2x64x128xf32, #tpu.memory_space<vmem>>, vector<1x1x16xf32>,
          %parallel_loop3A_358 = vector.shape_cast %parallel_loop3A_357 : vector<1x1x16xf32> to vector<16xf32>
          %parallel_loop3A_359 = vector.shape_cast %parallel_loop3A_352 : vector<16xf32> to vector<1x1x16xf32>
          tpu.vector_store %arg14[%parallel_loop3A_354, %parallel_loop3A_355, %parallel_loop3A_356], %parallel_loop3A_359 {strides = array<i32>} : memref<2x64x128xf32, #tpu.memory_space<vmem>>, vector<1x1x16xf32>,
          %parallel_loop3A_360 = arith.constant 2 : i32
          %parallel_loop3A_361 = vector.broadcast %parallel_loop3A_360 : i32 to vector<16x1xi32>
          %parallel_loop3A_362 = vector.shape_cast %parallel_loop3A_361 : vector<16x1xi32> to vector<16xi32>
          %parallel_loop3A_363 = tpu.dynamic_gather %parallel_loop3A_119[%parallel_loop3A_362] in [0] : vector<16xf32>, vector<16xi32> -> vector<16xf32>
          %parallel_loop3A_364 = arith.constant 16 : i32
          %parallel_loop3A_365 = arith.muli %parallel_loop3A_110, %parallel_loop3A_364 : i32
          %parallel_loop3A_366 = arith.constant 2 : i32
          %parallel_loop3A_367 = arith.addi %parallel_loop3A_365, %parallel_loop3A_366 : i32
          %parallel_loop3A_368 = arith.constant 1 : i32
          %parallel_loop3A_369 = arith.index_cast %parallel_loop3A_368 : i32 to index
          %parallel_loop3A_370 = arith.index_cast %parallel_loop3A_367 : i32 to index
          %parallel_loop3A_371 = arith.constant 0 : index
          %parallel_loop3A_372 = tpu.vector_load %arg14[%parallel_loop3A_369, %parallel_loop3A_370, %parallel_loop3A_371] {strides = array<i32>} : memref<2x64x128xf32, #tpu.memory_space<vmem>>, vector<1x1x16xf32>,
          %parallel_loop3A_373 = vector.shape_cast %parallel_loop3A_372 : vector<1x1x16xf32> to vector<16xf32>
          %parallel_loop3A_374 = arith.mulf %parallel_loop3A_373, %parallel_loop3A_363 : vector<16xf32>
          %parallel_loop3A_375 = arith.constant 1 : i32
          %parallel_loop3A_376 = arith.index_cast %parallel_loop3A_375 : i32 to index
          %parallel_loop3A_377 = arith.index_cast %parallel_loop3A_367 : i32 to index
          %parallel_loop3A_378 = arith.constant 0 : index
          %parallel_loop3A_379 = tpu.vector_load %arg14[%parallel_loop3A_376, %parallel_loop3A_377, %parallel_loop3A_378] {strides = array<i32>} : memref<2x64x128xf32, #tpu.memory_space<vmem>>, vector<1x1x16xf32>,
          %parallel_loop3A_380 = vector.shape_cast %parallel_loop3A_379 : vector<1x1x16xf32> to vector<16xf32>
          %parallel_loop3A_381 = vector.shape_cast %parallel_loop3A_374 : vector<16xf32> to vector<1x1x16xf32>
          tpu.vector_store %arg14[%parallel_loop3A_376, %parallel_loop3A_377, %parallel_loop3A_378], %parallel_loop3A_381 {strides = array<i32>} : memref<2x64x128xf32, #tpu.memory_space<vmem>>, vector<1x1x16xf32>,
          %parallel_loop3A_382 = arith.constant 1 : i32
          %parallel_loop3A_383 = arith.index_cast %parallel_loop3A_382 : i32 to index
          %parallel_loop3A_384 = arith.index_cast %parallel_loop3A_367 : i32 to index
          %parallel_loop3A_385 = arith.constant 16 : index
          %parallel_loop3A_386 = tpu.vector_load %arg14[%parallel_loop3A_383, %parallel_loop3A_384, %parallel_loop3A_385] {strides = array<i32>} : memref<2x64x128xf32, #tpu.memory_space<vmem>>, vector<1x1x16xf32>,
          %parallel_loop3A_387 = vector.shape_cast %parallel_loop3A_386 : vector<1x1x16xf32> to vector<16xf32>
          %parallel_loop3A_388 = arith.mulf %parallel_loop3A_387, %parallel_loop3A_363 : vector<16xf32>
          %parallel_loop3A_389 = arith.constant 1 : i32
          %parallel_loop3A_390 = arith.index_cast %parallel_loop3A_389 : i32 to index
          %parallel_loop3A_391 = arith.index_cast %parallel_loop3A_367 : i32 to index
          %parallel_loop3A_392 = arith.constant 16 : index
          %parallel_loop3A_393 = tpu.vector_load %arg14[%parallel_loop3A_390, %parallel_loop3A_391, %parallel_loop3A_392] {strides = array<i32>} : memref<2x64x128xf32, #tpu.memory_space<vmem>>, vector<1x1x16xf32>,
          %parallel_loop3A_394 = vector.shape_cast %parallel_loop3A_393 : vector<1x1x16xf32> to vector<16xf32>
          %parallel_loop3A_395 = vector.shape_cast %parallel_loop3A_388 : vector<16xf32> to vector<1x1x16xf32>
          tpu.vector_store %arg14[%parallel_loop3A_390, %parallel_loop3A_391, %parallel_loop3A_392], %parallel_loop3A_395 {strides = array<i32>} : memref<2x64x128xf32, #tpu.memory_space<vmem>>, vector<1x1x16xf32>,
          %parallel_loop3A_396 = arith.constant 1 : i32
          %parallel_loop3A_397 = arith.index_cast %parallel_loop3A_396 : i32 to index
          %parallel_loop3A_398 = arith.index_cast %parallel_loop3A_367 : i32 to index
          %parallel_loop3A_399 = arith.constant 32 : index
          %parallel_loop3A_400 = tpu.vector_load %arg14[%parallel_loop3A_397, %parallel_loop3A_398, %parallel_loop3A_399] {strides = array<i32>} : memref<2x64x128xf32, #tpu.memory_space<vmem>>, vector<1x1x16xf32>,
          %parallel_loop3A_401 = vector.shape_cast %parallel_loop3A_400 : vector<1x1x16xf32> to vector<16xf32>
          %parallel_loop3A_402 = arith.mulf %parallel_loop3A_401, %parallel_loop3A_363 : vector<16xf32>
          %parallel_loop3A_403 = arith.constant 1 : i32
          %parallel_loop3A_404 = arith.index_cast %parallel_loop3A_403 : i32 to index
          %parallel_loop3A_405 = arith.index_cast %parallel_loop3A_367 : i32 to index
          %parallel_loop3A_406 = arith.constant 32 : index
          %parallel_loop3A_407 = tpu.vector_load %arg14[%parallel_loop3A_404, %parallel_loop3A_405, %parallel_loop3A_406] {strides = array<i32>} : memref<2x64x128xf32, #tpu.memory_space<vmem>>, vector<1x1x16xf32>,
          %parallel_loop3A_408 = vector.shape_cast %parallel_loop3A_407 : vector<1x1x16xf32> to vector<16xf32>
          %parallel_loop3A_409 = vector.shape_cast %parallel_loop3A_402 : vector<16xf32> to vector<1x1x16xf32>
          tpu.vector_store %arg14[%parallel_loop3A_404, %parallel_loop3A_405, %parallel_loop3A_406], %parallel_loop3A_409 {strides = array<i32>} : memref<2x64x128xf32, #tpu.memory_space<vmem>>, vector<1x1x16xf32>,
          %parallel_loop3A_410 = arith.constant 1 : i32
          %parallel_loop3A_411 = arith.index_cast %parallel_loop3A_410 : i32 to index
          %parallel_loop3A_412 = arith.index_cast %parallel_loop3A_367 : i32 to index
          %parallel_loop3A_413 = arith.constant 48 : index
          %parallel_loop3A_414 = tpu.vector_load %arg14[%parallel_loop3A_411, %parallel_loop3A_412, %parallel_loop3A_413] {strides = array<i32>} : memref<2x64x128xf32, #tpu.memory_space<vmem>>, vector<1x1x16xf32>,
          %parallel_loop3A_415 = vector.shape_cast %parallel_loop3A_414 : vector<1x1x16xf32> to vector<16xf32>
          %parallel_loop3A_416 = arith.mulf %parallel_loop3A_415, %parallel_loop3A_363 : vector<16xf32>
          %parallel_loop3A_417 = arith.constant 1 : i32
          %parallel_loop3A_418 = arith.index_cast %parallel_loop3A_417 : i32 to index
          %parallel_loop3A_419 = arith.index_cast %parallel_loop3A_367 : i32 to index
          %parallel_loop3A_420 = arith.constant 48 : index
          %parallel_loop3A_421 = tpu.vector_load %arg14[%parallel_loop3A_418, %parallel_loop3A_419, %parallel_loop3A_420] {strides = array<i32>} : memref<2x64x128xf32, #tpu.memory_space<vmem>>, vector<1x1x16xf32>,
          %parallel_loop3A_422 = vector.shape_cast %parallel_loop3A_421 : vector<1x1x16xf32> to vector<16xf32>
          %parallel_loop3A_423 = vector.shape_cast %parallel_loop3A_416 : vector<16xf32> to vector<1x1x16xf32>
          tpu.vector_store %arg14[%parallel_loop3A_418, %parallel_loop3A_419, %parallel_loop3A_420], %parallel_loop3A_423 {strides = array<i32>} : memref<2x64x128xf32, #tpu.memory_space<vmem>>, vector<1x1x16xf32>,
          %parallel_loop3A_424 = arith.constant 1 : i32
          %parallel_loop3A_425 = arith.index_cast %parallel_loop3A_424 : i32 to index
          %parallel_loop3A_426 = arith.index_cast %parallel_loop3A_367 : i32 to index
          %parallel_loop3A_427 = arith.constant 64 : index
          %parallel_loop3A_428 = tpu.vector_load %arg14[%parallel_loop3A_425, %parallel_loop3A_426, %parallel_loop3A_427] {strides = array<i32>} : memref<2x64x128xf32, #tpu.memory_space<vmem>>, vector<1x1x16xf32>,
          %parallel_loop3A_429 = vector.shape_cast %parallel_loop3A_428 : vector<1x1x16xf32> to vector<16xf32>
          %parallel_loop3A_430 = arith.mulf %parallel_loop3A_429, %parallel_loop3A_363 : vector<16xf32>
          %parallel_loop3A_431 = arith.constant 1 : i32
          %parallel_loop3A_432 = arith.index_cast %parallel_loop3A_431 : i32 to index
          %parallel_loop3A_433 = arith.index_cast %parallel_loop3A_367 : i32 to index
          %parallel_loop3A_434 = arith.constant 64 : index
          %parallel_loop3A_435 = tpu.vector_load %arg14[%parallel_loop3A_432, %parallel_loop3A_433, %parallel_loop3A_434] {strides = array<i32>} : memref<2x64x128xf32, #tpu.memory_space<vmem>>, vector<1x1x16xf32>,
          %parallel_loop3A_436 = vector.shape_cast %parallel_loop3A_435 : vector<1x1x16xf32> to vector<16xf32>
          %parallel_loop3A_437 = vector.shape_cast %parallel_loop3A_430 : vector<16xf32> to vector<1x1x16xf32>
          tpu.vector_store %arg14[%parallel_loop3A_432, %parallel_loop3A_433, %parallel_loop3A_434], %parallel_loop3A_437 {strides = array<i32>} : memref<2x64x128xf32, #tpu.memory_space<vmem>>, vector<1x1x16xf32>,
          %parallel_loop3A_438 = arith.constant 1 : i32
          %parallel_loop3A_439 = arith.index_cast %parallel_loop3A_438 : i32 to index
          %parallel_loop3A_440 = arith.index_cast %parallel_loop3A_367 : i32 to index
          %parallel_loop3A_441 = arith.constant 80 : index
          %parallel_loop3A_442 = tpu.vector_load %arg14[%parallel_loop3A_439, %parallel_loop3A_440, %parallel_loop3A_441] {strides = array<i32>} : memref<2x64x128xf32, #tpu.memory_space<vmem>>, vector<1x1x16xf32>,
          %parallel_loop3A_443 = vector.shape_cast %parallel_loop3A_442 : vector<1x1x16xf32> to vector<16xf32>
          %parallel_loop3A_444 = arith.mulf %parallel_loop3A_443, %parallel_loop3A_363 : vector<16xf32>
          %parallel_loop3A_445 = arith.constant 1 : i32
          %parallel_loop3A_446 = arith.index_cast %parallel_loop3A_445 : i32 to index
          %parallel_loop3A_447 = arith.index_cast %parallel_loop3A_367 : i32 to index
          %parallel_loop3A_448 = arith.constant 80 : index
          %parallel_loop3A_449 = tpu.vector_load %arg14[%parallel_loop3A_446, %parallel_loop3A_447, %parallel_loop3A_448] {strides = array<i32>} : memref<2x64x128xf32, #tpu.memory_space<vmem>>, vector<1x1x16xf32>,
          %parallel_loop3A_450 = vector.shape_cast %parallel_loop3A_449 : vector<1x1x16xf32> to vector<16xf32>
          %parallel_loop3A_451 = vector.shape_cast %parallel_loop3A_444 : vector<16xf32> to vector<1x1x16xf32>
          tpu.vector_store %arg14[%parallel_loop3A_446, %parallel_loop3A_447, %parallel_loop3A_448], %parallel_loop3A_451 {strides = array<i32>} : memref<2x64x128xf32, #tpu.memory_space<vmem>>, vector<1x1x16xf32>,
          %parallel_loop3A_452 = arith.constant 1 : i32
          %parallel_loop3A_453 = arith.index_cast %parallel_loop3A_452 : i32 to index
          %parallel_loop3A_454 = arith.index_cast %parallel_loop3A_367 : i32 to index
          %parallel_loop3A_455 = arith.constant 96 : index
          %parallel_loop3A_456 = tpu.vector_load %arg14[%parallel_loop3A_453, %parallel_loop3A_454, %parallel_loop3A_455] {strides = array<i32>} : memref<2x64x128xf32, #tpu.memory_space<vmem>>, vector<1x1x16xf32>,
          %parallel_loop3A_457 = vector.shape_cast %parallel_loop3A_456 : vector<1x1x16xf32> to vector<16xf32>
          %parallel_loop3A_458 = arith.mulf %parallel_loop3A_457, %parallel_loop3A_363 : vector<16xf32>
          %parallel_loop3A_459 = arith.constant 1 : i32
          %parallel_loop3A_460 = arith.index_cast %parallel_loop3A_459 : i32 to index
          %parallel_loop3A_461 = arith.index_cast %parallel_loop3A_367 : i32 to index
          %parallel_loop3A_462 = arith.constant 96 : index
          %parallel_loop3A_463 = tpu.vector_load %arg14[%parallel_loop3A_460, %parallel_loop3A_461, %parallel_loop3A_462] {strides = array<i32>} : memref<2x64x128xf32, #tpu.memory_space<vmem>>, vector<1x1x16xf32>,
          %parallel_loop3A_464 = vector.shape_cast %parallel_loop3A_463 : vector<1x1x16xf32> to vector<16xf32>
          %parallel_loop3A_465 = vector.shape_cast %parallel_loop3A_458 : vector<16xf32> to vector<1x1x16xf32>
          tpu.vector_store %arg14[%parallel_loop3A_460, %parallel_loop3A_461, %parallel_loop3A_462], %parallel_loop3A_465 {strides = array<i32>} : memref<2x64x128xf32, #tpu.memory_space<vmem>>, vector<1x1x16xf32>,
          %parallel_loop3A_466 = arith.constant 1 : i32
          %parallel_loop3A_467 = arith.index_cast %parallel_loop3A_466 : i32 to index
          %parallel_loop3A_468 = arith.index_cast %parallel_loop3A_367 : i32 to index
          %parallel_loop3A_469 = arith.constant 112 : index
          %parallel_loop3A_470 = tpu.vector_load %arg14[%parallel_loop3A_467, %parallel_loop3A_468, %parallel_loop3A_469] {strides = array<i32>} : memref<2x64x128xf32, #tpu.memory_space<vmem>>, vector<1x1x16xf32>,
          %parallel_loop3A_471 = vector.shape_cast %parallel_loop3A_470 : vector<1x1x16xf32> to vector<16xf32>
          %parallel_loop3A_472 = arith.mulf %parallel_loop3A_471, %parallel_loop3A_363 : vector<16xf32>
          %parallel_loop3A_473 = arith.constant 1 : i32
          %parallel_loop3A_474 = arith.index_cast %parallel_loop3A_473 : i32 to index
          %parallel_loop3A_475 = arith.index_cast %parallel_loop3A_367 : i32 to index
          %parallel_loop3A_476 = arith.constant 112 : index
          %parallel_loop3A_477 = tpu.vector_load %arg14[%parallel_loop3A_474, %parallel_loop3A_475, %parallel_loop3A_476] {strides = array<i32>} : memref<2x64x128xf32, #tpu.memory_space<vmem>>, vector<1x1x16xf32>,
          %parallel_loop3A_478 = vector.shape_cast %parallel_loop3A_477 : vector<1x1x16xf32> to vector<16xf32>
          %parallel_loop3A_479 = vector.shape_cast %parallel_loop3A_472 : vector<16xf32> to vector<1x1x16xf32>
          tpu.vector_store %arg14[%parallel_loop3A_474, %parallel_loop3A_475, %parallel_loop3A_476], %parallel_loop3A_479 {strides = array<i32>} : memref<2x64x128xf32, #tpu.memory_space<vmem>>, vector<1x1x16xf32>,
          %parallel_loop3A_480 = arith.constant 3 : i32
          %parallel_loop3A_481 = vector.broadcast %parallel_loop3A_480 : i32 to vector<16x1xi32>
          %parallel_loop3A_482 = vector.shape_cast %parallel_loop3A_481 : vector<16x1xi32> to vector<16xi32>
          %parallel_loop3A_483 = tpu.dynamic_gather %parallel_loop3A_119[%parallel_loop3A_482] in [0] : vector<16xf32>, vector<16xi32> -> vector<16xf32>
          %parallel_loop3A_484 = arith.constant 16 : i32
          %parallel_loop3A_485 = arith.muli %parallel_loop3A_110, %parallel_loop3A_484 : i32
          %parallel_loop3A_486 = arith.constant 3 : i32
          %parallel_loop3A_487 = arith.addi %parallel_loop3A_485, %parallel_loop3A_486 : i32
          %parallel_loop3A_488 = arith.constant 1 : i32
          %parallel_loop3A_489 = arith.index_cast %parallel_loop3A_488 : i32 to index
          %parallel_loop3A_490 = arith.index_cast %parallel_loop3A_487 : i32 to index
          %parallel_loop3A_491 = arith.constant 0 : index
          %parallel_loop3A_492 = tpu.vector_load %arg14[%parallel_loop3A_489, %parallel_loop3A_490, %parallel_loop3A_491] {strides = array<i32>} : memref<2x64x128xf32, #tpu.memory_space<vmem>>, vector<1x1x16xf32>,
          %parallel_loop3A_493 = vector.shape_cast %parallel_loop3A_492 : vector<1x1x16xf32> to vector<16xf32>
          %parallel_loop3A_494 = arith.mulf %parallel_loop3A_493, %parallel_loop3A_483 : vector<16xf32>
          %parallel_loop3A_495 = arith.constant 1 : i32
          %parallel_loop3A_496 = arith.index_cast %parallel_loop3A_495 : i32 to index
          %parallel_loop3A_497 = arith.index_cast %parallel_loop3A_487 : i32 to index
          %parallel_loop3A_498 = arith.constant 0 : index
          %parallel_loop3A_499 = tpu.vector_load %arg14[%parallel_loop3A_496, %parallel_loop3A_497, %parallel_loop3A_498] {strides = array<i32>} : memref<2x64x128xf32, #tpu.memory_space<vmem>>, vector<1x1x16xf32>,
          %parallel_loop3A_500 = vector.shape_cast %parallel_loop3A_499 : vector<1x1x16xf32> to vector<16xf32>
          %parallel_loop3A_501 = vector.shape_cast %parallel_loop3A_494 : vector<16xf32> to vector<1x1x16xf32>
          tpu.vector_store %arg14[%parallel_loop3A_496, %parallel_loop3A_497, %parallel_loop3A_498], %parallel_loop3A_501 {strides = array<i32>} : memref<2x64x128xf32, #tpu.memory_space<vmem>>, vector<1x1x16xf32>,
          %parallel_loop3A_502 = arith.constant 1 : i32
          %parallel_loop3A_503 = arith.index_cast %parallel_loop3A_502 : i32 to index
          %parallel_loop3A_504 = arith.index_cast %parallel_loop3A_487 : i32 to index
          %parallel_loop3A_505 = arith.constant 16 : index
          %parallel_loop3A_506 = tpu.vector_load %arg14[%parallel_loop3A_503, %parallel_loop3A_504, %parallel_loop3A_505] {strides = array<i32>} : memref<2x64x128xf32, #tpu.memory_space<vmem>>, vector<1x1x16xf32>,
          %parallel_loop3A_507 = vector.shape_cast %parallel_loop3A_506 : vector<1x1x16xf32> to vector<16xf32>
          %parallel_loop3A_508 = arith.mulf %parallel_loop3A_507, %parallel_loop3A_483 : vector<16xf32>
          %parallel_loop3A_509 = arith.constant 1 : i32
          %parallel_loop3A_510 = arith.index_cast %parallel_loop3A_509 : i32 to index
          %parallel_loop3A_511 = arith.index_cast %parallel_loop3A_487 : i32 to index
          %parallel_loop3A_512 = arith.constant 16 : index
          %parallel_loop3A_513 = tpu.vector_load %arg14[%parallel_loop3A_510, %parallel_loop3A_511, %parallel_loop3A_512] {strides = array<i32>} : memref<2x64x128xf32, #tpu.memory_space<vmem>>, vector<1x1x16xf32>,
          %parallel_loop3A_514 = vector.shape_cast %parallel_loop3A_513 : vector<1x1x16xf32> to vector<16xf32>
          %parallel_loop3A_515 = vector.shape_cast %parallel_loop3A_508 : vector<16xf32> to vector<1x1x16xf32>
          tpu.vector_store %arg14[%parallel_loop3A_510, %parallel_loop3A_511, %parallel_loop3A_512], %parallel_loop3A_515 {strides = array<i32>} : memref<2x64x128xf32, #tpu.memory_space<vmem>>, vector<1x1x16xf32>,
          %parallel_loop3A_516 = arith.constant 1 : i32
          %parallel_loop3A_517 = arith.index_cast %parallel_loop3A_516 : i32 to index
          %parallel_loop3A_518 = arith.index_cast %parallel_loop3A_487 : i32 to index
          %parallel_loop3A_519 = arith.constant 32 : index
          %parallel_loop3A_520 = tpu.vector_load %arg14[%parallel_loop3A_517, %parallel_loop3A_518, %parallel_loop3A_519] {strides = array<i32>} : memref<2x64x128xf32, #tpu.memory_space<vmem>>, vector<1x1x16xf32>,
          %parallel_loop3A_521 = vector.shape_cast %parallel_loop3A_520 : vector<1x1x16xf32> to vector<16xf32>
          %parallel_loop3A_522 = arith.mulf %parallel_loop3A_521, %parallel_loop3A_483 : vector<16xf32>
          %parallel_loop3A_523 = arith.constant 1 : i32
          %parallel_loop3A_524 = arith.index_cast %parallel_loop3A_523 : i32 to index
          %parallel_loop3A_525 = arith.index_cast %parallel_loop3A_487 : i32 to index
          %parallel_loop3A_526 = arith.constant 32 : index
          %parallel_loop3A_527 = tpu.vector_load %arg14[%parallel_loop3A_524, %parallel_loop3A_525, %parallel_loop3A_526] {strides = array<i32>} : memref<2x64x128xf32, #tpu.memory_space<vmem>>, vector<1x1x16xf32>,
          %parallel_loop3A_528 = vector.shape_cast %parallel_loop3A_527 : vector<1x1x16xf32> to vector<16xf32>
          %parallel_loop3A_529 = vector.shape_cast %parallel_loop3A_522 : vector<16xf32> to vector<1x1x16xf32>
          tpu.vector_store %arg14[%parallel_loop3A_524, %parallel_loop3A_525, %parallel_loop3A_526], %parallel_loop3A_529 {strides = array<i32>} : memref<2x64x128xf32, #tpu.memory_space<vmem>>, vector<1x1x16xf32>,
          %parallel_loop3A_530 = arith.constant 1 : i32
          %parallel_loop3A_531 = arith.index_cast %parallel_loop3A_530 : i32 to index
          %parallel_loop3A_532 = arith.index_cast %parallel_loop3A_487 : i32 to index
          %parallel_loop3A_533 = arith.constant 48 : index
          %parallel_loop3A_534 = tpu.vector_load %arg14[%parallel_loop3A_531, %parallel_loop3A_532, %parallel_loop3A_533] {strides = array<i32>} : memref<2x64x128xf32, #tpu.memory_space<vmem>>, vector<1x1x16xf32>,
          %parallel_loop3A_535 = vector.shape_cast %parallel_loop3A_534 : vector<1x1x16xf32> to vector<16xf32>
          %parallel_loop3A_536 = arith.mulf %parallel_loop3A_535, %parallel_loop3A_483 : vector<16xf32>
          %parallel_loop3A_537 = arith.constant 1 : i32
          %parallel_loop3A_538 = arith.index_cast %parallel_loop3A_537 : i32 to index
          %parallel_loop3A_539 = arith.index_cast %parallel_loop3A_487 : i32 to index
          %parallel_loop3A_540 = arith.constant 48 : index
          %parallel_loop3A_541 = tpu.vector_load %arg14[%parallel_loop3A_538, %parallel_loop3A_539, %parallel_loop3A_540] {strides = array<i32>} : memref<2x64x128xf32, #tpu.memory_space<vmem>>, vector<1x1x16xf32>,
          %parallel_loop3A_542 = vector.shape_cast %parallel_loop3A_541 : vector<1x1x16xf32> to vector<16xf32>
          %parallel_loop3A_543 = vector.shape_cast %parallel_loop3A_536 : vector<16xf32> to vector<1x1x16xf32>
          tpu.vector_store %arg14[%parallel_loop3A_538, %parallel_loop3A_539, %parallel_loop3A_540], %parallel_loop3A_543 {strides = array<i32>} : memref<2x64x128xf32, #tpu.memory_space<vmem>>, vector<1x1x16xf32>,
          %parallel_loop3A_544 = arith.constant 1 : i32
          %parallel_loop3A_545 = arith.index_cast %parallel_loop3A_544 : i32 to index
          %parallel_loop3A_546 = arith.index_cast %parallel_loop3A_487 : i32 to index
          %parallel_loop3A_547 = arith.constant 64 : index
          %parallel_loop3A_548 = tpu.vector_load %arg14[%parallel_loop3A_545, %parallel_loop3A_546, %parallel_loop3A_547] {strides = array<i32>} : memref<2x64x128xf32, #tpu.memory_space<vmem>>, vector<1x1x16xf32>,
          %parallel_loop3A_549 = vector.shape_cast %parallel_loop3A_548 : vector<1x1x16xf32> to vector<16xf32>
          %parallel_loop3A_550 = arith.mulf %parallel_loop3A_549, %parallel_loop3A_483 : vector<16xf32>
          %parallel_loop3A_551 = arith.constant 1 : i32
          %parallel_loop3A_552 = arith.index_cast %parallel_loop3A_551 : i32 to index
          %parallel_loop3A_553 = arith.index_cast %parallel_loop3A_487 : i32 to index
          %parallel_loop3A_554 = arith.constant 64 : index
          %parallel_loop3A_555 = tpu.vector_load %arg14[%parallel_loop3A_552, %parallel_loop3A_553, %parallel_loop3A_554] {strides = array<i32>} : memref<2x64x128xf32, #tpu.memory_space<vmem>>, vector<1x1x16xf32>,
          %parallel_loop3A_556 = vector.shape_cast %parallel_loop3A_555 : vector<1x1x16xf32> to vector<16xf32>
          %parallel_loop3A_557 = vector.shape_cast %parallel_loop3A_550 : vector<16xf32> to vector<1x1x16xf32>
          tpu.vector_store %arg14[%parallel_loop3A_552, %parallel_loop3A_553, %parallel_loop3A_554], %parallel_loop3A_557 {strides = array<i32>} : memref<2x64x128xf32, #tpu.memory_space<vmem>>, vector<1x1x16xf32>,
          %parallel_loop3A_558 = arith.constant 1 : i32
          %parallel_loop3A_559 = arith.index_cast %parallel_loop3A_558 : i32 to index
          %parallel_loop3A_560 = arith.index_cast %parallel_loop3A_487 : i32 to index
          %parallel_loop3A_561 = arith.constant 80 : index
          %parallel_loop3A_562 = tpu.vector_load %arg14[%parallel_loop3A_559, %parallel_loop3A_560, %parallel_loop3A_561] {strides = array<i32>} : memref<2x64x128xf32, #tpu.memory_space<vmem>>, vector<1x1x16xf32>,
          %parallel_loop3A_563 = vector.shape_cast %parallel_loop3A_562 : vector<1x1x16xf32> to vector<16xf32>
          %parallel_loop3A_564 = arith.mulf %parallel_loop3A_563, %parallel_loop3A_483 : vector<16xf32>
          %parallel_loop3A_565 = arith.constant 1 : i32
          %parallel_loop3A_566 = arith.index_cast %parallel_loop3A_565 : i32 to index
          %parallel_loop3A_567 = arith.index_cast %parallel_loop3A_487 : i32 to index
          %parallel_loop3A_568 = arith.constant 80 : index
          %parallel_loop3A_569 = tpu.vector_load %arg14[%parallel_loop3A_566, %parallel_loop3A_567, %parallel_loop3A_568] {strides = array<i32>} : memref<2x64x128xf32, #tpu.memory_space<vmem>>, vector<1x1x16xf32>,
          %parallel_loop3A_570 = vector.shape_cast %parallel_loop3A_569 : vector<1x1x16xf32> to vector<16xf32>
          %parallel_loop3A_571 = vector.shape_cast %parallel_loop3A_564 : vector<16xf32> to vector<1x1x16xf32>
          tpu.vector_store %arg14[%parallel_loop3A_566, %parallel_loop3A_567, %parallel_loop3A_568], %parallel_loop3A_571 {strides = array<i32>} : memref<2x64x128xf32, #tpu.memory_space<vmem>>, vector<1x1x16xf32>,
          %parallel_loop3A_572 = arith.constant 1 : i32
          %parallel_loop3A_573 = arith.index_cast %parallel_loop3A_572 : i32 to index
          %parallel_loop3A_574 = arith.index_cast %parallel_loop3A_487 : i32 to index
          %parallel_loop3A_575 = arith.constant 96 : index
          %parallel_loop3A_576 = tpu.vector_load %arg14[%parallel_loop3A_573, %parallel_loop3A_574, %parallel_loop3A_575] {strides = array<i32>} : memref<2x64x128xf32, #tpu.memory_space<vmem>>, vector<1x1x16xf32>,
          %parallel_loop3A_577 = vector.shape_cast %parallel_loop3A_576 : vector<1x1x16xf32> to vector<16xf32>
          %parallel_loop3A_578 = arith.mulf %parallel_loop3A_577, %parallel_loop3A_483 : vector<16xf32>
          %parallel_loop3A_579 = arith.constant 1 : i32
          %parallel_loop3A_580 = arith.index_cast %parallel_loop3A_579 : i32 to index
          %parallel_loop3A_581 = arith.index_cast %parallel_loop3A_487 : i32 to index
          %parallel_loop3A_582 = arith.constant 96 : index
          %parallel_loop3A_583 = tpu.vector_load %arg14[%parallel_loop3A_580, %parallel_loop3A_581, %parallel_loop3A_582] {strides = array<i32>} : memref<2x64x128xf32, #tpu.memory_space<vmem>>, vector<1x1x16xf32>,
          %parallel_loop3A_584 = vector.shape_cast %parallel_loop3A_583 : vector<1x1x16xf32> to vector<16xf32>
          %parallel_loop3A_585 = vector.shape_cast %parallel_loop3A_578 : vector<16xf32> to vector<1x1x16xf32>
          tpu.vector_store %arg14[%parallel_loop3A_580, %parallel_loop3A_581, %parallel_loop3A_582], %parallel_loop3A_585 {strides = array<i32>} : memref<2x64x128xf32, #tpu.memory_space<vmem>>, vector<1x1x16xf32>,
          %parallel_loop3A_586 = arith.constant 1 : i32
          %parallel_loop3A_587 = arith.index_cast %parallel_loop3A_586 : i32 to index
          %parallel_loop3A_588 = arith.index_cast %parallel_loop3A_487 : i32 to index
          %parallel_loop3A_589 = arith.constant 112 : index
          %parallel_loop3A_590 = tpu.vector_load %arg14[%parallel_loop3A_587, %parallel_loop3A_588, %parallel_loop3A_589] {strides = array<i32>} : memref<2x64x128xf32, #tpu.memory_space<vmem>>, vector<1x1x16xf32>,
          %parallel_loop3A_591 = vector.shape_cast %parallel_loop3A_590 : vector<1x1x16xf32> to vector<16xf32>
          %parallel_loop3A_592 = arith.mulf %parallel_loop3A_591, %parallel_loop3A_483 : vector<16xf32>
          %parallel_loop3A_593 = arith.constant 1 : i32
          %parallel_loop3A_594 = arith.index_cast %parallel_loop3A_593 : i32 to index
          %parallel_loop3A_595 = arith.index_cast %parallel_loop3A_487 : i32 to index
          %parallel_loop3A_596 = arith.constant 112 : index
          %parallel_loop3A_597 = tpu.vector_load %arg14[%parallel_loop3A_594, %parallel_loop3A_595, %parallel_loop3A_596] {strides = array<i32>} : memref<2x64x128xf32, #tpu.memory_space<vmem>>, vector<1x1x16xf32>,
          %parallel_loop3A_598 = vector.shape_cast %parallel_loop3A_597 : vector<1x1x16xf32> to vector<16xf32>
          %parallel_loop3A_599 = vector.shape_cast %parallel_loop3A_592 : vector<16xf32> to vector<1x1x16xf32>
          tpu.vector_store %arg14[%parallel_loop3A_594, %parallel_loop3A_595, %parallel_loop3A_596], %parallel_loop3A_599 {strides = array<i32>} : memref<2x64x128xf32, #tpu.memory_space<vmem>>, vector<1x1x16xf32>,
          %parallel_loop3A_600 = arith.constant 4 : i32
          %parallel_loop3A_601 = vector.broadcast %parallel_loop3A_600 : i32 to vector<16x1xi32>
          %parallel_loop3A_602 = vector.shape_cast %parallel_loop3A_601 : vector<16x1xi32> to vector<16xi32>
          %parallel_loop3A_603 = tpu.dynamic_gather %parallel_loop3A_119[%parallel_loop3A_602] in [0] : vector<16xf32>, vector<16xi32> -> vector<16xf32>
          %parallel_loop3A_604 = arith.constant 16 : i32
          %parallel_loop3A_605 = arith.muli %parallel_loop3A_110, %parallel_loop3A_604 : i32
          %parallel_loop3A_606 = arith.constant 4 : i32
          %parallel_loop3A_607 = arith.addi %parallel_loop3A_605, %parallel_loop3A_606 : i32
          %parallel_loop3A_608 = arith.constant 1 : i32
          %parallel_loop3A_609 = arith.index_cast %parallel_loop3A_608 : i32 to index
          %parallel_loop3A_610 = arith.index_cast %parallel_loop3A_607 : i32 to index
          %parallel_loop3A_611 = arith.constant 0 : index
          %parallel_loop3A_612 = tpu.vector_load %arg14[%parallel_loop3A_609, %parallel_loop3A_610, %parallel_loop3A_611] {strides = array<i32>} : memref<2x64x128xf32, #tpu.memory_space<vmem>>, vector<1x1x16xf32>,
          %parallel_loop3A_613 = vector.shape_cast %parallel_loop3A_612 : vector<1x1x16xf32> to vector<16xf32>
          %parallel_loop3A_614 = arith.mulf %parallel_loop3A_613, %parallel_loop3A_603 : vector<16xf32>
          %parallel_loop3A_615 = arith.constant 1 : i32
          %parallel_loop3A_616 = arith.index_cast %parallel_loop3A_615 : i32 to index
          %parallel_loop3A_617 = arith.index_cast %parallel_loop3A_607 : i32 to index
          %parallel_loop3A_618 = arith.constant 0 : index
          %parallel_loop3A_619 = tpu.vector_load %arg14[%parallel_loop3A_616, %parallel_loop3A_617, %parallel_loop3A_618] {strides = array<i32>} : memref<2x64x128xf32, #tpu.memory_space<vmem>>, vector<1x1x16xf32>,
          %parallel_loop3A_620 = vector.shape_cast %parallel_loop3A_619 : vector<1x1x16xf32> to vector<16xf32>
          %parallel_loop3A_621 = vector.shape_cast %parallel_loop3A_614 : vector<16xf32> to vector<1x1x16xf32>
          tpu.vector_store %arg14[%parallel_loop3A_616, %parallel_loop3A_617, %parallel_loop3A_618], %parallel_loop3A_621 {strides = array<i32>} : memref<2x64x128xf32, #tpu.memory_space<vmem>>, vector<1x1x16xf32>,
          %parallel_loop3A_622 = arith.constant 1 : i32
          %parallel_loop3A_623 = arith.index_cast %parallel_loop3A_622 : i32 to index
          %parallel_loop3A_624 = arith.index_cast %parallel_loop3A_607 : i32 to index
          %parallel_loop3A_625 = arith.constant 16 : index
          %parallel_loop3A_626 = tpu.vector_load %arg14[%parallel_loop3A_623, %parallel_loop3A_624, %parallel_loop3A_625] {strides = array<i32>} : memref<2x64x128xf32, #tpu.memory_space<vmem>>, vector<1x1x16xf32>,
          %parallel_loop3A_627 = vector.shape_cast %parallel_loop3A_626 : vector<1x1x16xf32> to vector<16xf32>
          %parallel_loop3A_628 = arith.mulf %parallel_loop3A_627, %parallel_loop3A_603 : vector<16xf32>
          %parallel_loop3A_629 = arith.constant 1 : i32
          %parallel_loop3A_630 = arith.index_cast %parallel_loop3A_629 : i32 to index
          %parallel_loop3A_631 = arith.index_cast %parallel_loop3A_607 : i32 to index
          %parallel_loop3A_632 = arith.constant 16 : index
          %parallel_loop3A_633 = tpu.vector_load %arg14[%parallel_loop3A_630, %parallel_loop3A_631, %parallel_loop3A_632] {strides = array<i32>} : memref<2x64x128xf32, #tpu.memory_space<vmem>>, vector<1x1x16xf32>,
          %parallel_loop3A_634 = vector.shape_cast %parallel_loop3A_633 : vector<1x1x16xf32> to vector<16xf32>
          %parallel_loop3A_635 = vector.shape_cast %parallel_loop3A_628 : vector<16xf32> to vector<1x1x16xf32>
          tpu.vector_store %arg14[%parallel_loop3A_630, %parallel_loop3A_631, %parallel_loop3A_632], %parallel_loop3A_635 {strides = array<i32>} : memref<2x64x128xf32, #tpu.memory_space<vmem>>, vector<1x1x16xf32>,
          %parallel_loop3A_636 = arith.constant 1 : i32
          %parallel_loop3A_637 = arith.index_cast %parallel_loop3A_636 : i32 to index
          %parallel_loop3A_638 = arith.index_cast %parallel_loop3A_607 : i32 to index
          %parallel_loop3A_639 = arith.constant 32 : index
          %parallel_loop3A_640 = tpu.vector_load %arg14[%parallel_loop3A_637, %parallel_loop3A_638, %parallel_loop3A_639] {strides = array<i32>} : memref<2x64x128xf32, #tpu.memory_space<vmem>>, vector<1x1x16xf32>,
          %parallel_loop3A_641 = vector.shape_cast %parallel_loop3A_640 : vector<1x1x16xf32> to vector<16xf32>
          %parallel_loop3A_642 = arith.mulf %parallel_loop3A_641, %parallel_loop3A_603 : vector<16xf32>
          %parallel_loop3A_643 = arith.constant 1 : i32
          %parallel_loop3A_644 = arith.index_cast %parallel_loop3A_643 : i32 to index
          %parallel_loop3A_645 = arith.index_cast %parallel_loop3A_607 : i32 to index
          %parallel_loop3A_646 = arith.constant 32 : index
          %parallel_loop3A_647 = tpu.vector_load %arg14[%parallel_loop3A_644, %parallel_loop3A_645, %parallel_loop3A_646] {strides = array<i32>} : memref<2x64x128xf32, #tpu.memory_space<vmem>>, vector<1x1x16xf32>,
          %parallel_loop3A_648 = vector.shape_cast %parallel_loop3A_647 : vector<1x1x16xf32> to vector<16xf32>
          %parallel_loop3A_649 = vector.shape_cast %parallel_loop3A_642 : vector<16xf32> to vector<1x1x16xf32>
          tpu.vector_store %arg14[%parallel_loop3A_644, %parallel_loop3A_645, %parallel_loop3A_646], %parallel_loop3A_649 {strides = array<i32>} : memref<2x64x128xf32, #tpu.memory_space<vmem>>, vector<1x1x16xf32>,
          %parallel_loop3A_650 = arith.constant 1 : i32
          %parallel_loop3A_651 = arith.index_cast %parallel_loop3A_650 : i32 to index
          %parallel_loop3A_652 = arith.index_cast %parallel_loop3A_607 : i32 to index
          %parallel_loop3A_653 = arith.constant 48 : index
          %parallel_loop3A_654 = tpu.vector_load %arg14[%parallel_loop3A_651, %parallel_loop3A_652, %parallel_loop3A_653] {strides = array<i32>} : memref<2x64x128xf32, #tpu.memory_space<vmem>>, vector<1x1x16xf32>,
          %parallel_loop3A_655 = vector.shape_cast %parallel_loop3A_654 : vector<1x1x16xf32> to vector<16xf32>
          %parallel_loop3A_656 = arith.mulf %parallel_loop3A_655, %parallel_loop3A_603 : vector<16xf32>
          %parallel_loop3A_657 = arith.constant 1 : i32
          %parallel_loop3A_658 = arith.index_cast %parallel_loop3A_657 : i32 to index
          %parallel_loop3A_659 = arith.index_cast %parallel_loop3A_607 : i32 to index
          %parallel_loop3A_660 = arith.constant 48 : index
          %parallel_loop3A_661 = tpu.vector_load %arg14[%parallel_loop3A_658, %parallel_loop3A_659, %parallel_loop3A_660] {strides = array<i32>} : memref<2x64x128xf32, #tpu.memory_space<vmem>>, vector<1x1x16xf32>,
          %parallel_loop3A_662 = vector.shape_cast %parallel_loop3A_661 : vector<1x1x16xf32> to vector<16xf32>
          %parallel_loop3A_663 = vector.shape_cast %parallel_loop3A_656 : vector<16xf32> to vector<1x1x16xf32>
          tpu.vector_store %arg14[%parallel_loop3A_658, %parallel_loop3A_659, %parallel_loop3A_660], %parallel_loop3A_663 {strides = array<i32>} : memref<2x64x128xf32, #tpu.memory_space<vmem>>, vector<1x1x16xf32>,
          %parallel_loop3A_664 = arith.constant 1 : i32
          %parallel_loop3A_665 = arith.index_cast %parallel_loop3A_664 : i32 to index
          %parallel_loop3A_666 = arith.index_cast %parallel_loop3A_607 : i32 to index
          %parallel_loop3A_667 = arith.constant 64 : index
          %parallel_loop3A_668 = tpu.vector_load %arg14[%parallel_loop3A_665, %parallel_loop3A_666, %parallel_loop3A_667] {strides = array<i32>} : memref<2x64x128xf32, #tpu.memory_space<vmem>>, vector<1x1x16xf32>,
          %parallel_loop3A_669 = vector.shape_cast %parallel_loop3A_668 : vector<1x1x16xf32> to vector<16xf32>
          %parallel_loop3A_670 = arith.mulf %parallel_loop3A_669, %parallel_loop3A_603 : vector<16xf32>
          %parallel_loop3A_671 = arith.constant 1 : i32
          %parallel_loop3A_672 = arith.index_cast %parallel_loop3A_671 : i32 to index
          %parallel_loop3A_673 = arith.index_cast %parallel_loop3A_607 : i32 to index
          %parallel_loop3A_674 = arith.constant 64 : index
          %parallel_loop3A_675 = tpu.vector_load %arg14[%parallel_loop3A_672, %parallel_loop3A_673, %parallel_loop3A_674] {strides = array<i32>} : memref<2x64x128xf32, #tpu.memory_space<vmem>>, vector<1x1x16xf32>,
          %parallel_loop3A_676 = vector.shape_cast %parallel_loop3A_675 : vector<1x1x16xf32> to vector<16xf32>
          %parallel_loop3A_677 = vector.shape_cast %parallel_loop3A_670 : vector<16xf32> to vector<1x1x16xf32>
          tpu.vector_store %arg14[%parallel_loop3A_672, %parallel_loop3A_673, %parallel_loop3A_674], %parallel_loop3A_677 {strides = array<i32>} : memref<2x64x128xf32, #tpu.memory_space<vmem>>, vector<1x1x16xf32>,
          %parallel_loop3A_678 = arith.constant 1 : i32
          %parallel_loop3A_679 = arith.index_cast %parallel_loop3A_678 : i32 to index
          %parallel_loop3A_680 = arith.index_cast %parallel_loop3A_607 : i32 to index
          %parallel_loop3A_681 = arith.constant 80 : index
          %parallel_loop3A_682 = tpu.vector_load %arg14[%parallel_loop3A_679, %parallel_loop3A_680, %parallel_loop3A_681] {strides = array<i32>} : memref<2x64x128xf32, #tpu.memory_space<vmem>>, vector<1x1x16xf32>,
          %parallel_loop3A_683 = vector.shape_cast %parallel_loop3A_682 : vector<1x1x16xf32> to vector<16xf32>
          %parallel_loop3A_684 = arith.mulf %parallel_loop3A_683, %parallel_loop3A_603 : vector<16xf32>
          %parallel_loop3A_685 = arith.constant 1 : i32
          %parallel_loop3A_686 = arith.index_cast %parallel_loop3A_685 : i32 to index
          %parallel_loop3A_687 = arith.index_cast %parallel_loop3A_607 : i32 to index
          %parallel_loop3A_688 = arith.constant 80 : index
          %parallel_loop3A_689 = tpu.vector_load %arg14[%parallel_loop3A_686, %parallel_loop3A_687, %parallel_loop3A_688] {strides = array<i32>} : memref<2x64x128xf32, #tpu.memory_space<vmem>>, vector<1x1x16xf32>,
          %parallel_loop3A_690 = vector.shape_cast %parallel_loop3A_689 : vector<1x1x16xf32> to vector<16xf32>
          %parallel_loop3A_691 = vector.shape_cast %parallel_loop3A_684 : vector<16xf32> to vector<1x1x16xf32>
          tpu.vector_store %arg14[%parallel_loop3A_686, %parallel_loop3A_687, %parallel_loop3A_688], %parallel_loop3A_691 {strides = array<i32>} : memref<2x64x128xf32, #tpu.memory_space<vmem>>, vector<1x1x16xf32>,
          %parallel_loop3A_692 = arith.constant 1 : i32
          %parallel_loop3A_693 = arith.index_cast %parallel_loop3A_692 : i32 to index
          %parallel_loop3A_694 = arith.index_cast %parallel_loop3A_607 : i32 to index
          %parallel_loop3A_695 = arith.constant 96 : index
          %parallel_loop3A_696 = tpu.vector_load %arg14[%parallel_loop3A_693, %parallel_loop3A_694, %parallel_loop3A_695] {strides = array<i32>} : memref<2x64x128xf32, #tpu.memory_space<vmem>>, vector<1x1x16xf32>,
          %parallel_loop3A_697 = vector.shape_cast %parallel_loop3A_696 : vector<1x1x16xf32> to vector<16xf32>
          %parallel_loop3A_698 = arith.mulf %parallel_loop3A_697, %parallel_loop3A_603 : vector<16xf32>
          %parallel_loop3A_699 = arith.constant 1 : i32
          %parallel_loop3A_700 = arith.index_cast %parallel_loop3A_699 : i32 to index
          %parallel_loop3A_701 = arith.index_cast %parallel_loop3A_607 : i32 to index
          %parallel_loop3A_702 = arith.constant 96 : index
          %parallel_loop3A_703 = tpu.vector_load %arg14[%parallel_loop3A_700, %parallel_loop3A_701, %parallel_loop3A_702] {strides = array<i32>} : memref<2x64x128xf32, #tpu.memory_space<vmem>>, vector<1x1x16xf32>,
          %parallel_loop3A_704 = vector.shape_cast %parallel_loop3A_703 : vector<1x1x16xf32> to vector<16xf32>
          %parallel_loop3A_705 = vector.shape_cast %parallel_loop3A_698 : vector<16xf32> to vector<1x1x16xf32>
          tpu.vector_store %arg14[%parallel_loop3A_700, %parallel_loop3A_701, %parallel_loop3A_702], %parallel_loop3A_705 {strides = array<i32>} : memref<2x64x128xf32, #tpu.memory_space<vmem>>, vector<1x1x16xf32>,
          %parallel_loop3A_706 = arith.constant 1 : i32
          %parallel_loop3A_707 = arith.index_cast %parallel_loop3A_706 : i32 to index
          %parallel_loop3A_708 = arith.index_cast %parallel_loop3A_607 : i32 to index
          %parallel_loop3A_709 = arith.constant 112 : index
          %parallel_loop3A_710 = tpu.vector_load %arg14[%parallel_loop3A_707, %parallel_loop3A_708, %parallel_loop3A_709] {strides = array<i32>} : memref<2x64x128xf32, #tpu.memory_space<vmem>>, vector<1x1x16xf32>,
          %parallel_loop3A_711 = vector.shape_cast %parallel_loop3A_710 : vector<1x1x16xf32> to vector<16xf32>
          %parallel_loop3A_712 = arith.mulf %parallel_loop3A_711, %parallel_loop3A_603 : vector<16xf32>
          %parallel_loop3A_713 = arith.constant 1 : i32
          %parallel_loop3A_714 = arith.index_cast %parallel_loop3A_713 : i32 to index
          %parallel_loop3A_715 = arith.index_cast %parallel_loop3A_607 : i32 to index
          %parallel_loop3A_716 = arith.constant 112 : index
          %parallel_loop3A_717 = tpu.vector_load %arg14[%parallel_loop3A_714, %parallel_loop3A_715, %parallel_loop3A_716] {strides = array<i32>} : memref<2x64x128xf32, #tpu.memory_space<vmem>>, vector<1x1x16xf32>,
          %parallel_loop3A_718 = vector.shape_cast %parallel_loop3A_717 : vector<1x1x16xf32> to vector<16xf32>
          %parallel_loop3A_719 = vector.shape_cast %parallel_loop3A_712 : vector<16xf32> to vector<1x1x16xf32>
          tpu.vector_store %arg14[%parallel_loop3A_714, %parallel_loop3A_715, %parallel_loop3A_716], %parallel_loop3A_719 {strides = array<i32>} : memref<2x64x128xf32, #tpu.memory_space<vmem>>, vector<1x1x16xf32>,
          %parallel_loop3A_720 = arith.constant 5 : i32
          %parallel_loop3A_721 = vector.broadcast %parallel_loop3A_720 : i32 to vector<16x1xi32>
          %parallel_loop3A_722 = vector.shape_cast %parallel_loop3A_721 : vector<16x1xi32> to vector<16xi32>
          %parallel_loop3A_723 = tpu.dynamic_gather %parallel_loop3A_119[%parallel_loop3A_722] in [0] : vector<16xf32>, vector<16xi32> -> vector<16xf32>
          %parallel_loop3A_724 = arith.constant 16 : i32
          %parallel_loop3A_725 = arith.muli %parallel_loop3A_110, %parallel_loop3A_724 : i32
          %parallel_loop3A_726 = arith.constant 5 : i32
          %parallel_loop3A_727 = arith.addi %parallel_loop3A_725, %parallel_loop3A_726 : i32
          %parallel_loop3A_728 = arith.constant 1 : i32
          %parallel_loop3A_729 = arith.index_cast %parallel_loop3A_728 : i32 to index
          %parallel_loop3A_730 = arith.index_cast %parallel_loop3A_727 : i32 to index
          %parallel_loop3A_731 = arith.constant 0 : index
          %parallel_loop3A_732 = tpu.vector_load %arg14[%parallel_loop3A_729, %parallel_loop3A_730, %parallel_loop3A_731] {strides = array<i32>} : memref<2x64x128xf32, #tpu.memory_space<vmem>>, vector<1x1x16xf32>,
          %parallel_loop3A_733 = vector.shape_cast %parallel_loop3A_732 : vector<1x1x16xf32> to vector<16xf32>
          %parallel_loop3A_734 = arith.mulf %parallel_loop3A_733, %parallel_loop3A_723 : vector<16xf32>
          %parallel_loop3A_735 = arith.constant 1 : i32
          %parallel_loop3A_736 = arith.index_cast %parallel_loop3A_735 : i32 to index
          %parallel_loop3A_737 = arith.index_cast %parallel_loop3A_727 : i32 to index
          %parallel_loop3A_738 = arith.constant 0 : index
          %parallel_loop3A_739 = tpu.vector_load %arg14[%parallel_loop3A_736, %parallel_loop3A_737, %parallel_loop3A_738] {strides = array<i32>} : memref<2x64x128xf32, #tpu.memory_space<vmem>>, vector<1x1x16xf32>,
          %parallel_loop3A_740 = vector.shape_cast %parallel_loop3A_739 : vector<1x1x16xf32> to vector<16xf32>
          %parallel_loop3A_741 = vector.shape_cast %parallel_loop3A_734 : vector<16xf32> to vector<1x1x16xf32>
          tpu.vector_store %arg14[%parallel_loop3A_736, %parallel_loop3A_737, %parallel_loop3A_738], %parallel_loop3A_741 {strides = array<i32>} : memref<2x64x128xf32, #tpu.memory_space<vmem>>, vector<1x1x16xf32>,
          %parallel_loop3A_742 = arith.constant 1 : i32
          %parallel_loop3A_743 = arith.index_cast %parallel_loop3A_742 : i32 to index
          %parallel_loop3A_744 = arith.index_cast %parallel_loop3A_727 : i32 to index
          %parallel_loop3A_745 = arith.constant 16 : index
          %parallel_loop3A_746 = tpu.vector_load %arg14[%parallel_loop3A_743, %parallel_loop3A_744, %parallel_loop3A_745] {strides = array<i32>} : memref<2x64x128xf32, #tpu.memory_space<vmem>>, vector<1x1x16xf32>,
          %parallel_loop3A_747 = vector.shape_cast %parallel_loop3A_746 : vector<1x1x16xf32> to vector<16xf32>
          %parallel_loop3A_748 = arith.mulf %parallel_loop3A_747, %parallel_loop3A_723 : vector<16xf32>
          %parallel_loop3A_749 = arith.constant 1 : i32
          %parallel_loop3A_750 = arith.index_cast %parallel_loop3A_749 : i32 to index
          %parallel_loop3A_751 = arith.index_cast %parallel_loop3A_727 : i32 to index
          %parallel_loop3A_752 = arith.constant 16 : index
          %parallel_loop3A_753 = tpu.vector_load %arg14[%parallel_loop3A_750, %parallel_loop3A_751, %parallel_loop3A_752] {strides = array<i32>} : memref<2x64x128xf32, #tpu.memory_space<vmem>>, vector<1x1x16xf32>,
          %parallel_loop3A_754 = vector.shape_cast %parallel_loop3A_753 : vector<1x1x16xf32> to vector<16xf32>
          %parallel_loop3A_755 = vector.shape_cast %parallel_loop3A_748 : vector<16xf32> to vector<1x1x16xf32>
          tpu.vector_store %arg14[%parallel_loop3A_750, %parallel_loop3A_751, %parallel_loop3A_752], %parallel_loop3A_755 {strides = array<i32>} : memref<2x64x128xf32, #tpu.memory_space<vmem>>, vector<1x1x16xf32>,
          %parallel_loop3A_756 = arith.constant 1 : i32
          %parallel_loop3A_757 = arith.index_cast %parallel_loop3A_756 : i32 to index
          %parallel_loop3A_758 = arith.index_cast %parallel_loop3A_727 : i32 to index
          %parallel_loop3A_759 = arith.constant 32 : index
          %parallel_loop3A_760 = tpu.vector_load %arg14[%parallel_loop3A_757, %parallel_loop3A_758, %parallel_loop3A_759] {strides = array<i32>} : memref<2x64x128xf32, #tpu.memory_space<vmem>>, vector<1x1x16xf32>,
          %parallel_loop3A_761 = vector.shape_cast %parallel_loop3A_760 : vector<1x1x16xf32> to vector<16xf32>
          %parallel_loop3A_762 = arith.mulf %parallel_loop3A_761, %parallel_loop3A_723 : vector<16xf32>
          %parallel_loop3A_763 = arith.constant 1 : i32
          %parallel_loop3A_764 = arith.index_cast %parallel_loop3A_763 : i32 to index
          %parallel_loop3A_765 = arith.index_cast %parallel_loop3A_727 : i32 to index
          %parallel_loop3A_766 = arith.constant 32 : index
          %parallel_loop3A_767 = tpu.vector_load %arg14[%parallel_loop3A_764, %parallel_loop3A_765, %parallel_loop3A_766] {strides = array<i32>} : memref<2x64x128xf32, #tpu.memory_space<vmem>>, vector<1x1x16xf32>,
          %parallel_loop3A_768 = vector.shape_cast %parallel_loop3A_767 : vector<1x1x16xf32> to vector<16xf32>
          %parallel_loop3A_769 = vector.shape_cast %parallel_loop3A_762 : vector<16xf32> to vector<1x1x16xf32>
          tpu.vector_store %arg14[%parallel_loop3A_764, %parallel_loop3A_765, %parallel_loop3A_766], %parallel_loop3A_769 {strides = array<i32>} : memref<2x64x128xf32, #tpu.memory_space<vmem>>, vector<1x1x16xf32>,
          %parallel_loop3A_770 = arith.constant 1 : i32
          %parallel_loop3A_771 = arith.index_cast %parallel_loop3A_770 : i32 to index
          %parallel_loop3A_772 = arith.index_cast %parallel_loop3A_727 : i32 to index
          %parallel_loop3A_773 = arith.constant 48 : index
          %parallel_loop3A_774 = tpu.vector_load %arg14[%parallel_loop3A_771, %parallel_loop3A_772, %parallel_loop3A_773] {strides = array<i32>} : memref<2x64x128xf32, #tpu.memory_space<vmem>>, vector<1x1x16xf32>,
          %parallel_loop3A_775 = vector.shape_cast %parallel_loop3A_774 : vector<1x1x16xf32> to vector<16xf32>
          %parallel_loop3A_776 = arith.mulf %parallel_loop3A_775, %parallel_loop3A_723 : vector<16xf32>
          %parallel_loop3A_777 = arith.constant 1 : i32
          %parallel_loop3A_778 = arith.index_cast %parallel_loop3A_777 : i32 to index
          %parallel_loop3A_779 = arith.index_cast %parallel_loop3A_727 : i32 to index
          %parallel_loop3A_780 = arith.constant 48 : index
          %parallel_loop3A_781 = tpu.vector_load %arg14[%parallel_loop3A_778, %parallel_loop3A_779, %parallel_loop3A_780] {strides = array<i32>} : memref<2x64x128xf32, #tpu.memory_space<vmem>>, vector<1x1x16xf32>,
          %parallel_loop3A_782 = vector.shape_cast %parallel_loop3A_781 : vector<1x1x16xf32> to vector<16xf32>
          %parallel_loop3A_783 = vector.shape_cast %parallel_loop3A_776 : vector<16xf32> to vector<1x1x16xf32>
          tpu.vector_store %arg14[%parallel_loop3A_778, %parallel_loop3A_779, %parallel_loop3A_780], %parallel_loop3A_783 {strides = array<i32>} : memref<2x64x128xf32, #tpu.memory_space<vmem>>, vector<1x1x16xf32>,
          %parallel_loop3A_784 = arith.constant 1 : i32
          %parallel_loop3A_785 = arith.index_cast %parallel_loop3A_784 : i32 to index
          %parallel_loop3A_786 = arith.index_cast %parallel_loop3A_727 : i32 to index
          %parallel_loop3A_787 = arith.constant 64 : index
          %parallel_loop3A_788 = tpu.vector_load %arg14[%parallel_loop3A_785, %parallel_loop3A_786, %parallel_loop3A_787] {strides = array<i32>} : memref<2x64x128xf32, #tpu.memory_space<vmem>>, vector<1x1x16xf32>,
          %parallel_loop3A_789 = vector.shape_cast %parallel_loop3A_788 : vector<1x1x16xf32> to vector<16xf32>
          %parallel_loop3A_790 = arith.mulf %parallel_loop3A_789, %parallel_loop3A_723 : vector<16xf32>
          %parallel_loop3A_791 = arith.constant 1 : i32
          %parallel_loop3A_792 = arith.index_cast %parallel_loop3A_791 : i32 to index
          %parallel_loop3A_793 = arith.index_cast %parallel_loop3A_727 : i32 to index
          %parallel_loop3A_794 = arith.constant 64 : index
          %parallel_loop3A_795 = tpu.vector_load %arg14[%parallel_loop3A_792, %parallel_loop3A_793, %parallel_loop3A_794] {strides = array<i32>} : memref<2x64x128xf32, #tpu.memory_space<vmem>>, vector<1x1x16xf32>,
          %parallel_loop3A_796 = vector.shape_cast %parallel_loop3A_795 : vector<1x1x16xf32> to vector<16xf32>
          %parallel_loop3A_797 = vector.shape_cast %parallel_loop3A_790 : vector<16xf32> to vector<1x1x16xf32>
          tpu.vector_store %arg14[%parallel_loop3A_792, %parallel_loop3A_793, %parallel_loop3A_794], %parallel_loop3A_797 {strides = array<i32>} : memref<2x64x128xf32, #tpu.memory_space<vmem>>, vector<1x1x16xf32>,
          %parallel_loop3A_798 = arith.constant 1 : i32
          %parallel_loop3A_799 = arith.index_cast %parallel_loop3A_798 : i32 to index
          %parallel_loop3A_800 = arith.index_cast %parallel_loop3A_727 : i32 to index
          %parallel_loop3A_801 = arith.constant 80 : index
          %parallel_loop3A_802 = tpu.vector_load %arg14[%parallel_loop3A_799, %parallel_loop3A_800, %parallel_loop3A_801] {strides = array<i32>} : memref<2x64x128xf32, #tpu.memory_space<vmem>>, vector<1x1x16xf32>,
          %parallel_loop3A_803 = vector.shape_cast %parallel_loop3A_802 : vector<1x1x16xf32> to vector<16xf32>
          %parallel_loop3A_804 = arith.mulf %parallel_loop3A_803, %parallel_loop3A_723 : vector<16xf32>
          %parallel_loop3A_805 = arith.constant 1 : i32
          %parallel_loop3A_806 = arith.index_cast %parallel_loop3A_805 : i32 to index
          %parallel_loop3A_807 = arith.index_cast %parallel_loop3A_727 : i32 to index
          %parallel_loop3A_808 = arith.constant 80 : index
          %parallel_loop3A_809 = tpu.vector_load %arg14[%parallel_loop3A_806, %parallel_loop3A_807, %parallel_loop3A_808] {strides = array<i32>} : memref<2x64x128xf32, #tpu.memory_space<vmem>>, vector<1x1x16xf32>,
          %parallel_loop3A_810 = vector.shape_cast %parallel_loop3A_809 : vector<1x1x16xf32> to vector<16xf32>
          %parallel_loop3A_811 = vector.shape_cast %parallel_loop3A_804 : vector<16xf32> to vector<1x1x16xf32>
          tpu.vector_store %arg14[%parallel_loop3A_806, %parallel_loop3A_807, %parallel_loop3A_808], %parallel_loop3A_811 {strides = array<i32>} : memref<2x64x128xf32, #tpu.memory_space<vmem>>, vector<1x1x16xf32>,
          %parallel_loop3A_812 = arith.constant 1 : i32
          %parallel_loop3A_813 = arith.index_cast %parallel_loop3A_812 : i32 to index
          %parallel_loop3A_814 = arith.index_cast %parallel_loop3A_727 : i32 to index
          %parallel_loop3A_815 = arith.constant 96 : index
          %parallel_loop3A_816 = tpu.vector_load %arg14[%parallel_loop3A_813, %parallel_loop3A_814, %parallel_loop3A_815] {strides = array<i32>} : memref<2x64x128xf32, #tpu.memory_space<vmem>>, vector<1x1x16xf32>,
          %parallel_loop3A_817 = vector.shape_cast %parallel_loop3A_816 : vector<1x1x16xf32> to vector<16xf32>
          %parallel_loop3A_818 = arith.mulf %parallel_loop3A_817, %parallel_loop3A_723 : vector<16xf32>
          %parallel_loop3A_819 = arith.constant 1 : i32
          %parallel_loop3A_820 = arith.index_cast %parallel_loop3A_819 : i32 to index
          %parallel_loop3A_821 = arith.index_cast %parallel_loop3A_727 : i32 to index
          %parallel_loop3A_822 = arith.constant 96 : index
          %parallel_loop3A_823 = tpu.vector_load %arg14[%parallel_loop3A_820, %parallel_loop3A_821, %parallel_loop3A_822] {strides = array<i32>} : memref<2x64x128xf32, #tpu.memory_space<vmem>>, vector<1x1x16xf32>,
          %parallel_loop3A_824 = vector.shape_cast %parallel_loop3A_823 : vector<1x1x16xf32> to vector<16xf32>
          %parallel_loop3A_825 = vector.shape_cast %parallel_loop3A_818 : vector<16xf32> to vector<1x1x16xf32>
          tpu.vector_store %arg14[%parallel_loop3A_820, %parallel_loop3A_821, %parallel_loop3A_822], %parallel_loop3A_825 {strides = array<i32>} : memref<2x64x128xf32, #tpu.memory_space<vmem>>, vector<1x1x16xf32>,
          %parallel_loop3A_826 = arith.constant 1 : i32
          %parallel_loop3A_827 = arith.index_cast %parallel_loop3A_826 : i32 to index
          %parallel_loop3A_828 = arith.index_cast %parallel_loop3A_727 : i32 to index
          %parallel_loop3A_829 = arith.constant 112 : index
          %parallel_loop3A_830 = tpu.vector_load %arg14[%parallel_loop3A_827, %parallel_loop3A_828, %parallel_loop3A_829] {strides = array<i32>} : memref<2x64x128xf32, #tpu.memory_space<vmem>>, vector<1x1x16xf32>,
          %parallel_loop3A_831 = vector.shape_cast %parallel_loop3A_830 : vector<1x1x16xf32> to vector<16xf32>
          %parallel_loop3A_832 = arith.mulf %parallel_loop3A_831, %parallel_loop3A_723 : vector<16xf32>
          %parallel_loop3A_833 = arith.constant 1 : i32
          %parallel_loop3A_834 = arith.index_cast %parallel_loop3A_833 : i32 to index
          %parallel_loop3A_835 = arith.index_cast %parallel_loop3A_727 : i32 to index
          %parallel_loop3A_836 = arith.constant 112 : index
          %parallel_loop3A_837 = tpu.vector_load %arg14[%parallel_loop3A_834, %parallel_loop3A_835, %parallel_loop3A_836] {strides = array<i32>} : memref<2x64x128xf32, #tpu.memory_space<vmem>>, vector<1x1x16xf32>,
          %parallel_loop3A_838 = vector.shape_cast %parallel_loop3A_837 : vector<1x1x16xf32> to vector<16xf32>
          %parallel_loop3A_839 = vector.shape_cast %parallel_loop3A_832 : vector<16xf32> to vector<1x1x16xf32>
          tpu.vector_store %arg14[%parallel_loop3A_834, %parallel_loop3A_835, %parallel_loop3A_836], %parallel_loop3A_839 {strides = array<i32>} : memref<2x64x128xf32, #tpu.memory_space<vmem>>, vector<1x1x16xf32>,
          %parallel_loop3A_840 = arith.constant 6 : i32
          %parallel_loop3A_841 = vector.broadcast %parallel_loop3A_840 : i32 to vector<16x1xi32>
          %parallel_loop3A_842 = vector.shape_cast %parallel_loop3A_841 : vector<16x1xi32> to vector<16xi32>
          %parallel_loop3A_843 = tpu.dynamic_gather %parallel_loop3A_119[%parallel_loop3A_842] in [0] : vector<16xf32>, vector<16xi32> -> vector<16xf32>
          %parallel_loop3A_844 = arith.constant 16 : i32
          %parallel_loop3A_845 = arith.muli %parallel_loop3A_110, %parallel_loop3A_844 : i32
          %parallel_loop3A_846 = arith.constant 6 : i32
          %parallel_loop3A_847 = arith.addi %parallel_loop3A_845, %parallel_loop3A_846 : i32
          %parallel_loop3A_848 = arith.constant 1 : i32
          %parallel_loop3A_849 = arith.index_cast %parallel_loop3A_848 : i32 to index
          %parallel_loop3A_850 = arith.index_cast %parallel_loop3A_847 : i32 to index
          %parallel_loop3A_851 = arith.constant 0 : index
          %parallel_loop3A_852 = tpu.vector_load %arg14[%parallel_loop3A_849, %parallel_loop3A_850, %parallel_loop3A_851] {strides = array<i32>} : memref<2x64x128xf32, #tpu.memory_space<vmem>>, vector<1x1x16xf32>,
          %parallel_loop3A_853 = vector.shape_cast %parallel_loop3A_852 : vector<1x1x16xf32> to vector<16xf32>
          %parallel_loop3A_854 = arith.mulf %parallel_loop3A_853, %parallel_loop3A_843 : vector<16xf32>
          %parallel_loop3A_855 = arith.constant 1 : i32
          %parallel_loop3A_856 = arith.index_cast %parallel_loop3A_855 : i32 to index
          %parallel_loop3A_857 = arith.index_cast %parallel_loop3A_847 : i32 to index
          %parallel_loop3A_858 = arith.constant 0 : index
          %parallel_loop3A_859 = tpu.vector_load %arg14[%parallel_loop3A_856, %parallel_loop3A_857, %parallel_loop3A_858] {strides = array<i32>} : memref<2x64x128xf32, #tpu.memory_space<vmem>>, vector<1x1x16xf32>,
          %parallel_loop3A_860 = vector.shape_cast %parallel_loop3A_859 : vector<1x1x16xf32> to vector<16xf32>
          %parallel_loop3A_861 = vector.shape_cast %parallel_loop3A_854 : vector<16xf32> to vector<1x1x16xf32>
          tpu.vector_store %arg14[%parallel_loop3A_856, %parallel_loop3A_857, %parallel_loop3A_858], %parallel_loop3A_861 {strides = array<i32>} : memref<2x64x128xf32, #tpu.memory_space<vmem>>, vector<1x1x16xf32>,
          %parallel_loop3A_862 = arith.constant 1 : i32
          %parallel_loop3A_863 = arith.index_cast %parallel_loop3A_862 : i32 to index
          %parallel_loop3A_864 = arith.index_cast %parallel_loop3A_847 : i32 to index
          %parallel_loop3A_865 = arith.constant 16 : index
          %parallel_loop3A_866 = tpu.vector_load %arg14[%parallel_loop3A_863, %parallel_loop3A_864, %parallel_loop3A_865] {strides = array<i32>} : memref<2x64x128xf32, #tpu.memory_space<vmem>>, vector<1x1x16xf32>,
          %parallel_loop3A_867 = vector.shape_cast %parallel_loop3A_866 : vector<1x1x16xf32> to vector<16xf32>
          %parallel_loop3A_868 = arith.mulf %parallel_loop3A_867, %parallel_loop3A_843 : vector<16xf32>
          %parallel_loop3A_869 = arith.constant 1 : i32
          %parallel_loop3A_870 = arith.index_cast %parallel_loop3A_869 : i32 to index
          %parallel_loop3A_871 = arith.index_cast %parallel_loop3A_847 : i32 to index
          %parallel_loop3A_872 = arith.constant 16 : index
          %parallel_loop3A_873 = tpu.vector_load %arg14[%parallel_loop3A_870, %parallel_loop3A_871, %parallel_loop3A_872] {strides = array<i32>} : memref<2x64x128xf32, #tpu.memory_space<vmem>>, vector<1x1x16xf32>,
          %parallel_loop3A_874 = vector.shape_cast %parallel_loop3A_873 : vector<1x1x16xf32> to vector<16xf32>
          %parallel_loop3A_875 = vector.shape_cast %parallel_loop3A_868 : vector<16xf32> to vector<1x1x16xf32>
          tpu.vector_store %arg14[%parallel_loop3A_870, %parallel_loop3A_871, %parallel_loop3A_872], %parallel_loop3A_875 {strides = array<i32>} : memref<2x64x128xf32, #tpu.memory_space<vmem>>, vector<1x1x16xf32>,
          %parallel_loop3A_876 = arith.constant 1 : i32
          %parallel_loop3A_877 = arith.index_cast %parallel_loop3A_876 : i32 to index
          %parallel_loop3A_878 = arith.index_cast %parallel_loop3A_847 : i32 to index
          %parallel_loop3A_879 = arith.constant 32 : index
          %parallel_loop3A_880 = tpu.vector_load %arg14[%parallel_loop3A_877, %parallel_loop3A_878, %parallel_loop3A_879] {strides = array<i32>} : memref<2x64x128xf32, #tpu.memory_space<vmem>>, vector<1x1x16xf32>,
          %parallel_loop3A_881 = vector.shape_cast %parallel_loop3A_880 : vector<1x1x16xf32> to vector<16xf32>
          %parallel_loop3A_882 = arith.mulf %parallel_loop3A_881, %parallel_loop3A_843 : vector<16xf32>
          %parallel_loop3A_883 = arith.constant 1 : i32
          %parallel_loop3A_884 = arith.index_cast %parallel_loop3A_883 : i32 to index
          %parallel_loop3A_885 = arith.index_cast %parallel_loop3A_847 : i32 to index
          %parallel_loop3A_886 = arith.constant 32 : index
          %parallel_loop3A_887 = tpu.vector_load %arg14[%parallel_loop3A_884, %parallel_loop3A_885, %parallel_loop3A_886] {strides = array<i32>} : memref<2x64x128xf32, #tpu.memory_space<vmem>>, vector<1x1x16xf32>,
          %parallel_loop3A_888 = vector.shape_cast %parallel_loop3A_887 : vector<1x1x16xf32> to vector<16xf32>
          %parallel_loop3A_889 = vector.shape_cast %parallel_loop3A_882 : vector<16xf32> to vector<1x1x16xf32>
          tpu.vector_store %arg14[%parallel_loop3A_884, %parallel_loop3A_885, %parallel_loop3A_886], %parallel_loop3A_889 {strides = array<i32>} : memref<2x64x128xf32, #tpu.memory_space<vmem>>, vector<1x1x16xf32>,
          %parallel_loop3A_890 = arith.constant 1 : i32
          %parallel_loop3A_891 = arith.index_cast %parallel_loop3A_890 : i32 to index
          %parallel_loop3A_892 = arith.index_cast %parallel_loop3A_847 : i32 to index
          %parallel_loop3A_893 = arith.constant 48 : index
          %parallel_loop3A_894 = tpu.vector_load %arg14[%parallel_loop3A_891, %parallel_loop3A_892, %parallel_loop3A_893] {strides = array<i32>} : memref<2x64x128xf32, #tpu.memory_space<vmem>>, vector<1x1x16xf32>,
          %parallel_loop3A_895 = vector.shape_cast %parallel_loop3A_894 : vector<1x1x16xf32> to vector<16xf32>
          %parallel_loop3A_896 = arith.mulf %parallel_loop3A_895, %parallel_loop3A_843 : vector<16xf32>
          %parallel_loop3A_897 = arith.constant 1 : i32
          %parallel_loop3A_898 = arith.index_cast %parallel_loop3A_897 : i32 to index
          %parallel_loop3A_899 = arith.index_cast %parallel_loop3A_847 : i32 to index
          %parallel_loop3A_900 = arith.constant 48 : index
          %parallel_loop3A_901 = tpu.vector_load %arg14[%parallel_loop3A_898, %parallel_loop3A_899, %parallel_loop3A_900] {strides = array<i32>} : memref<2x64x128xf32, #tpu.memory_space<vmem>>, vector<1x1x16xf32>,
          %parallel_loop3A_902 = vector.shape_cast %parallel_loop3A_901 : vector<1x1x16xf32> to vector<16xf32>
          %parallel_loop3A_903 = vector.shape_cast %parallel_loop3A_896 : vector<16xf32> to vector<1x1x16xf32>
          tpu.vector_store %arg14[%parallel_loop3A_898, %parallel_loop3A_899, %parallel_loop3A_900], %parallel_loop3A_903 {strides = array<i32>} : memref<2x64x128xf32, #tpu.memory_space<vmem>>, vector<1x1x16xf32>,
          %parallel_loop3A_904 = arith.constant 1 : i32
          %parallel_loop3A_905 = arith.index_cast %parallel_loop3A_904 : i32 to index
          %parallel_loop3A_906 = arith.index_cast %parallel_loop3A_847 : i32 to index
          %parallel_loop3A_907 = arith.constant 64 : index
          %parallel_loop3A_908 = tpu.vector_load %arg14[%parallel_loop3A_905, %parallel_loop3A_906, %parallel_loop3A_907] {strides = array<i32>} : memref<2x64x128xf32, #tpu.memory_space<vmem>>, vector<1x1x16xf32>,
          %parallel_loop3A_909 = vector.shape_cast %parallel_loop3A_908 : vector<1x1x16xf32> to vector<16xf32>
          %parallel_loop3A_910 = arith.mulf %parallel_loop3A_909, %parallel_loop3A_843 : vector<16xf32>
          %parallel_loop3A_911 = arith.constant 1 : i32
          %parallel_loop3A_912 = arith.index_cast %parallel_loop3A_911 : i32 to index
          %parallel_loop3A_913 = arith.index_cast %parallel_loop3A_847 : i32 to index
          %parallel_loop3A_914 = arith.constant 64 : index
          %parallel_loop3A_915 = tpu.vector_load %arg14[%parallel_loop3A_912, %parallel_loop3A_913, %parallel_loop3A_914] {strides = array<i32>} : memref<2x64x128xf32, #tpu.memory_space<vmem>>, vector<1x1x16xf32>,
          %parallel_loop3A_916 = vector.shape_cast %parallel_loop3A_915 : vector<1x1x16xf32> to vector<16xf32>
          %parallel_loop3A_917 = vector.shape_cast %parallel_loop3A_910 : vector<16xf32> to vector<1x1x16xf32>
          tpu.vector_store %arg14[%parallel_loop3A_912, %parallel_loop3A_913, %parallel_loop3A_914], %parallel_loop3A_917 {strides = array<i32>} : memref<2x64x128xf32, #tpu.memory_space<vmem>>, vector<1x1x16xf32>,
          %parallel_loop3A_918 = arith.constant 1 : i32
          %parallel_loop3A_919 = arith.index_cast %parallel_loop3A_918 : i32 to index
          %parallel_loop3A_920 = arith.index_cast %parallel_loop3A_847 : i32 to index
          %parallel_loop3A_921 = arith.constant 80 : index
          %parallel_loop3A_922 = tpu.vector_load %arg14[%parallel_loop3A_919, %parallel_loop3A_920, %parallel_loop3A_921] {strides = array<i32>} : memref<2x64x128xf32, #tpu.memory_space<vmem>>, vector<1x1x16xf32>,
          %parallel_loop3A_923 = vector.shape_cast %parallel_loop3A_922 : vector<1x1x16xf32> to vector<16xf32>
          %parallel_loop3A_924 = arith.mulf %parallel_loop3A_923, %parallel_loop3A_843 : vector<16xf32>
          %parallel_loop3A_925 = arith.constant 1 : i32
          %parallel_loop3A_926 = arith.index_cast %parallel_loop3A_925 : i32 to index
          %parallel_loop3A_927 = arith.index_cast %parallel_loop3A_847 : i32 to index
          %parallel_loop3A_928 = arith.constant 80 : index
          %parallel_loop3A_929 = tpu.vector_load %arg14[%parallel_loop3A_926, %parallel_loop3A_927, %parallel_loop3A_928] {strides = array<i32>} : memref<2x64x128xf32, #tpu.memory_space<vmem>>, vector<1x1x16xf32>,
          %parallel_loop3A_930 = vector.shape_cast %parallel_loop3A_929 : vector<1x1x16xf32> to vector<16xf32>
          %parallel_loop3A_931 = vector.shape_cast %parallel_loop3A_924 : vector<16xf32> to vector<1x1x16xf32>
          tpu.vector_store %arg14[%parallel_loop3A_926, %parallel_loop3A_927, %parallel_loop3A_928], %parallel_loop3A_931 {strides = array<i32>} : memref<2x64x128xf32, #tpu.memory_space<vmem>>, vector<1x1x16xf32>,
          %parallel_loop3A_932 = arith.constant 1 : i32
          %parallel_loop3A_933 = arith.index_cast %parallel_loop3A_932 : i32 to index
          %parallel_loop3A_934 = arith.index_cast %parallel_loop3A_847 : i32 to index
          %parallel_loop3A_935 = arith.constant 96 : index
          %parallel_loop3A_936 = tpu.vector_load %arg14[%parallel_loop3A_933, %parallel_loop3A_934, %parallel_loop3A_935] {strides = array<i32>} : memref<2x64x128xf32, #tpu.memory_space<vmem>>, vector<1x1x16xf32>,
          %parallel_loop3A_937 = vector.shape_cast %parallel_loop3A_936 : vector<1x1x16xf32> to vector<16xf32>
          %parallel_loop3A_938 = arith.mulf %parallel_loop3A_937, %parallel_loop3A_843 : vector<16xf32>
          %parallel_loop3A_939 = arith.constant 1 : i32
          %parallel_loop3A_940 = arith.index_cast %parallel_loop3A_939 : i32 to index
          %parallel_loop3A_941 = arith.index_cast %parallel_loop3A_847 : i32 to index
          %parallel_loop3A_942 = arith.constant 96 : index
          %parallel_loop3A_943 = tpu.vector_load %arg14[%parallel_loop3A_940, %parallel_loop3A_941, %parallel_loop3A_942] {strides = array<i32>} : memref<2x64x128xf32, #tpu.memory_space<vmem>>, vector<1x1x16xf32>,
          %parallel_loop3A_944 = vector.shape_cast %parallel_loop3A_943 : vector<1x1x16xf32> to vector<16xf32>
          %parallel_loop3A_945 = vector.shape_cast %parallel_loop3A_938 : vector<16xf32> to vector<1x1x16xf32>
          tpu.vector_store %arg14[%parallel_loop3A_940, %parallel_loop3A_941, %parallel_loop3A_942], %parallel_loop3A_945 {strides = array<i32>} : memref<2x64x128xf32, #tpu.memory_space<vmem>>, vector<1x1x16xf32>,
          %parallel_loop3A_946 = arith.constant 1 : i32
          %parallel_loop3A_947 = arith.index_cast %parallel_loop3A_946 : i32 to index
          %parallel_loop3A_948 = arith.index_cast %parallel_loop3A_847 : i32 to index
          %parallel_loop3A_949 = arith.constant 112 : index
          %parallel_loop3A_950 = tpu.vector_load %arg14[%parallel_loop3A_947, %parallel_loop3A_948, %parallel_loop3A_949] {strides = array<i32>} : memref<2x64x128xf32, #tpu.memory_space<vmem>>, vector<1x1x16xf32>,
          %parallel_loop3A_951 = vector.shape_cast %parallel_loop3A_950 : vector<1x1x16xf32> to vector<16xf32>
          %parallel_loop3A_952 = arith.mulf %parallel_loop3A_951, %parallel_loop3A_843 : vector<16xf32>
          %parallel_loop3A_953 = arith.constant 1 : i32
          %parallel_loop3A_954 = arith.index_cast %parallel_loop3A_953 : i32 to index
          %parallel_loop3A_955 = arith.index_cast %parallel_loop3A_847 : i32 to index
          %parallel_loop3A_956 = arith.constant 112 : index
          %parallel_loop3A_957 = tpu.vector_load %arg14[%parallel_loop3A_954, %parallel_loop3A_955, %parallel_loop3A_956] {strides = array<i32>} : memref<2x64x128xf32, #tpu.memory_space<vmem>>, vector<1x1x16xf32>,
          %parallel_loop3A_958 = vector.shape_cast %parallel_loop3A_957 : vector<1x1x16xf32> to vector<16xf32>
          %parallel_loop3A_959 = vector.shape_cast %parallel_loop3A_952 : vector<16xf32> to vector<1x1x16xf32>
          tpu.vector_store %arg14[%parallel_loop3A_954, %parallel_loop3A_955, %parallel_loop3A_956], %parallel_loop3A_959 {strides = array<i32>} : memref<2x64x128xf32, #tpu.memory_space<vmem>>, vector<1x1x16xf32>,
          %parallel_loop3A_960 = arith.constant 7 : i32
          %parallel_loop3A_961 = vector.broadcast %parallel_loop3A_960 : i32 to vector<16x1xi32>
          %parallel_loop3A_962 = vector.shape_cast %parallel_loop3A_961 : vector<16x1xi32> to vector<16xi32>
          %parallel_loop3A_963 = tpu.dynamic_gather %parallel_loop3A_119[%parallel_loop3A_962] in [0] : vector<16xf32>, vector<16xi32> -> vector<16xf32>
          %parallel_loop3A_964 = arith.constant 16 : i32
          %parallel_loop3A_965 = arith.muli %parallel_loop3A_110, %parallel_loop3A_964 : i32
          %parallel_loop3A_966 = arith.constant 7 : i32
          %parallel_loop3A_967 = arith.addi %parallel_loop3A_965, %parallel_loop3A_966 : i32
          %parallel_loop3A_968 = arith.constant 1 : i32
          %parallel_loop3A_969 = arith.index_cast %parallel_loop3A_968 : i32 to index
          %parallel_loop3A_970 = arith.index_cast %parallel_loop3A_967 : i32 to index
          %parallel_loop3A_971 = arith.constant 0 : index
          %parallel_loop3A_972 = tpu.vector_load %arg14[%parallel_loop3A_969, %parallel_loop3A_970, %parallel_loop3A_971] {strides = array<i32>} : memref<2x64x128xf32, #tpu.memory_space<vmem>>, vector<1x1x16xf32>,
          %parallel_loop3A_973 = vector.shape_cast %parallel_loop3A_972 : vector<1x1x16xf32> to vector<16xf32>
          %parallel_loop3A_974 = arith.mulf %parallel_loop3A_973, %parallel_loop3A_963 : vector<16xf32>
          %parallel_loop3A_975 = arith.constant 1 : i32
          %parallel_loop3A_976 = arith.index_cast %parallel_loop3A_975 : i32 to index
          %parallel_loop3A_977 = arith.index_cast %parallel_loop3A_967 : i32 to index
          %parallel_loop3A_978 = arith.constant 0 : index
          %parallel_loop3A_979 = tpu.vector_load %arg14[%parallel_loop3A_976, %parallel_loop3A_977, %parallel_loop3A_978] {strides = array<i32>} : memref<2x64x128xf32, #tpu.memory_space<vmem>>, vector<1x1x16xf32>,
          %parallel_loop3A_980 = vector.shape_cast %parallel_loop3A_979 : vector<1x1x16xf32> to vector<16xf32>
          %parallel_loop3A_981 = vector.shape_cast %parallel_loop3A_974 : vector<16xf32> to vector<1x1x16xf32>
          tpu.vector_store %arg14[%parallel_loop3A_976, %parallel_loop3A_977, %parallel_loop3A_978], %parallel_loop3A_981 {strides = array<i32>} : memref<2x64x128xf32, #tpu.memory_space<vmem>>, vector<1x1x16xf32>,
          %parallel_loop3A_982 = arith.constant 1 : i32
          %parallel_loop3A_983 = arith.index_cast %parallel_loop3A_982 : i32 to index
          %parallel_loop3A_984 = arith.index_cast %parallel_loop3A_967 : i32 to index
          %parallel_loop3A_985 = arith.constant 16 : index
          %parallel_loop3A_986 = tpu.vector_load %arg14[%parallel_loop3A_983, %parallel_loop3A_984, %parallel_loop3A_985] {strides = array<i32>} : memref<2x64x128xf32, #tpu.memory_space<vmem>>, vector<1x1x16xf32>,
          %parallel_loop3A_987 = vector.shape_cast %parallel_loop3A_986 : vector<1x1x16xf32> to vector<16xf32>
          %parallel_loop3A_988 = arith.mulf %parallel_loop3A_987, %parallel_loop3A_963 : vector<16xf32>
          %parallel_loop3A_989 = arith.constant 1 : i32
          %parallel_loop3A_990 = arith.index_cast %parallel_loop3A_989 : i32 to index
          %parallel_loop3A_991 = arith.index_cast %parallel_loop3A_967 : i32 to index
          %parallel_loop3A_992 = arith.constant 16 : index
          %parallel_loop3A_993 = tpu.vector_load %arg14[%parallel_loop3A_990, %parallel_loop3A_991, %parallel_loop3A_992] {strides = array<i32>} : memref<2x64x128xf32, #tpu.memory_space<vmem>>, vector<1x1x16xf32>,
          %parallel_loop3A_994 = vector.shape_cast %parallel_loop3A_993 : vector<1x1x16xf32> to vector<16xf32>
          %parallel_loop3A_995 = vector.shape_cast %parallel_loop3A_988 : vector<16xf32> to vector<1x1x16xf32>
          tpu.vector_store %arg14[%parallel_loop3A_990, %parallel_loop3A_991, %parallel_loop3A_992], %parallel_loop3A_995 {strides = array<i32>} : memref<2x64x128xf32, #tpu.memory_space<vmem>>, vector<1x1x16xf32>,
          %parallel_loop3A_996 = arith.constant 1 : i32
          %parallel_loop3A_997 = arith.index_cast %parallel_loop3A_996 : i32 to index
          %parallel_loop3A_998 = arith.index_cast %parallel_loop3A_967 : i32 to index
          %parallel_loop3A_999 = arith.constant 32 : index
          %parallel_loop3A_1000 = tpu.vector_load %arg14[%parallel_loop3A_997, %parallel_loop3A_998, %parallel_loop3A_999] {strides = array<i32>} : memref<2x64x128xf32, #tpu.memory_space<vmem>>, vector<1x1x16xf32>,
          %parallel_loop3A_1001 = vector.shape_cast %parallel_loop3A_1000 : vector<1x1x16xf32> to vector<16xf32>
          %parallel_loop3A_1002 = arith.mulf %parallel_loop3A_1001, %parallel_loop3A_963 : vector<16xf32>
          %parallel_loop3A_1003 = arith.constant 1 : i32
          %parallel_loop3A_1004 = arith.index_cast %parallel_loop3A_1003 : i32 to index
          %parallel_loop3A_1005 = arith.index_cast %parallel_loop3A_967 : i32 to index
          %parallel_loop3A_1006 = arith.constant 32 : index
          %parallel_loop3A_1007 = tpu.vector_load %arg14[%parallel_loop3A_1004, %parallel_loop3A_1005, %parallel_loop3A_1006] {strides = array<i32>} : memref<2x64x128xf32, #tpu.memory_space<vmem>>, vector<1x1x16xf32>,
          %parallel_loop3A_1008 = vector.shape_cast %parallel_loop3A_1007 : vector<1x1x16xf32> to vector<16xf32>
          %parallel_loop3A_1009 = vector.shape_cast %parallel_loop3A_1002 : vector<16xf32> to vector<1x1x16xf32>
          tpu.vector_store %arg14[%parallel_loop3A_1004, %parallel_loop3A_1005, %parallel_loop3A_1006], %parallel_loop3A_1009 {strides = array<i32>} : memref<2x64x128xf32, #tpu.memory_space<vmem>>, vector<1x1x16xf32>,
          %parallel_loop3A_1010 = arith.constant 1 : i32
          %parallel_loop3A_1011 = arith.index_cast %parallel_loop3A_1010 : i32 to index
          %parallel_loop3A_1012 = arith.index_cast %parallel_loop3A_967 : i32 to index
          %parallel_loop3A_1013 = arith.constant 48 : index
          %parallel_loop3A_1014 = tpu.vector_load %arg14[%parallel_loop3A_1011, %parallel_loop3A_1012, %parallel_loop3A_1013] {strides = array<i32>} : memref<2x64x128xf32, #tpu.memory_space<vmem>>, vector<1x1x16xf32>,
          %parallel_loop3A_1015 = vector.shape_cast %parallel_loop3A_1014 : vector<1x1x16xf32> to vector<16xf32>
          %parallel_loop3A_1016 = arith.mulf %parallel_loop3A_1015, %parallel_loop3A_963 : vector<16xf32>
          %parallel_loop3A_1017 = arith.constant 1 : i32
          %parallel_loop3A_1018 = arith.index_cast %parallel_loop3A_1017 : i32 to index
          %parallel_loop3A_1019 = arith.index_cast %parallel_loop3A_967 : i32 to index
          %parallel_loop3A_1020 = arith.constant 48 : index
          %parallel_loop3A_1021 = tpu.vector_load %arg14[%parallel_loop3A_1018, %parallel_loop3A_1019, %parallel_loop3A_1020] {strides = array<i32>} : memref<2x64x128xf32, #tpu.memory_space<vmem>>, vector<1x1x16xf32>,
          %parallel_loop3A_1022 = vector.shape_cast %parallel_loop3A_1021 : vector<1x1x16xf32> to vector<16xf32>
          %parallel_loop3A_1023 = vector.shape_cast %parallel_loop3A_1016 : vector<16xf32> to vector<1x1x16xf32>
          tpu.vector_store %arg14[%parallel_loop3A_1018, %parallel_loop3A_1019, %parallel_loop3A_1020], %parallel_loop3A_1023 {strides = array<i32>} : memref<2x64x128xf32, #tpu.memory_space<vmem>>, vector<1x1x16xf32>,
          %parallel_loop3A_1024 = arith.constant 1 : i32
          %parallel_loop3A_1025 = arith.index_cast %parallel_loop3A_1024 : i32 to index
          %parallel_loop3A_1026 = arith.index_cast %parallel_loop3A_967 : i32 to index
          %parallel_loop3A_1027 = arith.constant 64 : index
          %parallel_loop3A_1028 = tpu.vector_load %arg14[%parallel_loop3A_1025, %parallel_loop3A_1026, %parallel_loop3A_1027] {strides = array<i32>} : memref<2x64x128xf32, #tpu.memory_space<vmem>>, vector<1x1x16xf32>,
          %parallel_loop3A_1029 = vector.shape_cast %parallel_loop3A_1028 : vector<1x1x16xf32> to vector<16xf32>
          %parallel_loop3A_1030 = arith.mulf %parallel_loop3A_1029, %parallel_loop3A_963 : vector<16xf32>
          %parallel_loop3A_1031 = arith.constant 1 : i32
          %parallel_loop3A_1032 = arith.index_cast %parallel_loop3A_1031 : i32 to index
          %parallel_loop3A_1033 = arith.index_cast %parallel_loop3A_967 : i32 to index
          %parallel_loop3A_1034 = arith.constant 64 : index
          %parallel_loop3A_1035 = tpu.vector_load %arg14[%parallel_loop3A_1032, %parallel_loop3A_1033, %parallel_loop3A_1034] {strides = array<i32>} : memref<2x64x128xf32, #tpu.memory_space<vmem>>, vector<1x1x16xf32>,
          %parallel_loop3A_1036 = vector.shape_cast %parallel_loop3A_1035 : vector<1x1x16xf32> to vector<16xf32>
          %parallel_loop3A_1037 = vector.shape_cast %parallel_loop3A_1030 : vector<16xf32> to vector<1x1x16xf32>
          tpu.vector_store %arg14[%parallel_loop3A_1032, %parallel_loop3A_1033, %parallel_loop3A_1034], %parallel_loop3A_1037 {strides = array<i32>} : memref<2x64x128xf32, #tpu.memory_space<vmem>>, vector<1x1x16xf32>,
          %parallel_loop3A_1038 = arith.constant 1 : i32
          %parallel_loop3A_1039 = arith.index_cast %parallel_loop3A_1038 : i32 to index
          %parallel_loop3A_1040 = arith.index_cast %parallel_loop3A_967 : i32 to index
          %parallel_loop3A_1041 = arith.constant 80 : index
          %parallel_loop3A_1042 = tpu.vector_load %arg14[%parallel_loop3A_1039, %parallel_loop3A_1040, %parallel_loop3A_1041] {strides = array<i32>} : memref<2x64x128xf32, #tpu.memory_space<vmem>>, vector<1x1x16xf32>,
          %parallel_loop3A_1043 = vector.shape_cast %parallel_loop3A_1042 : vector<1x1x16xf32> to vector<16xf32>
          %parallel_loop3A_1044 = arith.mulf %parallel_loop3A_1043, %parallel_loop3A_963 : vector<16xf32>
          %parallel_loop3A_1045 = arith.constant 1 : i32
          %parallel_loop3A_1046 = arith.index_cast %parallel_loop3A_1045 : i32 to index
          %parallel_loop3A_1047 = arith.index_cast %parallel_loop3A_967 : i32 to index
          %parallel_loop3A_1048 = arith.constant 80 : index
          %parallel_loop3A_1049 = tpu.vector_load %arg14[%parallel_loop3A_1046, %parallel_loop3A_1047, %parallel_loop3A_1048] {strides = array<i32>} : memref<2x64x128xf32, #tpu.memory_space<vmem>>, vector<1x1x16xf32>,
          %parallel_loop3A_1050 = vector.shape_cast %parallel_loop3A_1049 : vector<1x1x16xf32> to vector<16xf32>
          %parallel_loop3A_1051 = vector.shape_cast %parallel_loop3A_1044 : vector<16xf32> to vector<1x1x16xf32>
          tpu.vector_store %arg14[%parallel_loop3A_1046, %parallel_loop3A_1047, %parallel_loop3A_1048], %parallel_loop3A_1051 {strides = array<i32>} : memref<2x64x128xf32, #tpu.memory_space<vmem>>, vector<1x1x16xf32>,
          %parallel_loop3A_1052 = arith.constant 1 : i32
          %parallel_loop3A_1053 = arith.index_cast %parallel_loop3A_1052 : i32 to index
          %parallel_loop3A_1054 = arith.index_cast %parallel_loop3A_967 : i32 to index
          %parallel_loop3A_1055 = arith.constant 96 : index
          %parallel_loop3A_1056 = tpu.vector_load %arg14[%parallel_loop3A_1053, %parallel_loop3A_1054, %parallel_loop3A_1055] {strides = array<i32>} : memref<2x64x128xf32, #tpu.memory_space<vmem>>, vector<1x1x16xf32>,
          %parallel_loop3A_1057 = vector.shape_cast %parallel_loop3A_1056 : vector<1x1x16xf32> to vector<16xf32>
          %parallel_loop3A_1058 = arith.mulf %parallel_loop3A_1057, %parallel_loop3A_963 : vector<16xf32>
          %parallel_loop3A_1059 = arith.constant 1 : i32
          %parallel_loop3A_1060 = arith.index_cast %parallel_loop3A_1059 : i32 to index
          %parallel_loop3A_1061 = arith.index_cast %parallel_loop3A_967 : i32 to index
          %parallel_loop3A_1062 = arith.constant 96 : index
          %parallel_loop3A_1063 = tpu.vector_load %arg14[%parallel_loop3A_1060, %parallel_loop3A_1061, %parallel_loop3A_1062] {strides = array<i32>} : memref<2x64x128xf32, #tpu.memory_space<vmem>>, vector<1x1x16xf32>,
          %parallel_loop3A_1064 = vector.shape_cast %parallel_loop3A_1063 : vector<1x1x16xf32> to vector<16xf32>
          %parallel_loop3A_1065 = vector.shape_cast %parallel_loop3A_1058 : vector<16xf32> to vector<1x1x16xf32>
          tpu.vector_store %arg14[%parallel_loop3A_1060, %parallel_loop3A_1061, %parallel_loop3A_1062], %parallel_loop3A_1065 {strides = array<i32>} : memref<2x64x128xf32, #tpu.memory_space<vmem>>, vector<1x1x16xf32>,
          %parallel_loop3A_1066 = arith.constant 1 : i32
          %parallel_loop3A_1067 = arith.index_cast %parallel_loop3A_1066 : i32 to index
          %parallel_loop3A_1068 = arith.index_cast %parallel_loop3A_967 : i32 to index
          %parallel_loop3A_1069 = arith.constant 112 : index
          %parallel_loop3A_1070 = tpu.vector_load %arg14[%parallel_loop3A_1067, %parallel_loop3A_1068, %parallel_loop3A_1069] {strides = array<i32>} : memref<2x64x128xf32, #tpu.memory_space<vmem>>, vector<1x1x16xf32>,
          %parallel_loop3A_1071 = vector.shape_cast %parallel_loop3A_1070 : vector<1x1x16xf32> to vector<16xf32>
          %parallel_loop3A_1072 = arith.mulf %parallel_loop3A_1071, %parallel_loop3A_963 : vector<16xf32>
          %parallel_loop3A_1073 = arith.constant 1 : i32
          %parallel_loop3A_1074 = arith.index_cast %parallel_loop3A_1073 : i32 to index
          %parallel_loop3A_1075 = arith.index_cast %parallel_loop3A_967 : i32 to index
          %parallel_loop3A_1076 = arith.constant 112 : index
          %parallel_loop3A_1077 = tpu.vector_load %arg14[%parallel_loop3A_1074, %parallel_loop3A_1075, %parallel_loop3A_1076] {strides = array<i32>} : memref<2x64x128xf32, #tpu.memory_space<vmem>>, vector<1x1x16xf32>,
          %parallel_loop3A_1078 = vector.shape_cast %parallel_loop3A_1077 : vector<1x1x16xf32> to vector<16xf32>
          %parallel_loop3A_1079 = vector.shape_cast %parallel_loop3A_1072 : vector<16xf32> to vector<1x1x16xf32>
          tpu.vector_store %arg14[%parallel_loop3A_1074, %parallel_loop3A_1075, %parallel_loop3A_1076], %parallel_loop3A_1079 {strides = array<i32>} : memref<2x64x128xf32, #tpu.memory_space<vmem>>, vector<1x1x16xf32>,
          %parallel_loop3A_1080 = arith.constant 8 : i32
          %parallel_loop3A_1081 = vector.broadcast %parallel_loop3A_1080 : i32 to vector<16x1xi32>
          %parallel_loop3A_1082 = vector.shape_cast %parallel_loop3A_1081 : vector<16x1xi32> to vector<16xi32>
          %parallel_loop3A_1083 = tpu.dynamic_gather %parallel_loop3A_119[%parallel_loop3A_1082] in [0] : vector<16xf32>, vector<16xi32> -> vector<16xf32>
          %parallel_loop3A_1084 = arith.constant 16 : i32
          %parallel_loop3A_1085 = arith.muli %parallel_loop3A_110, %parallel_loop3A_1084 : i32
          %parallel_loop3A_1086 = arith.constant 8 : i32
          %parallel_loop3A_1087 = arith.addi %parallel_loop3A_1085, %parallel_loop3A_1086 : i32
          %parallel_loop3A_1088 = arith.constant 1 : i32
          %parallel_loop3A_1089 = arith.index_cast %parallel_loop3A_1088 : i32 to index
          %parallel_loop3A_1090 = arith.index_cast %parallel_loop3A_1087 : i32 to index
          %parallel_loop3A_1091 = arith.constant 0 : index
          %parallel_loop3A_1092 = tpu.vector_load %arg14[%parallel_loop3A_1089, %parallel_loop3A_1090, %parallel_loop3A_1091] {strides = array<i32>} : memref<2x64x128xf32, #tpu.memory_space<vmem>>, vector<1x1x16xf32>,
          %parallel_loop3A_1093 = vector.shape_cast %parallel_loop3A_1092 : vector<1x1x16xf32> to vector<16xf32>
          %parallel_loop3A_1094 = arith.mulf %parallel_loop3A_1093, %parallel_loop3A_1083 : vector<16xf32>
          %parallel_loop3A_1095 = arith.constant 1 : i32
          %parallel_loop3A_1096 = arith.index_cast %parallel_loop3A_1095 : i32 to index
          %parallel_loop3A_1097 = arith.index_cast %parallel_loop3A_1087 : i32 to index
          %parallel_loop3A_1098 = arith.constant 0 : index
          %parallel_loop3A_1099 = tpu.vector_load %arg14[%parallel_loop3A_1096, %parallel_loop3A_1097, %parallel_loop3A_1098] {strides = array<i32>} : memref<2x64x128xf32, #tpu.memory_space<vmem>>, vector<1x1x16xf32>,
          %parallel_loop3A_1100 = vector.shape_cast %parallel_loop3A_1099 : vector<1x1x16xf32> to vector<16xf32>
          %parallel_loop3A_1101 = vector.shape_cast %parallel_loop3A_1094 : vector<16xf32> to vector<1x1x16xf32>
          tpu.vector_store %arg14[%parallel_loop3A_1096, %parallel_loop3A_1097, %parallel_loop3A_1098], %parallel_loop3A_1101 {strides = array<i32>} : memref<2x64x128xf32, #tpu.memory_space<vmem>>, vector<1x1x16xf32>,
          %parallel_loop3A_1102 = arith.constant 1 : i32
          %parallel_loop3A_1103 = arith.index_cast %parallel_loop3A_1102 : i32 to index
          %parallel_loop3A_1104 = arith.index_cast %parallel_loop3A_1087 : i32 to index
          %parallel_loop3A_1105 = arith.constant 16 : index
          %parallel_loop3A_1106 = tpu.vector_load %arg14[%parallel_loop3A_1103, %parallel_loop3A_1104, %parallel_loop3A_1105] {strides = array<i32>} : memref<2x64x128xf32, #tpu.memory_space<vmem>>, vector<1x1x16xf32>,
          %parallel_loop3A_1107 = vector.shape_cast %parallel_loop3A_1106 : vector<1x1x16xf32> to vector<16xf32>
          %parallel_loop3A_1108 = arith.mulf %parallel_loop3A_1107, %parallel_loop3A_1083 : vector<16xf32>
          %parallel_loop3A_1109 = arith.constant 1 : i32
          %parallel_loop3A_1110 = arith.index_cast %parallel_loop3A_1109 : i32 to index
          %parallel_loop3A_1111 = arith.index_cast %parallel_loop3A_1087 : i32 to index
          %parallel_loop3A_1112 = arith.constant 16 : index
          %parallel_loop3A_1113 = tpu.vector_load %arg14[%parallel_loop3A_1110, %parallel_loop3A_1111, %parallel_loop3A_1112] {strides = array<i32>} : memref<2x64x128xf32, #tpu.memory_space<vmem>>, vector<1x1x16xf32>,
          %parallel_loop3A_1114 = vector.shape_cast %parallel_loop3A_1113 : vector<1x1x16xf32> to vector<16xf32>
          %parallel_loop3A_1115 = vector.shape_cast %parallel_loop3A_1108 : vector<16xf32> to vector<1x1x16xf32>
          tpu.vector_store %arg14[%parallel_loop3A_1110, %parallel_loop3A_1111, %parallel_loop3A_1112], %parallel_loop3A_1115 {strides = array<i32>} : memref<2x64x128xf32, #tpu.memory_space<vmem>>, vector<1x1x16xf32>,
          %parallel_loop3A_1116 = arith.constant 1 : i32
          %parallel_loop3A_1117 = arith.index_cast %parallel_loop3A_1116 : i32 to index
          %parallel_loop3A_1118 = arith.index_cast %parallel_loop3A_1087 : i32 to index
          %parallel_loop3A_1119 = arith.constant 32 : index
          %parallel_loop3A_1120 = tpu.vector_load %arg14[%parallel_loop3A_1117, %parallel_loop3A_1118, %parallel_loop3A_1119] {strides = array<i32>} : memref<2x64x128xf32, #tpu.memory_space<vmem>>, vector<1x1x16xf32>,
          %parallel_loop3A_1121 = vector.shape_cast %parallel_loop3A_1120 : vector<1x1x16xf32> to vector<16xf32>
          %parallel_loop3A_1122 = arith.mulf %parallel_loop3A_1121, %parallel_loop3A_1083 : vector<16xf32>
          %parallel_loop3A_1123 = arith.constant 1 : i32
          %parallel_loop3A_1124 = arith.index_cast %parallel_loop3A_1123 : i32 to index
          %parallel_loop3A_1125 = arith.index_cast %parallel_loop3A_1087 : i32 to index
          %parallel_loop3A_1126 = arith.constant 32 : index
          %parallel_loop3A_1127 = tpu.vector_load %arg14[%parallel_loop3A_1124, %parallel_loop3A_1125, %parallel_loop3A_1126] {strides = array<i32>} : memref<2x64x128xf32, #tpu.memory_space<vmem>>, vector<1x1x16xf32>,
          %parallel_loop3A_1128 = vector.shape_cast %parallel_loop3A_1127 : vector<1x1x16xf32> to vector<16xf32>
          %parallel_loop3A_1129 = vector.shape_cast %parallel_loop3A_1122 : vector<16xf32> to vector<1x1x16xf32>
          tpu.vector_store %arg14[%parallel_loop3A_1124, %parallel_loop3A_1125, %parallel_loop3A_1126], %parallel_loop3A_1129 {strides = array<i32>} : memref<2x64x128xf32, #tpu.memory_space<vmem>>, vector<1x1x16xf32>,
          %parallel_loop3A_1130 = arith.constant 1 : i32
          %parallel_loop3A_1131 = arith.index_cast %parallel_loop3A_1130 : i32 to index
          %parallel_loop3A_1132 = arith.index_cast %parallel_loop3A_1087 : i32 to index
          %parallel_loop3A_1133 = arith.constant 48 : index
          %parallel_loop3A_1134 = tpu.vector_load %arg14[%parallel_loop3A_1131, %parallel_loop3A_1132, %parallel_loop3A_1133] {strides = array<i32>} : memref<2x64x128xf32, #tpu.memory_space<vmem>>, vector<1x1x16xf32>,
          %parallel_loop3A_1135 = vector.shape_cast %parallel_loop3A_1134 : vector<1x1x16xf32> to vector<16xf32>
          %parallel_loop3A_1136 = arith.mulf %parallel_loop3A_1135, %parallel_loop3A_1083 : vector<16xf32>
          %parallel_loop3A_1137 = arith.constant 1 : i32
          %parallel_loop3A_1138 = arith.index_cast %parallel_loop3A_1137 : i32 to index
          %parallel_loop3A_1139 = arith.index_cast %parallel_loop3A_1087 : i32 to index
          %parallel_loop3A_1140 = arith.constant 48 : index
          %parallel_loop3A_1141 = tpu.vector_load %arg14[%parallel_loop3A_1138, %parallel_loop3A_1139, %parallel_loop3A_1140] {strides = array<i32>} : memref<2x64x128xf32, #tpu.memory_space<vmem>>, vector<1x1x16xf32>,
          %parallel_loop3A_1142 = vector.shape_cast %parallel_loop3A_1141 : vector<1x1x16xf32> to vector<16xf32>
          %parallel_loop3A_1143 = vector.shape_cast %parallel_loop3A_1136 : vector<16xf32> to vector<1x1x16xf32>
          tpu.vector_store %arg14[%parallel_loop3A_1138, %parallel_loop3A_1139, %parallel_loop3A_1140], %parallel_loop3A_1143 {strides = array<i32>} : memref<2x64x128xf32, #tpu.memory_space<vmem>>, vector<1x1x16xf32>,
          %parallel_loop3A_1144 = arith.constant 1 : i32
          %parallel_loop3A_1145 = arith.index_cast %parallel_loop3A_1144 : i32 to index
          %parallel_loop3A_1146 = arith.index_cast %parallel_loop3A_1087 : i32 to index
          %parallel_loop3A_1147 = arith.constant 64 : index
          %parallel_loop3A_1148 = tpu.vector_load %arg14[%parallel_loop3A_1145, %parallel_loop3A_1146, %parallel_loop3A_1147] {strides = array<i32>} : memref<2x64x128xf32, #tpu.memory_space<vmem>>, vector<1x1x16xf32>,
          %parallel_loop3A_1149 = vector.shape_cast %parallel_loop3A_1148 : vector<1x1x16xf32> to vector<16xf32>
          %parallel_loop3A_1150 = arith.mulf %parallel_loop3A_1149, %parallel_loop3A_1083 : vector<16xf32>
          %parallel_loop3A_1151 = arith.constant 1 : i32
          %parallel_loop3A_1152 = arith.index_cast %parallel_loop3A_1151 : i32 to index
          %parallel_loop3A_1153 = arith.index_cast %parallel_loop3A_1087 : i32 to index
          %parallel_loop3A_1154 = arith.constant 64 : index
          %parallel_loop3A_1155 = tpu.vector_load %arg14[%parallel_loop3A_1152, %parallel_loop3A_1153, %parallel_loop3A_1154] {strides = array<i32>} : memref<2x64x128xf32, #tpu.memory_space<vmem>>, vector<1x1x16xf32>,
          %parallel_loop3A_1156 = vector.shape_cast %parallel_loop3A_1155 : vector<1x1x16xf32> to vector<16xf32>
          %parallel_loop3A_1157 = vector.shape_cast %parallel_loop3A_1150 : vector<16xf32> to vector<1x1x16xf32>
          tpu.vector_store %arg14[%parallel_loop3A_1152, %parallel_loop3A_1153, %parallel_loop3A_1154], %parallel_loop3A_1157 {strides = array<i32>} : memref<2x64x128xf32, #tpu.memory_space<vmem>>, vector<1x1x16xf32>,
          %parallel_loop3A_1158 = arith.constant 1 : i32
          %parallel_loop3A_1159 = arith.index_cast %parallel_loop3A_1158 : i32 to index
          %parallel_loop3A_1160 = arith.index_cast %parallel_loop3A_1087 : i32 to index
          %parallel_loop3A_1161 = arith.constant 80 : index
          %parallel_loop3A_1162 = tpu.vector_load %arg14[%parallel_loop3A_1159, %parallel_loop3A_1160, %parallel_loop3A_1161] {strides = array<i32>} : memref<2x64x128xf32, #tpu.memory_space<vmem>>, vector<1x1x16xf32>,
          %parallel_loop3A_1163 = vector.shape_cast %parallel_loop3A_1162 : vector<1x1x16xf32> to vector<16xf32>
          %parallel_loop3A_1164 = arith.mulf %parallel_loop3A_1163, %parallel_loop3A_1083 : vector<16xf32>
          %parallel_loop3A_1165 = arith.constant 1 : i32
          %parallel_loop3A_1166 = arith.index_cast %parallel_loop3A_1165 : i32 to index
          %parallel_loop3A_1167 = arith.index_cast %parallel_loop3A_1087 : i32 to index
          %parallel_loop3A_1168 = arith.constant 80 : index
          %parallel_loop3A_1169 = tpu.vector_load %arg14[%parallel_loop3A_1166, %parallel_loop3A_1167, %parallel_loop3A_1168] {strides = array<i32>} : memref<2x64x128xf32, #tpu.memory_space<vmem>>, vector<1x1x16xf32>,
          %parallel_loop3A_1170 = vector.shape_cast %parallel_loop3A_1169 : vector<1x1x16xf32> to vector<16xf32>
          %parallel_loop3A_1171 = vector.shape_cast %parallel_loop3A_1164 : vector<16xf32> to vector<1x1x16xf32>
          tpu.vector_store %arg14[%parallel_loop3A_1166, %parallel_loop3A_1167, %parallel_loop3A_1168], %parallel_loop3A_1171 {strides = array<i32>} : memref<2x64x128xf32, #tpu.memory_space<vmem>>, vector<1x1x16xf32>,
          %parallel_loop3A_1172 = arith.constant 1 : i32
          %parallel_loop3A_1173 = arith.index_cast %parallel_loop3A_1172 : i32 to index
          %parallel_loop3A_1174 = arith.index_cast %parallel_loop3A_1087 : i32 to index
          %parallel_loop3A_1175 = arith.constant 96 : index
          %parallel_loop3A_1176 = tpu.vector_load %arg14[%parallel_loop3A_1173, %parallel_loop3A_1174, %parallel_loop3A_1175] {strides = array<i32>} : memref<2x64x128xf32, #tpu.memory_space<vmem>>, vector<1x1x16xf32>,
          %parallel_loop3A_1177 = vector.shape_cast %parallel_loop3A_1176 : vector<1x1x16xf32> to vector<16xf32>
          %parallel_loop3A_1178 = arith.mulf %parallel_loop3A_1177, %parallel_loop3A_1083 : vector<16xf32>
          %parallel_loop3A_1179 = arith.constant 1 : i32
          %parallel_loop3A_1180 = arith.index_cast %parallel_loop3A_1179 : i32 to index
          %parallel_loop3A_1181 = arith.index_cast %parallel_loop3A_1087 : i32 to index
          %parallel_loop3A_1182 = arith.constant 96 : index
          %parallel_loop3A_1183 = tpu.vector_load %arg14[%parallel_loop3A_1180, %parallel_loop3A_1181, %parallel_loop3A_1182] {strides = array<i32>} : memref<2x64x128xf32, #tpu.memory_space<vmem>>, vector<1x1x16xf32>,
          %parallel_loop3A_1184 = vector.shape_cast %parallel_loop3A_1183 : vector<1x1x16xf32> to vector<16xf32>
          %parallel_loop3A_1185 = vector.shape_cast %parallel_loop3A_1178 : vector<16xf32> to vector<1x1x16xf32>
          tpu.vector_store %arg14[%parallel_loop3A_1180, %parallel_loop3A_1181, %parallel_loop3A_1182], %parallel_loop3A_1185 {strides = array<i32>} : memref<2x64x128xf32, #tpu.memory_space<vmem>>, vector<1x1x16xf32>,
          %parallel_loop3A_1186 = arith.constant 1 : i32
          %parallel_loop3A_1187 = arith.index_cast %parallel_loop3A_1186 : i32 to index
          %parallel_loop3A_1188 = arith.index_cast %parallel_loop3A_1087 : i32 to index
          %parallel_loop3A_1189 = arith.constant 112 : index
          %parallel_loop3A_1190 = tpu.vector_load %arg14[%parallel_loop3A_1187, %parallel_loop3A_1188, %parallel_loop3A_1189] {strides = array<i32>} : memref<2x64x128xf32, #tpu.memory_space<vmem>>, vector<1x1x16xf32>,
          %parallel_loop3A_1191 = vector.shape_cast %parallel_loop3A_1190 : vector<1x1x16xf32> to vector<16xf32>
          %parallel_loop3A_1192 = arith.mulf %parallel_loop3A_1191, %parallel_loop3A_1083 : vector<16xf32>
          %parallel_loop3A_1193 = arith.constant 1 : i32
          %parallel_loop3A_1194 = arith.index_cast %parallel_loop3A_1193 : i32 to index
          %parallel_loop3A_1195 = arith.index_cast %parallel_loop3A_1087 : i32 to index
          %parallel_loop3A_1196 = arith.constant 112 : index
          %parallel_loop3A_1197 = tpu.vector_load %arg14[%parallel_loop3A_1194, %parallel_loop3A_1195, %parallel_loop3A_1196] {strides = array<i32>} : memref<2x64x128xf32, #tpu.memory_space<vmem>>, vector<1x1x16xf32>,
          %parallel_loop3A_1198 = vector.shape_cast %parallel_loop3A_1197 : vector<1x1x16xf32> to vector<16xf32>
          %parallel_loop3A_1199 = vector.shape_cast %parallel_loop3A_1192 : vector<16xf32> to vector<1x1x16xf32>
          tpu.vector_store %arg14[%parallel_loop3A_1194, %parallel_loop3A_1195, %parallel_loop3A_1196], %parallel_loop3A_1199 {strides = array<i32>} : memref<2x64x128xf32, #tpu.memory_space<vmem>>, vector<1x1x16xf32>,
          %parallel_loop3A_1200 = arith.constant 9 : i32
          %parallel_loop3A_1201 = vector.broadcast %parallel_loop3A_1200 : i32 to vector<16x1xi32>
          %parallel_loop3A_1202 = vector.shape_cast %parallel_loop3A_1201 : vector<16x1xi32> to vector<16xi32>
          %parallel_loop3A_1203 = tpu.dynamic_gather %parallel_loop3A_119[%parallel_loop3A_1202] in [0] : vector<16xf32>, vector<16xi32> -> vector<16xf32>
          %parallel_loop3A_1204 = arith.constant 16 : i32
          %parallel_loop3A_1205 = arith.muli %parallel_loop3A_110, %parallel_loop3A_1204 : i32
          %parallel_loop3A_1206 = arith.constant 9 : i32
          %parallel_loop3A_1207 = arith.addi %parallel_loop3A_1205, %parallel_loop3A_1206 : i32
          %parallel_loop3A_1208 = arith.constant 1 : i32
          %parallel_loop3A_1209 = arith.index_cast %parallel_loop3A_1208 : i32 to index
          %parallel_loop3A_1210 = arith.index_cast %parallel_loop3A_1207 : i32 to index
          %parallel_loop3A_1211 = arith.constant 0 : index
          %parallel_loop3A_1212 = tpu.vector_load %arg14[%parallel_loop3A_1209, %parallel_loop3A_1210, %parallel_loop3A_1211] {strides = array<i32>} : memref<2x64x128xf32, #tpu.memory_space<vmem>>, vector<1x1x16xf32>,
          %parallel_loop3A_1213 = vector.shape_cast %parallel_loop3A_1212 : vector<1x1x16xf32> to vector<16xf32>
          %parallel_loop3A_1214 = arith.mulf %parallel_loop3A_1213, %parallel_loop3A_1203 : vector<16xf32>
          %parallel_loop3A_1215 = arith.constant 1 : i32
          %parallel_loop3A_1216 = arith.index_cast %parallel_loop3A_1215 : i32 to index
          %parallel_loop3A_1217 = arith.index_cast %parallel_loop3A_1207 : i32 to index
          %parallel_loop3A_1218 = arith.constant 0 : index
          %parallel_loop3A_1219 = tpu.vector_load %arg14[%parallel_loop3A_1216, %parallel_loop3A_1217, %parallel_loop3A_1218] {strides = array<i32>} : memref<2x64x128xf32, #tpu.memory_space<vmem>>, vector<1x1x16xf32>,
          %parallel_loop3A_1220 = vector.shape_cast %parallel_loop3A_1219 : vector<1x1x16xf32> to vector<16xf32>
          %parallel_loop3A_1221 = vector.shape_cast %parallel_loop3A_1214 : vector<16xf32> to vector<1x1x16xf32>
          tpu.vector_store %arg14[%parallel_loop3A_1216, %parallel_loop3A_1217, %parallel_loop3A_1218], %parallel_loop3A_1221 {strides = array<i32>} : memref<2x64x128xf32, #tpu.memory_space<vmem>>, vector<1x1x16xf32>,
          %parallel_loop3A_1222 = arith.constant 1 : i32
          %parallel_loop3A_1223 = arith.index_cast %parallel_loop3A_1222 : i32 to index
          %parallel_loop3A_1224 = arith.index_cast %parallel_loop3A_1207 : i32 to index
          %parallel_loop3A_1225 = arith.constant 16 : index
          %parallel_loop3A_1226 = tpu.vector_load %arg14[%parallel_loop3A_1223, %parallel_loop3A_1224, %parallel_loop3A_1225] {strides = array<i32>} : memref<2x64x128xf32, #tpu.memory_space<vmem>>, vector<1x1x16xf32>,
          %parallel_loop3A_1227 = vector.shape_cast %parallel_loop3A_1226 : vector<1x1x16xf32> to vector<16xf32>
          %parallel_loop3A_1228 = arith.mulf %parallel_loop3A_1227, %parallel_loop3A_1203 : vector<16xf32>
          %parallel_loop3A_1229 = arith.constant 1 : i32
          %parallel_loop3A_1230 = arith.index_cast %parallel_loop3A_1229 : i32 to index
          %parallel_loop3A_1231 = arith.index_cast %parallel_loop3A_1207 : i32 to index
          %parallel_loop3A_1232 = arith.constant 16 : index
          %parallel_loop3A_1233 = tpu.vector_load %arg14[%parallel_loop3A_1230, %parallel_loop3A_1231, %parallel_loop3A_1232] {strides = array<i32>} : memref<2x64x128xf32, #tpu.memory_space<vmem>>, vector<1x1x16xf32>,
          %parallel_loop3A_1234 = vector.shape_cast %parallel_loop3A_1233 : vector<1x1x16xf32> to vector<16xf32>
          %parallel_loop3A_1235 = vector.shape_cast %parallel_loop3A_1228 : vector<16xf32> to vector<1x1x16xf32>
          tpu.vector_store %arg14[%parallel_loop3A_1230, %parallel_loop3A_1231, %parallel_loop3A_1232], %parallel_loop3A_1235 {strides = array<i32>} : memref<2x64x128xf32, #tpu.memory_space<vmem>>, vector<1x1x16xf32>,
          %parallel_loop3A_1236 = arith.constant 1 : i32
          %parallel_loop3A_1237 = arith.index_cast %parallel_loop3A_1236 : i32 to index
          %parallel_loop3A_1238 = arith.index_cast %parallel_loop3A_1207 : i32 to index
          %parallel_loop3A_1239 = arith.constant 32 : index
          %parallel_loop3A_1240 = tpu.vector_load %arg14[%parallel_loop3A_1237, %parallel_loop3A_1238, %parallel_loop3A_1239] {strides = array<i32>} : memref<2x64x128xf32, #tpu.memory_space<vmem>>, vector<1x1x16xf32>,
          %parallel_loop3A_1241 = vector.shape_cast %parallel_loop3A_1240 : vector<1x1x16xf32> to vector<16xf32>
          %parallel_loop3A_1242 = arith.mulf %parallel_loop3A_1241, %parallel_loop3A_1203 : vector<16xf32>
          %parallel_loop3A_1243 = arith.constant 1 : i32
          %parallel_loop3A_1244 = arith.index_cast %parallel_loop3A_1243 : i32 to index
          %parallel_loop3A_1245 = arith.index_cast %parallel_loop3A_1207 : i32 to index
          %parallel_loop3A_1246 = arith.constant 32 : index
          %parallel_loop3A_1247 = tpu.vector_load %arg14[%parallel_loop3A_1244, %parallel_loop3A_1245, %parallel_loop3A_1246] {strides = array<i32>} : memref<2x64x128xf32, #tpu.memory_space<vmem>>, vector<1x1x16xf32>,
          %parallel_loop3A_1248 = vector.shape_cast %parallel_loop3A_1247 : vector<1x1x16xf32> to vector<16xf32>
          %parallel_loop3A_1249 = vector.shape_cast %parallel_loop3A_1242 : vector<16xf32> to vector<1x1x16xf32>
          tpu.vector_store %arg14[%parallel_loop3A_1244, %parallel_loop3A_1245, %parallel_loop3A_1246], %parallel_loop3A_1249 {strides = array<i32>} : memref<2x64x128xf32, #tpu.memory_space<vmem>>, vector<1x1x16xf32>,
          %parallel_loop3A_1250 = arith.constant 1 : i32
          %parallel_loop3A_1251 = arith.index_cast %parallel_loop3A_1250 : i32 to index
          %parallel_loop3A_1252 = arith.index_cast %parallel_loop3A_1207 : i32 to index
          %parallel_loop3A_1253 = arith.constant 48 : index
          %parallel_loop3A_1254 = tpu.vector_load %arg14[%parallel_loop3A_1251, %parallel_loop3A_1252, %parallel_loop3A_1253] {strides = array<i32>} : memref<2x64x128xf32, #tpu.memory_space<vmem>>, vector<1x1x16xf32>,
          %parallel_loop3A_1255 = vector.shape_cast %parallel_loop3A_1254 : vector<1x1x16xf32> to vector<16xf32>
          %parallel_loop3A_1256 = arith.mulf %parallel_loop3A_1255, %parallel_loop3A_1203 : vector<16xf32>
          %parallel_loop3A_1257 = arith.constant 1 : i32
          %parallel_loop3A_1258 = arith.index_cast %parallel_loop3A_1257 : i32 to index
          %parallel_loop3A_1259 = arith.index_cast %parallel_loop3A_1207 : i32 to index
          %parallel_loop3A_1260 = arith.constant 48 : index
          %parallel_loop3A_1261 = tpu.vector_load %arg14[%parallel_loop3A_1258, %parallel_loop3A_1259, %parallel_loop3A_1260] {strides = array<i32>} : memref<2x64x128xf32, #tpu.memory_space<vmem>>, vector<1x1x16xf32>,
          %parallel_loop3A_1262 = vector.shape_cast %parallel_loop3A_1261 : vector<1x1x16xf32> to vector<16xf32>
          %parallel_loop3A_1263 = vector.shape_cast %parallel_loop3A_1256 : vector<16xf32> to vector<1x1x16xf32>
          tpu.vector_store %arg14[%parallel_loop3A_1258, %parallel_loop3A_1259, %parallel_loop3A_1260], %parallel_loop3A_1263 {strides = array<i32>} : memref<2x64x128xf32, #tpu.memory_space<vmem>>, vector<1x1x16xf32>,
          %parallel_loop3A_1264 = arith.constant 1 : i32
          %parallel_loop3A_1265 = arith.index_cast %parallel_loop3A_1264 : i32 to index
          %parallel_loop3A_1266 = arith.index_cast %parallel_loop3A_1207 : i32 to index
          %parallel_loop3A_1267 = arith.constant 64 : index
          %parallel_loop3A_1268 = tpu.vector_load %arg14[%parallel_loop3A_1265, %parallel_loop3A_1266, %parallel_loop3A_1267] {strides = array<i32>} : memref<2x64x128xf32, #tpu.memory_space<vmem>>, vector<1x1x16xf32>,
          %parallel_loop3A_1269 = vector.shape_cast %parallel_loop3A_1268 : vector<1x1x16xf32> to vector<16xf32>
          %parallel_loop3A_1270 = arith.mulf %parallel_loop3A_1269, %parallel_loop3A_1203 : vector<16xf32>
          %parallel_loop3A_1271 = arith.constant 1 : i32
          %parallel_loop3A_1272 = arith.index_cast %parallel_loop3A_1271 : i32 to index
          %parallel_loop3A_1273 = arith.index_cast %parallel_loop3A_1207 : i32 to index
          %parallel_loop3A_1274 = arith.constant 64 : index
          %parallel_loop3A_1275 = tpu.vector_load %arg14[%parallel_loop3A_1272, %parallel_loop3A_1273, %parallel_loop3A_1274] {strides = array<i32>} : memref<2x64x128xf32, #tpu.memory_space<vmem>>, vector<1x1x16xf32>,
          %parallel_loop3A_1276 = vector.shape_cast %parallel_loop3A_1275 : vector<1x1x16xf32> to vector<16xf32>
          %parallel_loop3A_1277 = vector.shape_cast %parallel_loop3A_1270 : vector<16xf32> to vector<1x1x16xf32>
          tpu.vector_store %arg14[%parallel_loop3A_1272, %parallel_loop3A_1273, %parallel_loop3A_1274], %parallel_loop3A_1277 {strides = array<i32>} : memref<2x64x128xf32, #tpu.memory_space<vmem>>, vector<1x1x16xf32>,
          %parallel_loop3A_1278 = arith.constant 1 : i32
          %parallel_loop3A_1279 = arith.index_cast %parallel_loop3A_1278 : i32 to index
          %parallel_loop3A_1280 = arith.index_cast %parallel_loop3A_1207 : i32 to index
          %parallel_loop3A_1281 = arith.constant 80 : index
          %parallel_loop3A_1282 = tpu.vector_load %arg14[%parallel_loop3A_1279, %parallel_loop3A_1280, %parallel_loop3A_1281] {strides = array<i32>} : memref<2x64x128xf32, #tpu.memory_space<vmem>>, vector<1x1x16xf32>,
          %parallel_loop3A_1283 = vector.shape_cast %parallel_loop3A_1282 : vector<1x1x16xf32> to vector<16xf32>
          %parallel_loop3A_1284 = arith.mulf %parallel_loop3A_1283, %parallel_loop3A_1203 : vector<16xf32>
          %parallel_loop3A_1285 = arith.constant 1 : i32
          %parallel_loop3A_1286 = arith.index_cast %parallel_loop3A_1285 : i32 to index
          %parallel_loop3A_1287 = arith.index_cast %parallel_loop3A_1207 : i32 to index
          %parallel_loop3A_1288 = arith.constant 80 : index
          %parallel_loop3A_1289 = tpu.vector_load %arg14[%parallel_loop3A_1286, %parallel_loop3A_1287, %parallel_loop3A_1288] {strides = array<i32>} : memref<2x64x128xf32, #tpu.memory_space<vmem>>, vector<1x1x16xf32>,
          %parallel_loop3A_1290 = vector.shape_cast %parallel_loop3A_1289 : vector<1x1x16xf32> to vector<16xf32>
          %parallel_loop3A_1291 = vector.shape_cast %parallel_loop3A_1284 : vector<16xf32> to vector<1x1x16xf32>
          tpu.vector_store %arg14[%parallel_loop3A_1286, %parallel_loop3A_1287, %parallel_loop3A_1288], %parallel_loop3A_1291 {strides = array<i32>} : memref<2x64x128xf32, #tpu.memory_space<vmem>>, vector<1x1x16xf32>,
          %parallel_loop3A_1292 = arith.constant 1 : i32
          %parallel_loop3A_1293 = arith.index_cast %parallel_loop3A_1292 : i32 to index
          %parallel_loop3A_1294 = arith.index_cast %parallel_loop3A_1207 : i32 to index
          %parallel_loop3A_1295 = arith.constant 96 : index
          %parallel_loop3A_1296 = tpu.vector_load %arg14[%parallel_loop3A_1293, %parallel_loop3A_1294, %parallel_loop3A_1295] {strides = array<i32>} : memref<2x64x128xf32, #tpu.memory_space<vmem>>, vector<1x1x16xf32>,
          %parallel_loop3A_1297 = vector.shape_cast %parallel_loop3A_1296 : vector<1x1x16xf32> to vector<16xf32>
          %parallel_loop3A_1298 = arith.mulf %parallel_loop3A_1297, %parallel_loop3A_1203 : vector<16xf32>
          %parallel_loop3A_1299 = arith.constant 1 : i32
          %parallel_loop3A_1300 = arith.index_cast %parallel_loop3A_1299 : i32 to index
          %parallel_loop3A_1301 = arith.index_cast %parallel_loop3A_1207 : i32 to index
          %parallel_loop3A_1302 = arith.constant 96 : index
          %parallel_loop3A_1303 = tpu.vector_load %arg14[%parallel_loop3A_1300, %parallel_loop3A_1301, %parallel_loop3A_1302] {strides = array<i32>} : memref<2x64x128xf32, #tpu.memory_space<vmem>>, vector<1x1x16xf32>,
          %parallel_loop3A_1304 = vector.shape_cast %parallel_loop3A_1303 : vector<1x1x16xf32> to vector<16xf32>
          %parallel_loop3A_1305 = vector.shape_cast %parallel_loop3A_1298 : vector<16xf32> to vector<1x1x16xf32>
          tpu.vector_store %arg14[%parallel_loop3A_1300, %parallel_loop3A_1301, %parallel_loop3A_1302], %parallel_loop3A_1305 {strides = array<i32>} : memref<2x64x128xf32, #tpu.memory_space<vmem>>, vector<1x1x16xf32>,
          %parallel_loop3A_1306 = arith.constant 1 : i32
          %parallel_loop3A_1307 = arith.index_cast %parallel_loop3A_1306 : i32 to index
          %parallel_loop3A_1308 = arith.index_cast %parallel_loop3A_1207 : i32 to index
          %parallel_loop3A_1309 = arith.constant 112 : index
          %parallel_loop3A_1310 = tpu.vector_load %arg14[%parallel_loop3A_1307, %parallel_loop3A_1308, %parallel_loop3A_1309] {strides = array<i32>} : memref<2x64x128xf32, #tpu.memory_space<vmem>>, vector<1x1x16xf32>,
          %parallel_loop3A_1311 = vector.shape_cast %parallel_loop3A_1310 : vector<1x1x16xf32> to vector<16xf32>
          %parallel_loop3A_1312 = arith.mulf %parallel_loop3A_1311, %parallel_loop3A_1203 : vector<16xf32>
          %parallel_loop3A_1313 = arith.constant 1 : i32
          %parallel_loop3A_1314 = arith.index_cast %parallel_loop3A_1313 : i32 to index
          %parallel_loop3A_1315 = arith.index_cast %parallel_loop3A_1207 : i32 to index
          %parallel_loop3A_1316 = arith.constant 112 : index
          %parallel_loop3A_1317 = tpu.vector_load %arg14[%parallel_loop3A_1314, %parallel_loop3A_1315, %parallel_loop3A_1316] {strides = array<i32>} : memref<2x64x128xf32, #tpu.memory_space<vmem>>, vector<1x1x16xf32>,
          %parallel_loop3A_1318 = vector.shape_cast %parallel_loop3A_1317 : vector<1x1x16xf32> to vector<16xf32>
          %parallel_loop3A_1319 = vector.shape_cast %parallel_loop3A_1312 : vector<16xf32> to vector<1x1x16xf32>
          tpu.vector_store %arg14[%parallel_loop3A_1314, %parallel_loop3A_1315, %parallel_loop3A_1316], %parallel_loop3A_1319 {strides = array<i32>} : memref<2x64x128xf32, #tpu.memory_space<vmem>>, vector<1x1x16xf32>,
          %parallel_loop3A_1320 = arith.constant 10 : i32
          %parallel_loop3A_1321 = vector.broadcast %parallel_loop3A_1320 : i32 to vector<16x1xi32>
          %parallel_loop3A_1322 = vector.shape_cast %parallel_loop3A_1321 : vector<16x1xi32> to vector<16xi32>
          %parallel_loop3A_1323 = tpu.dynamic_gather %parallel_loop3A_119[%parallel_loop3A_1322] in [0] : vector<16xf32>, vector<16xi32> -> vector<16xf32>
          %parallel_loop3A_1324 = arith.constant 16 : i32
          %parallel_loop3A_1325 = arith.muli %parallel_loop3A_110, %parallel_loop3A_1324 : i32
          %parallel_loop3A_1326 = arith.constant 10 : i32
          %parallel_loop3A_1327 = arith.addi %parallel_loop3A_1325, %parallel_loop3A_1326 : i32
          %parallel_loop3A_1328 = arith.constant 1 : i32
          %parallel_loop3A_1329 = arith.index_cast %parallel_loop3A_1328 : i32 to index
          %parallel_loop3A_1330 = arith.index_cast %parallel_loop3A_1327 : i32 to index
          %parallel_loop3A_1331 = arith.constant 0 : index
          %parallel_loop3A_1332 = tpu.vector_load %arg14[%parallel_loop3A_1329, %parallel_loop3A_1330, %parallel_loop3A_1331] {strides = array<i32>} : memref<2x64x128xf32, #tpu.memory_space<vmem>>, vector<1x1x16xf32>,
          %parallel_loop3A_1333 = vector.shape_cast %parallel_loop3A_1332 : vector<1x1x16xf32> to vector<16xf32>
          %parallel_loop3A_1334 = arith.mulf %parallel_loop3A_1333, %parallel_loop3A_1323 : vector<16xf32>
          %parallel_loop3A_1335 = arith.constant 1 : i32
          %parallel_loop3A_1336 = arith.index_cast %parallel_loop3A_1335 : i32 to index
          %parallel_loop3A_1337 = arith.index_cast %parallel_loop3A_1327 : i32 to index
          %parallel_loop3A_1338 = arith.constant 0 : index
          %parallel_loop3A_1339 = tpu.vector_load %arg14[%parallel_loop3A_1336, %parallel_loop3A_1337, %parallel_loop3A_1338] {strides = array<i32>} : memref<2x64x128xf32, #tpu.memory_space<vmem>>, vector<1x1x16xf32>,
          %parallel_loop3A_1340 = vector.shape_cast %parallel_loop3A_1339 : vector<1x1x16xf32> to vector<16xf32>
          %parallel_loop3A_1341 = vector.shape_cast %parallel_loop3A_1334 : vector<16xf32> to vector<1x1x16xf32>
          tpu.vector_store %arg14[%parallel_loop3A_1336, %parallel_loop3A_1337, %parallel_loop3A_1338], %parallel_loop3A_1341 {strides = array<i32>} : memref<2x64x128xf32, #tpu.memory_space<vmem>>, vector<1x1x16xf32>,
          %parallel_loop3A_1342 = arith.constant 1 : i32
          %parallel_loop3A_1343 = arith.index_cast %parallel_loop3A_1342 : i32 to index
          %parallel_loop3A_1344 = arith.index_cast %parallel_loop3A_1327 : i32 to index
          %parallel_loop3A_1345 = arith.constant 16 : index
          %parallel_loop3A_1346 = tpu.vector_load %arg14[%parallel_loop3A_1343, %parallel_loop3A_1344, %parallel_loop3A_1345] {strides = array<i32>} : memref<2x64x128xf32, #tpu.memory_space<vmem>>, vector<1x1x16xf32>,
          %parallel_loop3A_1347 = vector.shape_cast %parallel_loop3A_1346 : vector<1x1x16xf32> to vector<16xf32>
          %parallel_loop3A_1348 = arith.mulf %parallel_loop3A_1347, %parallel_loop3A_1323 : vector<16xf32>
          %parallel_loop3A_1349 = arith.constant 1 : i32
          %parallel_loop3A_1350 = arith.index_cast %parallel_loop3A_1349 : i32 to index
          %parallel_loop3A_1351 = arith.index_cast %parallel_loop3A_1327 : i32 to index
          %parallel_loop3A_1352 = arith.constant 16 : index
          %parallel_loop3A_1353 = tpu.vector_load %arg14[%parallel_loop3A_1350, %parallel_loop3A_1351, %parallel_loop3A_1352] {strides = array<i32>} : memref<2x64x128xf32, #tpu.memory_space<vmem>>, vector<1x1x16xf32>,
          %parallel_loop3A_1354 = vector.shape_cast %parallel_loop3A_1353 : vector<1x1x16xf32> to vector<16xf32>
          %parallel_loop3A_1355 = vector.shape_cast %parallel_loop3A_1348 : vector<16xf32> to vector<1x1x16xf32>
          tpu.vector_store %arg14[%parallel_loop3A_1350, %parallel_loop3A_1351, %parallel_loop3A_1352], %parallel_loop3A_1355 {strides = array<i32>} : memref<2x64x128xf32, #tpu.memory_space<vmem>>, vector<1x1x16xf32>,
          %parallel_loop3A_1356 = arith.constant 1 : i32
          %parallel_loop3A_1357 = arith.index_cast %parallel_loop3A_1356 : i32 to index
          %parallel_loop3A_1358 = arith.index_cast %parallel_loop3A_1327 : i32 to index
          %parallel_loop3A_1359 = arith.constant 32 : index
          %parallel_loop3A_1360 = tpu.vector_load %arg14[%parallel_loop3A_1357, %parallel_loop3A_1358, %parallel_loop3A_1359] {strides = array<i32>} : memref<2x64x128xf32, #tpu.memory_space<vmem>>, vector<1x1x16xf32>,
          %parallel_loop3A_1361 = vector.shape_cast %parallel_loop3A_1360 : vector<1x1x16xf32> to vector<16xf32>
          %parallel_loop3A_1362 = arith.mulf %parallel_loop3A_1361, %parallel_loop3A_1323 : vector<16xf32>
          %parallel_loop3A_1363 = arith.constant 1 : i32
          %parallel_loop3A_1364 = arith.index_cast %parallel_loop3A_1363 : i32 to index
          %parallel_loop3A_1365 = arith.index_cast %parallel_loop3A_1327 : i32 to index
          %parallel_loop3A_1366 = arith.constant 32 : index
          %parallel_loop3A_1367 = tpu.vector_load %arg14[%parallel_loop3A_1364, %parallel_loop3A_1365, %parallel_loop3A_1366] {strides = array<i32>} : memref<2x64x128xf32, #tpu.memory_space<vmem>>, vector<1x1x16xf32>,
          %parallel_loop3A_1368 = vector.shape_cast %parallel_loop3A_1367 : vector<1x1x16xf32> to vector<16xf32>
          %parallel_loop3A_1369 = vector.shape_cast %parallel_loop3A_1362 : vector<16xf32> to vector<1x1x16xf32>
          tpu.vector_store %arg14[%parallel_loop3A_1364, %parallel_loop3A_1365, %parallel_loop3A_1366], %parallel_loop3A_1369 {strides = array<i32>} : memref<2x64x128xf32, #tpu.memory_space<vmem>>, vector<1x1x16xf32>,
          %parallel_loop3A_1370 = arith.constant 1 : i32
          %parallel_loop3A_1371 = arith.index_cast %parallel_loop3A_1370 : i32 to index
          %parallel_loop3A_1372 = arith.index_cast %parallel_loop3A_1327 : i32 to index
          %parallel_loop3A_1373 = arith.constant 48 : index
          %parallel_loop3A_1374 = tpu.vector_load %arg14[%parallel_loop3A_1371, %parallel_loop3A_1372, %parallel_loop3A_1373] {strides = array<i32>} : memref<2x64x128xf32, #tpu.memory_space<vmem>>, vector<1x1x16xf32>,
          %parallel_loop3A_1375 = vector.shape_cast %parallel_loop3A_1374 : vector<1x1x16xf32> to vector<16xf32>
          %parallel_loop3A_1376 = arith.mulf %parallel_loop3A_1375, %parallel_loop3A_1323 : vector<16xf32>
          %parallel_loop3A_1377 = arith.constant 1 : i32
          %parallel_loop3A_1378 = arith.index_cast %parallel_loop3A_1377 : i32 to index
          %parallel_loop3A_1379 = arith.index_cast %parallel_loop3A_1327 : i32 to index
          %parallel_loop3A_1380 = arith.constant 48 : index
          %parallel_loop3A_1381 = tpu.vector_load %arg14[%parallel_loop3A_1378, %parallel_loop3A_1379, %parallel_loop3A_1380] {strides = array<i32>} : memref<2x64x128xf32, #tpu.memory_space<vmem>>, vector<1x1x16xf32>,
          %parallel_loop3A_1382 = vector.shape_cast %parallel_loop3A_1381 : vector<1x1x16xf32> to vector<16xf32>
          %parallel_loop3A_1383 = vector.shape_cast %parallel_loop3A_1376 : vector<16xf32> to vector<1x1x16xf32>
          tpu.vector_store %arg14[%parallel_loop3A_1378, %parallel_loop3A_1379, %parallel_loop3A_1380], %parallel_loop3A_1383 {strides = array<i32>} : memref<2x64x128xf32, #tpu.memory_space<vmem>>, vector<1x1x16xf32>,
          %parallel_loop3A_1384 = arith.constant 1 : i32
          %parallel_loop3A_1385 = arith.index_cast %parallel_loop3A_1384 : i32 to index
          %parallel_loop3A_1386 = arith.index_cast %parallel_loop3A_1327 : i32 to index
          %parallel_loop3A_1387 = arith.constant 64 : index
          %parallel_loop3A_1388 = tpu.vector_load %arg14[%parallel_loop3A_1385, %parallel_loop3A_1386, %parallel_loop3A_1387] {strides = array<i32>} : memref<2x64x128xf32, #tpu.memory_space<vmem>>, vector<1x1x16xf32>,
          %parallel_loop3A_1389 = vector.shape_cast %parallel_loop3A_1388 : vector<1x1x16xf32> to vector<16xf32>
          %parallel_loop3A_1390 = arith.mulf %parallel_loop3A_1389, %parallel_loop3A_1323 : vector<16xf32>
          %parallel_loop3A_1391 = arith.constant 1 : i32
          %parallel_loop3A_1392 = arith.index_cast %parallel_loop3A_1391 : i32 to index
          %parallel_loop3A_1393 = arith.index_cast %parallel_loop3A_1327 : i32 to index
          %parallel_loop3A_1394 = arith.constant 64 : index
          %parallel_loop3A_1395 = tpu.vector_load %arg14[%parallel_loop3A_1392, %parallel_loop3A_1393, %parallel_loop3A_1394] {strides = array<i32>} : memref<2x64x128xf32, #tpu.memory_space<vmem>>, vector<1x1x16xf32>,
          %parallel_loop3A_1396 = vector.shape_cast %parallel_loop3A_1395 : vector<1x1x16xf32> to vector<16xf32>
          %parallel_loop3A_1397 = vector.shape_cast %parallel_loop3A_1390 : vector<16xf32> to vector<1x1x16xf32>
          tpu.vector_store %arg14[%parallel_loop3A_1392, %parallel_loop3A_1393, %parallel_loop3A_1394], %parallel_loop3A_1397 {strides = array<i32>} : memref<2x64x128xf32, #tpu.memory_space<vmem>>, vector<1x1x16xf32>,
          %parallel_loop3A_1398 = arith.constant 1 : i32
          %parallel_loop3A_1399 = arith.index_cast %parallel_loop3A_1398 : i32 to index
          %parallel_loop3A_1400 = arith.index_cast %parallel_loop3A_1327 : i32 to index
          %parallel_loop3A_1401 = arith.constant 80 : index
          %parallel_loop3A_1402 = tpu.vector_load %arg14[%parallel_loop3A_1399, %parallel_loop3A_1400, %parallel_loop3A_1401] {strides = array<i32>} : memref<2x64x128xf32, #tpu.memory_space<vmem>>, vector<1x1x16xf32>,
          %parallel_loop3A_1403 = vector.shape_cast %parallel_loop3A_1402 : vector<1x1x16xf32> to vector<16xf32>
          %parallel_loop3A_1404 = arith.mulf %parallel_loop3A_1403, %parallel_loop3A_1323 : vector<16xf32>
          %parallel_loop3A_1405 = arith.constant 1 : i32
          %parallel_loop3A_1406 = arith.index_cast %parallel_loop3A_1405 : i32 to index
          %parallel_loop3A_1407 = arith.index_cast %parallel_loop3A_1327 : i32 to index
          %parallel_loop3A_1408 = arith.constant 80 : index
          %parallel_loop3A_1409 = tpu.vector_load %arg14[%parallel_loop3A_1406, %parallel_loop3A_1407, %parallel_loop3A_1408] {strides = array<i32>} : memref<2x64x128xf32, #tpu.memory_space<vmem>>, vector<1x1x16xf32>,
          %parallel_loop3A_1410 = vector.shape_cast %parallel_loop3A_1409 : vector<1x1x16xf32> to vector<16xf32>
          %parallel_loop3A_1411 = vector.shape_cast %parallel_loop3A_1404 : vector<16xf32> to vector<1x1x16xf32>
          tpu.vector_store %arg14[%parallel_loop3A_1406, %parallel_loop3A_1407, %parallel_loop3A_1408], %parallel_loop3A_1411 {strides = array<i32>} : memref<2x64x128xf32, #tpu.memory_space<vmem>>, vector<1x1x16xf32>,
          %parallel_loop3A_1412 = arith.constant 1 : i32
          %parallel_loop3A_1413 = arith.index_cast %parallel_loop3A_1412 : i32 to index
          %parallel_loop3A_1414 = arith.index_cast %parallel_loop3A_1327 : i32 to index
          %parallel_loop3A_1415 = arith.constant 96 : index
          %parallel_loop3A_1416 = tpu.vector_load %arg14[%parallel_loop3A_1413, %parallel_loop3A_1414, %parallel_loop3A_1415] {strides = array<i32>} : memref<2x64x128xf32, #tpu.memory_space<vmem>>, vector<1x1x16xf32>,
          %parallel_loop3A_1417 = vector.shape_cast %parallel_loop3A_1416 : vector<1x1x16xf32> to vector<16xf32>
          %parallel_loop3A_1418 = arith.mulf %parallel_loop3A_1417, %parallel_loop3A_1323 : vector<16xf32>
          %parallel_loop3A_1419 = arith.constant 1 : i32
          %parallel_loop3A_1420 = arith.index_cast %parallel_loop3A_1419 : i32 to index
          %parallel_loop3A_1421 = arith.index_cast %parallel_loop3A_1327 : i32 to index
          %parallel_loop3A_1422 = arith.constant 96 : index
          %parallel_loop3A_1423 = tpu.vector_load %arg14[%parallel_loop3A_1420, %parallel_loop3A_1421, %parallel_loop3A_1422] {strides = array<i32>} : memref<2x64x128xf32, #tpu.memory_space<vmem>>, vector<1x1x16xf32>,
          %parallel_loop3A_1424 = vector.shape_cast %parallel_loop3A_1423 : vector<1x1x16xf32> to vector<16xf32>
          %parallel_loop3A_1425 = vector.shape_cast %parallel_loop3A_1418 : vector<16xf32> to vector<1x1x16xf32>
          tpu.vector_store %arg14[%parallel_loop3A_1420, %parallel_loop3A_1421, %parallel_loop3A_1422], %parallel_loop3A_1425 {strides = array<i32>} : memref<2x64x128xf32, #tpu.memory_space<vmem>>, vector<1x1x16xf32>,
          %parallel_loop3A_1426 = arith.constant 1 : i32
          %parallel_loop3A_1427 = arith.index_cast %parallel_loop3A_1426 : i32 to index
          %parallel_loop3A_1428 = arith.index_cast %parallel_loop3A_1327 : i32 to index
          %parallel_loop3A_1429 = arith.constant 112 : index
          %parallel_loop3A_1430 = tpu.vector_load %arg14[%parallel_loop3A_1427, %parallel_loop3A_1428, %parallel_loop3A_1429] {strides = array<i32>} : memref<2x64x128xf32, #tpu.memory_space<vmem>>, vector<1x1x16xf32>,
          %parallel_loop3A_1431 = vector.shape_cast %parallel_loop3A_1430 : vector<1x1x16xf32> to vector<16xf32>
          %parallel_loop3A_1432 = arith.mulf %parallel_loop3A_1431, %parallel_loop3A_1323 : vector<16xf32>
          %parallel_loop3A_1433 = arith.constant 1 : i32
          %parallel_loop3A_1434 = arith.index_cast %parallel_loop3A_1433 : i32 to index
          %parallel_loop3A_1435 = arith.index_cast %parallel_loop3A_1327 : i32 to index
          %parallel_loop3A_1436 = arith.constant 112 : index
          %parallel_loop3A_1437 = tpu.vector_load %arg14[%parallel_loop3A_1434, %parallel_loop3A_1435, %parallel_loop3A_1436] {strides = array<i32>} : memref<2x64x128xf32, #tpu.memory_space<vmem>>, vector<1x1x16xf32>,
          %parallel_loop3A_1438 = vector.shape_cast %parallel_loop3A_1437 : vector<1x1x16xf32> to vector<16xf32>
          %parallel_loop3A_1439 = vector.shape_cast %parallel_loop3A_1432 : vector<16xf32> to vector<1x1x16xf32>
          tpu.vector_store %arg14[%parallel_loop3A_1434, %parallel_loop3A_1435, %parallel_loop3A_1436], %parallel_loop3A_1439 {strides = array<i32>} : memref<2x64x128xf32, #tpu.memory_space<vmem>>, vector<1x1x16xf32>,
          %parallel_loop3A_1440 = arith.constant 11 : i32
          %parallel_loop3A_1441 = vector.broadcast %parallel_loop3A_1440 : i32 to vector<16x1xi32>
          %parallel_loop3A_1442 = vector.shape_cast %parallel_loop3A_1441 : vector<16x1xi32> to vector<16xi32>
          %parallel_loop3A_1443 = tpu.dynamic_gather %parallel_loop3A_119[%parallel_loop3A_1442] in [0] : vector<16xf32>, vector<16xi32> -> vector<16xf32>
          %parallel_loop3A_1444 = arith.constant 16 : i32
          %parallel_loop3A_1445 = arith.muli %parallel_loop3A_110, %parallel_loop3A_1444 : i32
          %parallel_loop3A_1446 = arith.constant 11 : i32
          %parallel_loop3A_1447 = arith.addi %parallel_loop3A_1445, %parallel_loop3A_1446 : i32
          %parallel_loop3A_1448 = arith.constant 1 : i32
          %parallel_loop3A_1449 = arith.index_cast %parallel_loop3A_1448 : i32 to index
          %parallel_loop3A_1450 = arith.index_cast %parallel_loop3A_1447 : i32 to index
          %parallel_loop3A_1451 = arith.constant 0 : index
          %parallel_loop3A_1452 = tpu.vector_load %arg14[%parallel_loop3A_1449, %parallel_loop3A_1450, %parallel_loop3A_1451] {strides = array<i32>} : memref<2x64x128xf32, #tpu.memory_space<vmem>>, vector<1x1x16xf32>,
          %parallel_loop3A_1453 = vector.shape_cast %parallel_loop3A_1452 : vector<1x1x16xf32> to vector<16xf32>
          %parallel_loop3A_1454 = arith.mulf %parallel_loop3A_1453, %parallel_loop3A_1443 : vector<16xf32>
          %parallel_loop3A_1455 = arith.constant 1 : i32
          %parallel_loop3A_1456 = arith.index_cast %parallel_loop3A_1455 : i32 to index
          %parallel_loop3A_1457 = arith.index_cast %parallel_loop3A_1447 : i32 to index
          %parallel_loop3A_1458 = arith.constant 0 : index
          %parallel_loop3A_1459 = tpu.vector_load %arg14[%parallel_loop3A_1456, %parallel_loop3A_1457, %parallel_loop3A_1458] {strides = array<i32>} : memref<2x64x128xf32, #tpu.memory_space<vmem>>, vector<1x1x16xf32>,
          %parallel_loop3A_1460 = vector.shape_cast %parallel_loop3A_1459 : vector<1x1x16xf32> to vector<16xf32>
          %parallel_loop3A_1461 = vector.shape_cast %parallel_loop3A_1454 : vector<16xf32> to vector<1x1x16xf32>
          tpu.vector_store %arg14[%parallel_loop3A_1456, %parallel_loop3A_1457, %parallel_loop3A_1458], %parallel_loop3A_1461 {strides = array<i32>} : memref<2x64x128xf32, #tpu.memory_space<vmem>>, vector<1x1x16xf32>,
          %parallel_loop3A_1462 = arith.constant 1 : i32
          %parallel_loop3A_1463 = arith.index_cast %parallel_loop3A_1462 : i32 to index
          %parallel_loop3A_1464 = arith.index_cast %parallel_loop3A_1447 : i32 to index
          %parallel_loop3A_1465 = arith.constant 16 : index
          %parallel_loop3A_1466 = tpu.vector_load %arg14[%parallel_loop3A_1463, %parallel_loop3A_1464, %parallel_loop3A_1465] {strides = array<i32>} : memref<2x64x128xf32, #tpu.memory_space<vmem>>, vector<1x1x16xf32>,
          %parallel_loop3A_1467 = vector.shape_cast %parallel_loop3A_1466 : vector<1x1x16xf32> to vector<16xf32>
          %parallel_loop3A_1468 = arith.mulf %parallel_loop3A_1467, %parallel_loop3A_1443 : vector<16xf32>
          %parallel_loop3A_1469 = arith.constant 1 : i32
          %parallel_loop3A_1470 = arith.index_cast %parallel_loop3A_1469 : i32 to index
          %parallel_loop3A_1471 = arith.index_cast %parallel_loop3A_1447 : i32 to index
          %parallel_loop3A_1472 = arith.constant 16 : index
          %parallel_loop3A_1473 = tpu.vector_load %arg14[%parallel_loop3A_1470, %parallel_loop3A_1471, %parallel_loop3A_1472] {strides = array<i32>} : memref<2x64x128xf32, #tpu.memory_space<vmem>>, vector<1x1x16xf32>,
          %parallel_loop3A_1474 = vector.shape_cast %parallel_loop3A_1473 : vector<1x1x16xf32> to vector<16xf32>
          %parallel_loop3A_1475 = vector.shape_cast %parallel_loop3A_1468 : vector<16xf32> to vector<1x1x16xf32>
          tpu.vector_store %arg14[%parallel_loop3A_1470, %parallel_loop3A_1471, %parallel_loop3A_1472], %parallel_loop3A_1475 {strides = array<i32>} : memref<2x64x128xf32, #tpu.memory_space<vmem>>, vector<1x1x16xf32>,
          %parallel_loop3A_1476 = arith.constant 1 : i32
          %parallel_loop3A_1477 = arith.index_cast %parallel_loop3A_1476 : i32 to index
          %parallel_loop3A_1478 = arith.index_cast %parallel_loop3A_1447 : i32 to index
          %parallel_loop3A_1479 = arith.constant 32 : index
          %parallel_loop3A_1480 = tpu.vector_load %arg14[%parallel_loop3A_1477, %parallel_loop3A_1478, %parallel_loop3A_1479] {strides = array<i32>} : memref<2x64x128xf32, #tpu.memory_space<vmem>>, vector<1x1x16xf32>,
          %parallel_loop3A_1481 = vector.shape_cast %parallel_loop3A_1480 : vector<1x1x16xf32> to vector<16xf32>
          %parallel_loop3A_1482 = arith.mulf %parallel_loop3A_1481, %parallel_loop3A_1443 : vector<16xf32>
          %parallel_loop3A_1483 = arith.constant 1 : i32
          %parallel_loop3A_1484 = arith.index_cast %parallel_loop3A_1483 : i32 to index
          %parallel_loop3A_1485 = arith.index_cast %parallel_loop3A_1447 : i32 to index
          %parallel_loop3A_1486 = arith.constant 32 : index
          %parallel_loop3A_1487 = tpu.vector_load %arg14[%parallel_loop3A_1484, %parallel_loop3A_1485, %parallel_loop3A_1486] {strides = array<i32>} : memref<2x64x128xf32, #tpu.memory_space<vmem>>, vector<1x1x16xf32>,
          %parallel_loop3A_1488 = vector.shape_cast %parallel_loop3A_1487 : vector<1x1x16xf32> to vector<16xf32>
          %parallel_loop3A_1489 = vector.shape_cast %parallel_loop3A_1482 : vector<16xf32> to vector<1x1x16xf32>
          tpu.vector_store %arg14[%parallel_loop3A_1484, %parallel_loop3A_1485, %parallel_loop3A_1486], %parallel_loop3A_1489 {strides = array<i32>} : memref<2x64x128xf32, #tpu.memory_space<vmem>>, vector<1x1x16xf32>,
          %parallel_loop3A_1490 = arith.constant 1 : i32
          %parallel_loop3A_1491 = arith.index_cast %parallel_loop3A_1490 : i32 to index
          %parallel_loop3A_1492 = arith.index_cast %parallel_loop3A_1447 : i32 to index
          %parallel_loop3A_1493 = arith.constant 48 : index
          %parallel_loop3A_1494 = tpu.vector_load %arg14[%parallel_loop3A_1491, %parallel_loop3A_1492, %parallel_loop3A_1493] {strides = array<i32>} : memref<2x64x128xf32, #tpu.memory_space<vmem>>, vector<1x1x16xf32>,
          %parallel_loop3A_1495 = vector.shape_cast %parallel_loop3A_1494 : vector<1x1x16xf32> to vector<16xf32>
          %parallel_loop3A_1496 = arith.mulf %parallel_loop3A_1495, %parallel_loop3A_1443 : vector<16xf32>
          %parallel_loop3A_1497 = arith.constant 1 : i32
          %parallel_loop3A_1498 = arith.index_cast %parallel_loop3A_1497 : i32 to index
          %parallel_loop3A_1499 = arith.index_cast %parallel_loop3A_1447 : i32 to index
          %parallel_loop3A_1500 = arith.constant 48 : index
          %parallel_loop3A_1501 = tpu.vector_load %arg14[%parallel_loop3A_1498, %parallel_loop3A_1499, %parallel_loop3A_1500] {strides = array<i32>} : memref<2x64x128xf32, #tpu.memory_space<vmem>>, vector<1x1x16xf32>,
          %parallel_loop3A_1502 = vector.shape_cast %parallel_loop3A_1501 : vector<1x1x16xf32> to vector<16xf32>
          %parallel_loop3A_1503 = vector.shape_cast %parallel_loop3A_1496 : vector<16xf32> to vector<1x1x16xf32>
          tpu.vector_store %arg14[%parallel_loop3A_1498, %parallel_loop3A_1499, %parallel_loop3A_1500], %parallel_loop3A_1503 {strides = array<i32>} : memref<2x64x128xf32, #tpu.memory_space<vmem>>, vector<1x1x16xf32>,
          %parallel_loop3A_1504 = arith.constant 1 : i32
          %parallel_loop3A_1505 = arith.index_cast %parallel_loop3A_1504 : i32 to index
          %parallel_loop3A_1506 = arith.index_cast %parallel_loop3A_1447 : i32 to index
          %parallel_loop3A_1507 = arith.constant 64 : index
          %parallel_loop3A_1508 = tpu.vector_load %arg14[%parallel_loop3A_1505, %parallel_loop3A_1506, %parallel_loop3A_1507] {strides = array<i32>} : memref<2x64x128xf32, #tpu.memory_space<vmem>>, vector<1x1x16xf32>,
          %parallel_loop3A_1509 = vector.shape_cast %parallel_loop3A_1508 : vector<1x1x16xf32> to vector<16xf32>
          %parallel_loop3A_1510 = arith.mulf %parallel_loop3A_1509, %parallel_loop3A_1443 : vector<16xf32>
          %parallel_loop3A_1511 = arith.constant 1 : i32
          %parallel_loop3A_1512 = arith.index_cast %parallel_loop3A_1511 : i32 to index
          %parallel_loop3A_1513 = arith.index_cast %parallel_loop3A_1447 : i32 to index
          %parallel_loop3A_1514 = arith.constant 64 : index
          %parallel_loop3A_1515 = tpu.vector_load %arg14[%parallel_loop3A_1512, %parallel_loop3A_1513, %parallel_loop3A_1514] {strides = array<i32>} : memref<2x64x128xf32, #tpu.memory_space<vmem>>, vector<1x1x16xf32>,
          %parallel_loop3A_1516 = vector.shape_cast %parallel_loop3A_1515 : vector<1x1x16xf32> to vector<16xf32>
          %parallel_loop3A_1517 = vector.shape_cast %parallel_loop3A_1510 : vector<16xf32> to vector<1x1x16xf32>
          tpu.vector_store %arg14[%parallel_loop3A_1512, %parallel_loop3A_1513, %parallel_loop3A_1514], %parallel_loop3A_1517 {strides = array<i32>} : memref<2x64x128xf32, #tpu.memory_space<vmem>>, vector<1x1x16xf32>,
          %parallel_loop3A_1518 = arith.constant 1 : i32
          %parallel_loop3A_1519 = arith.index_cast %parallel_loop3A_1518 : i32 to index
          %parallel_loop3A_1520 = arith.index_cast %parallel_loop3A_1447 : i32 to index
          %parallel_loop3A_1521 = arith.constant 80 : index
          %parallel_loop3A_1522 = tpu.vector_load %arg14[%parallel_loop3A_1519, %parallel_loop3A_1520, %parallel_loop3A_1521] {strides = array<i32>} : memref<2x64x128xf32, #tpu.memory_space<vmem>>, vector<1x1x16xf32>,
          %parallel_loop3A_1523 = vector.shape_cast %parallel_loop3A_1522 : vector<1x1x16xf32> to vector<16xf32>
          %parallel_loop3A_1524 = arith.mulf %parallel_loop3A_1523, %parallel_loop3A_1443 : vector<16xf32>
          %parallel_loop3A_1525 = arith.constant 1 : i32
          %parallel_loop3A_1526 = arith.index_cast %parallel_loop3A_1525 : i32 to index
          %parallel_loop3A_1527 = arith.index_cast %parallel_loop3A_1447 : i32 to index
          %parallel_loop3A_1528 = arith.constant 80 : index
          %parallel_loop3A_1529 = tpu.vector_load %arg14[%parallel_loop3A_1526, %parallel_loop3A_1527, %parallel_loop3A_1528] {strides = array<i32>} : memref<2x64x128xf32, #tpu.memory_space<vmem>>, vector<1x1x16xf32>,
          %parallel_loop3A_1530 = vector.shape_cast %parallel_loop3A_1529 : vector<1x1x16xf32> to vector<16xf32>
          %parallel_loop3A_1531 = vector.shape_cast %parallel_loop3A_1524 : vector<16xf32> to vector<1x1x16xf32>
          tpu.vector_store %arg14[%parallel_loop3A_1526, %parallel_loop3A_1527, %parallel_loop3A_1528], %parallel_loop3A_1531 {strides = array<i32>} : memref<2x64x128xf32, #tpu.memory_space<vmem>>, vector<1x1x16xf32>,
          %parallel_loop3A_1532 = arith.constant 1 : i32
          %parallel_loop3A_1533 = arith.index_cast %parallel_loop3A_1532 : i32 to index
          %parallel_loop3A_1534 = arith.index_cast %parallel_loop3A_1447 : i32 to index
          %parallel_loop3A_1535 = arith.constant 96 : index
          %parallel_loop3A_1536 = tpu.vector_load %arg14[%parallel_loop3A_1533, %parallel_loop3A_1534, %parallel_loop3A_1535] {strides = array<i32>} : memref<2x64x128xf32, #tpu.memory_space<vmem>>, vector<1x1x16xf32>,
          %parallel_loop3A_1537 = vector.shape_cast %parallel_loop3A_1536 : vector<1x1x16xf32> to vector<16xf32>
          %parallel_loop3A_1538 = arith.mulf %parallel_loop3A_1537, %parallel_loop3A_1443 : vector<16xf32>
          %parallel_loop3A_1539 = arith.constant 1 : i32
          %parallel_loop3A_1540 = arith.index_cast %parallel_loop3A_1539 : i32 to index
          %parallel_loop3A_1541 = arith.index_cast %parallel_loop3A_1447 : i32 to index
          %parallel_loop3A_1542 = arith.constant 96 : index
          %parallel_loop3A_1543 = tpu.vector_load %arg14[%parallel_loop3A_1540, %parallel_loop3A_1541, %parallel_loop3A_1542] {strides = array<i32>} : memref<2x64x128xf32, #tpu.memory_space<vmem>>, vector<1x1x16xf32>,
          %parallel_loop3A_1544 = vector.shape_cast %parallel_loop3A_1543 : vector<1x1x16xf32> to vector<16xf32>
          %parallel_loop3A_1545 = vector.shape_cast %parallel_loop3A_1538 : vector<16xf32> to vector<1x1x16xf32>
          tpu.vector_store %arg14[%parallel_loop3A_1540, %parallel_loop3A_1541, %parallel_loop3A_1542], %parallel_loop3A_1545 {strides = array<i32>} : memref<2x64x128xf32, #tpu.memory_space<vmem>>, vector<1x1x16xf32>,
          %parallel_loop3A_1546 = arith.constant 1 : i32
          %parallel_loop3A_1547 = arith.index_cast %parallel_loop3A_1546 : i32 to index
          %parallel_loop3A_1548 = arith.index_cast %parallel_loop3A_1447 : i32 to index
          %parallel_loop3A_1549 = arith.constant 112 : index
          %parallel_loop3A_1550 = tpu.vector_load %arg14[%parallel_loop3A_1547, %parallel_loop3A_1548, %parallel_loop3A_1549] {strides = array<i32>} : memref<2x64x128xf32, #tpu.memory_space<vmem>>, vector<1x1x16xf32>,
          %parallel_loop3A_1551 = vector.shape_cast %parallel_loop3A_1550 : vector<1x1x16xf32> to vector<16xf32>
          %parallel_loop3A_1552 = arith.mulf %parallel_loop3A_1551, %parallel_loop3A_1443 : vector<16xf32>
          %parallel_loop3A_1553 = arith.constant 1 : i32
          %parallel_loop3A_1554 = arith.index_cast %parallel_loop3A_1553 : i32 to index
          %parallel_loop3A_1555 = arith.index_cast %parallel_loop3A_1447 : i32 to index
          %parallel_loop3A_1556 = arith.constant 112 : index
          %parallel_loop3A_1557 = tpu.vector_load %arg14[%parallel_loop3A_1554, %parallel_loop3A_1555, %parallel_loop3A_1556] {strides = array<i32>} : memref<2x64x128xf32, #tpu.memory_space<vmem>>, vector<1x1x16xf32>,
          %parallel_loop3A_1558 = vector.shape_cast %parallel_loop3A_1557 : vector<1x1x16xf32> to vector<16xf32>
          %parallel_loop3A_1559 = vector.shape_cast %parallel_loop3A_1552 : vector<16xf32> to vector<1x1x16xf32>
          tpu.vector_store %arg14[%parallel_loop3A_1554, %parallel_loop3A_1555, %parallel_loop3A_1556], %parallel_loop3A_1559 {strides = array<i32>} : memref<2x64x128xf32, #tpu.memory_space<vmem>>, vector<1x1x16xf32>,
          %parallel_loop3A_1560 = arith.constant 12 : i32
          %parallel_loop3A_1561 = vector.broadcast %parallel_loop3A_1560 : i32 to vector<16x1xi32>
          %parallel_loop3A_1562 = vector.shape_cast %parallel_loop3A_1561 : vector<16x1xi32> to vector<16xi32>
          %parallel_loop3A_1563 = tpu.dynamic_gather %parallel_loop3A_119[%parallel_loop3A_1562] in [0] : vector<16xf32>, vector<16xi32> -> vector<16xf32>
          %parallel_loop3A_1564 = arith.constant 16 : i32
          %parallel_loop3A_1565 = arith.muli %parallel_loop3A_110, %parallel_loop3A_1564 : i32
          %parallel_loop3A_1566 = arith.constant 12 : i32
          %parallel_loop3A_1567 = arith.addi %parallel_loop3A_1565, %parallel_loop3A_1566 : i32
          %parallel_loop3A_1568 = arith.constant 1 : i32
          %parallel_loop3A_1569 = arith.index_cast %parallel_loop3A_1568 : i32 to index
          %parallel_loop3A_1570 = arith.index_cast %parallel_loop3A_1567 : i32 to index
          %parallel_loop3A_1571 = arith.constant 0 : index
          %parallel_loop3A_1572 = tpu.vector_load %arg14[%parallel_loop3A_1569, %parallel_loop3A_1570, %parallel_loop3A_1571] {strides = array<i32>} : memref<2x64x128xf32, #tpu.memory_space<vmem>>, vector<1x1x16xf32>,
          %parallel_loop3A_1573 = vector.shape_cast %parallel_loop3A_1572 : vector<1x1x16xf32> to vector<16xf32>
          %parallel_loop3A_1574 = arith.mulf %parallel_loop3A_1573, %parallel_loop3A_1563 : vector<16xf32>
          %parallel_loop3A_1575 = arith.constant 1 : i32
          %parallel_loop3A_1576 = arith.index_cast %parallel_loop3A_1575 : i32 to index
          %parallel_loop3A_1577 = arith.index_cast %parallel_loop3A_1567 : i32 to index
          %parallel_loop3A_1578 = arith.constant 0 : index
          %parallel_loop3A_1579 = tpu.vector_load %arg14[%parallel_loop3A_1576, %parallel_loop3A_1577, %parallel_loop3A_1578] {strides = array<i32>} : memref<2x64x128xf32, #tpu.memory_space<vmem>>, vector<1x1x16xf32>,
          %parallel_loop3A_1580 = vector.shape_cast %parallel_loop3A_1579 : vector<1x1x16xf32> to vector<16xf32>
          %parallel_loop3A_1581 = vector.shape_cast %parallel_loop3A_1574 : vector<16xf32> to vector<1x1x16xf32>
          tpu.vector_store %arg14[%parallel_loop3A_1576, %parallel_loop3A_1577, %parallel_loop3A_1578], %parallel_loop3A_1581 {strides = array<i32>} : memref<2x64x128xf32, #tpu.memory_space<vmem>>, vector<1x1x16xf32>,
          %parallel_loop3A_1582 = arith.constant 1 : i32
          %parallel_loop3A_1583 = arith.index_cast %parallel_loop3A_1582 : i32 to index
          %parallel_loop3A_1584 = arith.index_cast %parallel_loop3A_1567 : i32 to index
          %parallel_loop3A_1585 = arith.constant 16 : index
          %parallel_loop3A_1586 = tpu.vector_load %arg14[%parallel_loop3A_1583, %parallel_loop3A_1584, %parallel_loop3A_1585] {strides = array<i32>} : memref<2x64x128xf32, #tpu.memory_space<vmem>>, vector<1x1x16xf32>,
          %parallel_loop3A_1587 = vector.shape_cast %parallel_loop3A_1586 : vector<1x1x16xf32> to vector<16xf32>
          %parallel_loop3A_1588 = arith.mulf %parallel_loop3A_1587, %parallel_loop3A_1563 : vector<16xf32>
          %parallel_loop3A_1589 = arith.constant 1 : i32
          %parallel_loop3A_1590 = arith.index_cast %parallel_loop3A_1589 : i32 to index
          %parallel_loop3A_1591 = arith.index_cast %parallel_loop3A_1567 : i32 to index
          %parallel_loop3A_1592 = arith.constant 16 : index
          %parallel_loop3A_1593 = tpu.vector_load %arg14[%parallel_loop3A_1590, %parallel_loop3A_1591, %parallel_loop3A_1592] {strides = array<i32>} : memref<2x64x128xf32, #tpu.memory_space<vmem>>, vector<1x1x16xf32>,
          %parallel_loop3A_1594 = vector.shape_cast %parallel_loop3A_1593 : vector<1x1x16xf32> to vector<16xf32>
          %parallel_loop3A_1595 = vector.shape_cast %parallel_loop3A_1588 : vector<16xf32> to vector<1x1x16xf32>
          tpu.vector_store %arg14[%parallel_loop3A_1590, %parallel_loop3A_1591, %parallel_loop3A_1592], %parallel_loop3A_1595 {strides = array<i32>} : memref<2x64x128xf32, #tpu.memory_space<vmem>>, vector<1x1x16xf32>,
          %parallel_loop3A_1596 = arith.constant 1 : i32
          %parallel_loop3A_1597 = arith.index_cast %parallel_loop3A_1596 : i32 to index
          %parallel_loop3A_1598 = arith.index_cast %parallel_loop3A_1567 : i32 to index
          %parallel_loop3A_1599 = arith.constant 32 : index
          %parallel_loop3A_1600 = tpu.vector_load %arg14[%parallel_loop3A_1597, %parallel_loop3A_1598, %parallel_loop3A_1599] {strides = array<i32>} : memref<2x64x128xf32, #tpu.memory_space<vmem>>, vector<1x1x16xf32>,
          %parallel_loop3A_1601 = vector.shape_cast %parallel_loop3A_1600 : vector<1x1x16xf32> to vector<16xf32>
          %parallel_loop3A_1602 = arith.mulf %parallel_loop3A_1601, %parallel_loop3A_1563 : vector<16xf32>
          %parallel_loop3A_1603 = arith.constant 1 : i32
          %parallel_loop3A_1604 = arith.index_cast %parallel_loop3A_1603 : i32 to index
          %parallel_loop3A_1605 = arith.index_cast %parallel_loop3A_1567 : i32 to index
          %parallel_loop3A_1606 = arith.constant 32 : index
          %parallel_loop3A_1607 = tpu.vector_load %arg14[%parallel_loop3A_1604, %parallel_loop3A_1605, %parallel_loop3A_1606] {strides = array<i32>} : memref<2x64x128xf32, #tpu.memory_space<vmem>>, vector<1x1x16xf32>,
          %parallel_loop3A_1608 = vector.shape_cast %parallel_loop3A_1607 : vector<1x1x16xf32> to vector<16xf32>
          %parallel_loop3A_1609 = vector.shape_cast %parallel_loop3A_1602 : vector<16xf32> to vector<1x1x16xf32>
          tpu.vector_store %arg14[%parallel_loop3A_1604, %parallel_loop3A_1605, %parallel_loop3A_1606], %parallel_loop3A_1609 {strides = array<i32>} : memref<2x64x128xf32, #tpu.memory_space<vmem>>, vector<1x1x16xf32>,
          %parallel_loop3A_1610 = arith.constant 1 : i32
          %parallel_loop3A_1611 = arith.index_cast %parallel_loop3A_1610 : i32 to index
          %parallel_loop3A_1612 = arith.index_cast %parallel_loop3A_1567 : i32 to index
          %parallel_loop3A_1613 = arith.constant 48 : index
          %parallel_loop3A_1614 = tpu.vector_load %arg14[%parallel_loop3A_1611, %parallel_loop3A_1612, %parallel_loop3A_1613] {strides = array<i32>} : memref<2x64x128xf32, #tpu.memory_space<vmem>>, vector<1x1x16xf32>,
          %parallel_loop3A_1615 = vector.shape_cast %parallel_loop3A_1614 : vector<1x1x16xf32> to vector<16xf32>
          %parallel_loop3A_1616 = arith.mulf %parallel_loop3A_1615, %parallel_loop3A_1563 : vector<16xf32>
          %parallel_loop3A_1617 = arith.constant 1 : i32
          %parallel_loop3A_1618 = arith.index_cast %parallel_loop3A_1617 : i32 to index
          %parallel_loop3A_1619 = arith.index_cast %parallel_loop3A_1567 : i32 to index
          %parallel_loop3A_1620 = arith.constant 48 : index
          %parallel_loop3A_1621 = tpu.vector_load %arg14[%parallel_loop3A_1618, %parallel_loop3A_1619, %parallel_loop3A_1620] {strides = array<i32>} : memref<2x64x128xf32, #tpu.memory_space<vmem>>, vector<1x1x16xf32>,
          %parallel_loop3A_1622 = vector.shape_cast %parallel_loop3A_1621 : vector<1x1x16xf32> to vector<16xf32>
          %parallel_loop3A_1623 = vector.shape_cast %parallel_loop3A_1616 : vector<16xf32> to vector<1x1x16xf32>
          tpu.vector_store %arg14[%parallel_loop3A_1618, %parallel_loop3A_1619, %parallel_loop3A_1620], %parallel_loop3A_1623 {strides = array<i32>} : memref<2x64x128xf32, #tpu.memory_space<vmem>>, vector<1x1x16xf32>,
          %parallel_loop3A_1624 = arith.constant 1 : i32
          %parallel_loop3A_1625 = arith.index_cast %parallel_loop3A_1624 : i32 to index
          %parallel_loop3A_1626 = arith.index_cast %parallel_loop3A_1567 : i32 to index
          %parallel_loop3A_1627 = arith.constant 64 : index
          %parallel_loop3A_1628 = tpu.vector_load %arg14[%parallel_loop3A_1625, %parallel_loop3A_1626, %parallel_loop3A_1627] {strides = array<i32>} : memref<2x64x128xf32, #tpu.memory_space<vmem>>, vector<1x1x16xf32>,
          %parallel_loop3A_1629 = vector.shape_cast %parallel_loop3A_1628 : vector<1x1x16xf32> to vector<16xf32>
          %parallel_loop3A_1630 = arith.mulf %parallel_loop3A_1629, %parallel_loop3A_1563 : vector<16xf32>
          %parallel_loop3A_1631 = arith.constant 1 : i32
          %parallel_loop3A_1632 = arith.index_cast %parallel_loop3A_1631 : i32 to index
          %parallel_loop3A_1633 = arith.index_cast %parallel_loop3A_1567 : i32 to index
          %parallel_loop3A_1634 = arith.constant 64 : index
          %parallel_loop3A_1635 = tpu.vector_load %arg14[%parallel_loop3A_1632, %parallel_loop3A_1633, %parallel_loop3A_1634] {strides = array<i32>} : memref<2x64x128xf32, #tpu.memory_space<vmem>>, vector<1x1x16xf32>,
          %parallel_loop3A_1636 = vector.shape_cast %parallel_loop3A_1635 : vector<1x1x16xf32> to vector<16xf32>
          %parallel_loop3A_1637 = vector.shape_cast %parallel_loop3A_1630 : vector<16xf32> to vector<1x1x16xf32>
          tpu.vector_store %arg14[%parallel_loop3A_1632, %parallel_loop3A_1633, %parallel_loop3A_1634], %parallel_loop3A_1637 {strides = array<i32>} : memref<2x64x128xf32, #tpu.memory_space<vmem>>, vector<1x1x16xf32>,
          %parallel_loop3A_1638 = arith.constant 1 : i32
          %parallel_loop3A_1639 = arith.index_cast %parallel_loop3A_1638 : i32 to index
          %parallel_loop3A_1640 = arith.index_cast %parallel_loop3A_1567 : i32 to index
          %parallel_loop3A_1641 = arith.constant 80 : index
          %parallel_loop3A_1642 = tpu.vector_load %arg14[%parallel_loop3A_1639, %parallel_loop3A_1640, %parallel_loop3A_1641] {strides = array<i32>} : memref<2x64x128xf32, #tpu.memory_space<vmem>>, vector<1x1x16xf32>,
          %parallel_loop3A_1643 = vector.shape_cast %parallel_loop3A_1642 : vector<1x1x16xf32> to vector<16xf32>
          %parallel_loop3A_1644 = arith.mulf %parallel_loop3A_1643, %parallel_loop3A_1563 : vector<16xf32>
          %parallel_loop3A_1645 = arith.constant 1 : i32
          %parallel_loop3A_1646 = arith.index_cast %parallel_loop3A_1645 : i32 to index
          %parallel_loop3A_1647 = arith.index_cast %parallel_loop3A_1567 : i32 to index
          %parallel_loop3A_1648 = arith.constant 80 : index
          %parallel_loop3A_1649 = tpu.vector_load %arg14[%parallel_loop3A_1646, %parallel_loop3A_1647, %parallel_loop3A_1648] {strides = array<i32>} : memref<2x64x128xf32, #tpu.memory_space<vmem>>, vector<1x1x16xf32>,
          %parallel_loop3A_1650 = vector.shape_cast %parallel_loop3A_1649 : vector<1x1x16xf32> to vector<16xf32>
          %parallel_loop3A_1651 = vector.shape_cast %parallel_loop3A_1644 : vector<16xf32> to vector<1x1x16xf32>
          tpu.vector_store %arg14[%parallel_loop3A_1646, %parallel_loop3A_1647, %parallel_loop3A_1648], %parallel_loop3A_1651 {strides = array<i32>} : memref<2x64x128xf32, #tpu.memory_space<vmem>>, vector<1x1x16xf32>,
          %parallel_loop3A_1652 = arith.constant 1 : i32
          %parallel_loop3A_1653 = arith.index_cast %parallel_loop3A_1652 : i32 to index
          %parallel_loop3A_1654 = arith.index_cast %parallel_loop3A_1567 : i32 to index
          %parallel_loop3A_1655 = arith.constant 96 : index
          %parallel_loop3A_1656 = tpu.vector_load %arg14[%parallel_loop3A_1653, %parallel_loop3A_1654, %parallel_loop3A_1655] {strides = array<i32>} : memref<2x64x128xf32, #tpu.memory_space<vmem>>, vector<1x1x16xf32>,
          %parallel_loop3A_1657 = vector.shape_cast %parallel_loop3A_1656 : vector<1x1x16xf32> to vector<16xf32>
          %parallel_loop3A_1658 = arith.mulf %parallel_loop3A_1657, %parallel_loop3A_1563 : vector<16xf32>
          %parallel_loop3A_1659 = arith.constant 1 : i32
          %parallel_loop3A_1660 = arith.index_cast %parallel_loop3A_1659 : i32 to index
          %parallel_loop3A_1661 = arith.index_cast %parallel_loop3A_1567 : i32 to index
          %parallel_loop3A_1662 = arith.constant 96 : index
          %parallel_loop3A_1663 = tpu.vector_load %arg14[%parallel_loop3A_1660, %parallel_loop3A_1661, %parallel_loop3A_1662] {strides = array<i32>} : memref<2x64x128xf32, #tpu.memory_space<vmem>>, vector<1x1x16xf32>,
          %parallel_loop3A_1664 = vector.shape_cast %parallel_loop3A_1663 : vector<1x1x16xf32> to vector<16xf32>
          %parallel_loop3A_1665 = vector.shape_cast %parallel_loop3A_1658 : vector<16xf32> to vector<1x1x16xf32>
          tpu.vector_store %arg14[%parallel_loop3A_1660, %parallel_loop3A_1661, %parallel_loop3A_1662], %parallel_loop3A_1665 {strides = array<i32>} : memref<2x64x128xf32, #tpu.memory_space<vmem>>, vector<1x1x16xf32>,
          %parallel_loop3A_1666 = arith.constant 1 : i32
          %parallel_loop3A_1667 = arith.index_cast %parallel_loop3A_1666 : i32 to index
          %parallel_loop3A_1668 = arith.index_cast %parallel_loop3A_1567 : i32 to index
          %parallel_loop3A_1669 = arith.constant 112 : index
          %parallel_loop3A_1670 = tpu.vector_load %arg14[%parallel_loop3A_1667, %parallel_loop3A_1668, %parallel_loop3A_1669] {strides = array<i32>} : memref<2x64x128xf32, #tpu.memory_space<vmem>>, vector<1x1x16xf32>,
          %parallel_loop3A_1671 = vector.shape_cast %parallel_loop3A_1670 : vector<1x1x16xf32> to vector<16xf32>
          %parallel_loop3A_1672 = arith.mulf %parallel_loop3A_1671, %parallel_loop3A_1563 : vector<16xf32>
          %parallel_loop3A_1673 = arith.constant 1 : i32
          %parallel_loop3A_1674 = arith.index_cast %parallel_loop3A_1673 : i32 to index
          %parallel_loop3A_1675 = arith.index_cast %parallel_loop3A_1567 : i32 to index
          %parallel_loop3A_1676 = arith.constant 112 : index
          %parallel_loop3A_1677 = tpu.vector_load %arg14[%parallel_loop3A_1674, %parallel_loop3A_1675, %parallel_loop3A_1676] {strides = array<i32>} : memref<2x64x128xf32, #tpu.memory_space<vmem>>, vector<1x1x16xf32>,
          %parallel_loop3A_1678 = vector.shape_cast %parallel_loop3A_1677 : vector<1x1x16xf32> to vector<16xf32>
          %parallel_loop3A_1679 = vector.shape_cast %parallel_loop3A_1672 : vector<16xf32> to vector<1x1x16xf32>
          tpu.vector_store %arg14[%parallel_loop3A_1674, %parallel_loop3A_1675, %parallel_loop3A_1676], %parallel_loop3A_1679 {strides = array<i32>} : memref<2x64x128xf32, #tpu.memory_space<vmem>>, vector<1x1x16xf32>,
          %parallel_loop3A_1680 = arith.constant 13 : i32
          %parallel_loop3A_1681 = vector.broadcast %parallel_loop3A_1680 : i32 to vector<16x1xi32>
          %parallel_loop3A_1682 = vector.shape_cast %parallel_loop3A_1681 : vector<16x1xi32> to vector<16xi32>
          %parallel_loop3A_1683 = tpu.dynamic_gather %parallel_loop3A_119[%parallel_loop3A_1682] in [0] : vector<16xf32>, vector<16xi32> -> vector<16xf32>
          %parallel_loop3A_1684 = arith.constant 16 : i32
          %parallel_loop3A_1685 = arith.muli %parallel_loop3A_110, %parallel_loop3A_1684 : i32
          %parallel_loop3A_1686 = arith.constant 13 : i32
          %parallel_loop3A_1687 = arith.addi %parallel_loop3A_1685, %parallel_loop3A_1686 : i32
          %parallel_loop3A_1688 = arith.constant 1 : i32
          %parallel_loop3A_1689 = arith.index_cast %parallel_loop3A_1688 : i32 to index
          %parallel_loop3A_1690 = arith.index_cast %parallel_loop3A_1687 : i32 to index
          %parallel_loop3A_1691 = arith.constant 0 : index
          %parallel_loop3A_1692 = tpu.vector_load %arg14[%parallel_loop3A_1689, %parallel_loop3A_1690, %parallel_loop3A_1691] {strides = array<i32>} : memref<2x64x128xf32, #tpu.memory_space<vmem>>, vector<1x1x16xf32>,
          %parallel_loop3A_1693 = vector.shape_cast %parallel_loop3A_1692 : vector<1x1x16xf32> to vector<16xf32>
          %parallel_loop3A_1694 = arith.mulf %parallel_loop3A_1693, %parallel_loop3A_1683 : vector<16xf32>
          %parallel_loop3A_1695 = arith.constant 1 : i32
          %parallel_loop3A_1696 = arith.index_cast %parallel_loop3A_1695 : i32 to index
          %parallel_loop3A_1697 = arith.index_cast %parallel_loop3A_1687 : i32 to index
          %parallel_loop3A_1698 = arith.constant 0 : index
          %parallel_loop3A_1699 = tpu.vector_load %arg14[%parallel_loop3A_1696, %parallel_loop3A_1697, %parallel_loop3A_1698] {strides = array<i32>} : memref<2x64x128xf32, #tpu.memory_space<vmem>>, vector<1x1x16xf32>,
          %parallel_loop3A_1700 = vector.shape_cast %parallel_loop3A_1699 : vector<1x1x16xf32> to vector<16xf32>
          %parallel_loop3A_1701 = vector.shape_cast %parallel_loop3A_1694 : vector<16xf32> to vector<1x1x16xf32>
          tpu.vector_store %arg14[%parallel_loop3A_1696, %parallel_loop3A_1697, %parallel_loop3A_1698], %parallel_loop3A_1701 {strides = array<i32>} : memref<2x64x128xf32, #tpu.memory_space<vmem>>, vector<1x1x16xf32>,
          %parallel_loop3A_1702 = arith.constant 1 : i32
          %parallel_loop3A_1703 = arith.index_cast %parallel_loop3A_1702 : i32 to index
          %parallel_loop3A_1704 = arith.index_cast %parallel_loop3A_1687 : i32 to index
          %parallel_loop3A_1705 = arith.constant 16 : index
          %parallel_loop3A_1706 = tpu.vector_load %arg14[%parallel_loop3A_1703, %parallel_loop3A_1704, %parallel_loop3A_1705] {strides = array<i32>} : memref<2x64x128xf32, #tpu.memory_space<vmem>>, vector<1x1x16xf32>,
          %parallel_loop3A_1707 = vector.shape_cast %parallel_loop3A_1706 : vector<1x1x16xf32> to vector<16xf32>
          %parallel_loop3A_1708 = arith.mulf %parallel_loop3A_1707, %parallel_loop3A_1683 : vector<16xf32>
          %parallel_loop3A_1709 = arith.constant 1 : i32
          %parallel_loop3A_1710 = arith.index_cast %parallel_loop3A_1709 : i32 to index
          %parallel_loop3A_1711 = arith.index_cast %parallel_loop3A_1687 : i32 to index
          %parallel_loop3A_1712 = arith.constant 16 : index
          %parallel_loop3A_1713 = tpu.vector_load %arg14[%parallel_loop3A_1710, %parallel_loop3A_1711, %parallel_loop3A_1712] {strides = array<i32>} : memref<2x64x128xf32, #tpu.memory_space<vmem>>, vector<1x1x16xf32>,
          %parallel_loop3A_1714 = vector.shape_cast %parallel_loop3A_1713 : vector<1x1x16xf32> to vector<16xf32>
          %parallel_loop3A_1715 = vector.shape_cast %parallel_loop3A_1708 : vector<16xf32> to vector<1x1x16xf32>
          tpu.vector_store %arg14[%parallel_loop3A_1710, %parallel_loop3A_1711, %parallel_loop3A_1712], %parallel_loop3A_1715 {strides = array<i32>} : memref<2x64x128xf32, #tpu.memory_space<vmem>>, vector<1x1x16xf32>,
          %parallel_loop3A_1716 = arith.constant 1 : i32
          %parallel_loop3A_1717 = arith.index_cast %parallel_loop3A_1716 : i32 to index
          %parallel_loop3A_1718 = arith.index_cast %parallel_loop3A_1687 : i32 to index
          %parallel_loop3A_1719 = arith.constant 32 : index
          %parallel_loop3A_1720 = tpu.vector_load %arg14[%parallel_loop3A_1717, %parallel_loop3A_1718, %parallel_loop3A_1719] {strides = array<i32>} : memref<2x64x128xf32, #tpu.memory_space<vmem>>, vector<1x1x16xf32>,
          %parallel_loop3A_1721 = vector.shape_cast %parallel_loop3A_1720 : vector<1x1x16xf32> to vector<16xf32>
          %parallel_loop3A_1722 = arith.mulf %parallel_loop3A_1721, %parallel_loop3A_1683 : vector<16xf32>
          %parallel_loop3A_1723 = arith.constant 1 : i32
          %parallel_loop3A_1724 = arith.index_cast %parallel_loop3A_1723 : i32 to index
          %parallel_loop3A_1725 = arith.index_cast %parallel_loop3A_1687 : i32 to index
          %parallel_loop3A_1726 = arith.constant 32 : index
          %parallel_loop3A_1727 = tpu.vector_load %arg14[%parallel_loop3A_1724, %parallel_loop3A_1725, %parallel_loop3A_1726] {strides = array<i32>} : memref<2x64x128xf32, #tpu.memory_space<vmem>>, vector<1x1x16xf32>,
          %parallel_loop3A_1728 = vector.shape_cast %parallel_loop3A_1727 : vector<1x1x16xf32> to vector<16xf32>
          %parallel_loop3A_1729 = vector.shape_cast %parallel_loop3A_1722 : vector<16xf32> to vector<1x1x16xf32>
          tpu.vector_store %arg14[%parallel_loop3A_1724, %parallel_loop3A_1725, %parallel_loop3A_1726], %parallel_loop3A_1729 {strides = array<i32>} : memref<2x64x128xf32, #tpu.memory_space<vmem>>, vector<1x1x16xf32>,
          %parallel_loop3A_1730 = arith.constant 1 : i32
          %parallel_loop3A_1731 = arith.index_cast %parallel_loop3A_1730 : i32 to index
          %parallel_loop3A_1732 = arith.index_cast %parallel_loop3A_1687 : i32 to index
          %parallel_loop3A_1733 = arith.constant 48 : index
          %parallel_loop3A_1734 = tpu.vector_load %arg14[%parallel_loop3A_1731, %parallel_loop3A_1732, %parallel_loop3A_1733] {strides = array<i32>} : memref<2x64x128xf32, #tpu.memory_space<vmem>>, vector<1x1x16xf32>,
          %parallel_loop3A_1735 = vector.shape_cast %parallel_loop3A_1734 : vector<1x1x16xf32> to vector<16xf32>
          %parallel_loop3A_1736 = arith.mulf %parallel_loop3A_1735, %parallel_loop3A_1683 : vector<16xf32>
          %parallel_loop3A_1737 = arith.constant 1 : i32
          %parallel_loop3A_1738 = arith.index_cast %parallel_loop3A_1737 : i32 to index
          %parallel_loop3A_1739 = arith.index_cast %parallel_loop3A_1687 : i32 to index
          %parallel_loop3A_1740 = arith.constant 48 : index
          %parallel_loop3A_1741 = tpu.vector_load %arg14[%parallel_loop3A_1738, %parallel_loop3A_1739, %parallel_loop3A_1740] {strides = array<i32>} : memref<2x64x128xf32, #tpu.memory_space<vmem>>, vector<1x1x16xf32>,
          %parallel_loop3A_1742 = vector.shape_cast %parallel_loop3A_1741 : vector<1x1x16xf32> to vector<16xf32>
          %parallel_loop3A_1743 = vector.shape_cast %parallel_loop3A_1736 : vector<16xf32> to vector<1x1x16xf32>
          tpu.vector_store %arg14[%parallel_loop3A_1738, %parallel_loop3A_1739, %parallel_loop3A_1740], %parallel_loop3A_1743 {strides = array<i32>} : memref<2x64x128xf32, #tpu.memory_space<vmem>>, vector<1x1x16xf32>,
          %parallel_loop3A_1744 = arith.constant 1 : i32
          %parallel_loop3A_1745 = arith.index_cast %parallel_loop3A_1744 : i32 to index
          %parallel_loop3A_1746 = arith.index_cast %parallel_loop3A_1687 : i32 to index
          %parallel_loop3A_1747 = arith.constant 64 : index
          %parallel_loop3A_1748 = tpu.vector_load %arg14[%parallel_loop3A_1745, %parallel_loop3A_1746, %parallel_loop3A_1747] {strides = array<i32>} : memref<2x64x128xf32, #tpu.memory_space<vmem>>, vector<1x1x16xf32>,
          %parallel_loop3A_1749 = vector.shape_cast %parallel_loop3A_1748 : vector<1x1x16xf32> to vector<16xf32>
          %parallel_loop3A_1750 = arith.mulf %parallel_loop3A_1749, %parallel_loop3A_1683 : vector<16xf32>
          %parallel_loop3A_1751 = arith.constant 1 : i32
          %parallel_loop3A_1752 = arith.index_cast %parallel_loop3A_1751 : i32 to index
          %parallel_loop3A_1753 = arith.index_cast %parallel_loop3A_1687 : i32 to index
          %parallel_loop3A_1754 = arith.constant 64 : index
          %parallel_loop3A_1755 = tpu.vector_load %arg14[%parallel_loop3A_1752, %parallel_loop3A_1753, %parallel_loop3A_1754] {strides = array<i32>} : memref<2x64x128xf32, #tpu.memory_space<vmem>>, vector<1x1x16xf32>,
          %parallel_loop3A_1756 = vector.shape_cast %parallel_loop3A_1755 : vector<1x1x16xf32> to vector<16xf32>
          %parallel_loop3A_1757 = vector.shape_cast %parallel_loop3A_1750 : vector<16xf32> to vector<1x1x16xf32>
          tpu.vector_store %arg14[%parallel_loop3A_1752, %parallel_loop3A_1753, %parallel_loop3A_1754], %parallel_loop3A_1757 {strides = array<i32>} : memref<2x64x128xf32, #tpu.memory_space<vmem>>, vector<1x1x16xf32>,
          %parallel_loop3A_1758 = arith.constant 1 : i32
          %parallel_loop3A_1759 = arith.index_cast %parallel_loop3A_1758 : i32 to index
          %parallel_loop3A_1760 = arith.index_cast %parallel_loop3A_1687 : i32 to index
          %parallel_loop3A_1761 = arith.constant 80 : index
          %parallel_loop3A_1762 = tpu.vector_load %arg14[%parallel_loop3A_1759, %parallel_loop3A_1760, %parallel_loop3A_1761] {strides = array<i32>} : memref<2x64x128xf32, #tpu.memory_space<vmem>>, vector<1x1x16xf32>,
          %parallel_loop3A_1763 = vector.shape_cast %parallel_loop3A_1762 : vector<1x1x16xf32> to vector<16xf32>
          %parallel_loop3A_1764 = arith.mulf %parallel_loop3A_1763, %parallel_loop3A_1683 : vector<16xf32>
          %parallel_loop3A_1765 = arith.constant 1 : i32
          %parallel_loop3A_1766 = arith.index_cast %parallel_loop3A_1765 : i32 to index
          %parallel_loop3A_1767 = arith.index_cast %parallel_loop3A_1687 : i32 to index
          %parallel_loop3A_1768 = arith.constant 80 : index
          %parallel_loop3A_1769 = tpu.vector_load %arg14[%parallel_loop3A_1766, %parallel_loop3A_1767, %parallel_loop3A_1768] {strides = array<i32>} : memref<2x64x128xf32, #tpu.memory_space<vmem>>, vector<1x1x16xf32>,
          %parallel_loop3A_1770 = vector.shape_cast %parallel_loop3A_1769 : vector<1x1x16xf32> to vector<16xf32>
          %parallel_loop3A_1771 = vector.shape_cast %parallel_loop3A_1764 : vector<16xf32> to vector<1x1x16xf32>
          tpu.vector_store %arg14[%parallel_loop3A_1766, %parallel_loop3A_1767, %parallel_loop3A_1768], %parallel_loop3A_1771 {strides = array<i32>} : memref<2x64x128xf32, #tpu.memory_space<vmem>>, vector<1x1x16xf32>,
          %parallel_loop3A_1772 = arith.constant 1 : i32
          %parallel_loop3A_1773 = arith.index_cast %parallel_loop3A_1772 : i32 to index
          %parallel_loop3A_1774 = arith.index_cast %parallel_loop3A_1687 : i32 to index
          %parallel_loop3A_1775 = arith.constant 96 : index
          %parallel_loop3A_1776 = tpu.vector_load %arg14[%parallel_loop3A_1773, %parallel_loop3A_1774, %parallel_loop3A_1775] {strides = array<i32>} : memref<2x64x128xf32, #tpu.memory_space<vmem>>, vector<1x1x16xf32>,
          %parallel_loop3A_1777 = vector.shape_cast %parallel_loop3A_1776 : vector<1x1x16xf32> to vector<16xf32>
          %parallel_loop3A_1778 = arith.mulf %parallel_loop3A_1777, %parallel_loop3A_1683 : vector<16xf32>
          %parallel_loop3A_1779 = arith.constant 1 : i32
          %parallel_loop3A_1780 = arith.index_cast %parallel_loop3A_1779 : i32 to index
          %parallel_loop3A_1781 = arith.index_cast %parallel_loop3A_1687 : i32 to index
          %parallel_loop3A_1782 = arith.constant 96 : index
          %parallel_loop3A_1783 = tpu.vector_load %arg14[%parallel_loop3A_1780, %parallel_loop3A_1781, %parallel_loop3A_1782] {strides = array<i32>} : memref<2x64x128xf32, #tpu.memory_space<vmem>>, vector<1x1x16xf32>,
          %parallel_loop3A_1784 = vector.shape_cast %parallel_loop3A_1783 : vector<1x1x16xf32> to vector<16xf32>
          %parallel_loop3A_1785 = vector.shape_cast %parallel_loop3A_1778 : vector<16xf32> to vector<1x1x16xf32>
          tpu.vector_store %arg14[%parallel_loop3A_1780, %parallel_loop3A_1781, %parallel_loop3A_1782], %parallel_loop3A_1785 {strides = array<i32>} : memref<2x64x128xf32, #tpu.memory_space<vmem>>, vector<1x1x16xf32>,
          %parallel_loop3A_1786 = arith.constant 1 : i32
          %parallel_loop3A_1787 = arith.index_cast %parallel_loop3A_1786 : i32 to index
          %parallel_loop3A_1788 = arith.index_cast %parallel_loop3A_1687 : i32 to index
          %parallel_loop3A_1789 = arith.constant 112 : index
          %parallel_loop3A_1790 = tpu.vector_load %arg14[%parallel_loop3A_1787, %parallel_loop3A_1788, %parallel_loop3A_1789] {strides = array<i32>} : memref<2x64x128xf32, #tpu.memory_space<vmem>>, vector<1x1x16xf32>,
          %parallel_loop3A_1791 = vector.shape_cast %parallel_loop3A_1790 : vector<1x1x16xf32> to vector<16xf32>
          %parallel_loop3A_1792 = arith.mulf %parallel_loop3A_1791, %parallel_loop3A_1683 : vector<16xf32>
          %parallel_loop3A_1793 = arith.constant 1 : i32
          %parallel_loop3A_1794 = arith.index_cast %parallel_loop3A_1793 : i32 to index
          %parallel_loop3A_1795 = arith.index_cast %parallel_loop3A_1687 : i32 to index
          %parallel_loop3A_1796 = arith.constant 112 : index
          %parallel_loop3A_1797 = tpu.vector_load %arg14[%parallel_loop3A_1794, %parallel_loop3A_1795, %parallel_loop3A_1796] {strides = array<i32>} : memref<2x64x128xf32, #tpu.memory_space<vmem>>, vector<1x1x16xf32>,
          %parallel_loop3A_1798 = vector.shape_cast %parallel_loop3A_1797 : vector<1x1x16xf32> to vector<16xf32>
          %parallel_loop3A_1799 = vector.shape_cast %parallel_loop3A_1792 : vector<16xf32> to vector<1x1x16xf32>
          tpu.vector_store %arg14[%parallel_loop3A_1794, %parallel_loop3A_1795, %parallel_loop3A_1796], %parallel_loop3A_1799 {strides = array<i32>} : memref<2x64x128xf32, #tpu.memory_space<vmem>>, vector<1x1x16xf32>,
          %parallel_loop3A_1800 = arith.constant 14 : i32
          %parallel_loop3A_1801 = vector.broadcast %parallel_loop3A_1800 : i32 to vector<16x1xi32>
          %parallel_loop3A_1802 = vector.shape_cast %parallel_loop3A_1801 : vector<16x1xi32> to vector<16xi32>
          %parallel_loop3A_1803 = tpu.dynamic_gather %parallel_loop3A_119[%parallel_loop3A_1802] in [0] : vector<16xf32>, vector<16xi32> -> vector<16xf32>
          %parallel_loop3A_1804 = arith.constant 16 : i32
          %parallel_loop3A_1805 = arith.muli %parallel_loop3A_110, %parallel_loop3A_1804 : i32
          %parallel_loop3A_1806 = arith.constant 14 : i32
          %parallel_loop3A_1807 = arith.addi %parallel_loop3A_1805, %parallel_loop3A_1806 : i32
          %parallel_loop3A_1808 = arith.constant 1 : i32
          %parallel_loop3A_1809 = arith.index_cast %parallel_loop3A_1808 : i32 to index
          %parallel_loop3A_1810 = arith.index_cast %parallel_loop3A_1807 : i32 to index
          %parallel_loop3A_1811 = arith.constant 0 : index
          %parallel_loop3A_1812 = tpu.vector_load %arg14[%parallel_loop3A_1809, %parallel_loop3A_1810, %parallel_loop3A_1811] {strides = array<i32>} : memref<2x64x128xf32, #tpu.memory_space<vmem>>, vector<1x1x16xf32>,
          %parallel_loop3A_1813 = vector.shape_cast %parallel_loop3A_1812 : vector<1x1x16xf32> to vector<16xf32>
          %parallel_loop3A_1814 = arith.mulf %parallel_loop3A_1813, %parallel_loop3A_1803 : vector<16xf32>
          %parallel_loop3A_1815 = arith.constant 1 : i32
          %parallel_loop3A_1816 = arith.index_cast %parallel_loop3A_1815 : i32 to index
          %parallel_loop3A_1817 = arith.index_cast %parallel_loop3A_1807 : i32 to index
          %parallel_loop3A_1818 = arith.constant 0 : index
          %parallel_loop3A_1819 = tpu.vector_load %arg14[%parallel_loop3A_1816, %parallel_loop3A_1817, %parallel_loop3A_1818] {strides = array<i32>} : memref<2x64x128xf32, #tpu.memory_space<vmem>>, vector<1x1x16xf32>,
          %parallel_loop3A_1820 = vector.shape_cast %parallel_loop3A_1819 : vector<1x1x16xf32> to vector<16xf32>
          %parallel_loop3A_1821 = vector.shape_cast %parallel_loop3A_1814 : vector<16xf32> to vector<1x1x16xf32>
          tpu.vector_store %arg14[%parallel_loop3A_1816, %parallel_loop3A_1817, %parallel_loop3A_1818], %parallel_loop3A_1821 {strides = array<i32>} : memref<2x64x128xf32, #tpu.memory_space<vmem>>, vector<1x1x16xf32>,
          %parallel_loop3A_1822 = arith.constant 1 : i32
          %parallel_loop3A_1823 = arith.index_cast %parallel_loop3A_1822 : i32 to index
          %parallel_loop3A_1824 = arith.index_cast %parallel_loop3A_1807 : i32 to index
          %parallel_loop3A_1825 = arith.constant 16 : index
          %parallel_loop3A_1826 = tpu.vector_load %arg14[%parallel_loop3A_1823, %parallel_loop3A_1824, %parallel_loop3A_1825] {strides = array<i32>} : memref<2x64x128xf32, #tpu.memory_space<vmem>>, vector<1x1x16xf32>,
          %parallel_loop3A_1827 = vector.shape_cast %parallel_loop3A_1826 : vector<1x1x16xf32> to vector<16xf32>
          %parallel_loop3A_1828 = arith.mulf %parallel_loop3A_1827, %parallel_loop3A_1803 : vector<16xf32>
          %parallel_loop3A_1829 = arith.constant 1 : i32
          %parallel_loop3A_1830 = arith.index_cast %parallel_loop3A_1829 : i32 to index
          %parallel_loop3A_1831 = arith.index_cast %parallel_loop3A_1807 : i32 to index
          %parallel_loop3A_1832 = arith.constant 16 : index
          %parallel_loop3A_1833 = tpu.vector_load %arg14[%parallel_loop3A_1830, %parallel_loop3A_1831, %parallel_loop3A_1832] {strides = array<i32>} : memref<2x64x128xf32, #tpu.memory_space<vmem>>, vector<1x1x16xf32>,
          %parallel_loop3A_1834 = vector.shape_cast %parallel_loop3A_1833 : vector<1x1x16xf32> to vector<16xf32>
          %parallel_loop3A_1835 = vector.shape_cast %parallel_loop3A_1828 : vector<16xf32> to vector<1x1x16xf32>
          tpu.vector_store %arg14[%parallel_loop3A_1830, %parallel_loop3A_1831, %parallel_loop3A_1832], %parallel_loop3A_1835 {strides = array<i32>} : memref<2x64x128xf32, #tpu.memory_space<vmem>>, vector<1x1x16xf32>,
          %parallel_loop3A_1836 = arith.constant 1 : i32
          %parallel_loop3A_1837 = arith.index_cast %parallel_loop3A_1836 : i32 to index
          %parallel_loop3A_1838 = arith.index_cast %parallel_loop3A_1807 : i32 to index
          %parallel_loop3A_1839 = arith.constant 32 : index
          %parallel_loop3A_1840 = tpu.vector_load %arg14[%parallel_loop3A_1837, %parallel_loop3A_1838, %parallel_loop3A_1839] {strides = array<i32>} : memref<2x64x128xf32, #tpu.memory_space<vmem>>, vector<1x1x16xf32>,
          %parallel_loop3A_1841 = vector.shape_cast %parallel_loop3A_1840 : vector<1x1x16xf32> to vector<16xf32>
          %parallel_loop3A_1842 = arith.mulf %parallel_loop3A_1841, %parallel_loop3A_1803 : vector<16xf32>
          %parallel_loop3A_1843 = arith.constant 1 : i32
          %parallel_loop3A_1844 = arith.index_cast %parallel_loop3A_1843 : i32 to index
          %parallel_loop3A_1845 = arith.index_cast %parallel_loop3A_1807 : i32 to index
          %parallel_loop3A_1846 = arith.constant 32 : index
          %parallel_loop3A_1847 = tpu.vector_load %arg14[%parallel_loop3A_1844, %parallel_loop3A_1845, %parallel_loop3A_1846] {strides = array<i32>} : memref<2x64x128xf32, #tpu.memory_space<vmem>>, vector<1x1x16xf32>,
          %parallel_loop3A_1848 = vector.shape_cast %parallel_loop3A_1847 : vector<1x1x16xf32> to vector<16xf32>
          %parallel_loop3A_1849 = vector.shape_cast %parallel_loop3A_1842 : vector<16xf32> to vector<1x1x16xf32>
          tpu.vector_store %arg14[%parallel_loop3A_1844, %parallel_loop3A_1845, %parallel_loop3A_1846], %parallel_loop3A_1849 {strides = array<i32>} : memref<2x64x128xf32, #tpu.memory_space<vmem>>, vector<1x1x16xf32>,
          %parallel_loop3A_1850 = arith.constant 1 : i32
          %parallel_loop3A_1851 = arith.index_cast %parallel_loop3A_1850 : i32 to index
          %parallel_loop3A_1852 = arith.index_cast %parallel_loop3A_1807 : i32 to index
          %parallel_loop3A_1853 = arith.constant 48 : index
          %parallel_loop3A_1854 = tpu.vector_load %arg14[%parallel_loop3A_1851, %parallel_loop3A_1852, %parallel_loop3A_1853] {strides = array<i32>} : memref<2x64x128xf32, #tpu.memory_space<vmem>>, vector<1x1x16xf32>,
          %parallel_loop3A_1855 = vector.shape_cast %parallel_loop3A_1854 : vector<1x1x16xf32> to vector<16xf32>
          %parallel_loop3A_1856 = arith.mulf %parallel_loop3A_1855, %parallel_loop3A_1803 : vector<16xf32>
          %parallel_loop3A_1857 = arith.constant 1 : i32
          %parallel_loop3A_1858 = arith.index_cast %parallel_loop3A_1857 : i32 to index
          %parallel_loop3A_1859 = arith.index_cast %parallel_loop3A_1807 : i32 to index
          %parallel_loop3A_1860 = arith.constant 48 : index
          %parallel_loop3A_1861 = tpu.vector_load %arg14[%parallel_loop3A_1858, %parallel_loop3A_1859, %parallel_loop3A_1860] {strides = array<i32>} : memref<2x64x128xf32, #tpu.memory_space<vmem>>, vector<1x1x16xf32>,
          %parallel_loop3A_1862 = vector.shape_cast %parallel_loop3A_1861 : vector<1x1x16xf32> to vector<16xf32>
          %parallel_loop3A_1863 = vector.shape_cast %parallel_loop3A_1856 : vector<16xf32> to vector<1x1x16xf32>
          tpu.vector_store %arg14[%parallel_loop3A_1858, %parallel_loop3A_1859, %parallel_loop3A_1860], %parallel_loop3A_1863 {strides = array<i32>} : memref<2x64x128xf32, #tpu.memory_space<vmem>>, vector<1x1x16xf32>,
          %parallel_loop3A_1864 = arith.constant 1 : i32
          %parallel_loop3A_1865 = arith.index_cast %parallel_loop3A_1864 : i32 to index
          %parallel_loop3A_1866 = arith.index_cast %parallel_loop3A_1807 : i32 to index
          %parallel_loop3A_1867 = arith.constant 64 : index
          %parallel_loop3A_1868 = tpu.vector_load %arg14[%parallel_loop3A_1865, %parallel_loop3A_1866, %parallel_loop3A_1867] {strides = array<i32>} : memref<2x64x128xf32, #tpu.memory_space<vmem>>, vector<1x1x16xf32>,
          %parallel_loop3A_1869 = vector.shape_cast %parallel_loop3A_1868 : vector<1x1x16xf32> to vector<16xf32>
          %parallel_loop3A_1870 = arith.mulf %parallel_loop3A_1869, %parallel_loop3A_1803 : vector<16xf32>
          %parallel_loop3A_1871 = arith.constant 1 : i32
          %parallel_loop3A_1872 = arith.index_cast %parallel_loop3A_1871 : i32 to index
          %parallel_loop3A_1873 = arith.index_cast %parallel_loop3A_1807 : i32 to index
          %parallel_loop3A_1874 = arith.constant 64 : index
          %parallel_loop3A_1875 = tpu.vector_load %arg14[%parallel_loop3A_1872, %parallel_loop3A_1873, %parallel_loop3A_1874] {strides = array<i32>} : memref<2x64x128xf32, #tpu.memory_space<vmem>>, vector<1x1x16xf32>,
          %parallel_loop3A_1876 = vector.shape_cast %parallel_loop3A_1875 : vector<1x1x16xf32> to vector<16xf32>
          %parallel_loop3A_1877 = vector.shape_cast %parallel_loop3A_1870 : vector<16xf32> to vector<1x1x16xf32>
          tpu.vector_store %arg14[%parallel_loop3A_1872, %parallel_loop3A_1873, %parallel_loop3A_1874], %parallel_loop3A_1877 {strides = array<i32>} : memref<2x64x128xf32, #tpu.memory_space<vmem>>, vector<1x1x16xf32>,
          %parallel_loop3A_1878 = arith.constant 1 : i32
          %parallel_loop3A_1879 = arith.index_cast %parallel_loop3A_1878 : i32 to index
          %parallel_loop3A_1880 = arith.index_cast %parallel_loop3A_1807 : i32 to index
          %parallel_loop3A_1881 = arith.constant 80 : index
          %parallel_loop3A_1882 = tpu.vector_load %arg14[%parallel_loop3A_1879, %parallel_loop3A_1880, %parallel_loop3A_1881] {strides = array<i32>} : memref<2x64x128xf32, #tpu.memory_space<vmem>>, vector<1x1x16xf32>,
          %parallel_loop3A_1883 = vector.shape_cast %parallel_loop3A_1882 : vector<1x1x16xf32> to vector<16xf32>
          %parallel_loop3A_1884 = arith.mulf %parallel_loop3A_1883, %parallel_loop3A_1803 : vector<16xf32>
          %parallel_loop3A_1885 = arith.constant 1 : i32
          %parallel_loop3A_1886 = arith.index_cast %parallel_loop3A_1885 : i32 to index
          %parallel_loop3A_1887 = arith.index_cast %parallel_loop3A_1807 : i32 to index
          %parallel_loop3A_1888 = arith.constant 80 : index
          %parallel_loop3A_1889 = tpu.vector_load %arg14[%parallel_loop3A_1886, %parallel_loop3A_1887, %parallel_loop3A_1888] {strides = array<i32>} : memref<2x64x128xf32, #tpu.memory_space<vmem>>, vector<1x1x16xf32>,
          %parallel_loop3A_1890 = vector.shape_cast %parallel_loop3A_1889 : vector<1x1x16xf32> to vector<16xf32>
          %parallel_loop3A_1891 = vector.shape_cast %parallel_loop3A_1884 : vector<16xf32> to vector<1x1x16xf32>
          tpu.vector_store %arg14[%parallel_loop3A_1886, %parallel_loop3A_1887, %parallel_loop3A_1888], %parallel_loop3A_1891 {strides = array<i32>} : memref<2x64x128xf32, #tpu.memory_space<vmem>>, vector<1x1x16xf32>,
          %parallel_loop3A_1892 = arith.constant 1 : i32
          %parallel_loop3A_1893 = arith.index_cast %parallel_loop3A_1892 : i32 to index
          %parallel_loop3A_1894 = arith.index_cast %parallel_loop3A_1807 : i32 to index
          %parallel_loop3A_1895 = arith.constant 96 : index
          %parallel_loop3A_1896 = tpu.vector_load %arg14[%parallel_loop3A_1893, %parallel_loop3A_1894, %parallel_loop3A_1895] {strides = array<i32>} : memref<2x64x128xf32, #tpu.memory_space<vmem>>, vector<1x1x16xf32>,
          %parallel_loop3A_1897 = vector.shape_cast %parallel_loop3A_1896 : vector<1x1x16xf32> to vector<16xf32>
          %parallel_loop3A_1898 = arith.mulf %parallel_loop3A_1897, %parallel_loop3A_1803 : vector<16xf32>
          %parallel_loop3A_1899 = arith.constant 1 : i32
          %parallel_loop3A_1900 = arith.index_cast %parallel_loop3A_1899 : i32 to index
          %parallel_loop3A_1901 = arith.index_cast %parallel_loop3A_1807 : i32 to index
          %parallel_loop3A_1902 = arith.constant 96 : index
          %parallel_loop3A_1903 = tpu.vector_load %arg14[%parallel_loop3A_1900, %parallel_loop3A_1901, %parallel_loop3A_1902] {strides = array<i32>} : memref<2x64x128xf32, #tpu.memory_space<vmem>>, vector<1x1x16xf32>,
          %parallel_loop3A_1904 = vector.shape_cast %parallel_loop3A_1903 : vector<1x1x16xf32> to vector<16xf32>
          %parallel_loop3A_1905 = vector.shape_cast %parallel_loop3A_1898 : vector<16xf32> to vector<1x1x16xf32>
          tpu.vector_store %arg14[%parallel_loop3A_1900, %parallel_loop3A_1901, %parallel_loop3A_1902], %parallel_loop3A_1905 {strides = array<i32>} : memref<2x64x128xf32, #tpu.memory_space<vmem>>, vector<1x1x16xf32>,
          %parallel_loop3A_1906 = arith.constant 1 : i32
          %parallel_loop3A_1907 = arith.index_cast %parallel_loop3A_1906 : i32 to index
          %parallel_loop3A_1908 = arith.index_cast %parallel_loop3A_1807 : i32 to index
          %parallel_loop3A_1909 = arith.constant 112 : index
          %parallel_loop3A_1910 = tpu.vector_load %arg14[%parallel_loop3A_1907, %parallel_loop3A_1908, %parallel_loop3A_1909] {strides = array<i32>} : memref<2x64x128xf32, #tpu.memory_space<vmem>>, vector<1x1x16xf32>,
          %parallel_loop3A_1911 = vector.shape_cast %parallel_loop3A_1910 : vector<1x1x16xf32> to vector<16xf32>
          %parallel_loop3A_1912 = arith.mulf %parallel_loop3A_1911, %parallel_loop3A_1803 : vector<16xf32>
          %parallel_loop3A_1913 = arith.constant 1 : i32
          %parallel_loop3A_1914 = arith.index_cast %parallel_loop3A_1913 : i32 to index
          %parallel_loop3A_1915 = arith.index_cast %parallel_loop3A_1807 : i32 to index
          %parallel_loop3A_1916 = arith.constant 112 : index
          %parallel_loop3A_1917 = tpu.vector_load %arg14[%parallel_loop3A_1914, %parallel_loop3A_1915, %parallel_loop3A_1916] {strides = array<i32>} : memref<2x64x128xf32, #tpu.memory_space<vmem>>, vector<1x1x16xf32>,
          %parallel_loop3A_1918 = vector.shape_cast %parallel_loop3A_1917 : vector<1x1x16xf32> to vector<16xf32>
          %parallel_loop3A_1919 = vector.shape_cast %parallel_loop3A_1912 : vector<16xf32> to vector<1x1x16xf32>
          tpu.vector_store %arg14[%parallel_loop3A_1914, %parallel_loop3A_1915, %parallel_loop3A_1916], %parallel_loop3A_1919 {strides = array<i32>} : memref<2x64x128xf32, #tpu.memory_space<vmem>>, vector<1x1x16xf32>,
          %parallel_loop3A_1920 = arith.constant 15 : i32
          %parallel_loop3A_1921 = vector.broadcast %parallel_loop3A_1920 : i32 to vector<16x1xi32>
          %parallel_loop3A_1922 = vector.shape_cast %parallel_loop3A_1921 : vector<16x1xi32> to vector<16xi32>
          %parallel_loop3A_1923 = tpu.dynamic_gather %parallel_loop3A_119[%parallel_loop3A_1922] in [0] : vector<16xf32>, vector<16xi32> -> vector<16xf32>
          %parallel_loop3A_1924 = arith.constant 16 : i32
          %parallel_loop3A_1925 = arith.muli %parallel_loop3A_110, %parallel_loop3A_1924 : i32
          %parallel_loop3A_1926 = arith.constant 15 : i32
          %parallel_loop3A_1927 = arith.addi %parallel_loop3A_1925, %parallel_loop3A_1926 : i32
          %parallel_loop3A_1928 = arith.constant 1 : i32
          %parallel_loop3A_1929 = arith.index_cast %parallel_loop3A_1928 : i32 to index
          %parallel_loop3A_1930 = arith.index_cast %parallel_loop3A_1927 : i32 to index
          %parallel_loop3A_1931 = arith.constant 0 : index
          %parallel_loop3A_1932 = tpu.vector_load %arg14[%parallel_loop3A_1929, %parallel_loop3A_1930, %parallel_loop3A_1931] {strides = array<i32>} : memref<2x64x128xf32, #tpu.memory_space<vmem>>, vector<1x1x16xf32>,
          %parallel_loop3A_1933 = vector.shape_cast %parallel_loop3A_1932 : vector<1x1x16xf32> to vector<16xf32>
          %parallel_loop3A_1934 = arith.mulf %parallel_loop3A_1933, %parallel_loop3A_1923 : vector<16xf32>
          %parallel_loop3A_1935 = arith.constant 1 : i32
          %parallel_loop3A_1936 = arith.index_cast %parallel_loop3A_1935 : i32 to index
          %parallel_loop3A_1937 = arith.index_cast %parallel_loop3A_1927 : i32 to index
          %parallel_loop3A_1938 = arith.constant 0 : index
          %parallel_loop3A_1939 = tpu.vector_load %arg14[%parallel_loop3A_1936, %parallel_loop3A_1937, %parallel_loop3A_1938] {strides = array<i32>} : memref<2x64x128xf32, #tpu.memory_space<vmem>>, vector<1x1x16xf32>,
          %parallel_loop3A_1940 = vector.shape_cast %parallel_loop3A_1939 : vector<1x1x16xf32> to vector<16xf32>
          %parallel_loop3A_1941 = vector.shape_cast %parallel_loop3A_1934 : vector<16xf32> to vector<1x1x16xf32>
          tpu.vector_store %arg14[%parallel_loop3A_1936, %parallel_loop3A_1937, %parallel_loop3A_1938], %parallel_loop3A_1941 {strides = array<i32>} : memref<2x64x128xf32, #tpu.memory_space<vmem>>, vector<1x1x16xf32>,
          %parallel_loop3A_1942 = arith.constant 1 : i32
          %parallel_loop3A_1943 = arith.index_cast %parallel_loop3A_1942 : i32 to index
          %parallel_loop3A_1944 = arith.index_cast %parallel_loop3A_1927 : i32 to index
          %parallel_loop3A_1945 = arith.constant 16 : index
          %parallel_loop3A_1946 = tpu.vector_load %arg14[%parallel_loop3A_1943, %parallel_loop3A_1944, %parallel_loop3A_1945] {strides = array<i32>} : memref<2x64x128xf32, #tpu.memory_space<vmem>>, vector<1x1x16xf32>,
          %parallel_loop3A_1947 = vector.shape_cast %parallel_loop3A_1946 : vector<1x1x16xf32> to vector<16xf32>
          %parallel_loop3A_1948 = arith.mulf %parallel_loop3A_1947, %parallel_loop3A_1923 : vector<16xf32>
          %parallel_loop3A_1949 = arith.constant 1 : i32
          %parallel_loop3A_1950 = arith.index_cast %parallel_loop3A_1949 : i32 to index
          %parallel_loop3A_1951 = arith.index_cast %parallel_loop3A_1927 : i32 to index
          %parallel_loop3A_1952 = arith.constant 16 : index
          %parallel_loop3A_1953 = tpu.vector_load %arg14[%parallel_loop3A_1950, %parallel_loop3A_1951, %parallel_loop3A_1952] {strides = array<i32>} : memref<2x64x128xf32, #tpu.memory_space<vmem>>, vector<1x1x16xf32>,
          %parallel_loop3A_1954 = vector.shape_cast %parallel_loop3A_1953 : vector<1x1x16xf32> to vector<16xf32>
          %parallel_loop3A_1955 = vector.shape_cast %parallel_loop3A_1948 : vector<16xf32> to vector<1x1x16xf32>
          tpu.vector_store %arg14[%parallel_loop3A_1950, %parallel_loop3A_1951, %parallel_loop3A_1952], %parallel_loop3A_1955 {strides = array<i32>} : memref<2x64x128xf32, #tpu.memory_space<vmem>>, vector<1x1x16xf32>,
          %parallel_loop3A_1956 = arith.constant 1 : i32
          %parallel_loop3A_1957 = arith.index_cast %parallel_loop3A_1956 : i32 to index
          %parallel_loop3A_1958 = arith.index_cast %parallel_loop3A_1927 : i32 to index
          %parallel_loop3A_1959 = arith.constant 32 : index
          %parallel_loop3A_1960 = tpu.vector_load %arg14[%parallel_loop3A_1957, %parallel_loop3A_1958, %parallel_loop3A_1959] {strides = array<i32>} : memref<2x64x128xf32, #tpu.memory_space<vmem>>, vector<1x1x16xf32>,
          %parallel_loop3A_1961 = vector.shape_cast %parallel_loop3A_1960 : vector<1x1x16xf32> to vector<16xf32>
          %parallel_loop3A_1962 = arith.mulf %parallel_loop3A_1961, %parallel_loop3A_1923 : vector<16xf32>
          %parallel_loop3A_1963 = arith.constant 1 : i32
          %parallel_loop3A_1964 = arith.index_cast %parallel_loop3A_1963 : i32 to index
          %parallel_loop3A_1965 = arith.index_cast %parallel_loop3A_1927 : i32 to index
          %parallel_loop3A_1966 = arith.constant 32 : index
          %parallel_loop3A_1967 = tpu.vector_load %arg14[%parallel_loop3A_1964, %parallel_loop3A_1965, %parallel_loop3A_1966] {strides = array<i32>} : memref<2x64x128xf32, #tpu.memory_space<vmem>>, vector<1x1x16xf32>,
          %parallel_loop3A_1968 = vector.shape_cast %parallel_loop3A_1967 : vector<1x1x16xf32> to vector<16xf32>
          %parallel_loop3A_1969 = vector.shape_cast %parallel_loop3A_1962 : vector<16xf32> to vector<1x1x16xf32>
          tpu.vector_store %arg14[%parallel_loop3A_1964, %parallel_loop3A_1965, %parallel_loop3A_1966], %parallel_loop3A_1969 {strides = array<i32>} : memref<2x64x128xf32, #tpu.memory_space<vmem>>, vector<1x1x16xf32>,
          %parallel_loop3A_1970 = arith.constant 1 : i32
          %parallel_loop3A_1971 = arith.index_cast %parallel_loop3A_1970 : i32 to index
          %parallel_loop3A_1972 = arith.index_cast %parallel_loop3A_1927 : i32 to index
          %parallel_loop3A_1973 = arith.constant 48 : index
          %parallel_loop3A_1974 = tpu.vector_load %arg14[%parallel_loop3A_1971, %parallel_loop3A_1972, %parallel_loop3A_1973] {strides = array<i32>} : memref<2x64x128xf32, #tpu.memory_space<vmem>>, vector<1x1x16xf32>,
          %parallel_loop3A_1975 = vector.shape_cast %parallel_loop3A_1974 : vector<1x1x16xf32> to vector<16xf32>
          %parallel_loop3A_1976 = arith.mulf %parallel_loop3A_1975, %parallel_loop3A_1923 : vector<16xf32>
          %parallel_loop3A_1977 = arith.constant 1 : i32
          %parallel_loop3A_1978 = arith.index_cast %parallel_loop3A_1977 : i32 to index
          %parallel_loop3A_1979 = arith.index_cast %parallel_loop3A_1927 : i32 to index
          %parallel_loop3A_1980 = arith.constant 48 : index
          %parallel_loop3A_1981 = tpu.vector_load %arg14[%parallel_loop3A_1978, %parallel_loop3A_1979, %parallel_loop3A_1980] {strides = array<i32>} : memref<2x64x128xf32, #tpu.memory_space<vmem>>, vector<1x1x16xf32>,
          %parallel_loop3A_1982 = vector.shape_cast %parallel_loop3A_1981 : vector<1x1x16xf32> to vector<16xf32>
          %parallel_loop3A_1983 = vector.shape_cast %parallel_loop3A_1976 : vector<16xf32> to vector<1x1x16xf32>
          tpu.vector_store %arg14[%parallel_loop3A_1978, %parallel_loop3A_1979, %parallel_loop3A_1980], %parallel_loop3A_1983 {strides = array<i32>} : memref<2x64x128xf32, #tpu.memory_space<vmem>>, vector<1x1x16xf32>,
          %parallel_loop3A_1984 = arith.constant 1 : i32
          %parallel_loop3A_1985 = arith.index_cast %parallel_loop3A_1984 : i32 to index
          %parallel_loop3A_1986 = arith.index_cast %parallel_loop3A_1927 : i32 to index
          %parallel_loop3A_1987 = arith.constant 64 : index
          %parallel_loop3A_1988 = tpu.vector_load %arg14[%parallel_loop3A_1985, %parallel_loop3A_1986, %parallel_loop3A_1987] {strides = array<i32>} : memref<2x64x128xf32, #tpu.memory_space<vmem>>, vector<1x1x16xf32>,
          %parallel_loop3A_1989 = vector.shape_cast %parallel_loop3A_1988 : vector<1x1x16xf32> to vector<16xf32>
          %parallel_loop3A_1990 = arith.mulf %parallel_loop3A_1989, %parallel_loop3A_1923 : vector<16xf32>
          %parallel_loop3A_1991 = arith.constant 1 : i32
          %parallel_loop3A_1992 = arith.index_cast %parallel_loop3A_1991 : i32 to index
          %parallel_loop3A_1993 = arith.index_cast %parallel_loop3A_1927 : i32 to index
          %parallel_loop3A_1994 = arith.constant 64 : index
          %parallel_loop3A_1995 = tpu.vector_load %arg14[%parallel_loop3A_1992, %parallel_loop3A_1993, %parallel_loop3A_1994] {strides = array<i32>} : memref<2x64x128xf32, #tpu.memory_space<vmem>>, vector<1x1x16xf32>,
          %parallel_loop3A_1996 = vector.shape_cast %parallel_loop3A_1995 : vector<1x1x16xf32> to vector<16xf32>
          %parallel_loop3A_1997 = vector.shape_cast %parallel_loop3A_1990 : vector<16xf32> to vector<1x1x16xf32>
          tpu.vector_store %arg14[%parallel_loop3A_1992, %parallel_loop3A_1993, %parallel_loop3A_1994], %parallel_loop3A_1997 {strides = array<i32>} : memref<2x64x128xf32, #tpu.memory_space<vmem>>, vector<1x1x16xf32>,
          %parallel_loop3A_1998 = arith.constant 1 : i32
          %parallel_loop3A_1999 = arith.index_cast %parallel_loop3A_1998 : i32 to index
          %parallel_loop3A_2000 = arith.index_cast %parallel_loop3A_1927 : i32 to index
          %parallel_loop3A_2001 = arith.constant 80 : index
          %parallel_loop3A_2002 = tpu.vector_load %arg14[%parallel_loop3A_1999, %parallel_loop3A_2000, %parallel_loop3A_2001] {strides = array<i32>} : memref<2x64x128xf32, #tpu.memory_space<vmem>>, vector<1x1x16xf32>,
          %parallel_loop3A_2003 = vector.shape_cast %parallel_loop3A_2002 : vector<1x1x16xf32> to vector<16xf32>
          %parallel_loop3A_2004 = arith.mulf %parallel_loop3A_2003, %parallel_loop3A_1923 : vector<16xf32>
          %parallel_loop3A_2005 = arith.constant 1 : i32
          %parallel_loop3A_2006 = arith.index_cast %parallel_loop3A_2005 : i32 to index
          %parallel_loop3A_2007 = arith.index_cast %parallel_loop3A_1927 : i32 to index
          %parallel_loop3A_2008 = arith.constant 80 : index
          %parallel_loop3A_2009 = tpu.vector_load %arg14[%parallel_loop3A_2006, %parallel_loop3A_2007, %parallel_loop3A_2008] {strides = array<i32>} : memref<2x64x128xf32, #tpu.memory_space<vmem>>, vector<1x1x16xf32>,
          %parallel_loop3A_2010 = vector.shape_cast %parallel_loop3A_2009 : vector<1x1x16xf32> to vector<16xf32>
          %parallel_loop3A_2011 = vector.shape_cast %parallel_loop3A_2004 : vector<16xf32> to vector<1x1x16xf32>
          tpu.vector_store %arg14[%parallel_loop3A_2006, %parallel_loop3A_2007, %parallel_loop3A_2008], %parallel_loop3A_2011 {strides = array<i32>} : memref<2x64x128xf32, #tpu.memory_space<vmem>>, vector<1x1x16xf32>,
          %parallel_loop3A_2012 = arith.constant 1 : i32
          %parallel_loop3A_2013 = arith.index_cast %parallel_loop3A_2012 : i32 to index
          %parallel_loop3A_2014 = arith.index_cast %parallel_loop3A_1927 : i32 to index
          %parallel_loop3A_2015 = arith.constant 96 : index
          %parallel_loop3A_2016 = tpu.vector_load %arg14[%parallel_loop3A_2013, %parallel_loop3A_2014, %parallel_loop3A_2015] {strides = array<i32>} : memref<2x64x128xf32, #tpu.memory_space<vmem>>, vector<1x1x16xf32>,
          %parallel_loop3A_2017 = vector.shape_cast %parallel_loop3A_2016 : vector<1x1x16xf32> to vector<16xf32>
          %parallel_loop3A_2018 = arith.mulf %parallel_loop3A_2017, %parallel_loop3A_1923 : vector<16xf32>
          %parallel_loop3A_2019 = arith.constant 1 : i32
          %parallel_loop3A_2020 = arith.index_cast %parallel_loop3A_2019 : i32 to index
          %parallel_loop3A_2021 = arith.index_cast %parallel_loop3A_1927 : i32 to index
          %parallel_loop3A_2022 = arith.constant 96 : index
          %parallel_loop3A_2023 = tpu.vector_load %arg14[%parallel_loop3A_2020, %parallel_loop3A_2021, %parallel_loop3A_2022] {strides = array<i32>} : memref<2x64x128xf32, #tpu.memory_space<vmem>>, vector<1x1x16xf32>,
          %parallel_loop3A_2024 = vector.shape_cast %parallel_loop3A_2023 : vector<1x1x16xf32> to vector<16xf32>
          %parallel_loop3A_2025 = vector.shape_cast %parallel_loop3A_2018 : vector<16xf32> to vector<1x1x16xf32>
          tpu.vector_store %arg14[%parallel_loop3A_2020, %parallel_loop3A_2021, %parallel_loop3A_2022], %parallel_loop3A_2025 {strides = array<i32>} : memref<2x64x128xf32, #tpu.memory_space<vmem>>, vector<1x1x16xf32>,
          %parallel_loop3A_2026 = arith.constant 1 : i32
          %parallel_loop3A_2027 = arith.index_cast %parallel_loop3A_2026 : i32 to index
          %parallel_loop3A_2028 = arith.index_cast %parallel_loop3A_1927 : i32 to index
          %parallel_loop3A_2029 = arith.constant 112 : index
          %parallel_loop3A_2030 = tpu.vector_load %arg14[%parallel_loop3A_2027, %parallel_loop3A_2028, %parallel_loop3A_2029] {strides = array<i32>} : memref<2x64x128xf32, #tpu.memory_space<vmem>>, vector<1x1x16xf32>,
          %parallel_loop3A_2031 = vector.shape_cast %parallel_loop3A_2030 : vector<1x1x16xf32> to vector<16xf32>
          %parallel_loop3A_2032 = arith.mulf %parallel_loop3A_2031, %parallel_loop3A_1923 : vector<16xf32>
          %parallel_loop3A_2033 = arith.constant 1 : i32
          %parallel_loop3A_2034 = arith.index_cast %parallel_loop3A_2033 : i32 to index
          %parallel_loop3A_2035 = arith.index_cast %parallel_loop3A_1927 : i32 to index
          %parallel_loop3A_2036 = arith.constant 112 : index
          %parallel_loop3A_2037 = tpu.vector_load %arg14[%parallel_loop3A_2034, %parallel_loop3A_2035, %parallel_loop3A_2036] {strides = array<i32>} : memref<2x64x128xf32, #tpu.memory_space<vmem>>, vector<1x1x16xf32>,
          %parallel_loop3A_2038 = vector.shape_cast %parallel_loop3A_2037 : vector<1x1x16xf32> to vector<16xf32>
          %parallel_loop3A_2039 = vector.shape_cast %parallel_loop3A_2032 : vector<16xf32> to vector<1x1x16xf32>
          tpu.vector_store %arg14[%parallel_loop3A_2034, %parallel_loop3A_2035, %parallel_loop3A_2036], %parallel_loop3A_2039 {strides = array<i32>} : memref<2x64x128xf32, #tpu.memory_space<vmem>>, vector<1x1x16xf32>,
        } {sc.loop_unroll_factor = 2 : i64, sc.parallel_access}
        %run_scoped3A_104 = arith.constant 1 : i32
        "tpu.region"() ({
          %run_scoped3A_110 = tpu.sem_alloc : memref<!tpu.dma_semaphore, #tpu.memory_space<semaphore_mem>>
          %dma_start3A_111 = arith.constant 0 : i32
          %dma_start3A_112 = arith.constant 0 : i32
          %dma_start3A_113 = tpu.memref_slice %arg14[%run_scoped3A_104, %dma_start3A_111, %dma_start3A_112] : memref<2x64x128xf32, #tpu.memory_space<vmem>> -> memref<1x64x128xf32, #tpu.memory_space<vmem>>
          %dma_start3A_114 = tpu.memref_squeeze %dma_start3A_113 : memref<1x64x128xf32, #tpu.memory_space<vmem>> -> memref<64x128xf32, #tpu.memory_space<vmem>>
          %dma_start3A_115 = arith.constant 0 : i32
          %dma_start3A_116 = tpu.memref_slice %arg12[%add3A_86, %dma_start3A_115] : memref<40x64xi32, #tpu.memory_space<vmem>> -> memref<1x64xi32, #tpu.memory_space<vmem>>
          %dma_start3A_117 = tpu.memref_squeeze %dma_start3A_116 : memref<1x64xi32, #tpu.memory_space<vmem>> -> memref<64xi32, #tpu.memory_space<vmem>>
          %dma_start3A_118 = arith.constant 0 : i32
          %dma_start3A_119 = arith.constant 0 : i32
          %dma_start3A_120 = tpu.memref_slice %arg16[%dma_start3A_118, %dma_start3A_119] : memref<10112x128xf32, #tpu.memory_space<vmem_shared>> -> memref<10112x128xf32, #tpu.memory_space<vmem_shared>>
          tpu.enqueue_indirect_dma source(%dma_start3A_114 : memref<64x128xf32, #tpu.memory_space<vmem>>) target(%dma_start3A_120 : memref<10112x128xf32, #tpu.memory_space<vmem_shared>>) offsets(%dma_start3A_117 : memref<64xi32, #tpu.memory_space<vmem>>) semaphore(%run_scoped3A_110 : memref<!tpu.dma_semaphore, #tpu.memory_space<semaphore_mem>>) {add = true}
          %dma_wait3A_121 = arith.constant 0 : i32
          %dma_wait3A_122 = arith.constant 0 : i32
          %dma_wait3A_123 = tpu.memref_slice %arg14[%run_scoped3A_104, %dma_wait3A_121, %dma_wait3A_122] : memref<2x64x128xf32, #tpu.memory_space<vmem>> -> memref<1x64x128xf32, #tpu.memory_space<vmem>>
          %dma_wait3A_124 = tpu.memref_squeeze %dma_wait3A_123 : memref<1x64x128xf32, #tpu.memory_space<vmem>> -> memref<64x128xf32, #tpu.memory_space<vmem>>
          %dma_wait3A_125 = arith.constant 0 : i32
          %dma_wait3A_126 = tpu.memref_slice %arg12[%add3A_86, %dma_wait3A_125] : memref<40x64xi32, #tpu.memory_space<vmem>> -> memref<1x64xi32, #tpu.memory_space<vmem>>
          %dma_wait3A_127 = tpu.memref_squeeze %dma_wait3A_126 : memref<1x64xi32, #tpu.memory_space<vmem>> -> memref<64xi32, #tpu.memory_space<vmem>>
          %dma_wait3A_128 = arith.constant 0 : i32
          %dma_wait3A_129 = arith.constant 0 : i32
          %dma_wait3A_130 = tpu.memref_slice %arg16[%dma_wait3A_128, %dma_wait3A_129] : memref<10112x128xf32, #tpu.memory_space<vmem_shared>> -> memref<10112x128xf32, #tpu.memory_space<vmem_shared>>
          tpu.wait_indirect_dma semaphore(%run_scoped3A_110 : memref<!tpu.dma_semaphore, #tpu.memory_space<semaphore_mem>>) src(%dma_wait3A_124 : memref<64x128xf32, #tpu.memory_space<vmem>>) dst(%dma_wait3A_130 : memref<10112x128xf32, #tpu.memory_space<vmem_shared>>)
          tpu.yield
        }) : () -> ()
        %lt3A_105 = arith.constant 19 : i32
        %lt3A_106 = arith.cmpi slt, %scan3A_60, %lt3A_105 : i32
        %convert_element_type3A_107 = arith.extui %lt3A_106 : i1 to i32
        %cond3A_108 = arith.constant 0 : i32
        %cond3A_109 = arith.cmpi ne, %convert_element_type3A_107, %cond3A_108 : i32
        scf.if %cond3A_109 {
          %add3A_110 = arith.constant 2 : i32
          %add3A_111 = arith.addi %add3A_86, %add3A_110 : i32
          %dma_start3A_112 = arith.constant 1 : i32
          %dma_start3A_113 = arith.constant 0 : i32
          %dma_start3A_114 = arith.constant 0 : i32
          %dma_start3A_115 = tpu.memref_slice %arg14[%dma_start3A_112, %dma_start3A_113, %dma_start3A_114] : memref<2x64x128xf32, #tpu.memory_space<vmem>> -> memref<1x64x128xf32, #tpu.memory_space<vmem>>
          %dma_start3A_116 = tpu.memref_squeeze %dma_start3A_115 : memref<1x64x128xf32, #tpu.memory_space<vmem>> -> memref<64x128xf32, #tpu.memory_space<vmem>>
          %dma_start3A_117 = arith.constant 0 : i32
          %dma_start3A_118 = tpu.memref_slice %arg11[%add3A_111, %dma_start3A_117] : memref<40x64xi32, #tpu.memory_space<vmem>> -> memref<1x64xi32, #tpu.memory_space<vmem>>
          %dma_start3A_119 = tpu.memref_squeeze %dma_start3A_118 : memref<1x64xi32, #tpu.memory_space<vmem>> -> memref<64xi32, #tpu.memory_space<vmem>>
          %dma_start3A_120 = arith.constant 0 : i32
          %dma_start3A_121 = arith.constant 0 : i32
          %dma_start3A_122 = tpu.memref_slice %arg2[%dma_start3A_120, %dma_start3A_121] : memref<10112x128xf32, #tpu.memory_space<hbm>> -> memref<10112x128xf32, #tpu.memory_space<hbm>>
          tpu.enqueue_indirect_dma source(%dma_start3A_122 : memref<10112x128xf32, #tpu.memory_space<hbm>>) target(%dma_start3A_116 : memref<64x128xf32, #tpu.memory_space<vmem>>) offsets(%dma_start3A_119 : memref<64xi32, #tpu.memory_space<vmem>>) semaphore(%arg18 : memref<!tpu.dma_semaphore, #tpu.memory_space<semaphore_mem>>)
        } else {
        }
      }
      %scan3A_59 = arith.constant 20 : i32
    }
    %scan3A_15 = arith.constant 4 : i32
    %barrier3A_16 = arith.constant 0 : index
    tpu.barrier barrier_id(%barrier3A_16)
    %eq3A_17 = arith.constant 0 : i32
    %eq3A_18 = arith.cmpi eq, %arg0, %eq3A_17 : i32
    %convert_element_type3A_19 = arith.extui %eq3A_18 : i1 to i32
    %cond3A_20 = arith.constant 0 : i32
    %cond3A_21 = arith.cmpi ne, %convert_element_type3A_19, %cond3A_20 : i32
    scf.if %cond3A_21 {
      "tpu.region"() ({
        %run_scoped3A = tpu.sem_alloc : memref<!tpu.dma_semaphore, #tpu.memory_space<semaphore_mem>>
        %dma_start3A = arith.constant 0 : i32
        %dma_start3A_27 = tpu.memref_slice %arg9[%mul3A_4, %dma_start3A] : memref<10112x128xf32, #tpu.memory_space<hbm>> -> memref<632x128xf32, #tpu.memory_space<hbm>>
        %dma_start3A_28 = arith.constant 0 : i32
        %dma_start3A_29 = tpu.memref_slice %arg16[%mul3A_4, %dma_start3A_28] : memref<10112x128xf32, #tpu.memory_space<vmem_shared>> -> memref<632x128xf32, #tpu.memory_space<vmem_shared>>
        tpu.enqueue_dma source(%dma_start3A_29 : memref<632x128xf32, #tpu.memory_space<vmem_shared>>) target(%dma_start3A_27 : memref<632x128xf32, #tpu.memory_space<hbm>>) target_semaphore(%run_scoped3A : memref<!tpu.dma_semaphore, #tpu.memory_space<semaphore_mem>>)
        %dma_wait3A = arith.constant 0 : i32
        %dma_wait3A_30 = tpu.memref_slice %arg9[%mul3A_4, %dma_wait3A] : memref<10112x128xf32, #tpu.memory_space<hbm>> -> memref<632x128xf32, #tpu.memory_space<hbm>>
        %dma_wait3A_31 = arith.constant 0 : i32
        %dma_wait3A_32 = tpu.memref_slice %arg16[%mul3A_4, %dma_wait3A_31] : memref<10112x128xf32, #tpu.memory_space<vmem_shared>> -> memref<632x128xf32, #tpu.memory_space<vmem_shared>>
        tpu.wait_dma2 semaphore(%run_scoped3A : memref<!tpu.dma_semaphore, #tpu.memory_space<semaphore_mem>>) src(%dma_wait3A_32 : memref<632x128xf32, #tpu.memory_space<vmem_shared>>) dst(%dma_wait3A_30 : memref<632x128xf32, #tpu.memory_space<hbm>>)
        tpu.yield
      }) : () -> ()
    } else {
    }
    %ne3A_22 = arith.constant 0 : i32
    %ne3A_23 = arith.cmpi ne, %arg0, %ne3A_22 : i32
    %convert_element_type3A_24 = arith.extui %ne3A_23 : i1 to i32
    %cond3A_25 = arith.constant 0 : i32
    %cond3A_26 = arith.cmpi ne, %convert_element_type3A_24, %cond3A_25 : i32
    scf.if %cond3A_26 {
      "tpu.region"() ({
        %run_scoped3A = tpu.sem_alloc : memref<!tpu.dma_semaphore, #tpu.memory_space<semaphore_mem>>
        %dma_start3A = arith.constant 0 : i32
        %dma_start3A_27 = tpu.memref_slice %arg10[%mul3A_4, %dma_start3A] : memref<10112x128xf32, #tpu.memory_space<hbm>> -> memref<632x128xf32, #tpu.memory_space<hbm>>
        %dma_start3A_28 = arith.constant 0 : i32
        %dma_start3A_29 = tpu.memref_slice %arg16[%mul3A_4, %dma_start3A_28] : memref<10112x128xf32, #tpu.memory_space<vmem_shared>> -> memref<632x128xf32, #tpu.memory_space<vmem_shared>>
        tpu.enqueue_dma source(%dma_start3A_29 : memref<632x128xf32, #tpu.memory_space<vmem_shared>>) target(%dma_start3A_27 : memref<632x128xf32, #tpu.memory_space<hbm>>) target_semaphore(%run_scoped3A : memref<!tpu.dma_semaphore, #tpu.memory_space<semaphore_mem>>)
        %dma_wait3A = arith.constant 0 : i32
        %dma_wait3A_30 = tpu.memref_slice %arg10[%mul3A_4, %dma_wait3A] : memref<10112x128xf32, #tpu.memory_space<hbm>> -> memref<632x128xf32, #tpu.memory_space<hbm>>
        %dma_wait3A_31 = arith.constant 0 : i32
        %dma_wait3A_32 = tpu.memref_slice %arg16[%mul3A_4, %dma_wait3A_31] : memref<10112x128xf32, #tpu.memory_space<vmem_shared>> -> memref<632x128xf32, #tpu.memory_space<vmem_shared>>
        tpu.wait_dma2 semaphore(%run_scoped3A : memref<!tpu.dma_semaphore, #tpu.memory_space<semaphore_mem>>) src(%dma_wait3A_32 : memref<632x128xf32, #tpu.memory_space<vmem_shared>>) dst(%dma_wait3A_30 : memref<632x128xf32, #tpu.memory_space<hbm>>)
        tpu.yield
      }) : () -> ()
    } else {
    }
    return
  }
}

module attributes {stable_mosaic.version = 14 : i64} {
  func.func @_mm_body(%arg0: i32, %arg1: memref<632x128xf32, #tpu.memory_space<vmem>>, %arg2: memref<128x128xf32, #tpu.memory_space<vmem>>, %arg3: memref<1x128xf32, #tpu.memory_space<vmem>>, %arg4: memref<632x128xf32, #tpu.memory_space<vmem>>, %arg5: memref<632x128xf32, #tpu.memory_space<vmem>>) attributes {dimension_semantics = [#tpu.dimension_semantics<arbitrary>], iteration_bounds = array<i64: 16>, scalar_prefetch = 0 : i64, scratch_operands = 0 : i64, tpu.core_type = #tpu.core_type<tc>, window_params = [{transform_indices = @transform_0, window_bounds = array<i64: 632, 128>}, {pipeline_mode = #tpu.pipeline_mode<synchronous>, transform_indices = @transform_1, window_bounds = array<i64: 128, 128>}, {pipeline_mode = #tpu.pipeline_mode<synchronous>, transform_indices = @transform_2, window_bounds = array<i64: 1, 128>}, {transform_indices = @transform_3, window_bounds = array<i64: 632, 128>}, {transform_indices = @transform_4, window_bounds = array<i64: 632, 128>}]} {
    %get3A = arith.constant 0 : index
    %get3A_0 = arith.constant 0 : index
    %get3A_1 = vector.load %arg1[%get3A, %get3A_0] : memref<632x128xf32, #tpu.memory_space<vmem>>, vector<632x128xf32>
    %get3A_2 = arith.constant 0 : index
    %get3A_3 = arith.constant 0 : index
    %get3A_4 = vector.load %arg2[%get3A_2, %get3A_3] : memref<128x128xf32, #tpu.memory_space<vmem>>, vector<128x128xf32>
    %dot_general3A = arith.constant dense<0.000000e+00> : vector<632x128xf32>
    %dot_general3A_5 = tpu.matmul %get3A_1, %get3A_4, %dot_general3A {dimension_numbers = #tpu.dot_dimension_numbers<[1], [0], [0], [1], [0, 0, 1, 1], [], []>, transpose_lhs_hint = false} : vector<632x128xf32>, vector<128x128xf32>, vector<632x128xf32> -> vector<632x128xf32>
    %swap3A = arith.constant 0 : index
    %swap3A_6 = arith.constant 0 : index
    %swap3A_7 = vector.load %arg4[%swap3A, %swap3A_6] : memref<632x128xf32, #tpu.memory_space<vmem>>, vector<632x128xf32>
    tpu.vector_store %arg4[%swap3A, %swap3A_6], %dot_general3A_5 {strides = array<i32>} : memref<632x128xf32, #tpu.memory_space<vmem>>, vector<632x128xf32>,
    %get3A_8 = arith.constant 0 : index
    %get3A_9 = arith.constant 0 : index
    %get3A_10 = vector.load %arg3[%get3A_8, %get3A_9] : memref<1x128xf32, #tpu.memory_space<vmem>>, vector<1x128xf32>
    %add3A = vector.broadcast %get3A_10 : vector<1x128xf32> to vector<632x128xf32>
    %add3A_11 = arith.addf %dot_general3A_5, %add3A : vector<632x128xf32>
    %swap3A_12 = arith.constant 0 : index
    %swap3A_13 = arith.constant 0 : index
    %swap3A_14 = vector.load %arg5[%swap3A_12, %swap3A_13] : memref<632x128xf32, #tpu.memory_space<vmem>>, vector<632x128xf32>
    tpu.vector_store %arg5[%swap3A_12, %swap3A_13], %add3A_11 {strides = array<i32>} : memref<632x128xf32, #tpu.memory_space<vmem>>, vector<632x128xf32>,
    return
  }
  func.func @transform_0(%arg0: i32) -> (i32, i32) {
    %c0_i32 = arith.constant 0 : i32
    %c0_i32_0 = arith.constant 0 : i32
    return %arg0, %c0_i32 : i32, i32
  }
  func.func @transform_1(%arg0: i32) -> (i32, i32) {
    %c0_i32 = arith.constant 0 : i32
    %c0_i32_0 = arith.constant 0 : i32
    %c0_i32_1 = arith.constant 0 : i32
    return %c0_i32, %c0_i32_0 : i32, i32
  }
  func.func @transform_2(%arg0: i32) -> (i32, i32) {
    %c0_i32 = arith.constant 0 : i32
    %c0_i32_0 = arith.constant 0 : i32
    %c0_i32_1 = arith.constant 0 : i32
    return %c0_i32, %c0_i32_0 : i32, i32
  }
  func.func @transform_3(%arg0: i32) -> (i32, i32) {
    %c0_i32 = arith.constant 0 : i32
    %c0_i32_0 = arith.constant 0 : i32
    return %arg0, %c0_i32 : i32, i32
  }
  func.func @transform_4(%arg0: i32) -> (i32, i32) {
    %c0_i32 = arith.constant 0 : i32
    %c0_i32_0 = arith.constant 0 : i32
    return %arg0, %c0_i32 : i32, i32
  }
}

module attributes {stable_mosaic.version = 14 : i64} {
  func.func @_add_body(%arg0: i32, %arg1: memref<2000x128xf32, #tpu.memory_space<vmem>>, %arg2: memref<2000x128xf32, #tpu.memory_space<vmem>>, %arg3: memref<2000x128xf32, #tpu.memory_space<vmem>>) attributes {dimension_semantics = [#tpu.dimension_semantics<arbitrary>], iteration_bounds = array<i64: 5>, scalar_prefetch = 0 : i64, scratch_operands = 0 : i64, tpu.core_type = #tpu.core_type<tc>, window_params = [{transform_indices = @transform_0, window_bounds = array<i64: 2000, 128>}, {transform_indices = @transform_1, window_bounds = array<i64: 2000, 128>}, {transform_indices = @transform_2, window_bounds = array<i64: 2000, 128>}]} {
    %get3A = arith.constant 0 : index
    %get3A_0 = arith.constant 0 : index
    %get3A_1 = vector.load %arg1[%get3A, %get3A_0] : memref<2000x128xf32, #tpu.memory_space<vmem>>, vector<2000x128xf32>
    %get3A_2 = arith.constant 0 : index
    %get3A_3 = arith.constant 0 : index
    %get3A_4 = vector.load %arg2[%get3A_2, %get3A_3] : memref<2000x128xf32, #tpu.memory_space<vmem>>, vector<2000x128xf32>
    %add3A = arith.addf %get3A_1, %get3A_4 : vector<2000x128xf32>
    %swap3A = arith.constant 0 : index
    %swap3A_5 = arith.constant 0 : index
    %swap3A_6 = vector.load %arg3[%swap3A, %swap3A_5] : memref<2000x128xf32, #tpu.memory_space<vmem>>, vector<2000x128xf32>
    tpu.vector_store %arg3[%swap3A, %swap3A_5], %add3A {strides = array<i32>} : memref<2000x128xf32, #tpu.memory_space<vmem>>, vector<2000x128xf32>,
    return
  }
  func.func @transform_0(%arg0: i32) -> (i32, i32) {
    %c0_i32 = arith.constant 0 : i32
    %c0_i32_0 = arith.constant 0 : i32
    return %arg0, %c0_i32 : i32, i32
  }
  func.func @transform_1(%arg0: i32) -> (i32, i32) {
    %c0_i32 = arith.constant 0 : i32
    %c0_i32_0 = arith.constant 0 : i32
    return %arg0, %c0_i32 : i32, i32
  }
  func.func @transform_2(%arg0: i32) -> (i32, i32) {
    %c0_i32 = arith.constant 0 : i32
    %c0_i32_0 = arith.constant 0 : i32
    return %arg0, %c0_i32 : i32, i32
  }
}

</mosaic_0001>

<sc_bundles>
// kernel: kernel.5.cloned.1.call-start
scs
__scs_entry_jumppad:
0x0: {  	(pc) =	sbr.rel $0x88, $3  }
0x1: {  	(tag) =	ssettag $0x0;
	lr =	simm.s32 $0x1  }
0x2: {  	[smem:$0x3F9B] =	sst lr;
	_ =	strace $0xD0000000  }
0x3: {  	_ = 	snop  }
0x4: {  	_ = 	snop  }
0x5: {  	_ = 	snop  }
0x6: {  	_ = 	snop  }
0x7: {  	_ = 	snop  }
__scs_overlays_trampoline_lowered:
0x8: {  	[smem:$0x3FAA] =	sst s0  }
0x9: {  	[smem:$0x3FAB] =	sst s1  }
0xa: {  	[smem:$0x3FAC] =	sst s2  }
0xb: {  	[smem:$0x3FAD] =	sst s3  }
0xc: {  	[smem:$0x3FAE] =	sst s4  }
0xd: {  	[smem:$0x3FAF] =	sst s5  }
0xe: {  	[smem:$0x3FB0] =	sst s6  }
0xf: {  	[smem:$0x3FB1] =	sst s7  }
0x10: {  	[smem:$0x3FB2] =	sst s8  }
0x11: {  	[smem:$0x3FB3] =	sst s9;
	s0 =	simm.s32 @!p0 $0x0  }
0x12: {  	s1 =	sld [smem:$0x3F99];
	s0 =	simm.s32 @p0 $0x1  }
0x13: {  	[smem:$0x3FB4] =	sst s0;
	s0 =	simm.s32 @!p1 $0x0  }
0x14: {  	s2 =	sld [smem:$0x3F98];
	s0 =	simm.s32 @p1 $0x1  }
0x15: {  	[smem:$0x3FB5] =	sst s0;
	s0 =	simm.s32 @!p2 $0x0  }
0x16: {  	s3 =	sld [smem:$0x3FDB];
	s0 =	simm.s32 @p2 $0x1  }
0x17: {  	s4 =	simm.s32 $0x1BF5;
	[smem:$0x3FB7] =	sst s0  }
0x18: {  	s0 =	sld [smem:$0x3F9A];
	_ =	swait.ge [sflag:s4], $0x0  }
0x19: {  	s7 =	sld [smem:$0x3F9B]  }
0x1a: {  	s8 =	sadd.s32 $0xFFFFE003, lr  }
0x1b: {  	s9 =	sadd.s32 $0xFFFFFEF7, lr;
	s5 =	simm.s32 $0xFFFFFFFF;
	p2 =	slt.u32 s8, $0xFFFFF086  }
0x1c: {  	p1 =	slt.u32 s9, $0xF7A;
	s5 =	simm.s32 @!p2 $0x0  }
0x1d: {  	s5 =	simm.s32 @p1 $0x1;
	p0 =	seq.s32 s7, s2  }
0x1e: {  	s7 =	smul.u32 @!p0 $0xF7A, s2;
	p2 =	seq.s32 @!p0 s5, $0x0  }
0x1f: {  	s9 =	smul.u32 $0xF7A, s1;
	s8 =	simm.s32 @!p0 $0x1BF5;
	p2 =	por !p2, p0  }
0x20: {  	[sflag:s8] =	ssyncset.s32 @!p0 $0xFFFFF086;
	s6 =	sadd.s32 @!p0 s3, s7;
	s7 =	simm.s32 @!p0 $0x108  }
0x21: {  	s3 =	sadd.s32 s3, s9;
	s6 =	sadd.s32 @!p0 $0x88, s6;
	s7 =	simm.s32 @p2 $0x1082  }
0x22: {  	[simem:s7], [sflag:s8] =	dma.local @!p0 [hbm:s6], $0xF7A  }
0x23: {  	s9 =	sor.u32 $0xD0000000, s2;
	s6 =	simm.s32 $0x108;
	_ =	swait.ge @!p0 [sflag:s8], $0x0  }
0x24: {  	s3 =	sadd.s32 $0x88, s3;
	s6 =	simm.s32 @!p1 $0x1082;
	[sflag:s4] =	ssyncset.s32 $0xFFFFF086  }
0x25: {  	[simem:s6], [sflag:s4] =	dma.local [hbm:s3], $0xF7A  }
0x26: {  	[smem:$0x3F9B] =	sst s1;
	(tag) =	ssettag s2;
	_ =	strace s9  }
0x27: {  	s1 =	sld [smem:$0x3FAB]  }
0x28: {  	s2 =	sld [smem:$0x3FAC]  }
0x29: {  	s4 =	sld [smem:$0x3FAE]  }
0x2a: {  	p0 =	seq.s32 s5, $0x0;
	s5 =	sld [smem:$0x3FAF]  }
0x2b: {  	s6 =	sld [smem:$0x3FB0]  }
0x2c: {  	s7 =	sld [smem:$0x3FB1]  }
0x2d: {  	s3 =	simm.s32 $0x108;
	s8 =	sld [smem:$0x3FB2]  }
0x2e: {  	s3 =	simm.s32 @!p0 $0x1082;
	s9 =	sld [smem:$0x3FB3]  }
0x2f: {  	lr =	sadd.s32 s0, s3;
	s0 =	sld [smem:$0x3FAA]  }
0x30: {  	s3 =	sld [smem:$0x3FAD]  }
0x31: {  	[smem:$0x3FB6] =	sst s10  }
0x32: {  	s10 =	sld [smem:$0x3FB4];
	_ =	sdelay $0x3  }
0x33: {  	p0 =	seq.s32 s10, $0x1;
	s10 =	sld [smem:$0x3FB6];
	_ =	sdelay $0x3  }
0x34: {  	[smem:$0x3FB6] =	sst s10  }
0x35: {  	s10 =	sld [smem:$0x3FB5];
	_ =	sdelay $0x3  }
0x36: {  	p1 =	seq.s32 s10, $0x1;
	s10 =	sld [smem:$0x3FB6];
	_ =	sdelay $0x3  }
0x37: {  	[smem:$0x3FB6] =	sst s10  }
0x38: {  	s10 =	sld [smem:$0x3FB7]  }
0x39: {  	_ = 	snop;
	(pc) =	sbr.ind lr, $3  }
0x3a: {  	_ = 	snop  }
0x3b: {  	_ = 	snop  }
0x3c: {  	p2 =	seq.s32 s10, $0x1;
	s10 =	sld [smem:$0x3FB6]  }
0x3d: {  	_ =	shalt  }
0x3e: {  	_ =	shalt  }
0x3f: {  	_ =	shalt  }
0x40: {  	_ =	shalt  }
0x41: {  	_ =	shalt  }
0x42: {  	_ =	shalt  }
0x43: {  	_ =	shalt  }
0x44: {  	_ =	shalt  }
0x45: {  	_ =	shalt  }
0x46: {  	_ =	shalt  }
0x47: {  	_ =	shalt  }
0x48: {  	_ =	shalt  }
0x49: {  	_ =	shalt  }
0x4a: {  	_ =	shalt  }
0x4b: {  	_ =	shalt  }
0x4c: {  	_ =	shalt  }
0x4d: {  	_ =	shalt  }
0x4e: {  	_ =	shalt  }
0x4f: {  	_ =	shalt  }
0x50: {  	_ =	shalt  }
0x51: {  	_ =	shalt  }
0x52: {  	_ =	shalt  }
0x53: {  	_ =	shalt  }
0x54: {  	_ =	shalt  }
0x55: {  	_ =	shalt  }
0x56: {  	_ =	shalt  }
0x57: {  	_ =	shalt  }
0x58: {  	_ =	shalt  }
0x59: {  	_ =	shalt  }
0x5a: {  	_ =	shalt  }
0x5b: {  	_ =	shalt  }
0x5c: {  	_ =	shalt  }
0x5d: {  	_ =	shalt  }
0x5e: {  	_ =	shalt  }
0x5f: {  	_ =	shalt  }
0x60: {  	_ =	shalt  }
0x61: {  	_ =	shalt  }
0x62: {  	_ =	shalt  }
0x63: {  	_ =	shalt  }
0x64: {  	_ =	shalt  }
0x65: {  	_ =	shalt  }
0x66: {  	_ =	shalt  }
0x67: {  	_ =	shalt  }
0x68: {  	_ =	shalt  }
0x69: {  	_ =	shalt  }
0x6a: {  	_ =	shalt  }
0x6b: {  	_ =	shalt  }
0x6c: {  	_ =	shalt  }
0x6d: {  	_ =	shalt  }
0x6e: {  	_ =	shalt  }
0x6f: {  	_ =	shalt  }
0x70: {  	_ =	shalt  }
0x71: {  	_ =	shalt  }
0x72: {  	_ =	shalt  }
0x73: {  	_ =	shalt  }
0x74: {  	_ =	shalt  }
0x75: {  	_ =	shalt  }
0x76: {  	_ =	shalt  }
0x77: {  	_ =	shalt  }
0x78: {  	_ =	shalt  }
0x79: {  	_ =	shalt  }
0x7a: {  	_ =	shalt  }
0x7b: {  	_ =	shalt  }
0x7c: {  	_ =	shalt  }
0x7d: {  	_ =	shalt  }
0x7e: {  	_ =	shalt  }
0x7f: {  	_ =	shalt  }
0x80: {  	_ =	shalt  }
0x81: {  	_ =	shalt  }
0x82: {  	_ =	shalt  }
0x83: {  	_ =	shalt  }
0x84: {  	_ =	shalt  }
0x85: {  	_ =	shalt  }
0x86: {  	_ =	shalt  }
0x87: {  	_ =	shalt  }
.Lfunc_end0:
.L_simem_size_0:
called_computation_lowered:
.L_overlay_start_0:
0x88: {  	s2 =	sld [smem:$0x3FD9]  }
0x89: {  	s3 =	sld [smem:$0x3FFE];
	_ =	sdelay $0x1  }
0x8a: {  	s1 =	srdreg.scid  }
0x8b: {  	s0 =	sand.u32 $0x1, s1  }
0x8c: {  	s17 =	sshll.u32 s0, $0xA;
	s2 =	sadd.s32 s3, s2  }
0x8d: {  	s2 =	sadd.s32 s2, s17  }
0x8e: {  	[smem:$0x3FC2] =	sst s2  }
0x8f: {  	_ = 	snop  }
0x90: {  	s2 =	sld [smem:$0x3FD0];
	(tm) =	ssettm $0x1  }
0x91: {  	s18 =	sld [smem:$0x3FFB];
	_ =	sdelay $0x3  }
0x92: {  	_ =	strace s18  }
0x93: {  	s3 =	sld [smem:$0x3FFC];
	_ =	sdelay $0x3  }
0x94: {  	_ =	strace s3  }
0x95: {  	s3 =	sld [smem:$0x3FFD];
	_ =	sdelay $0x3  }
0x96: {  	_ =	strace s3  }
0x97: {  	_ =	strace $0x8FFFFFFF  }
0x98: {  	s19 =	sld [smem:$0x3FDB];
	_ =	sdelay $0x1  }
0x99: {  	s4 =	simm.s32 $_scs_section_size  }
0x9a: {  	s5 =	simm.s32 $_size__tile_overlayer_lowered;
	s6 =	simm.s32 $_tile_overlayer_lowered  }
0x9b: {  	s22 =	simm.s32 $0x1BFF;
	s21 =	sshll.u32 s6, $0x1;
	s3 =	sadd.s32 s4, s19  }
0x9c: {  	s7 =	simm.s32 $0x0;
	s20 =	sshll.u32 s5, $0x1;
	s5 =	sadd.s32 s21, s3  }
0x9d: {  	[timem:s7], [sflag:s22] =	dma.local [hbm:s5], s20  }
0x9e: {  	_ =	swait.ge [sflag:s22], s20  }
0x9f: {  	s4 =	ssub.s32 $0x0, s20;
	[sflag:s22] =	ssyncset.done $0x0  }
0xa0: {  	[sflag:s22] =	ssyncadd.s32 s4;
	_ =	sdelay $0x1  }
0xa1: {  	s23 =	simm.s32 $0x1B8B  }
0xa2: {  	_ =	swait.ge [sflag:s23], $0x1  }
0xa3: {  	[sflag:s23] =	ssyncset.done $0x0  }
0xa4: {  	s25 =	simm.s32 $0x1B8E;
	s24 =	sld [smem:$0x3FFE];
	[sflag:s23] =	ssyncadd.s32 $0xFFFFFFFF  }
0xa5: {  	s26 =	simm.s32 $execute0_lowered;
	[smem:$0x3FD2] =	sst s25  }
0xa6: {  	s5 =	sshll.u32 s26, $0x1;
	_ =	strace $0x80000046;
	[dreg:$0x1] =	wrdreg $0xFFFFFFFF  }
0xa7: {  	s28 =	simm.s32 $_size_execute0_lowered;
	s3 =	sadd.s32 s3, s5;
	[dreg:$0x0] =	wrdreg $0x0  }
0xa8: {  	s5 =	sshll.u32 s28, $0x1;
	[dreg:$0x2] =	wrdreg s3  }
0xa9: {  	[dreg:$0x3] =	wrdreg s5  }
0xaa: {  	[dreg:$0x4] =	wrdreg $0xC0  }
0xab: {  	_ =	task [dreg:s7], $0x5FFFF  }
0xac: {  	[dreg:$0x1] =	wrdreg $0xFFFFFFFF  }
0xad: {  	[dreg:$0x0] =	wrdreg $0x60  }
0xae: {  	[dreg:$0x2] =	wrdreg s24  }
0xaf: {  	[dreg:$0x3] =	wrdreg s2  }
0xb0: {  	[dreg:$0x4] =	wrdreg $0x7C800  }
0xb1: {  	[dreg:$0x5] =	wrdreg $0x9  }
0xb2: {  	_ =	task.clear_ibuf [dreg:s7], $0x6FFFF;
	_ =	strace $0x90000046  }
0xb3: {  	s29 =	simm.s32 $0x9;
	_ =	strace $0x80000048  }
0xb4: {  	_ =	swait.ge [sflag:s29], $0x1  }
0xb5: {  	[sflag:s29] =	ssyncadd.s32 $0xFFFFFFFF  }
0xb6: {  	_ =	strace $0x90000048  }
0xb7: {  	_ =	sfence  }
0xb8: {  	s30 =	sld [smem:$0x0];
	_ =	sdelay $0x2  }
0xb9: {  	s31 =	sshll.u32 s1, $0xD;
	s1 =	sshrl.u32 s1, $0x2  }
0xba: {  	s3 =	sand.u32 $0x4000, s31;
	s1 =	sadd.s32 s1, s30  }
0xbb: {  	s0 =	sor.u32 s3, s0;
	s1 =	sshll.u32 s1, $0x11  }
0xbc: {  	s0 =	sor.u32 s1, s0  }
0xbd: {  	s0 =	sadd.s32 $0x8F2B, s0  }
0xbe: {  	[sflag:s0] =	ssyncadd.remote.s32 $0x1  }
0xbf: {  	_ =	sfence.sel $0xFFFF  }
0xc0: {  	[dreg:$0x0] =	wrdreg $0xFFFFFFFF;
	(pc) =	sbr.abs _section_cstart, $3  }
0xc1: {  	[dreg:$0x1] =	wrdreg $0xFFFFFFFF  }
0xc2: {  	_ =	task.clear_ibuf [dreg:s7], $0x2FFFF;
	_ =	strace $0x9FFFFFFF  }
0xc3: {  	(tm) =	ssettm $0x7FFFFFFF  }
tec
execute0_lowered:
.L_overlay_start_1:
0x0: {  	(tag) =	ssettag $0x1  }
0x1: {  	s0 =	rddreg [dreg:$0x0]  }
0x2: {  	s1 =	rddreg [dreg:$0x1]  }
0x3: {  	s2 =	rddreg [dreg:$0x2]  }
0x4: {  	s3 =	simm.s32 $0x0;
	s8 =	srdreg.scid;
	s25 =	stileid.u32  }
0x5: {  	s17 =	simm.s32 $0x1400;
	s18 =	simm.s32 $0x2800;
	s19 =	simm.s32 $0x40  }
0x6: {  	s20 =	simm.s32 $0x3C00;
	s21 =	simm.s32 $0x80;
	s22 =	simm.s32 $0x5C00  }
0x7: {  	s23 =	simm.s32 $0x1;
	s24 =	simm.s32 $0x2;
	[smem:$0x7FF] =	sst s3  }
0x8: {  	s4 =	sadd.s32 $0x50C00, s0;
	s5 =	sadd.s32 $0x15200, s0;
	s6 =	sadd.s32 $0x1200, s0  }
0x9: {  	s7 =	sadd.s32 $0x78400, s0;
	s11 =	sadd.s32 $0x29400, s0;
	s12 =	sadd.s32 $0x78600, s0  }
0xa: {  	s10 =	sand.u32 $0x1, s8;
	s13 =	sadd.s32 $0x9FE00, s0;
	s16 =	smul.u32 $0x4F000, s25  }
0xb: {  	s15 =	sshll.u32 s25, $0x1;
	s0 =	sadd.s32 $0xC7600, s0;
	s30 =	smul.u32 $0x2780, s25  }
0xc: {  	s31 =	sshll.u32 s25, $0x6;
	s25 =	simm.s32 $0x0;
	_ =	strace $0x80000047  }
0xd: {  	v0 =	vimm.s32 $0x0;
	s9 =	ssub.s32 $0x2, s10;
	s26 =	sor.u32 s10, s15;
	p0 =	seq.s32 s10, $0x0  }
.Ltmp0:
0xe: {  	v1 =	vimm.s32 $0x1;
	v2 =	vimm.s32 $0x2;
	v3 =	vimm.s32 $0x3;
	s15 =	simm.s32 $0x3;
	s14 =	sshrl.u32 s9, $0x1;
	(pc) =	sbr.rel .LBB2_1-.Ltmp0, $4  }
0xf: {  	v4 =	vimm.s32 $0x4;
	v5 =	vimm.s32 $0x5;
	v6 =	vimm.s32 $0x6;
	s28 =	sshrl.u32 s16, $0x2;
	s12 =	smov.u32 @p0 s11;
	s0 =	smov.u32 @p0 s13  }
0x10: {  	v7 =	vimm.s32 $0x7;
	v8 =	vimm.s32 $0x8;
	v9 =	vimm.s32 $0x9;
	s16 =	simm.s32 $0x7C00;
	s14 =	ssub.s32 s9, s14;
	s9 =	smul.u32 $0xA0, s26  }
0x11: {  	v10 =	vimm.s32 $0xA;
	v11 =	vimm.s32 $0xB;
	v12 =	vimm.s32 $0xC;
	s29 =	sadd.s32 s28, s2;
	s11 =	sadd.s32 s12, s30;
	s12 =	sor.u32 $0x1C03, s31  }
0x12: {  	v13 =	vimm.s32 $0xD;
	v14 =	vimm.s32 $0xE;
	v15 =	vimm.s32 $0xF;
	s13 =	sadd.s32 s0, s30;
	s10 =	smax.u32 s14, $0x1;
	s14 =	sshrl.u32 s29, $0x3  }
.LBB2_10:
0x13: {  	s25 =	sadd.s32 $0x1, s25  }
0x14: {  	p0 =	sne.s32 s25, s10  }
.Ltmp1:
0x15: {  	[bflag:$0x0] =	sbarrier.arrive $0xFFFF;
	(pc) =	sbr.rel @!p0 .LBB2_11-.Ltmp1, $4  }
0x16: {  	[hbm:s13], [sflag:s12] =	dma.local [spmem:s14], $0x2780  }
0x17: {  	_ =	swait.ge [sflag:s15], $0x2780  }
0x18: {  	[sflag:s15] =	ssyncset.done $0x0  }
0x19: {  	[sflag:s15] =	ssyncadd.s32 $0xFFFFD880  }
.LBB2_1:
0x1a: {  	[spmem:s14], [sflag:s12] =	dma.local [hbm:s11], $0x2780  }
0x1b: {  	_ =	swait.ge [sflag:s15], $0x2780  }
0x1c: {  	[sflag:s15] =	ssyncset.done $0x0  }
0x1d: {  	[sflag:s15] =	ssyncadd.s32 $0xFFFFD880  }
0x1e: {  	[tilespmem:s16], [sflag:$0x3] =	stream.linear.gather [hbm4b:s7+s3], $0x80, $0x38;
	[tilespmem:$0x1B880] =	vst v63  }
.Ltmp2:
0x1f: {  	_ =	swait.ge [sflag:s15], $0x80;
	(pc) =	sbr.rel .LBB2_2-.Ltmp2, $4  }
0x20: {  	[sflag:s15] =	ssyncset.done $0x0  }
0x21: {  	[sflag:s15] =	ssyncadd.s32 $0xFFFFFF80  }
0x22: {  	[bflag:$0x0] =	sbarrier.arrive $0xFFFF  }
0x23: {  	s26 =	simm.s32 $0x0  }
.LBB2_9:
0x24: {  	s26 =	sadd.s32 $0x1, s26  }
0x25: {  	p0 =	sne.s32 s26, $0x4  }
.Ltmp3:
0x26: {  	_ = 	snop;
	(pc) =	sbr.rel @!p0 .LBB2_10-.Ltmp3, $1  }
0x27: {  	_ =	sdelay $0x3  }
.LBB2_2:
0x28: {  	s0 =	smul.u32 $0x28, s26;
	_ =	sdelay $0x1  }
0x29: {  	s0 =	sadd.s32 s9, s0  }
0x2a: {  	s0 =	sshll.u32 s0, $0x4  }
0x2b: {  	s28 =	simm.s32 $0x0;
	s29 =	sadd.s32 s1, s0  }
0x2c: {  	[tilespmem:s28], [sflag:$0x3] =	stream.linear.gather [hbm4b:s29+s28], $0x1400, $0x38;
	[tilespmem:$0x1B880] =	vst v63  }
0x2d: {  	_ =	swait.ge [sflag:s15], $0x1400  }
0x2e: {  	[sflag:s15] =	ssyncset.done $0x0  }
0x2f: {  	s31 =	sadd.s32 s5, s0;
	[sflag:s15] =	ssyncadd.s32 $0xFFFFEC00  }
0x30: {  	[tilespmem:s17], [sflag:$0x3] =	stream.linear.gather [hbm4b:s31+s28], $0x1400, $0x38;
	[tilespmem:$0x1B880] =	vst v63  }
0x31: {  	_ =	swait.ge [sflag:s15], $0x1400  }
0x32: {  	[sflag:s15] =	ssyncset.done $0x0  }
0x33: {  	s0 =	sadd.s32 s6, s0;
	[sflag:s15] =	ssyncadd.s32 $0xFFFFEC00  }
0x34: {  	[tilespmem:s18], [sflag:$0x3] =	stream.linear.gather [hbm4b:s0+s28], $0x1400, $0x38;
	[tilespmem:$0x1B880] =	vst v63  }
0x35: {  	_ =	swait.ge [sflag:s15], $0x1400  }
0x36: {  	[sflag:s15] =	ssyncset.done $0x0  }
0x37: {  	[sflag:s15] =	ssyncadd.s32 $0xFFFFEC00  }
0x38: {  	[tilespmem:s20], [sflag:$0x1] =	stream.indirect.gather [hbm4b:s4+s19], $0x80, s28, s19, $0xb8;
	[tilespmem:$0x1B880] =	vst v63  }
0x39: {  	_ = 	snop  }
0x3a: {  	[tilespmem:s22], [sflag:$0x2] =	stream.indirect.gather [hbm4b:s4+s19], $0x80, s21, s19, $0xb8;
	[tilespmem:$0x1B880] =	vst v63  }
.LBB2_3:
0x3b: {  	s30 =	sshll.u32 s28, $0xA  }
0x3c: {  	s29 =	sshrl.u32 s30, $0x2  }
0x3d: {  	_ =	swait.ge [sflag:s23], $0x2000;
	s0 =	sadd.s32 $0x2800, s29  }
0x3e: {  	[sflag:s23] =	ssyncset.done $0x0;
	v17 =	vmov s0  }
0x3f: {  	[sflag:s23] =	ssyncadd.s32 $0xFFFFE000  }
0x40: {  	p0 =	por $0x1, $0x1;
	s31 =	simm.s32 $0x0;
	v16 =	vld [tilespmem:$0x7C00]  }
.LBB2_4:
0x41: {  	s0 =	sshll.u32 s31, $0x4  }
0x42: {  	s8 =	sand.u32 $0x3FFFFFF0, s0  }
0x43: {  	v18 =	vld.idx.msk [tilespmem:v17+s8+$0x0 ss:$0x1], $0xffff;
	_ =	sdelay $0x4  }
0x44: {  	v18 =	vmul.f32 v18, v18;
	_ =	sdelay $0x1  }
0x45: {  	v18 =	vmul.f32 v18, v16;
	_ =	sdelay $0x1  }
0x46: {  	v18 =	vmul.f32 $1.442695020e+00, v18;
	_ =	sdelay $0x1  }
0x47: {  	(erf) = vpow2.f32 v18;
	_ =	sdelay $0x4  }
0x48: {  	s8 =	sshll.u32 s31, $0xB  }
0x49: {  	s31 =	sand.u32 $0x3FFFF800, s8  }
0x4a: {  	v19 =	vld [tilespmem:s31+$0x3C00]  }
0x4b: {  	v20 =	vld [tilespmem:s31+$0x3C10]  }
0x4c: {  	v21 =	vld [tilespmem:s31+$0x3C20];
	v18 =	vpop (erf)  }
0x4d: {  	v23 =	vld [tilespmem:s31+$0x3C30];
	v22 =	vperm.xlane v18, v0  }
0x4e: {  	v24 =	vld [tilespmem:s31+$0x3C40]  }
0x4f: {  	v25 =	vld [tilespmem:s31+$0x3C50];
	v19 =	vmul.f32 v19, v22  }
0x50: {  	v26 =	vld [tilespmem:s31+$0x3C60];
	v20 =	vmul.f32 v20, v22  }
0x51: {  	v41 =	vld [tilespmem:s31+$0x3C70];
	[tilespmem:s31+$0x3C00] =	vst v19;
	v19 =	vmul.f32 v21, v22  }
0x52: {  	v42 =	vmul.f32 v23, v22;
	[tilespmem:s31+$0x3C10] =	vst v20  }
0x53: {  	[tilespmem:s31+$0x3C20] =	vst v19;
	v19 =	vmul.f32 v24, v22  }
0x54: {  	v43 =	vmul.f32 v25, v22;
	[tilespmem:s31+$0x3C30] =	vst v42  }
0x55: {  	[tilespmem:s31+$0x3C40] =	vst v19;
	v19 =	vmul.f32 v26, v22  }
0x56: {  	v44 =	vmul.f32 v41, v22;
	[tilespmem:s31+$0x3C50] =	vst v43  }
0x57: {  	[tilespmem:s31+$0x3C60] =	vst v19  }
0x58: {  	[tilespmem:s31+$0x3C70] =	vst v44  }
0x59: {  	v19 =	vld [tilespmem:s31+$0x3C80]  }
0x5a: {  	v20 =	vld [tilespmem:s31+$0x3C90]  }
0x5b: {  	v45 =	vld [tilespmem:s31+$0x3CA0]  }
0x5c: {  	v46 =	vld [tilespmem:s31+$0x3CB0]  }
0x5d: {  	v48 =	vld [tilespmem:s31+$0x3CC0]  }
0x5e: {  	v47 =	vperm.xlane v18, v1;
	v49 =	vld [tilespmem:s31+$0x3CD0]  }
0x5f: {  	v50 =	vld [tilespmem:s31+$0x3CE0]  }
0x60: {  	v27 =	vld [tilespmem:s31+$0x3CF0];
	v19 =	vmul.f32 v19, v47  }
0x61: {  	v51 =	vld [tilespmem:s31+$0x3D00];
	v20 =	vmul.f32 v20, v47  }
0x62: {  	v53 =	vld [tilespmem:s31+$0x3D10];
	v52 =	vmul.f32 v46, v47;
	[tilespmem:s31+$0x3C80] =	vst v19  }
0x63: {  	v54 =	vld [tilespmem:s31+$0x3D20];
	v19 =	vmul.f32 v45, v47;
	[tilespmem:s31+$0x3C90] =	vst v20  }
0x64: {  	v56 =	vld [tilespmem:s31+$0x3D30];
	v55 =	vmul.f32 v49, v47;
	[tilespmem:s31+$0x3CB0] =	vst v52  }
0x65: {  	v28 =	vld [tilespmem:s31+$0x3D40];
	[tilespmem:s31+$0x3CA0] =	vst v19;
	v19 =	vmul.f32 v48, v47  }
0x66: {  	v57 =	vperm.xlane v18, v2;
	v59 =	vld [tilespmem:s31+$0x3D50];
	v58 =	vmul.f32 v27, v47;
	[tilespmem:s31+$0x3CD0] =	vst v55  }
0x67: {  	v60 =	vld [tilespmem:s31+$0x3D60];
	[tilespmem:s31+$0x3CC0] =	vst v19;
	v19 =	vmul.f32 v50, v47  }
0x68: {  	v62 =	vld [tilespmem:s31+$0x3D70];
	v61 =	vmul.f32 v53, v57;
	[tilespmem:s31+$0x3CF0] =	vst v58  }
0x69: {  	v63 =	vld [tilespmem:s31+$0x3D80];
	[tilespmem:s31+$0x3CE0] =	vst v19;
	v19 =	vmul.f32 v51, v57  }
0x6a: {  	v32 =	vld [tilespmem:s31+$0x3D90];
	v31 =	vmul.f32 v56, v57;
	[tilespmem:s31+$0x3D10] =	vst v61  }
0x6b: {  	v33 =	vld [tilespmem:s31+$0x3DA0];
	[tilespmem:s31+$0x3D00] =	vst v19;
	v19 =	vmul.f32 v54, v57  }
0x6c: {  	v35 =	vld [tilespmem:s31+$0x3DB0];
	v34 =	vmul.f32 v59, v57;
	[tilespmem:s31+$0x3D30] =	vst v31  }
0x6d: {  	v37 =	vld [tilespmem:s31+$0x3DC0];
	[tilespmem:s31+$0x3D20] =	vst v19;
	v19 =	vmul.f32 v28, v57  }
0x6e: {  	v36 =	vperm.xlane v18, v3;
	v39 =	vld [tilespmem:s31+$0x3DD0];
	v38 =	vmul.f32 v62, v57;
	[tilespmem:s31+$0x3D50] =	vst v34  }
0x6f: {  	v30 =	vld [tilespmem:s31+$0x3ED0];
	[tilespmem:s31+$0x3D40] =	vst v19;
	v19 =	vmul.f32 v60, v57  }
0x70: {  	v40 =	vld [tilespmem:s31+$0x3DE0];
	v41 =	vmul.f32 v32, v36;
	[tilespmem:s31+$0x3D70] =	vst v38  }
0x71: {  	v42 =	vld [tilespmem:s31+$0x3DF0];
	[tilespmem:s31+$0x3D60] =	vst v19;
	v19 =	vmul.f32 v63, v36  }
0x72: {  	v43 =	vld [tilespmem:s31+$0x3E00];
	v44 =	vmul.f32 v35, v36;
	v62 =	vperm.xlane v18, v5;
	[tilespmem:s31+$0x3D90] =	vst v41  }
0x73: {  	v55 =	vld [tilespmem:s31+$0x3E70];
	[tilespmem:s31+$0x3D80] =	vst v19;
	v19 =	vmul.f32 v33, v36  }
0x74: {  	v46 =	vld [tilespmem:s31+$0x3E20];
	[tilespmem:s31+$0x3DB0] =	vst v44;
	v38 =	vmul.f32 v30, v62  }
0x75: {  	v58 =	vld [tilespmem:s31+$0x3E90];
	[tilespmem:s31+$0x3DA0] =	vst v19;
	v19 =	vmul.f32 v37, v36  }
0x76: {  	v49 =	vperm.xlane v18, v4;
	v53 =	vld [tilespmem:s31+$0x3E60];
	[tilespmem:s31+$0x3ED0] =	vst v38;
	v47 =	vmul.f32 v39, v36  }
0x77: {  	v61 =	vld [tilespmem:s31+$0x3EB0];
	[tilespmem:s31+$0x3DC0] =	vst v19;
	v19 =	vmul.f32 v40, v36  }
0x78: {  	v50 =	vld [tilespmem:s31+$0x3E40];
	v29 =	vmul.f32 v55, v49;
	[tilespmem:s31+$0x3DD0] =	vst v47  }
0x79: {  	v56 =	vld [tilespmem:s31+$0x3E80];
	[tilespmem:s31+$0x3DE0] =	vst v19;
	v19 =	vmul.f32 v43, v49  }
0x7a: {  	v59 =	vld [tilespmem:s31+$0x3EA0];
	v32 =	vmul.f32 v58, v62;
	[tilespmem:s31+$0x3E70] =	vst v29  }
0x7b: {  	v45 =	vld [tilespmem:s31+$0x3E10];
	[tilespmem:s31+$0x3E00] =	vst v19;
	v19 =	vmul.f32 v46, v49  }
0x7c: {  	v52 =	vld [tilespmem:s31+$0x3E50];
	v35 =	vmul.f32 v61, v62;
	[tilespmem:s31+$0x3E90] =	vst v32  }
0x7d: {  	v48 =	vld [tilespmem:s31+$0x3E30];
	[tilespmem:s31+$0x3E20] =	vst v19;
	v19 =	vmul.f32 v50, v49  }
0x7e: {  	v31 =	vld [tilespmem:s31+$0x3EE0];
	v51 =	vmul.f32 v42, v36;
	[tilespmem:s31+$0x3EB0] =	vst v35  }
0x7f: {  	v34 =	vld [tilespmem:s31+$0x3F00];
	[tilespmem:s31+$0x3E40] =	vst v19;
	v19 =	vmul.f32 v53, v49  }
0x80: {  	[tilespmem:s31+$0x3DF0] =	vst v51;
	v54 =	vmul.f32 v45, v49;
	v63 =	vld [tilespmem:s31+$0x3EC0]  }
0x81: {  	v33 =	vld [tilespmem:s31+$0x3EF0];
	[tilespmem:s31+$0x3E60] =	vst v19;
	v19 =	vmul.f32 v56, v62  }
0x82: {  	v41 =	vld [tilespmem:s31+$0x3F40];
	[tilespmem:s31+$0x3E10] =	vst v54;
	v57 =	vmul.f32 v48, v49  }
0x83: {  	v39 =	vld [tilespmem:s31+$0x3F30];
	[tilespmem:s31+$0x3E80] =	vst v19;
	v19 =	vmul.f32 v59, v62  }
0x84: {  	v44 =	vld [tilespmem:s31+$0x3F60];
	v60 =	vmul.f32 v52, v49;
	[tilespmem:s31+$0x3E30] =	vst v57  }
0x85: {  	v36 =	vld [tilespmem:s31+$0x3F10];
	[tilespmem:s31+$0x3EA0] =	vst v19;
	v19 =	vmul.f32 v63, v62  }
0x86: {  	[tilespmem:s31+$0x3E50] =	vst v60;
	v37 =	vld [tilespmem:s31+$0x3F20];
	v40 =	vperm.xlane v18, v6;
	v42 =	vmul.f32 v33, v62  }
0x87: {  	v43 =	vld [tilespmem:s31+$0x3F50];
	[tilespmem:s31+$0x3EC0] =	vst v19;
	v19 =	vmul.f32 v31, v62  }
0x88: {  	v30 =	vld [tilespmem:s31+$0x4160];
	v48 =	vmul.f32 v39, v40;
	[tilespmem:s31+$0x3EF0] =	vst v42  }
0x89: {  	v46 =	vld [tilespmem:s31+$0x3F70];
	[tilespmem:s31+$0x3EE0] =	vst v19;
	v19 =	vmul.f32 v34, v40  }
0x8a: {  	v38 =	vld [tilespmem:s31+$0x4060];
	[tilespmem:s31+$0x3F30] =	vst v48;
	v45 =	vmul.f32 v36, v40  }
0x8b: {  	v52 =	vld [tilespmem:s31+$0x3FB0];
	[tilespmem:s31+$0x3F00] =	vst v19;
	v19 =	vmul.f32 v37, v40  }
0x8c: {  	v47 =	vld [tilespmem:s31+$0x3F80];
	[tilespmem:s31+$0x3F10] =	vst v45;
	v51 =	vmul.f32 v43, v40  }
0x8d: {  	v49 =	vld [tilespmem:s31+$0x3F90];
	[tilespmem:s31+$0x3F20] =	vst v19;
	v19 =	vmul.f32 v41, v40  }
0x8e: {  	v50 =	vld [tilespmem:s31+$0x3FA0];
	v53 =	vperm.xlane v18, v7;
	[tilespmem:s31+$0x3F50] =	vst v51;
	v55 =	vmul.f32 v46, v40  }
0x8f: {  	v56 =	vld [tilespmem:s31+$0x3FD0];
	[tilespmem:s31+$0x3F40] =	vst v19;
	v19 =	vmul.f32 v44, v40  }
0x90: {  	v54 =	vld [tilespmem:s31+$0x3FC0];
	v61 =	vmul.f32 v52, v53;
	[tilespmem:s31+$0x3F70] =	vst v55  }
0x91: {  	v59 =	vld [tilespmem:s31+$0x3FF0];
	[tilespmem:s31+$0x3F60] =	vst v19;
	v19 =	vmul.f32 v47, v53  }
0x92: {  	v57 =	vld [tilespmem:s31+$0x3FE0];
	[tilespmem:s31+$0x3FB0] =	vst v61;
	v58 =	vmul.f32 v49, v53  }
0x93: {  	v33 =	vld [tilespmem:s31+$0x4030];
	[tilespmem:s31+$0x3F80] =	vst v19;
	v19 =	vmul.f32 v50, v53  }
0x94: {  	v60 =	vld [tilespmem:s31+$0x4000];
	[tilespmem:s31+$0x3F90] =	vst v58;
	v32 =	vmul.f32 v56, v53  }
0x95: {  	v62 =	vld [tilespmem:s31+$0x4010];
	[tilespmem:s31+$0x3FA0] =	vst v19;
	v19 =	vmul.f32 v54, v53  }
0x96: {  	v63 =	vld [tilespmem:s31+$0x4020];
	[tilespmem:s31+$0x3FD0] =	vst v32;
	v36 =	vmul.f32 v59, v53;
	v34 =	vperm.xlane v18, v8  }
0x97: {  	v37 =	vld [tilespmem:s31+$0x4050];
	[tilespmem:s31+$0x3FC0] =	vst v19;
	v19 =	vmul.f32 v57, v53  }
0x98: {  	v35 =	vld [tilespmem:s31+$0x4040];
	[tilespmem:s31+$0x3FF0] =	vst v36;
	v42 =	vmul.f32 v33, v34  }
0x99: {  	v43 =	vld [tilespmem:s31+$0x4090];
	[tilespmem:s31+$0x3FE0] =	vst v19;
	v19 =	vmul.f32 v60, v34  }
0x9a: {  	v48 =	vld [tilespmem:s31+$0x40C0];
	v39 =	vmul.f32 v62, v34;
	[tilespmem:s31+$0x4030] =	vst v42  }
0x9b: {  	v46 =	vld [tilespmem:s31+$0x40B0];
	[tilespmem:s31+$0x4000] =	vst v19;
	v19 =	vmul.f32 v63, v34  }
0x9c: {  	v41 =	vld [tilespmem:s31+$0x4080];
	[tilespmem:s31+$0x4010] =	vst v39;
	v45 =	vmul.f32 v37, v34;
	v47 =	vperm.xlane v18, v9  }
0x9d: {  	v40 =	vld [tilespmem:s31+$0x4070];
	[tilespmem:s31+$0x4020] =	vst v19;
	v19 =	vmul.f32 v35, v34  }
0x9e: {  	v44 =	vld [tilespmem:s31+$0x40A0];
	[tilespmem:s31+$0x4050] =	vst v45;
	v52 =	vmul.f32 v43, v47  }
0x9f: {  	v50 =	vld [tilespmem:s31+$0x40D0];
	[tilespmem:s31+$0x4040] =	vst v19;
	v19 =	vmul.f32 v38, v34  }
0xa0: {  	v51 =	vld [tilespmem:s31+$0x40E0];
	v55 =	vmul.f32 v46, v47;
	[tilespmem:s31+$0x4090] =	vst v52  }
0xa1: {  	v42 =	vld [tilespmem:s31+$0x41D0];
	[tilespmem:s31+$0x4060] =	vst v19;
	v19 =	vmul.f32 v41, v47  }
0xa2: {  	v61 =	vld [tilespmem:s31+$0x4140];
	v49 =	vmul.f32 v40, v34;
	[tilespmem:s31+$0x40B0] =	vst v55  }
0xa3: {  	v56 =	vld [tilespmem:s31+$0x4110];
	[tilespmem:s31+$0x4080] =	vst v19;
	v19 =	vmul.f32 v44, v47  }
0xa4: {  	v39 =	vperm.xlane v18, v11;
	v54 =	vld [tilespmem:s31+$0x4100];
	[tilespmem:s31+$0x4070] =	vst v49;
	v58 =	vmul.f32 v50, v47  }
0xa5: {  	v53 =	vld [tilespmem:s31+$0x40F0];
	[tilespmem:s31+$0x40A0] =	vst v19;
	v19 =	vmul.f32 v48, v47  }
0xa6: {  	v57 =	vld [tilespmem:s31+$0x4120];
	v50 =	vmul.f32 v42, v39;
	v60 =	vperm.xlane v18, v10;
	[tilespmem:s31+$0x40D0] =	vst v58  }
0xa7: {  	v59 =	vld [tilespmem:s31+$0x4130];
	[tilespmem:s31+$0x40C0] =	vst v19;
	v19 =	vmul.f32 v51, v47  }
0xa8: {  	v32 =	vld [tilespmem:s31+$0x4170];
	[tilespmem:s31+$0x41D0] =	vst v50;
	v31 =	vmul.f32 v56, v60  }
0xa9: {  	v63 =	vld [tilespmem:s31+$0x4150];
	[tilespmem:s31+$0x40E0] =	vst v19;
	v19 =	vmul.f32 v54, v60  }
0xaa: {  	v36 =	vld [tilespmem:s31+$0x41A0];
	v62 =	vmul.f32 v53, v47;
	[tilespmem:s31+$0x4110] =	vst v31  }
0xab: {  	v55 =	vld [tilespmem:s31+$0x4250];
	[tilespmem:s31+$0x4100] =	vst v19;
	v19 =	vmul.f32 v57, v60  }
0xac: {  	v33 =	vld [tilespmem:s31+$0x4180];
	[tilespmem:s31+$0x40F0] =	vst v62;
	v34 =	vmul.f32 v59, v60  }
0xad: {  	v45 =	vld [tilespmem:s31+$0x41F0];
	[tilespmem:s31+$0x4120] =	vst v19;
	v19 =	vmul.f32 v61, v60  }
0xae: {  	v43 =	vld [tilespmem:s31+$0x41E0];
	v52 =	vperm.xlane v18, v12;
	v37 =	vmul.f32 v63, v60;
	[tilespmem:s31+$0x4130] =	vst v34  }
0xaf: {  	v35 =	vld [tilespmem:s31+$0x4190];
	[tilespmem:s31+$0x4140] =	vst v19;
	v19 =	vmul.f32 v30, v60  }
0xb0: {  	v40 =	vld [tilespmem:s31+$0x41C0];
	v63 =	vmul.f32 v55, v52;
	[tilespmem:s31+$0x4150] =	vst v37  }
0xb1: {  	v58 =	vld [tilespmem:s31+$0x4270];
	[tilespmem:s31+$0x4160] =	vst v19;
	v19 =	vmul.f32 v33, v39  }
0xb2: {  	s0 =	sor.u32 $0x10, s0;
	v38 =	vld [tilespmem:s31+$0x41B0];
	v41 =	vmul.f32 v32, v60;
	[tilespmem:s31+$0x4250] =	vst v63  }
0xb3: {  	v59 =	vld.idx.msk [tilespmem:v17+s0+$0x0 ss:$0x1], $0xffff;
	[tilespmem:s31+$0x4180] =	vst v19;
	v19 =	vmul.f32 v36, v39  }
0xb4: {  	v46 =	vld [tilespmem:s31+$0x4200];
	[tilespmem:s31+$0x4170] =	vst v41;
	v44 =	vmul.f32 v35, v39  }
0xb5: {  	v49 =	vld [tilespmem:s31+$0x4220];
	[tilespmem:s31+$0x41A0] =	vst v19;
	v19 =	vmul.f32 v40, v39  }
0xb6: {  	v35 =	vmul.f32 v58, v52;
	[tilespmem:s31+$0x4190] =	vst v44;
	v48 =	vld [tilespmem:s31+$0x4210]  }
0xb7: {  	v50 =	vld [tilespmem:s31+$0x4340];
	[tilespmem:s31+$0x41C0] =	vst v19;
	v19 =	vmul.f32 v43, v39  }
0xb8: {  	v53 =	vld [tilespmem:s31+$0x4240];
	v37 =	vmul.f32 v59, v59;
	[tilespmem:s31+$0x4270] =	vst v35;
	v47 =	vmul.f32 v38, v39  }
0xb9: {  	v51 =	vld [tilespmem:s31+$0x4230];
	[tilespmem:s31+$0x41E0] =	vst v19;
	v19 =	vmul.f32 v46, v52  }
0xba: {  	v56 =	vld [tilespmem:s31+$0x4260];
	v24 =	vmul.f32 v37, v16;
	[tilespmem:s31+$0x41B0] =	vst v47;
	v54 =	vmul.f32 v45, v39  }
0xbb: {  	v57 =	vmul.f32 v48, v52;
	v48 =	vld [tilespmem:s31+$0x4330];
	[tilespmem:s31+$0x4200] =	vst v19;
	v19 =	vmul.f32 v49, v52  }
0xbc: {  	v24 =	vmul.f32 $1.442695020e+00, v24;
	[tilespmem:s31+$0x41F0] =	vst v54;
	v61 =	vld [tilespmem:s31+$0x4280]  }
0xbd: {  	v34 =	vld [tilespmem:s31+$0x42B0];
	v47 =	vperm.xlane v18, v14;
	[tilespmem:s31+$0x4220] =	vst v19;
	v19 =	vmul.f32 v53, v52  }
0xbe: {  	v32 =	vld [tilespmem:s31+$0x42A0];
	(erf) = vpow2.f32 v24;
	[tilespmem:s31+$0x4210] =	vst v57;
	v60 =	vmul.f32 v51, v52  }
0xbf: {  	v38 =	vld [tilespmem:s31+$0x42D0];
	v33 =	vperm.xlane v18, v13;
	[tilespmem:s31+$0x4240] =	vst v19;
	v19 =	vmul.f32 v56, v52  }
0xc0: {  	v55 =	vmul.f32 v48, v47;
	[tilespmem:s31+$0x4230] =	vst v60;
	v36 =	vld [tilespmem:s31+$0x42C0]  }
0xc1: {  	v37 =	vld [tilespmem:s31+$0x43A0];
	[tilespmem:s31+$0x4260] =	vst v19;
	v19 =	vmul.f32 v61, v33  }
0xc2: {  	[tilespmem:s31+$0x4330] =	vst v55;
	v42 =	vmul.f32 v34, v33;
	v40 =	vld [tilespmem:s31+$0x42E0]  }
0xc3: {  	s0 =	sshll.u32 s0, $0x7;
	v51 =	vld [tilespmem:s31+$0x4350];
	[tilespmem:s31+$0x4280] =	vst v19;
	v19 =	vmul.f32 v32, v33  }
0xc4: {  	s0 =	sand.u32 $0x3FFFF800, s0;
	v60 =	vperm.xlane v18, v15;
	v45 =	vmul.f32 v38, v33;
	[tilespmem:s31+$0x42B0] =	vst v42;
	v43 =	vld [tilespmem:s31+$0x4300]  }
0xc5: {  	v30 =	vld [tilespmem:s0+$0x3C30];
	[tilespmem:s31+$0x42A0] =	vst v19;
	v19 =	vmul.f32 v36, v33  }
0xc6: {  	v20 =	vmul.f32 v37, v60;
	[tilespmem:s31+$0x42D0] =	vst v45;
	v46 =	vld [tilespmem:s31+$0x4320]  }
0xc7: {  	v31 =	vld [tilespmem:s0+$0x3C40];
	v18 =	vpop (erf);
	[tilespmem:s31+$0x42C0] =	vst v19;
	v19 =	vmul.f32 v40, v33  }
0xc8: {  	v62 =	vld [tilespmem:s31+$0x4290];
	v58 =	vmul.f32 v51, v47;
	v63 =	vperm.xlane v18, v0;
	[tilespmem:s31+$0x43A0] =	vst v20  }
0xc9: {  	v41 =	vld [tilespmem:s31+$0x42F0];
	[tilespmem:s31+$0x42E0] =	vst v19;
	v19 =	vmul.f32 v43, v47  }
0xca: {  	[tilespmem:s31+$0x4350] =	vst v58;
	v24 =	vmul.f32 v30, v63;
	v53 =	vld [tilespmem:s31+$0x4360]  }
0xcb: {  	v54 =	vld [tilespmem:s31+$0x4370];
	[tilespmem:s31+$0x4300] =	vst v19;
	v19 =	vmul.f32 v46, v47  }
0xcc: {  	v26 =	vmul.f32 v31, v63;
	[tilespmem:s0+$0x3C30] =	vst v24;
	v56 =	vld [tilespmem:s31+$0x4380]  }
0xcd: {  	v34 =	vld [tilespmem:s0+$0x3C60];
	[tilespmem:s31+$0x4320] =	vst v19;
	v19 =	vmul.f32 v50, v47  }
0xce: {  	v59 =	vld [tilespmem:s0+$0x3C10];
	v39 =	vmul.f32 v62, v33;
	[tilespmem:s0+$0x3C40] =	vst v26  }
0xcf: {  	v57 =	vld [tilespmem:s0+$0x3C00];
	[tilespmem:s31+$0x4340] =	vst v19;
	v19 =	vmul.f32 v53, v47  }
0xd0: {  	v62 =	vmul.f32 v54, v47;
	[tilespmem:s31+$0x4290] =	vst v39;
	v61 =	vld [tilespmem:s0+$0x3C20]  }
0xd1: {  	v36 =	vld [tilespmem:s0+$0x3C70];
	[tilespmem:s31+$0x4360] =	vst v19;
	v19 =	vmul.f32 v56, v60  }
0xd2: {  	v25 =	vmul.f32 v34, v63;
	[tilespmem:s31+$0x4370] =	vst v62;
	v49 =	vmul.f32 v41, v33;
	v33 =	vld [tilespmem:s0+$0x3C50]  }
0xd3: {  	v44 =	vld [tilespmem:s31+$0x4310];
	[tilespmem:s31+$0x4380] =	vst v19;
	v19 =	vmul.f32 v59, v63  }
0xd4: {  	v38 =	vld [tilespmem:s31+$0x43B0];
	[tilespmem:s0+$0x3C60] =	vst v25;
	v32 =	vmul.f32 v57, v63  }
0xd5: {  	v35 =	vmul.f32 v61, v63;
	[tilespmem:s0+$0x3C10] =	vst v19;
	v19 =	vld [tilespmem:s31+$0x4390]  }
0xd6: {  	v39 =	vld [tilespmem:s31+$0x43C0];
	[tilespmem:s0+$0x3C00] =	vst v32;
	v23 =	vmul.f32 v36, v63  }
0xd7: {  	v42 =	vld [tilespmem:s31+$0x43F0];
	[tilespmem:s0+$0x3C20] =	vst v35;
	v22 =	vmul.f32 v33, v63  }
0xd8: {  	v41 =	vld [tilespmem:s31+$0x43E0];
	[tilespmem:s0+$0x3C70] =	vst v23  }
0xd9: {  	v52 =	vmul.f32 v44, v47;
	v40 =	vld [tilespmem:s31+$0x43D0];
	[tilespmem:s0+$0x3C50] =	vst v22  }
0xda: {  	[tilespmem:s31+$0x42F0] =	vst v49;
	v23 =	vld [tilespmem:s31+$0x4480];
	v19 =	vmul.f32 v19, v60  }
0xdb: {  	[tilespmem:s31+$0x4310] =	vst v52;
	v43 =	vmul.f32 v39, v60;
	v44 =	vld [tilespmem:s31+$0x4490]  }
0xdc: {  	v45 =	vld [tilespmem:s31+$0x44A0];
	[tilespmem:s31+$0x4390] =	vst v19;
	v19 =	vmul.f32 v38, v60  }
0xdd: {  	[tilespmem:s31+$0x43C0] =	vst v43;
	v46 =	vmul.f32 v41, v60;
	v47 =	vperm.xlane v18, v1;
	v48 =	vld [tilespmem:s31+$0x44B0]  }
0xde: {  	v49 =	vld [tilespmem:s31+$0x44C0];
	[tilespmem:s31+$0x43B0] =	vst v19;
	v19 =	vmul.f32 v40, v60  }
0xdf: {  	[tilespmem:s31+$0x43E0] =	vst v46;
	v51 =	vld [tilespmem:s31+$0x44D0];
	v50 =	vmul.f32 v23, v47  }
0xe0: {  	v52 =	vld [tilespmem:s31+$0x44E0];
	[tilespmem:s31+$0x43D0] =	vst v19;
	v19 =	vmul.f32 v42, v60  }
0xe1: {  	v54 =	vld [tilespmem:s31+$0x44F0];
	v53 =	vmul.f32 v45, v47;
	[tilespmem:s31+$0x4480] =	vst v50  }
0xe2: {  	v35 =	vld [tilespmem:s31+$0x45A0];
	[tilespmem:s31+$0x43F0] =	vst v19;
	v19 =	vmul.f32 v44, v47  }
0xe3: {  	v55 =	vld [tilespmem:s31+$0x4500];
	v56 =	vmul.f32 v49, v47;
	[tilespmem:s31+$0x44A0] =	vst v53  }
0xe4: {  	v39 =	vld [tilespmem:s31+$0x45C0];
	[tilespmem:s31+$0x4490] =	vst v19;
	v19 =	vmul.f32 v48, v47  }
0xe5: {  	v37 =	vperm.xlane v18, v3;
	v57 =	vld [tilespmem:s31+$0x4510];
	v59 =	vmul.f32 v52, v47;
	[tilespmem:s31+$0x44C0] =	vst v56  }
0xe6: {  	v32 =	vld [tilespmem:s31+$0x4580];
	[tilespmem:s31+$0x44B0] =	vst v19;
	v19 =	vmul.f32 v51, v47  }
0xe7: {  	v61 =	vld [tilespmem:s31+$0x4530];
	v43 =	vmul.f32 v35, v37;
	[tilespmem:s31+$0x44E0] =	vst v59  }
0xe8: {  	v45 =	vld [tilespmem:s31+$0x4600];
	v60 =	vperm.xlane v18, v2;
	[tilespmem:s31+$0x44D0] =	vst v19;
	v19 =	vmul.f32 v54, v47  }
0xe9: {  	v28 =	vld [tilespmem:s31+$0x4550];
	v46 =	vmul.f32 v39, v37;
	[tilespmem:s31+$0x45A0] =	vst v43  }
0xea: {  	v52 =	vld [tilespmem:s31+$0x4640];
	[tilespmem:s31+$0x44F0] =	vst v19;
	v19 =	vmul.f32 v57, v60  }
0xeb: {  	v31 =	vld [tilespmem:s31+$0x4570];
	[tilespmem:s31+$0x45C0] =	vst v46;
	v50 =	vperm.xlane v18, v4;
	v40 =	vmul.f32 v32, v37  }
0xec: {  	v58 =	vld [tilespmem:s31+$0x4520];
	[tilespmem:s31+$0x4510] =	vst v19;
	v19 =	vmul.f32 v61, v60  }
0xed: {  	v34 =	vld [tilespmem:s31+$0x4590];
	[tilespmem:s31+$0x4580] =	vst v40;
	v53 =	vmul.f32 v45, v50  }
0xee: {  	v62 =	vld [tilespmem:s31+$0x4540];
	[tilespmem:s31+$0x4530] =	vst v19;
	v19 =	vmul.f32 v28, v60  }
0xef: {  	v38 =	vld [tilespmem:s31+$0x45B0];
	v59 =	vmul.f32 v52, v50;
	[tilespmem:s31+$0x4600] =	vst v53  }
0xf0: {  	v29 =	vld [tilespmem:s31+$0x4560];
	[tilespmem:s31+$0x4550] =	vst v19;
	v19 =	vmul.f32 v31, v60  }
0xf1: {  	v41 =	vld [tilespmem:s31+$0x45D0];
	v63 =	vmul.f32 v55, v60;
	[tilespmem:s31+$0x4640] =	vst v59  }
0xf2: {  	v39 =	vld [tilespmem:s31+$0x4710];
	[tilespmem:s31+$0x4570] =	vst v19;
	v19 =	vmul.f32 v34, v37  }
0xf3: {  	v30 =	vmul.f32 v58, v60;
	v44 =	vld [tilespmem:s31+$0x45F0];
	[tilespmem:s31+$0x4500] =	vst v63  }
0xf4: {  	v42 =	vld [tilespmem:s31+$0x45E0];
	[tilespmem:s31+$0x4590] =	vst v19;
	v19 =	vmul.f32 v38, v37  }
0xf5: {  	v33 =	vmul.f32 v62, v60;
	[tilespmem:s31+$0x4520] =	vst v30;
	v47 =	vld [tilespmem:s31+$0x4610]  }
0xf6: {  	v55 =	vld [tilespmem:s31+$0x4660];
	[tilespmem:s31+$0x45B0] =	vst v19;
	v19 =	vmul.f32 v41, v37  }
0xf7: {  	v36 =	vmul.f32 v29, v60;
	[tilespmem:s31+$0x4540] =	vst v33;
	v51 =	vld [tilespmem:s31+$0x4630]  }
0xf8: {  	v58 =	vld [tilespmem:s31+$0x4680];
	[tilespmem:s31+$0x45D0] =	vst v19;
	v19 =	vmul.f32 v44, v37  }
0xf9: {  	[tilespmem:s31+$0x4560] =	vst v36;
	v49 =	vmul.f32 v42, v37;
	v54 =	vld [tilespmem:s31+$0x4650]  }
0xfa: {  	v48 =	vld [tilespmem:s31+$0x4620];
	[tilespmem:s31+$0x45F0] =	vst v19;
	v19 =	vmul.f32 v47, v50  }
0xfb: {  	v63 =	vperm.xlane v18, v5;
	[tilespmem:s31+$0x45E0] =	vst v49;
	v62 =	vmul.f32 v55, v50;
	v57 =	vld [tilespmem:s31+$0x4670]  }
0xfc: {  	v40 =	vld [tilespmem:s31+$0x4720];
	[tilespmem:s31+$0x4610] =	vst v19;
	v19 =	vmul.f32 v51, v50  }
0xfd: {  	v32 =	vmul.f32 v58, v63;
	[tilespmem:s31+$0x4660] =	vst v62;
	v60 =	vld [tilespmem:s31+$0x4690]  }
0xfe: {  	v61 =	vld [tilespmem:s31+$0x46A0];
	[tilespmem:s31+$0x4630] =	vst v19;
	v19 =	vmul.f32 v54, v50  }
0xff: {  	v30 =	vld [tilespmem:s31+$0x46B0];
	v42 =	vperm.xlane v18, v6;
	v56 =	vmul.f32 v48, v50;
	[tilespmem:s31+$0x4680] =	vst v32  }
0x100: {  	v53 =	vld [tilespmem:s31+$0x47A0];
	[tilespmem:s31+$0x4650] =	vst v19;
	v19 =	vmul.f32 v57, v50  }
0x101: {  	v33 =	vld [tilespmem:s31+$0x46D0];
	v48 =	vmul.f32 v40, v42;
	[tilespmem:s31+$0x4620] =	vst v56  }
0x102: {  	v31 =	vld [tilespmem:s31+$0x46C0];
	[tilespmem:s31+$0x4670] =	vst v19;
	v19 =	vmul.f32 v60, v63  }
0x103: {  	v36 =	vld [tilespmem:s31+$0x46F0];
	v55 =	vperm.xlane v18, v7;
	[tilespmem:s31+$0x4720] =	vst v48;
	v35 =	vmul.f32 v61, v63  }
0x104: {  	v34 =	vld [tilespmem:s31+$0x46E0];
	[tilespmem:s31+$0x4690] =	vst v19;
	v19 =	vmul.f32 v30, v63  }
0x105: {  	v43 =	vld [tilespmem:s31+$0x4730];
	v61 =	vmul.f32 v53, v55;
	[tilespmem:s31+$0x46A0] =	vst v35  }
0x106: {  	v32 =	vld [tilespmem:s31+$0x4820];
	[tilespmem:s31+$0x46B0] =	vst v19;
	v19 =	vmul.f32 v33, v63  }
0x107: {  	v46 =	vld [tilespmem:s31+$0x4750];
	[tilespmem:s31+$0x47A0] =	vst v61;
	v38 =	vmul.f32 v31, v63  }
0x108: {  	v37 =	vld [tilespmem:s31+$0x4700];
	[tilespmem:s31+$0x46D0] =	vst v19;
	v19 =	vmul.f32 v36, v63  }
0x109: {  	v52 =	vld [tilespmem:s31+$0x4790];
	[tilespmem:s31+$0x46C0] =	vst v38;
	v41 =	vmul.f32 v34, v63;
	v34 =	vperm.xlane v18, v8  }
0x10a: {  	v44 =	vld [tilespmem:s31+$0x4740];
	[tilespmem:s31+$0x46F0] =	vst v19;
	v19 =	vmul.f32 v39, v42  }
0x10b: {  	v49 =	vld [tilespmem:s31+$0x4770];
	[tilespmem:s31+$0x46E0] =	vst v41;
	v40 =	vmul.f32 v32, v34  }
0x10c: {  	v47 =	vld [tilespmem:s31+$0x4760];
	[tilespmem:s31+$0x4710] =	vst v19;
	v19 =	vmul.f32 v43, v42  }
0x10d: {  	v59 =	vld [tilespmem:s31+$0x47D0];
	[tilespmem:s31+$0x4820] =	vst v40;
	v45 =	vmul.f32 v37, v42  }
0x10e: {  	v50 =	vld [tilespmem:s31+$0x4780];
	[tilespmem:s31+$0x4730] =	vst v19;
	v19 =	vmul.f32 v46, v42  }
0x10f: {  	v56 =	vld [tilespmem:s31+$0x47B0];
	v51 =	vmul.f32 v44, v42;
	[tilespmem:s31+$0x4700] =	vst v45  }
0x110: {  	v45 =	vld [tilespmem:s31+$0x48A0];
	[tilespmem:s31+$0x4750] =	vst v19;
	v19 =	vmul.f32 v49, v42  }
0x111: {  	v29 =	vld [tilespmem:s31+$0x4960];
	[tilespmem:s31+$0x4740] =	vst v51;
	v54 =	vmul.f32 v47, v42  }
0x112: {  	v57 =	vld [tilespmem:s31+$0x47C0];
	[tilespmem:s31+$0x4770] =	vst v19;
	v19 =	vmul.f32 v52, v55  }
0x113: {  	v62 =	vld [tilespmem:s31+$0x47F0];
	v47 =	vperm.xlane v18, v9;
	[tilespmem:s31+$0x4760] =	vst v54;
	v58 =	vmul.f32 v50, v55  }
0x114: {  	v60 =	vld [tilespmem:s31+$0x47E0];
	[tilespmem:s31+$0x4790] =	vst v19;
	v19 =	vmul.f32 v56, v55  }
0x115: {  	v31 =	vld [tilespmem:s31+$0x4810];
	v53 =	vmul.f32 v45, v47;
	[tilespmem:s31+$0x4780] =	vst v58  }
0x116: {  	v58 =	vld [tilespmem:s31+$0x4920];
	[tilespmem:s31+$0x47B0] =	vst v19;
	v19 =	vmul.f32 v59, v55  }
0x117: {  	v35 =	vld [tilespmem:s31+$0x4830];
	v30 =	vmul.f32 v57, v55;
	[tilespmem:s31+$0x48A0] =	vst v53  }
0x118: {  	v63 =	vld [tilespmem:s31+$0x4800];
	[tilespmem:s31+$0x47D0] =	vst v19;
	v19 =	vmul.f32 v62, v55  }
0x119: {  	v38 =	vld [tilespmem:s31+$0x4850];
	[tilespmem:s31+$0x47C0] =	vst v30;
	v33 =	vmul.f32 v60, v55;
	v60 =	vperm.xlane v18, v10  }
0x11a: {  	v36 =	vld [tilespmem:s31+$0x4840];
	[tilespmem:s31+$0x47F0] =	vst v19;
	v19 =	vmul.f32 v31, v34  }
0x11b: {  	v41 =	vld [tilespmem:s31+$0x4870];
	[tilespmem:s31+$0x47E0] =	vst v33;
	v30 =	vmul.f32 v58, v60  }
0x11c: {  	v44 =	vld [tilespmem:s31+$0x4890];
	[tilespmem:s31+$0x4810] =	vst v19;
	v19 =	vmul.f32 v35, v34  }
0x11d: {  	v39 =	vld [tilespmem:s31+$0x4860];
	v37 =	vmul.f32 v63, v34;
	[tilespmem:s31+$0x4920] =	vst v30  }
0x11e: {  	[tilespmem:s31+$0x4830] =	vst v19;
	v19 =	vmul.f32 v38, v34  }
0x11f: {  	v48 =	vld [tilespmem:s31+$0x48B0];
	v43 =	vmul.f32 v36, v34;
	[tilespmem:s31+$0x4800] =	vst v37  }
0x120: {  	v32 =	vld [tilespmem:s31+$0x4980];
	[tilespmem:s31+$0x4850] =	vst v19;
	v19 =	vmul.f32 v41, v34  }
0x121: {  	v51 =	vld [tilespmem:s31+$0x48D0];
	v36 =	vmul.f32 v29, v60;
	[tilespmem:s31+$0x4840] =	vst v43  }
0x122: {  	v46 =	vmul.f32 v39, v34;
	v39 =	vld [tilespmem:s31+$0x49C0];
	[tilespmem:s31+$0x4870] =	vst v19;
	v19 =	vmul.f32 v44, v47  }
0x123: {  	v54 =	vld [tilespmem:s31+$0x48F0];
	v37 =	vperm.xlane v18, v11;
	[tilespmem:s31+$0x4960] =	vst v36  }
0x124: {  	v42 =	vld [tilespmem:s31+$0x4880];
	[tilespmem:s31+$0x4890] =	vst v19;
	v19 =	vmul.f32 v48, v47  }
0x125: {  	v57 =	vld [tilespmem:s31+$0x4910];
	[tilespmem:s31+$0x4860] =	vst v46;
	v40 =	vmul.f32 v32, v37  }
0x126: {  	v49 =	vld [tilespmem:s31+$0x48C0];
	[tilespmem:s31+$0x48B0] =	vst v19;
	v19 =	vmul.f32 v51, v47  }
0x127: {  	v61 =	vld [tilespmem:s31+$0x4930];
	[tilespmem:s31+$0x4980] =	vst v40;
	v46 =	vmul.f32 v39, v37  }
0x128: {  	v52 =	vld [tilespmem:s31+$0x48E0];
	[tilespmem:s31+$0x48D0] =	vst v19;
	v19 =	vmul.f32 v54, v47  }
0x129: {  	v28 =	vld [tilespmem:s31+$0x4950];
	v50 =	vmul.f32 v42, v47;
	[tilespmem:s31+$0x49C0] =	vst v46  }
0x12a: {  	v45 =	vld [tilespmem:s31+$0x4A00];
	[tilespmem:s31+$0x48F0] =	vst v19;
	v19 =	vmul.f32 v57, v60  }
0x12b: {  	v56 =	vmul.f32 v49, v47;
	[tilespmem:s31+$0x4880] =	vst v50;
	v31 =	vld [tilespmem:s31+$0x4970]  }
0x12c: {  	v42 =	vld [tilespmem:s31+$0x49E0];
	[tilespmem:s31+$0x4910] =	vst v19;
	v19 =	vmul.f32 v61, v60  }
0x12d: {  	[tilespmem:s31+$0x48C0] =	vst v56;
	v59 =	vmul.f32 v52, v47;
	v50 =	vperm.xlane v18, v12;
	v34 =	vld [tilespmem:s31+$0x4990]  }
0x12e: {  	v52 =	vld [tilespmem:s31+$0x4A40];
	[tilespmem:s31+$0x4930] =	vst v19;
	v19 =	vmul.f32 v28, v60  }
0x12f: {  	[tilespmem:s31+$0x48E0] =	vst v59;
	v53 =	vmul.f32 v45, v50;
	v38 =	vld [tilespmem:s31+$0x49B0]  }
0x130: {  	v55 =	vld [tilespmem:s31+$0x4900];
	[tilespmem:s31+$0x4950] =	vst v19;
	v19 =	vmul.f32 v31, v60  }
0x131: {  	v49 =	vmul.f32 v42, v37;
	[tilespmem:s31+$0x4A00] =	vst v53;
	v41 =	vld [tilespmem:s31+$0x49D0]  }
0x132: {  	v62 =	vld [tilespmem:s31+$0x4940];
	[tilespmem:s31+$0x4970] =	vst v19;
	v19 =	vmul.f32 v34, v37  }
0x133: {  	[tilespmem:s31+$0x49E0] =	vst v49;
	v59 =	vmul.f32 v52, v50;
	v44 =	vld [tilespmem:s31+$0x49F0]  }
0x134: {  	v35 =	vld [tilespmem:s31+$0x49A0];
	[tilespmem:s31+$0x4990] =	vst v19;
	v19 =	vmul.f32 v38, v37  }
0x135: {  	v63 =	vmul.f32 v55, v60;
	[tilespmem:s31+$0x4A40] =	vst v59;
	v47 =	vld [tilespmem:s31+$0x4A10]  }
0x136: {  	v48 =	vld [tilespmem:s31+$0x4A20];
	[tilespmem:s31+$0x49B0] =	vst v19;
	v19 =	vmul.f32 v41, v37  }
0x137: {  	v33 =	vmul.f32 v62, v60;
	[tilespmem:s31+$0x4900] =	vst v63;
	v51 =	vld [tilespmem:s31+$0x4A30]  }
0x138: {  	v58 =	vld [tilespmem:s31+$0x4A80];
	[tilespmem:s31+$0x49D0] =	vst v19;
	v19 =	vmul.f32 v44, v37  }
0x139: {  	[tilespmem:s31+$0x4940] =	vst v33;
	v43 =	vmul.f32 v35, v37;
	v54 =	vld [tilespmem:s31+$0x4A50]  }
0x13a: {  	v55 =	vld [tilespmem:s31+$0x4A60];
	[tilespmem:s31+$0x49F0] =	vst v19;
	v19 =	vmul.f32 v47, v50  }
0x13b: {  	v63 =	vperm.xlane v18, v13;
	[tilespmem:s31+$0x49A0] =	vst v43;
	v56 =	vmul.f32 v48, v50;
	v57 =	vld [tilespmem:s31+$0x4A70]  }
0x13c: {  	v40 =	vld [tilespmem:s31+$0x4B20];
	[tilespmem:s31+$0x4A10] =	vst v19;
	v19 =	vmul.f32 v51, v50  }
0x13d: {  	v32 =	vmul.f32 v58, v63;
	[tilespmem:s31+$0x4A20] =	vst v56;
	v60 =	vld [tilespmem:s31+$0x4A90]  }
0x13e: {  	v56 =	vld [tilespmem:s31+$0x4BC0];
	[tilespmem:s31+$0x4A30] =	vst v19;
	v19 =	vmul.f32 v54, v50  }
0x13f: {  	v30 =	vld [tilespmem:s31+$0x4AB0];
	v42 =	vperm.xlane v18, v14;
	v62 =	vmul.f32 v55, v50;
	[tilespmem:s31+$0x4A80] =	vst v32  }
0x140: {  	v61 =	vld [tilespmem:s31+$0x4AA0];
	[tilespmem:s31+$0x4A50] =	vst v19;
	v19 =	vmul.f32 v57, v50  }
0x141: {  	v33 =	vld [tilespmem:s31+$0x4AD0];
	v18 =	vperm.xlane v18, v15;
	[tilespmem:s31+$0x4A60] =	vst v62;
	v48 =	vmul.f32 v40, v42  }
0x142: {  	v31 =	vld [tilespmem:s31+$0x4AC0];
	[tilespmem:s31+$0x4A70] =	vst v19;
	v19 =	vmul.f32 v60, v63  }
0x143: {  	v36 =	vld [tilespmem:s31+$0x4AF0];
	[tilespmem:s31+$0x4B20] =	vst v48;
	v62 =	vmul.f32 v56, v18  }
0x144: {  	v34 =	vld [tilespmem:s31+$0x4AE0];
	[tilespmem:s31+$0x4A90] =	vst v19;
	v19 =	vmul.f32 v30, v63  }
0x145: {  	v39 =	vld [tilespmem:s31+$0x4B10];
	v35 =	vmul.f32 v61, v63;
	[tilespmem:s31+$0x4BC0] =	vst v62  }
0x146: {  	v37 =	vld [tilespmem:s31+$0x4B00];
	[tilespmem:s31+$0x4AB0] =	vst v19;
	v19 =	vmul.f32 v33, v63  }
0x147: {  	v43 =	vld [tilespmem:s31+$0x4B30];
	[tilespmem:s31+$0x4AA0] =	vst v35;
	v38 =	vmul.f32 v31, v63  }
0x148: {  	v44 =	vld [tilespmem:s31+$0x4B40];
	[tilespmem:s31+$0x4AD0] =	vst v19;
	v19 =	vmul.f32 v36, v63  }
0x149: {  	v46 =	vld [tilespmem:s31+$0x4B50];
	[tilespmem:s31+$0x4AC0] =	vst v38;
	v41 =	vmul.f32 v34, v63  }
0x14a: {  	v47 =	vld [tilespmem:s31+$0x4B60];
	[tilespmem:s31+$0x4AF0] =	vst v19;
	v19 =	vmul.f32 v39, v42  }
0x14b: {  	v49 =	vld [tilespmem:s31+$0x4B70];
	[tilespmem:s31+$0x4AE0] =	vst v41;
	v45 =	vmul.f32 v37, v42  }
0x14c: {  	v53 =	vld [tilespmem:s31+$0x4BA0];
	[tilespmem:s31+$0x4B10] =	vst v19;
	v19 =	vmul.f32 v43, v42  }
0x14d: {  	v52 =	vld [tilespmem:s31+$0x4B90];
	v51 =	vmul.f32 v44, v42;
	[tilespmem:s31+$0x4B00] =	vst v45  }
0x14e: {  	v50 =	vld [tilespmem:s31+$0x4B80];
	[tilespmem:s31+$0x4B30] =	vst v19;
	v19 =	vmul.f32 v46, v42  }
0x14f: {  	v55 =	vld [tilespmem:s31+$0x4BB0];
	[tilespmem:s31+$0x4B40] =	vst v51;
	v54 =	vmul.f32 v47, v42  }
0x150: {  	v59 =	vld [tilespmem:s31+$0x4BE0];
	[tilespmem:s31+$0x4B50] =	vst v19;
	v19 =	vmul.f32 v49, v42  }
0x151: {  	v58 =	vld [tilespmem:s31+$0x4BD0];
	[tilespmem:s31+$0x4B60] =	vst v54;
	v60 =	vmul.f32 v53, v18  }
0x152: {  	v61 =	vld [tilespmem:s31+$0x4BF0];
	[tilespmem:s31+$0x4B70] =	vst v19;
	v19 =	vmul.f32 v52, v18  }
0x153: {  	[tilespmem:s31+$0x4BA0] =	vst v60;
	v57 =	vmul.f32 v50, v18  }
0x154: {  	p1 =	por p0, p0;
	[tilespmem:s31+$0x4B90] =	vst v19;
	v19 =	vmul.f32 v55, v18  }
.Ltmp4:
0x155: {  	[tilespmem:s31+$0x4B80] =	vst v57;
	v63 =	vmul.f32 v59, v18;
	(pc) =	sbr.rel @p1 .LBB2_4-.Ltmp4, $4  }
0x156: {  	[tilespmem:s31+$0x4BB0] =	vst v19;
	v19 =	vmul.f32 v58, v18  }
0x157: {  	[tilespmem:s31+$0x4BE0] =	vst v63;
	v18 =	vmul.f32 v61, v18  }
0x158: {  	[tilespmem:s31+$0x4BD0] =	vst v19  }
0x159: {  	p0 =	por $0x0, $0x0;
	[tilespmem:s31+$0x4BF0] =	vst v18;
	s31 =	simm.s32 $0x2  }
0x15a: {  	s0 =	sadd.s32 $0x1400, s29  }
0x15b: {  	[spmem:s2] =	stream.indirect.scatter.add.f32 [tilespmem:s20], [sflag:$0x3], $0x80, s0, s19, $0xb8;
	[tilespmem:$0x1B880] =	vst v63  }
0x15c: {  	p0 =	seq.s32 s28, $0x13;
	_ =	swait.ge [sflag:s15], $0x2000  }
0x15d: {  	s0 =	sshrl.u32 @!p0 s30, $0x2;
	s8 =	simm.s32 @!p0 $0x40;
	[sflag:s15] =	ssyncset.done $0x0  }
0x15e: {  	s31 =	simm.s32 @!p0 $0x3C00;
	s0 =	sadd.s32 @!p0 $0x100, s0;
	[sflag:s15] =	ssyncadd.s32 $0xFFFFE000  }
0x15f: {  	[tilespmem:s31], [sflag:$0x1] =	stream.indirect.gather @!p0 [hbm4b:s4+s8], $0x80, s0, s8, $0xb8;
	[tilespmem:$0x1B880] =	vst v63  }
0x160: {  	s8 =	sor.u32 $0x200, s30  }
0x161: {  	s30 =	sshrl.u32 s8, $0x2  }
0x162: {  	_ =	swait.ge [sflag:s24], $0x2000;
	s0 =	sadd.s32 $0x2800, s30  }
0x163: {  	[sflag:s24] =	ssyncset.done $0x0;
	v17 =	vmov s0  }
0x164: {  	[sflag:s24] =	ssyncadd.s32 $0xFFFFE000  }
0x165: {  	p1 =	por $0x1, $0x1;
	s31 =	simm.s32 $0x0;
	v16 =	vld [tilespmem:$0x7C00]  }
.LBB2_6:
0x166: {  	s0 =	sshll.u32 s31, $0x4  }
0x167: {  	s8 =	sand.u32 $0x3FFFFFF0, s0  }
0x168: {  	v18 =	vld.idx.msk [tilespmem:v17+s8+$0x0 ss:$0x1], $0xffff;
	_ =	sdelay $0x4  }
0x169: {  	v18 =	vmul.f32 v18, v18;
	_ =	sdelay $0x1  }
0x16a: {  	v18 =	vmul.f32 v18, v16;
	_ =	sdelay $0x1  }
0x16b: {  	v18 =	vmul.f32 $1.442695020e+00, v18;
	_ =	sdelay $0x1  }
0x16c: {  	(erf) = vpow2.f32 v18;
	_ =	sdelay $0x4  }
0x16d: {  	s8 =	sshll.u32 s31, $0xB  }
0x16e: {  	s31 =	sand.u32 $0x3FFFF800, s8  }
0x16f: {  	v19 =	vld [tilespmem:s31+$0x5C00]  }
0x170: {  	v20 =	vld [tilespmem:s31+$0x5C10]  }
0x171: {  	v21 =	vld [tilespmem:s31+$0x5C20];
	v18 =	vpop (erf)  }
0x172: {  	v23 =	vld [tilespmem:s31+$0x5C30];
	v22 =	vperm.xlane v18, v0  }
0x173: {  	v24 =	vld [tilespmem:s31+$0x5C40]  }
0x174: {  	v25 =	vld [tilespmem:s31+$0x5C50];
	v19 =	vmul.f32 v19, v22  }
0x175: {  	v26 =	vld [tilespmem:s31+$0x5C60];
	v20 =	vmul.f32 v20, v22  }
0x176: {  	v41 =	vld [tilespmem:s31+$0x5C70];
	[tilespmem:s31+$0x5C00] =	vst v19;
	v19 =	vmul.f32 v21, v22  }
0x177: {  	v42 =	vmul.f32 v23, v22;
	[tilespmem:s31+$0x5C10] =	vst v20  }
0x178: {  	[tilespmem:s31+$0x5C20] =	vst v19;
	v19 =	vmul.f32 v24, v22  }
0x179: {  	v43 =	vmul.f32 v25, v22;
	[tilespmem:s31+$0x5C30] =	vst v42  }
0x17a: {  	[tilespmem:s31+$0x5C40] =	vst v19;
	v19 =	vmul.f32 v26, v22  }
0x17b: {  	v44 =	vmul.f32 v41, v22;
	[tilespmem:s31+$0x5C50] =	vst v43  }
0x17c: {  	[tilespmem:s31+$0x5C60] =	vst v19  }
0x17d: {  	[tilespmem:s31+$0x5C70] =	vst v44  }
0x17e: {  	v19 =	vld [tilespmem:s31+$0x5C80]  }
0x17f: {  	v20 =	vld [tilespmem:s31+$0x5C90]  }
0x180: {  	v45 =	vld [tilespmem:s31+$0x5CA0]  }
0x181: {  	v46 =	vld [tilespmem:s31+$0x5CB0]  }
0x182: {  	v48 =	vld [tilespmem:s31+$0x5CC0]  }
0x183: {  	v47 =	vperm.xlane v18, v1;
	v49 =	vld [tilespmem:s31+$0x5CD0]  }
0x184: {  	v50 =	vld [tilespmem:s31+$0x5CE0]  }
0x185: {  	v27 =	vld [tilespmem:s31+$0x5CF0];
	v19 =	vmul.f32 v19, v47  }
0x186: {  	v51 =	vld [tilespmem:s31+$0x5D00];
	v20 =	vmul.f32 v20, v47  }
0x187: {  	v53 =	vld [tilespmem:s31+$0x5D10];
	v52 =	vmul.f32 v46, v47;
	[tilespmem:s31+$0x5C80] =	vst v19  }
0x188: {  	v54 =	vld [tilespmem:s31+$0x5D20];
	v19 =	vmul.f32 v45, v47;
	[tilespmem:s31+$0x5C90] =	vst v20  }
0x189: {  	v56 =	vld [tilespmem:s31+$0x5D30];
	v55 =	vmul.f32 v49, v47;
	[tilespmem:s31+$0x5CB0] =	vst v52  }
0x18a: {  	v28 =	vld [tilespmem:s31+$0x5D40];
	[tilespmem:s31+$0x5CA0] =	vst v19;
	v19 =	vmul.f32 v48, v47  }
0x18b: {  	v57 =	vperm.xlane v18, v2;
	v59 =	vld [tilespmem:s31+$0x5D50];
	v58 =	vmul.f32 v27, v47;
	[tilespmem:s31+$0x5CD0] =	vst v55  }
0x18c: {  	v60 =	vld [tilespmem:s31+$0x5D60];
	[tilespmem:s31+$0x5CC0] =	vst v19;
	v19 =	vmul.f32 v50, v47  }
0x18d: {  	v62 =	vld [tilespmem:s31+$0x5D70];
	v61 =	vmul.f32 v53, v57;
	[tilespmem:s31+$0x5CF0] =	vst v58  }
0x18e: {  	v63 =	vld [tilespmem:s31+$0x5D80];
	[tilespmem:s31+$0x5CE0] =	vst v19;
	v19 =	vmul.f32 v51, v57  }
0x18f: {  	v32 =	vld [tilespmem:s31+$0x5D90];
	v31 =	vmul.f32 v56, v57;
	[tilespmem:s31+$0x5D10] =	vst v61  }
0x190: {  	v33 =	vld [tilespmem:s31+$0x5DA0];
	[tilespmem:s31+$0x5D00] =	vst v19;
	v19 =	vmul.f32 v54, v57  }
0x191: {  	v35 =	vld [tilespmem:s31+$0x5DB0];
	v34 =	vmul.f32 v59, v57;
	[tilespmem:s31+$0x5D30] =	vst v31  }
0x192: {  	v37 =	vld [tilespmem:s31+$0x5DC0];
	[tilespmem:s31+$0x5D20] =	vst v19;
	v19 =	vmul.f32 v28, v57  }
0x193: {  	v36 =	vperm.xlane v18, v3;
	v39 =	vld [tilespmem:s31+$0x5DD0];
	v38 =	vmul.f32 v62, v57;
	[tilespmem:s31+$0x5D50] =	vst v34  }
0x194: {  	v30 =	vld [tilespmem:s31+$0x5ED0];
	[tilespmem:s31+$0x5D40] =	vst v19;
	v19 =	vmul.f32 v60, v57  }
0x195: {  	v40 =	vld [tilespmem:s31+$0x5DE0];
	v41 =	vmul.f32 v32, v36;
	[tilespmem:s31+$0x5D70] =	vst v38  }
0x196: {  	v42 =	vld [tilespmem:s31+$0x5DF0];
	[tilespmem:s31+$0x5D60] =	vst v19;
	v19 =	vmul.f32 v63, v36  }
0x197: {  	v43 =	vld [tilespmem:s31+$0x5E00];
	v44 =	vmul.f32 v35, v36;
	v62 =	vperm.xlane v18, v5;
	[tilespmem:s31+$0x5D90] =	vst v41  }
0x198: {  	v55 =	vld [tilespmem:s31+$0x5E70];
	[tilespmem:s31+$0x5D80] =	vst v19;
	v19 =	vmul.f32 v33, v36  }
0x199: {  	v46 =	vld [tilespmem:s31+$0x5E20];
	[tilespmem:s31+$0x5DB0] =	vst v44;
	v38 =	vmul.f32 v30, v62  }
0x19a: {  	v58 =	vld [tilespmem:s31+$0x5E90];
	[tilespmem:s31+$0x5DA0] =	vst v19;
	v19 =	vmul.f32 v37, v36  }
0x19b: {  	v49 =	vperm.xlane v18, v4;
	v53 =	vld [tilespmem:s31+$0x5E60];
	[tilespmem:s31+$0x5ED0] =	vst v38;
	v47 =	vmul.f32 v39, v36  }
0x19c: {  	v61 =	vld [tilespmem:s31+$0x5EB0];
	[tilespmem:s31+$0x5DC0] =	vst v19;
	v19 =	vmul.f32 v40, v36  }
0x19d: {  	v50 =	vld [tilespmem:s31+$0x5E40];
	v29 =	vmul.f32 v55, v49;
	[tilespmem:s31+$0x5DD0] =	vst v47  }
0x19e: {  	v56 =	vld [tilespmem:s31+$0x5E80];
	[tilespmem:s31+$0x5DE0] =	vst v19;
	v19 =	vmul.f32 v43, v49  }
0x19f: {  	v59 =	vld [tilespmem:s31+$0x5EA0];
	v32 =	vmul.f32 v58, v62;
	[tilespmem:s31+$0x5E70] =	vst v29  }
0x1a0: {  	v45 =	vld [tilespmem:s31+$0x5E10];
	[tilespmem:s31+$0x5E00] =	vst v19;
	v19 =	vmul.f32 v46, v49  }
0x1a1: {  	v52 =	vld [tilespmem:s31+$0x5E50];
	v35 =	vmul.f32 v61, v62;
	[tilespmem:s31+$0x5E90] =	vst v32  }
0x1a2: {  	v48 =	vld [tilespmem:s31+$0x5E30];
	[tilespmem:s31+$0x5E20] =	vst v19;
	v19 =	vmul.f32 v50, v49  }
0x1a3: {  	v31 =	vld [tilespmem:s31+$0x5EE0];
	v51 =	vmul.f32 v42, v36;
	[tilespmem:s31+$0x5EB0] =	vst v35  }
0x1a4: {  	v34 =	vld [tilespmem:s31+$0x5F00];
	[tilespmem:s31+$0x5E40] =	vst v19;
	v19 =	vmul.f32 v53, v49  }
0x1a5: {  	[tilespmem:s31+$0x5DF0] =	vst v51;
	v54 =	vmul.f32 v45, v49;
	v63 =	vld [tilespmem:s31+$0x5EC0]  }
0x1a6: {  	v33 =	vld [tilespmem:s31+$0x5EF0];
	[tilespmem:s31+$0x5E60] =	vst v19;
	v19 =	vmul.f32 v56, v62  }
0x1a7: {  	v41 =	vld [tilespmem:s31+$0x5F40];
	[tilespmem:s31+$0x5E10] =	vst v54;
	v57 =	vmul.f32 v48, v49  }
0x1a8: {  	v39 =	vld [tilespmem:s31+$0x5F30];
	[tilespmem:s31+$0x5E80] =	vst v19;
	v19 =	vmul.f32 v59, v62  }
0x1a9: {  	v44 =	vld [tilespmem:s31+$0x5F60];
	v60 =	vmul.f32 v52, v49;
	[tilespmem:s31+$0x5E30] =	vst v57  }
0x1aa: {  	v36 =	vld [tilespmem:s31+$0x5F10];
	[tilespmem:s31+$0x5EA0] =	vst v19;
	v19 =	vmul.f32 v63, v62  }
0x1ab: {  	[tilespmem:s31+$0x5E50] =	vst v60;
	v37 =	vld [tilespmem:s31+$0x5F20];
	v40 =	vperm.xlane v18, v6;
	v42 =	vmul.f32 v33, v62  }
0x1ac: {  	v43 =	vld [tilespmem:s31+$0x5F50];
	[tilespmem:s31+$0x5EC0] =	vst v19;
	v19 =	vmul.f32 v31, v62  }
0x1ad: {  	v30 =	vld [tilespmem:s31+$0x6160];
	v48 =	vmul.f32 v39, v40;
	[tilespmem:s31+$0x5EF0] =	vst v42  }
0x1ae: {  	v46 =	vld [tilespmem:s31+$0x5F70];
	[tilespmem:s31+$0x5EE0] =	vst v19;
	v19 =	vmul.f32 v34, v40  }
0x1af: {  	v38 =	vld [tilespmem:s31+$0x6060];
	[tilespmem:s31+$0x5F30] =	vst v48;
	v45 =	vmul.f32 v36, v40  }
0x1b0: {  	v52 =	vld [tilespmem:s31+$0x5FB0];
	[tilespmem:s31+$0x5F00] =	vst v19;
	v19 =	vmul.f32 v37, v40  }
0x1b1: {  	v47 =	vld [tilespmem:s31+$0x5F80];
	[tilespmem:s31+$0x5F10] =	vst v45;
	v51 =	vmul.f32 v43, v40  }
0x1b2: {  	v49 =	vld [tilespmem:s31+$0x5F90];
	[tilespmem:s31+$0x5F20] =	vst v19;
	v19 =	vmul.f32 v41, v40  }
0x1b3: {  	v50 =	vld [tilespmem:s31+$0x5FA0];
	v53 =	vperm.xlane v18, v7;
	[tilespmem:s31+$0x5F50] =	vst v51;
	v55 =	vmul.f32 v46, v40  }
0x1b4: {  	v56 =	vld [tilespmem:s31+$0x5FD0];
	[tilespmem:s31+$0x5F40] =	vst v19;
	v19 =	vmul.f32 v44, v40  }
0x1b5: {  	v54 =	vld [tilespmem:s31+$0x5FC0];
	v61 =	vmul.f32 v52, v53;
	[tilespmem:s31+$0x5F70] =	vst v55  }
0x1b6: {  	v59 =	vld [tilespmem:s31+$0x5FF0];
	[tilespmem:s31+$0x5F60] =	vst v19;
	v19 =	vmul.f32 v47, v53  }
0x1b7: {  	v57 =	vld [tilespmem:s31+$0x5FE0];
	[tilespmem:s31+$0x5FB0] =	vst v61;
	v58 =	vmul.f32 v49, v53  }
0x1b8: {  	v33 =	vld [tilespmem:s31+$0x6030];
	[tilespmem:s31+$0x5F80] =	vst v19;
	v19 =	vmul.f32 v50, v53  }
0x1b9: {  	v60 =	vld [tilespmem:s31+$0x6000];
	[tilespmem:s31+$0x5F90] =	vst v58;
	v32 =	vmul.f32 v56, v53  }
0x1ba: {  	v62 =	vld [tilespmem:s31+$0x6010];
	[tilespmem:s31+$0x5FA0] =	vst v19;
	v19 =	vmul.f32 v54, v53  }
0x1bb: {  	v63 =	vld [tilespmem:s31+$0x6020];
	[tilespmem:s31+$0x5FD0] =	vst v32;
	v36 =	vmul.f32 v59, v53;
	v34 =	vperm.xlane v18, v8  }
0x1bc: {  	v37 =	vld [tilespmem:s31+$0x6050];
	[tilespmem:s31+$0x5FC0] =	vst v19;
	v19 =	vmul.f32 v57, v53  }
0x1bd: {  	v35 =	vld [tilespmem:s31+$0x6040];
	[tilespmem:s31+$0x5FF0] =	vst v36;
	v42 =	vmul.f32 v33, v34  }
0x1be: {  	v43 =	vld [tilespmem:s31+$0x6090];
	[tilespmem:s31+$0x5FE0] =	vst v19;
	v19 =	vmul.f32 v60, v34  }
0x1bf: {  	v48 =	vld [tilespmem:s31+$0x60C0];
	v39 =	vmul.f32 v62, v34;
	[tilespmem:s31+$0x6030] =	vst v42  }
0x1c0: {  	v46 =	vld [tilespmem:s31+$0x60B0];
	[tilespmem:s31+$0x6000] =	vst v19;
	v19 =	vmul.f32 v63, v34  }
0x1c1: {  	v41 =	vld [tilespmem:s31+$0x6080];
	[tilespmem:s31+$0x6010] =	vst v39;
	v45 =	vmul.f32 v37, v34;
	v47 =	vperm.xlane v18, v9  }
0x1c2: {  	v40 =	vld [tilespmem:s31+$0x6070];
	[tilespmem:s31+$0x6020] =	vst v19;
	v19 =	vmul.f32 v35, v34  }
0x1c3: {  	v44 =	vld [tilespmem:s31+$0x60A0];
	[tilespmem:s31+$0x6050] =	vst v45;
	v52 =	vmul.f32 v43, v47  }
0x1c4: {  	v50 =	vld [tilespmem:s31+$0x60D0];
	[tilespmem:s31+$0x6040] =	vst v19;
	v19 =	vmul.f32 v38, v34  }
0x1c5: {  	v51 =	vld [tilespmem:s31+$0x60E0];
	v55 =	vmul.f32 v46, v47;
	[tilespmem:s31+$0x6090] =	vst v52  }
0x1c6: {  	v42 =	vld [tilespmem:s31+$0x61D0];
	[tilespmem:s31+$0x6060] =	vst v19;
	v19 =	vmul.f32 v41, v47  }
0x1c7: {  	v61 =	vld [tilespmem:s31+$0x6140];
	v49 =	vmul.f32 v40, v34;
	[tilespmem:s31+$0x60B0] =	vst v55  }
0x1c8: {  	v56 =	vld [tilespmem:s31+$0x6110];
	[tilespmem:s31+$0x6080] =	vst v19;
	v19 =	vmul.f32 v44, v47  }
0x1c9: {  	v39 =	vperm.xlane v18, v11;
	v54 =	vld [tilespmem:s31+$0x6100];
	[tilespmem:s31+$0x6070] =	vst v49;
	v58 =	vmul.f32 v50, v47  }
0x1ca: {  	v53 =	vld [tilespmem:s31+$0x60F0];
	[tilespmem:s31+$0x60A0] =	vst v19;
	v19 =	vmul.f32 v48, v47  }
0x1cb: {  	v57 =	vld [tilespmem:s31+$0x6120];
	v50 =	vmul.f32 v42, v39;
	v60 =	vperm.xlane v18, v10;
	[tilespmem:s31+$0x60D0] =	vst v58  }
0x1cc: {  	v59 =	vld [tilespmem:s31+$0x6130];
	[tilespmem:s31+$0x60C0] =	vst v19;
	v19 =	vmul.f32 v51, v47  }
0x1cd: {  	v32 =	vld [tilespmem:s31+$0x6170];
	[tilespmem:s31+$0x61D0] =	vst v50;
	v31 =	vmul.f32 v56, v60  }
0x1ce: {  	v63 =	vld [tilespmem:s31+$0x6150];
	[tilespmem:s31+$0x60E0] =	vst v19;
	v19 =	vmul.f32 v54, v60  }
0x1cf: {  	v36 =	vld [tilespmem:s31+$0x61A0];
	v62 =	vmul.f32 v53, v47;
	[tilespmem:s31+$0x6110] =	vst v31  }
0x1d0: {  	v55 =	vld [tilespmem:s31+$0x6250];
	[tilespmem:s31+$0x6100] =	vst v19;
	v19 =	vmul.f32 v57, v60  }
0x1d1: {  	v33 =	vld [tilespmem:s31+$0x6180];
	[tilespmem:s31+$0x60F0] =	vst v62;
	v34 =	vmul.f32 v59, v60  }
0x1d2: {  	v45 =	vld [tilespmem:s31+$0x61F0];
	[tilespmem:s31+$0x6120] =	vst v19;
	v19 =	vmul.f32 v61, v60  }
0x1d3: {  	v43 =	vld [tilespmem:s31+$0x61E0];
	v52 =	vperm.xlane v18, v12;
	v37 =	vmul.f32 v63, v60;
	[tilespmem:s31+$0x6130] =	vst v34  }
0x1d4: {  	v35 =	vld [tilespmem:s31+$0x6190];
	[tilespmem:s31+$0x6140] =	vst v19;
	v19 =	vmul.f32 v30, v60  }
0x1d5: {  	v40 =	vld [tilespmem:s31+$0x61C0];
	v63 =	vmul.f32 v55, v52;
	[tilespmem:s31+$0x6150] =	vst v37  }
0x1d6: {  	v58 =	vld [tilespmem:s31+$0x6270];
	[tilespmem:s31+$0x6160] =	vst v19;
	v19 =	vmul.f32 v33, v39  }
0x1d7: {  	s0 =	sor.u32 $0x10, s0;
	v38 =	vld [tilespmem:s31+$0x61B0];
	v41 =	vmul.f32 v32, v60;
	[tilespmem:s31+$0x6250] =	vst v63  }
0x1d8: {  	v59 =	vld.idx.msk [tilespmem:v17+s0+$0x0 ss:$0x1], $0xffff;
	[tilespmem:s31+$0x6180] =	vst v19;
	v19 =	vmul.f32 v36, v39  }
0x1d9: {  	v46 =	vld [tilespmem:s31+$0x6200];
	[tilespmem:s31+$0x6170] =	vst v41;
	v44 =	vmul.f32 v35, v39  }
0x1da: {  	v49 =	vld [tilespmem:s31+$0x6220];
	[tilespmem:s31+$0x61A0] =	vst v19;
	v19 =	vmul.f32 v40, v39  }
0x1db: {  	v35 =	vmul.f32 v58, v52;
	[tilespmem:s31+$0x6190] =	vst v44;
	v48 =	vld [tilespmem:s31+$0x6210]  }
0x1dc: {  	v50 =	vld [tilespmem:s31+$0x6340];
	[tilespmem:s31+$0x61C0] =	vst v19;
	v19 =	vmul.f32 v43, v39  }
0x1dd: {  	v53 =	vld [tilespmem:s31+$0x6240];
	v37 =	vmul.f32 v59, v59;
	[tilespmem:s31+$0x6270] =	vst v35;
	v47 =	vmul.f32 v38, v39  }
0x1de: {  	v51 =	vld [tilespmem:s31+$0x6230];
	[tilespmem:s31+$0x61E0] =	vst v19;
	v19 =	vmul.f32 v46, v52  }
0x1df: {  	v56 =	vld [tilespmem:s31+$0x6260];
	v24 =	vmul.f32 v37, v16;
	[tilespmem:s31+$0x61B0] =	vst v47;
	v54 =	vmul.f32 v45, v39  }
0x1e0: {  	v57 =	vmul.f32 v48, v52;
	v48 =	vld [tilespmem:s31+$0x6330];
	[tilespmem:s31+$0x6200] =	vst v19;
	v19 =	vmul.f32 v49, v52  }
0x1e1: {  	v24 =	vmul.f32 $1.442695020e+00, v24;
	[tilespmem:s31+$0x61F0] =	vst v54;
	v61 =	vld [tilespmem:s31+$0x6280]  }
0x1e2: {  	v34 =	vld [tilespmem:s31+$0x62B0];
	v47 =	vperm.xlane v18, v14;
	[tilespmem:s31+$0x6220] =	vst v19;
	v19 =	vmul.f32 v53, v52  }
0x1e3: {  	v32 =	vld [tilespmem:s31+$0x62A0];
	(erf) = vpow2.f32 v24;
	[tilespmem:s31+$0x6210] =	vst v57;
	v60 =	vmul.f32 v51, v52  }
0x1e4: {  	v38 =	vld [tilespmem:s31+$0x62D0];
	v33 =	vperm.xlane v18, v13;
	[tilespmem:s31+$0x6240] =	vst v19;
	v19 =	vmul.f32 v56, v52  }
0x1e5: {  	v55 =	vmul.f32 v48, v47;
	[tilespmem:s31+$0x6230] =	vst v60;
	v36 =	vld [tilespmem:s31+$0x62C0]  }
0x1e6: {  	v37 =	vld [tilespmem:s31+$0x63A0];
	[tilespmem:s31+$0x6260] =	vst v19;
	v19 =	vmul.f32 v61, v33  }
0x1e7: {  	[tilespmem:s31+$0x6330] =	vst v55;
	v42 =	vmul.f32 v34, v33;
	v40 =	vld [tilespmem:s31+$0x62E0]  }
0x1e8: {  	s0 =	sshll.u32 s0, $0x7;
	v51 =	vld [tilespmem:s31+$0x6350];
	[tilespmem:s31+$0x6280] =	vst v19;
	v19 =	vmul.f32 v32, v33  }
0x1e9: {  	s0 =	sand.u32 $0x3FFFF800, s0;
	v60 =	vperm.xlane v18, v15;
	v45 =	vmul.f32 v38, v33;
	[tilespmem:s31+$0x62B0] =	vst v42;
	v43 =	vld [tilespmem:s31+$0x6300]  }
0x1ea: {  	v30 =	vld [tilespmem:s0+$0x5C30];
	[tilespmem:s31+$0x62A0] =	vst v19;
	v19 =	vmul.f32 v36, v33  }
0x1eb: {  	v20 =	vmul.f32 v37, v60;
	[tilespmem:s31+$0x62D0] =	vst v45;
	v46 =	vld [tilespmem:s31+$0x6320]  }
0x1ec: {  	v31 =	vld [tilespmem:s0+$0x5C40];
	v18 =	vpop (erf);
	[tilespmem:s31+$0x62C0] =	vst v19;
	v19 =	vmul.f32 v40, v33  }
0x1ed: {  	v62 =	vld [tilespmem:s31+$0x6290];
	v58 =	vmul.f32 v51, v47;
	v63 =	vperm.xlane v18, v0;
	[tilespmem:s31+$0x63A0] =	vst v20  }
0x1ee: {  	v41 =	vld [tilespmem:s31+$0x62F0];
	[tilespmem:s31+$0x62E0] =	vst v19;
	v19 =	vmul.f32 v43, v47  }
0x1ef: {  	[tilespmem:s31+$0x6350] =	vst v58;
	v24 =	vmul.f32 v30, v63;
	v53 =	vld [tilespmem:s31+$0x6360]  }
0x1f0: {  	v54 =	vld [tilespmem:s31+$0x6370];
	[tilespmem:s31+$0x6300] =	vst v19;
	v19 =	vmul.f32 v46, v47  }
0x1f1: {  	v26 =	vmul.f32 v31, v63;
	[tilespmem:s0+$0x5C30] =	vst v24;
	v56 =	vld [tilespmem:s31+$0x6380]  }
0x1f2: {  	v34 =	vld [tilespmem:s0+$0x5C60];
	[tilespmem:s31+$0x6320] =	vst v19;
	v19 =	vmul.f32 v50, v47  }
0x1f3: {  	v59 =	vld [tilespmem:s0+$0x5C10];
	v39 =	vmul.f32 v62, v33;
	[tilespmem:s0+$0x5C40] =	vst v26  }
0x1f4: {  	v57 =	vld [tilespmem:s0+$0x5C00];
	[tilespmem:s31+$0x6340] =	vst v19;
	v19 =	vmul.f32 v53, v47  }
0x1f5: {  	v62 =	vmul.f32 v54, v47;
	[tilespmem:s31+$0x6290] =	vst v39;
	v61 =	vld [tilespmem:s0+$0x5C20]  }
0x1f6: {  	v36 =	vld [tilespmem:s0+$0x5C70];
	[tilespmem:s31+$0x6360] =	vst v19;
	v19 =	vmul.f32 v56, v60  }
0x1f7: {  	v25 =	vmul.f32 v34, v63;
	[tilespmem:s31+$0x6370] =	vst v62;
	v49 =	vmul.f32 v41, v33;
	v33 =	vld [tilespmem:s0+$0x5C50]  }
0x1f8: {  	v44 =	vld [tilespmem:s31+$0x6310];
	[tilespmem:s31+$0x6380] =	vst v19;
	v19 =	vmul.f32 v59, v63  }
0x1f9: {  	v38 =	vld [tilespmem:s31+$0x63B0];
	[tilespmem:s0+$0x5C60] =	vst v25;
	v32 =	vmul.f32 v57, v63  }
0x1fa: {  	v35 =	vmul.f32 v61, v63;
	[tilespmem:s0+$0x5C10] =	vst v19;
	v19 =	vld [tilespmem:s31+$0x6390]  }
0x1fb: {  	v39 =	vld [tilespmem:s31+$0x63C0];
	[tilespmem:s0+$0x5C00] =	vst v32;
	v23 =	vmul.f32 v36, v63  }
0x1fc: {  	v42 =	vld [tilespmem:s31+$0x63F0];
	[tilespmem:s0+$0x5C20] =	vst v35;
	v22 =	vmul.f32 v33, v63  }
0x1fd: {  	v41 =	vld [tilespmem:s31+$0x63E0];
	[tilespmem:s0+$0x5C70] =	vst v23  }
0x1fe: {  	v52 =	vmul.f32 v44, v47;
	v40 =	vld [tilespmem:s31+$0x63D0];
	[tilespmem:s0+$0x5C50] =	vst v22  }
0x1ff: {  	[tilespmem:s31+$0x62F0] =	vst v49;
	v23 =	vld [tilespmem:s31+$0x6480];
	v19 =	vmul.f32 v19, v60  }
0x200: {  	[tilespmem:s31+$0x6310] =	vst v52;
	v43 =	vmul.f32 v39, v60;
	v44 =	vld [tilespmem:s31+$0x6490]  }
0x201: {  	v45 =	vld [tilespmem:s31+$0x64A0];
	[tilespmem:s31+$0x6390] =	vst v19;
	v19 =	vmul.f32 v38, v60  }
0x202: {  	[tilespmem:s31+$0x63C0] =	vst v43;
	v46 =	vmul.f32 v41, v60;
	v47 =	vperm.xlane v18, v1;
	v48 =	vld [tilespmem:s31+$0x64B0]  }
0x203: {  	v49 =	vld [tilespmem:s31+$0x64C0];
	[tilespmem:s31+$0x63B0] =	vst v19;
	v19 =	vmul.f32 v40, v60  }
0x204: {  	[tilespmem:s31+$0x63E0] =	vst v46;
	v51 =	vld [tilespmem:s31+$0x64D0];
	v50 =	vmul.f32 v23, v47  }
0x205: {  	v52 =	vld [tilespmem:s31+$0x64E0];
	[tilespmem:s31+$0x63D0] =	vst v19;
	v19 =	vmul.f32 v42, v60  }
0x206: {  	v54 =	vld [tilespmem:s31+$0x64F0];
	v53 =	vmul.f32 v45, v47;
	[tilespmem:s31+$0x6480] =	vst v50  }
0x207: {  	v35 =	vld [tilespmem:s31+$0x65A0];
	[tilespmem:s31+$0x63F0] =	vst v19;
	v19 =	vmul.f32 v44, v47  }
0x208: {  	v55 =	vld [tilespmem:s31+$0x6500];
	v56 =	vmul.f32 v49, v47;
	[tilespmem:s31+$0x64A0] =	vst v53  }
0x209: {  	v39 =	vld [tilespmem:s31+$0x65C0];
	[tilespmem:s31+$0x6490] =	vst v19;
	v19 =	vmul.f32 v48, v47  }
0x20a: {  	v37 =	vperm.xlane v18, v3;
	v57 =	vld [tilespmem:s31+$0x6510];
	v59 =	vmul.f32 v52, v47;
	[tilespmem:s31+$0x64C0] =	vst v56  }
0x20b: {  	v32 =	vld [tilespmem:s31+$0x6580];
	[tilespmem:s31+$0x64B0] =	vst v19;
	v19 =	vmul.f32 v51, v47  }
0x20c: {  	v61 =	vld [tilespmem:s31+$0x6530];
	v43 =	vmul.f32 v35, v37;
	[tilespmem:s31+$0x64E0] =	vst v59  }
0x20d: {  	v45 =	vld [tilespmem:s31+$0x6600];
	v60 =	vperm.xlane v18, v2;
	[tilespmem:s31+$0x64D0] =	vst v19;
	v19 =	vmul.f32 v54, v47  }
0x20e: {  	v28 =	vld [tilespmem:s31+$0x6550];
	v46 =	vmul.f32 v39, v37;
	[tilespmem:s31+$0x65A0] =	vst v43  }
0x20f: {  	v52 =	vld [tilespmem:s31+$0x6640];
	[tilespmem:s31+$0x64F0] =	vst v19;
	v19 =	vmul.f32 v57, v60  }
0x210: {  	v31 =	vld [tilespmem:s31+$0x6570];
	[tilespmem:s31+$0x65C0] =	vst v46;
	v50 =	vperm.xlane v18, v4;
	v40 =	vmul.f32 v32, v37  }
0x211: {  	v58 =	vld [tilespmem:s31+$0x6520];
	[tilespmem:s31+$0x6510] =	vst v19;
	v19 =	vmul.f32 v61, v60  }
0x212: {  	v34 =	vld [tilespmem:s31+$0x6590];
	[tilespmem:s31+$0x6580] =	vst v40;
	v53 =	vmul.f32 v45, v50  }
0x213: {  	v62 =	vld [tilespmem:s31+$0x6540];
	[tilespmem:s31+$0x6530] =	vst v19;
	v19 =	vmul.f32 v28, v60  }
0x214: {  	v38 =	vld [tilespmem:s31+$0x65B0];
	v59 =	vmul.f32 v52, v50;
	[tilespmem:s31+$0x6600] =	vst v53  }
0x215: {  	v29 =	vld [tilespmem:s31+$0x6560];
	[tilespmem:s31+$0x6550] =	vst v19;
	v19 =	vmul.f32 v31, v60  }
0x216: {  	v41 =	vld [tilespmem:s31+$0x65D0];
	v63 =	vmul.f32 v55, v60;
	[tilespmem:s31+$0x6640] =	vst v59  }
0x217: {  	v39 =	vld [tilespmem:s31+$0x6710];
	[tilespmem:s31+$0x6570] =	vst v19;
	v19 =	vmul.f32 v34, v37  }
0x218: {  	v30 =	vmul.f32 v58, v60;
	v44 =	vld [tilespmem:s31+$0x65F0];
	[tilespmem:s31+$0x6500] =	vst v63  }
0x219: {  	v42 =	vld [tilespmem:s31+$0x65E0];
	[tilespmem:s31+$0x6590] =	vst v19;
	v19 =	vmul.f32 v38, v37  }
0x21a: {  	v33 =	vmul.f32 v62, v60;
	[tilespmem:s31+$0x6520] =	vst v30;
	v47 =	vld [tilespmem:s31+$0x6610]  }
0x21b: {  	v55 =	vld [tilespmem:s31+$0x6660];
	[tilespmem:s31+$0x65B0] =	vst v19;
	v19 =	vmul.f32 v41, v37  }
0x21c: {  	v36 =	vmul.f32 v29, v60;
	[tilespmem:s31+$0x6540] =	vst v33;
	v51 =	vld [tilespmem:s31+$0x6630]  }
0x21d: {  	v58 =	vld [tilespmem:s31+$0x6680];
	[tilespmem:s31+$0x65D0] =	vst v19;
	v19 =	vmul.f32 v44, v37  }
0x21e: {  	[tilespmem:s31+$0x6560] =	vst v36;
	v49 =	vmul.f32 v42, v37;
	v54 =	vld [tilespmem:s31+$0x6650]  }
0x21f: {  	v48 =	vld [tilespmem:s31+$0x6620];
	[tilespmem:s31+$0x65F0] =	vst v19;
	v19 =	vmul.f32 v47, v50  }
0x220: {  	v63 =	vperm.xlane v18, v5;
	[tilespmem:s31+$0x65E0] =	vst v49;
	v62 =	vmul.f32 v55, v50;
	v57 =	vld [tilespmem:s31+$0x6670]  }
0x221: {  	v40 =	vld [tilespmem:s31+$0x6720];
	[tilespmem:s31+$0x6610] =	vst v19;
	v19 =	vmul.f32 v51, v50  }
0x222: {  	v32 =	vmul.f32 v58, v63;
	[tilespmem:s31+$0x6660] =	vst v62;
	v60 =	vld [tilespmem:s31+$0x6690]  }
0x223: {  	v61 =	vld [tilespmem:s31+$0x66A0];
	[tilespmem:s31+$0x6630] =	vst v19;
	v19 =	vmul.f32 v54, v50  }
0x224: {  	v30 =	vld [tilespmem:s31+$0x66B0];
	v42 =	vperm.xlane v18, v6;
	v56 =	vmul.f32 v48, v50;
	[tilespmem:s31+$0x6680] =	vst v32  }
0x225: {  	v53 =	vld [tilespmem:s31+$0x67A0];
	[tilespmem:s31+$0x6650] =	vst v19;
	v19 =	vmul.f32 v57, v50  }
0x226: {  	v33 =	vld [tilespmem:s31+$0x66D0];
	v48 =	vmul.f32 v40, v42;
	[tilespmem:s31+$0x6620] =	vst v56  }
0x227: {  	v31 =	vld [tilespmem:s31+$0x66C0];
	[tilespmem:s31+$0x6670] =	vst v19;
	v19 =	vmul.f32 v60, v63  }
0x228: {  	v36 =	vld [tilespmem:s31+$0x66F0];
	v55 =	vperm.xlane v18, v7;
	[tilespmem:s31+$0x6720] =	vst v48;
	v35 =	vmul.f32 v61, v63  }
0x229: {  	v34 =	vld [tilespmem:s31+$0x66E0];
	[tilespmem:s31+$0x6690] =	vst v19;
	v19 =	vmul.f32 v30, v63  }
0x22a: {  	v43 =	vld [tilespmem:s31+$0x6730];
	v61 =	vmul.f32 v53, v55;
	[tilespmem:s31+$0x66A0] =	vst v35  }
0x22b: {  	v32 =	vld [tilespmem:s31+$0x6820];
	[tilespmem:s31+$0x66B0] =	vst v19;
	v19 =	vmul.f32 v33, v63  }
0x22c: {  	v46 =	vld [tilespmem:s31+$0x6750];
	[tilespmem:s31+$0x67A0] =	vst v61;
	v38 =	vmul.f32 v31, v63  }
0x22d: {  	v37 =	vld [tilespmem:s31+$0x6700];
	[tilespmem:s31+$0x66D0] =	vst v19;
	v19 =	vmul.f32 v36, v63  }
0x22e: {  	v52 =	vld [tilespmem:s31+$0x6790];
	[tilespmem:s31+$0x66C0] =	vst v38;
	v41 =	vmul.f32 v34, v63;
	v34 =	vperm.xlane v18, v8  }
0x22f: {  	v44 =	vld [tilespmem:s31+$0x6740];
	[tilespmem:s31+$0x66F0] =	vst v19;
	v19 =	vmul.f32 v39, v42  }
0x230: {  	v49 =	vld [tilespmem:s31+$0x6770];
	[tilespmem:s31+$0x66E0] =	vst v41;
	v40 =	vmul.f32 v32, v34  }
0x231: {  	v47 =	vld [tilespmem:s31+$0x6760];
	[tilespmem:s31+$0x6710] =	vst v19;
	v19 =	vmul.f32 v43, v42  }
0x232: {  	v59 =	vld [tilespmem:s31+$0x67D0];
	[tilespmem:s31+$0x6820] =	vst v40;
	v45 =	vmul.f32 v37, v42  }
0x233: {  	v50 =	vld [tilespmem:s31+$0x6780];
	[tilespmem:s31+$0x6730] =	vst v19;
	v19 =	vmul.f32 v46, v42  }
0x234: {  	v56 =	vld [tilespmem:s31+$0x67B0];
	v51 =	vmul.f32 v44, v42;
	[tilespmem:s31+$0x6700] =	vst v45  }
0x235: {  	v45 =	vld [tilespmem:s31+$0x68A0];
	[tilespmem:s31+$0x6750] =	vst v19;
	v19 =	vmul.f32 v49, v42  }
0x236: {  	v29 =	vld [tilespmem:s31+$0x6960];
	[tilespmem:s31+$0x6740] =	vst v51;
	v54 =	vmul.f32 v47, v42  }
0x237: {  	v57 =	vld [tilespmem:s31+$0x67C0];
	[tilespmem:s31+$0x6770] =	vst v19;
	v19 =	vmul.f32 v52, v55  }
0x238: {  	v62 =	vld [tilespmem:s31+$0x67F0];
	v47 =	vperm.xlane v18, v9;
	[tilespmem:s31+$0x6760] =	vst v54;
	v58 =	vmul.f32 v50, v55  }
0x239: {  	v60 =	vld [tilespmem:s31+$0x67E0];
	[tilespmem:s31+$0x6790] =	vst v19;
	v19 =	vmul.f32 v56, v55  }
0x23a: {  	v31 =	vld [tilespmem:s31+$0x6810];
	v53 =	vmul.f32 v45, v47;
	[tilespmem:s31+$0x6780] =	vst v58  }
0x23b: {  	v58 =	vld [tilespmem:s31+$0x6920];
	[tilespmem:s31+$0x67B0] =	vst v19;
	v19 =	vmul.f32 v59, v55  }
0x23c: {  	v35 =	vld [tilespmem:s31+$0x6830];
	v30 =	vmul.f32 v57, v55;
	[tilespmem:s31+$0x68A0] =	vst v53  }
0x23d: {  	v63 =	vld [tilespmem:s31+$0x6800];
	[tilespmem:s31+$0x67D0] =	vst v19;
	v19 =	vmul.f32 v62, v55  }
0x23e: {  	v38 =	vld [tilespmem:s31+$0x6850];
	[tilespmem:s31+$0x67C0] =	vst v30;
	v33 =	vmul.f32 v60, v55;
	v60 =	vperm.xlane v18, v10  }
0x23f: {  	v36 =	vld [tilespmem:s31+$0x6840];
	[tilespmem:s31+$0x67F0] =	vst v19;
	v19 =	vmul.f32 v31, v34  }
0x240: {  	v41 =	vld [tilespmem:s31+$0x6870];
	[tilespmem:s31+$0x67E0] =	vst v33;
	v30 =	vmul.f32 v58, v60  }
0x241: {  	v44 =	vld [tilespmem:s31+$0x6890];
	[tilespmem:s31+$0x6810] =	vst v19;
	v19 =	vmul.f32 v35, v34  }
0x242: {  	v39 =	vld [tilespmem:s31+$0x6860];
	v37 =	vmul.f32 v63, v34;
	[tilespmem:s31+$0x6920] =	vst v30  }
0x243: {  	[tilespmem:s31+$0x6830] =	vst v19;
	v19 =	vmul.f32 v38, v34  }
0x244: {  	v48 =	vld [tilespmem:s31+$0x68B0];
	v43 =	vmul.f32 v36, v34;
	[tilespmem:s31+$0x6800] =	vst v37  }
0x245: {  	v32 =	vld [tilespmem:s31+$0x6980];
	[tilespmem:s31+$0x6850] =	vst v19;
	v19 =	vmul.f32 v41, v34  }
0x246: {  	v51 =	vld [tilespmem:s31+$0x68D0];
	v36 =	vmul.f32 v29, v60;
	[tilespmem:s31+$0x6840] =	vst v43  }
0x247: {  	v46 =	vmul.f32 v39, v34;
	v39 =	vld [tilespmem:s31+$0x69C0];
	[tilespmem:s31+$0x6870] =	vst v19;
	v19 =	vmul.f32 v44, v47  }
0x248: {  	v54 =	vld [tilespmem:s31+$0x68F0];
	v37 =	vperm.xlane v18, v11;
	[tilespmem:s31+$0x6960] =	vst v36  }
0x249: {  	v42 =	vld [tilespmem:s31+$0x6880];
	[tilespmem:s31+$0x6890] =	vst v19;
	v19 =	vmul.f32 v48, v47  }
0x24a: {  	v57 =	vld [tilespmem:s31+$0x6910];
	[tilespmem:s31+$0x6860] =	vst v46;
	v40 =	vmul.f32 v32, v37  }
0x24b: {  	v49 =	vld [tilespmem:s31+$0x68C0];
	[tilespmem:s31+$0x68B0] =	vst v19;
	v19 =	vmul.f32 v51, v47  }
0x24c: {  	v61 =	vld [tilespmem:s31+$0x6930];
	[tilespmem:s31+$0x6980] =	vst v40;
	v46 =	vmul.f32 v39, v37  }
0x24d: {  	v52 =	vld [tilespmem:s31+$0x68E0];
	[tilespmem:s31+$0x68D0] =	vst v19;
	v19 =	vmul.f32 v54, v47  }
0x24e: {  	v28 =	vld [tilespmem:s31+$0x6950];
	v50 =	vmul.f32 v42, v47;
	[tilespmem:s31+$0x69C0] =	vst v46  }
0x24f: {  	v45 =	vld [tilespmem:s31+$0x6A00];
	[tilespmem:s31+$0x68F0] =	vst v19;
	v19 =	vmul.f32 v57, v60  }
0x250: {  	v56 =	vmul.f32 v49, v47;
	[tilespmem:s31+$0x6880] =	vst v50;
	v31 =	vld [tilespmem:s31+$0x6970]  }
0x251: {  	v42 =	vld [tilespmem:s31+$0x69E0];
	[tilespmem:s31+$0x6910] =	vst v19;
	v19 =	vmul.f32 v61, v60  }
0x252: {  	[tilespmem:s31+$0x68C0] =	vst v56;
	v59 =	vmul.f32 v52, v47;
	v50 =	vperm.xlane v18, v12;
	v34 =	vld [tilespmem:s31+$0x6990]  }
0x253: {  	v52 =	vld [tilespmem:s31+$0x6A40];
	[tilespmem:s31+$0x6930] =	vst v19;
	v19 =	vmul.f32 v28, v60  }
0x254: {  	[tilespmem:s31+$0x68E0] =	vst v59;
	v53 =	vmul.f32 v45, v50;
	v38 =	vld [tilespmem:s31+$0x69B0]  }
0x255: {  	v55 =	vld [tilespmem:s31+$0x6900];
	[tilespmem:s31+$0x6950] =	vst v19;
	v19 =	vmul.f32 v31, v60  }
0x256: {  	v49 =	vmul.f32 v42, v37;
	[tilespmem:s31+$0x6A00] =	vst v53;
	v41 =	vld [tilespmem:s31+$0x69D0]  }
0x257: {  	v62 =	vld [tilespmem:s31+$0x6940];
	[tilespmem:s31+$0x6970] =	vst v19;
	v19 =	vmul.f32 v34, v37  }
0x258: {  	[tilespmem:s31+$0x69E0] =	vst v49;
	v59 =	vmul.f32 v52, v50;
	v44 =	vld [tilespmem:s31+$0x69F0]  }
0x259: {  	v35 =	vld [tilespmem:s31+$0x69A0];
	[tilespmem:s31+$0x6990] =	vst v19;
	v19 =	vmul.f32 v38, v37  }
0x25a: {  	v63 =	vmul.f32 v55, v60;
	[tilespmem:s31+$0x6A40] =	vst v59;
	v47 =	vld [tilespmem:s31+$0x6A10]  }
0x25b: {  	v48 =	vld [tilespmem:s31+$0x6A20];
	[tilespmem:s31+$0x69B0] =	vst v19;
	v19 =	vmul.f32 v41, v37  }
0x25c: {  	v33 =	vmul.f32 v62, v60;
	[tilespmem:s31+$0x6900] =	vst v63;
	v51 =	vld [tilespmem:s31+$0x6A30]  }
0x25d: {  	v58 =	vld [tilespmem:s31+$0x6A80];
	[tilespmem:s31+$0x69D0] =	vst v19;
	v19 =	vmul.f32 v44, v37  }
0x25e: {  	[tilespmem:s31+$0x6940] =	vst v33;
	v43 =	vmul.f32 v35, v37;
	v54 =	vld [tilespmem:s31+$0x6A50]  }
0x25f: {  	v55 =	vld [tilespmem:s31+$0x6A60];
	[tilespmem:s31+$0x69F0] =	vst v19;
	v19 =	vmul.f32 v47, v50  }
0x260: {  	v63 =	vperm.xlane v18, v13;
	[tilespmem:s31+$0x69A0] =	vst v43;
	v56 =	vmul.f32 v48, v50;
	v57 =	vld [tilespmem:s31+$0x6A70]  }
0x261: {  	v40 =	vld [tilespmem:s31+$0x6B20];
	[tilespmem:s31+$0x6A10] =	vst v19;
	v19 =	vmul.f32 v51, v50  }
0x262: {  	v32 =	vmul.f32 v58, v63;
	[tilespmem:s31+$0x6A20] =	vst v56;
	v60 =	vld [tilespmem:s31+$0x6A90]  }
0x263: {  	v56 =	vld [tilespmem:s31+$0x6BC0];
	[tilespmem:s31+$0x6A30] =	vst v19;
	v19 =	vmul.f32 v54, v50  }
0x264: {  	v30 =	vld [tilespmem:s31+$0x6AB0];
	v42 =	vperm.xlane v18, v14;
	v62 =	vmul.f32 v55, v50;
	[tilespmem:s31+$0x6A80] =	vst v32  }
0x265: {  	v61 =	vld [tilespmem:s31+$0x6AA0];
	[tilespmem:s31+$0x6A50] =	vst v19;
	v19 =	vmul.f32 v57, v50  }
0x266: {  	v33 =	vld [tilespmem:s31+$0x6AD0];
	v18 =	vperm.xlane v18, v15;
	[tilespmem:s31+$0x6A60] =	vst v62;
	v48 =	vmul.f32 v40, v42  }
0x267: {  	v31 =	vld [tilespmem:s31+$0x6AC0];
	[tilespmem:s31+$0x6A70] =	vst v19;
	v19 =	vmul.f32 v60, v63  }
0x268: {  	v36 =	vld [tilespmem:s31+$0x6AF0];
	[tilespmem:s31+$0x6B20] =	vst v48;
	v62 =	vmul.f32 v56, v18  }
0x269: {  	v34 =	vld [tilespmem:s31+$0x6AE0];
	[tilespmem:s31+$0x6A90] =	vst v19;
	v19 =	vmul.f32 v30, v63  }
0x26a: {  	v39 =	vld [tilespmem:s31+$0x6B10];
	v35 =	vmul.f32 v61, v63;
	[tilespmem:s31+$0x6BC0] =	vst v62  }
0x26b: {  	v37 =	vld [tilespmem:s31+$0x6B00];
	[tilespmem:s31+$0x6AB0] =	vst v19;
	v19 =	vmul.f32 v33, v63  }
0x26c: {  	v43 =	vld [tilespmem:s31+$0x6B30];
	[tilespmem:s31+$0x6AA0] =	vst v35;
	v38 =	vmul.f32 v31, v63  }
0x26d: {  	v44 =	vld [tilespmem:s31+$0x6B40];
	[tilespmem:s31+$0x6AD0] =	vst v19;
	v19 =	vmul.f32 v36, v63  }
0x26e: {  	v46 =	vld [tilespmem:s31+$0x6B50];
	[tilespmem:s31+$0x6AC0] =	vst v38;
	v41 =	vmul.f32 v34, v63  }
0x26f: {  	v47 =	vld [tilespmem:s31+$0x6B60];
	[tilespmem:s31+$0x6AF0] =	vst v19;
	v19 =	vmul.f32 v39, v42  }
0x270: {  	v49 =	vld [tilespmem:s31+$0x6B70];
	[tilespmem:s31+$0x6AE0] =	vst v41;
	v45 =	vmul.f32 v37, v42  }
0x271: {  	v53 =	vld [tilespmem:s31+$0x6BA0];
	[tilespmem:s31+$0x6B10] =	vst v19;
	v19 =	vmul.f32 v43, v42  }
0x272: {  	v52 =	vld [tilespmem:s31+$0x6B90];
	v51 =	vmul.f32 v44, v42;
	[tilespmem:s31+$0x6B00] =	vst v45  }
0x273: {  	v50 =	vld [tilespmem:s31+$0x6B80];
	[tilespmem:s31+$0x6B30] =	vst v19;
	v19 =	vmul.f32 v46, v42  }
0x274: {  	v55 =	vld [tilespmem:s31+$0x6BB0];
	[tilespmem:s31+$0x6B40] =	vst v51;
	v54 =	vmul.f32 v47, v42  }
0x275: {  	v59 =	vld [tilespmem:s31+$0x6BE0];
	[tilespmem:s31+$0x6B50] =	vst v19;
	v19 =	vmul.f32 v49, v42  }
0x276: {  	v58 =	vld [tilespmem:s31+$0x6BD0];
	[tilespmem:s31+$0x6B60] =	vst v54;
	v60 =	vmul.f32 v53, v18  }
0x277: {  	v61 =	vld [tilespmem:s31+$0x6BF0];
	[tilespmem:s31+$0x6B70] =	vst v19;
	v19 =	vmul.f32 v52, v18  }
0x278: {  	[tilespmem:s31+$0x6BA0] =	vst v60;
	v57 =	vmul.f32 v50, v18  }
0x279: {  	p2 =	por p1, p1;
	[tilespmem:s31+$0x6B90] =	vst v19;
	v19 =	vmul.f32 v55, v18  }
.Ltmp5:
0x27a: {  	[tilespmem:s31+$0x6B80] =	vst v57;
	v63 =	vmul.f32 v59, v18;
	(pc) =	sbr.rel @p2 .LBB2_6-.Ltmp5, $4  }
0x27b: {  	[tilespmem:s31+$0x6BB0] =	vst v19;
	v19 =	vmul.f32 v58, v18  }
0x27c: {  	[tilespmem:s31+$0x6BE0] =	vst v63;
	v18 =	vmul.f32 v61, v18  }
0x27d: {  	[tilespmem:s31+$0x6BD0] =	vst v19  }
0x27e: {  	p1 =	por $0x0, $0x0;
	[tilespmem:s31+$0x6BF0] =	vst v18;
	s31 =	simm.s32 $0x2  }
.Ltmp6:
0x27f: {  	s0 =	sadd.s32 $0x1400, s30;
	(pc) =	sbr.rel @p0 .LBB2_9-.Ltmp6, $4  }
0x280: {  	[spmem:s2] =	stream.indirect.scatter.add.f32 [tilespmem:s22], [sflag:$0x3], $0x80, s0, s19, $0xb8;
	[tilespmem:$0x1B880] =	vst v63  }
0x281: {  	_ =	swait.ge [sflag:s15], $0x2000  }
0x282: {  	[sflag:s15] =	ssyncset.done $0x0  }
0x283: {  	[sflag:s15] =	ssyncadd.s32 $0xFFFFE000  }
.Ltmp7:
0x284: {  	(pc) =	sbr.rel .LBB2_3-.Ltmp7, $3  }
0x285: {  	_ =	sdelay $0x1  }
0x286: {  	s0 =	sadd.s32 $0x180, s29;
	s28 =	sadd.s32 $0x1, s28  }
0x287: {  	[tilespmem:s22], [sflag:$0x2] =	stream.indirect.gather [hbm4b:s4+s19], $0x80, s0, s19, $0xb8;
	[tilespmem:$0x1B880] =	vst v63  }
.LBB2_11:
0x288: {  	_ =	sfence.sel $0x180000  }
0x289: {  	[bflag:$0x0] =	sbarrier.arrive $0xFFFF  }
0x28a: {  	_ =	strace $0x90000047  }
0x28b: {  	s0 =	stileid.u32;
	[bflag:$0x2] =	sbarrier.arrive $0xFFFF  }
0x28c: {  	p0 =	sne.s32 s0, $0x0;
	s0 =	rddreg [dreg:$0x3]  }
0x28d: {  	s0 =	sadd.s32 @!p0 $0x100000, s0  }
0x28e: {  	[sflag:s0] =	ssyncadd.tile.s32 @!p0 $0x1;
	_ =	shalt  }
.Lfunc_end2:
_tile_overlayer_lowered:
.L_overlay_start_2:
0x28f: {  	(tag) =	ssettag $0x2  }
0x290: {  	s0 =	rddreg [dreg:$0x0];
	s2 =	stileid.u32  }
0x291: {  	s1 =	rddreg [dreg:$0x1];
	p0 =	sne.s32 s2, $0x0  }
0x292: {  	s3 =	rddreg [dreg:$0x2];
	[bflag:$0x3] =	sbarrier.arrive $0xFFFF;
	s2 =	simm.s32 @!p0 $0x1C03  }
0x293: {  	[timem:s3], [sflag:s2] =	dma.local @!p0 [hbm:s0], s1  }
0x294: {  	s0 =	simm.s32 @!p0 $0x3  }
0x295: {  	_ =	swait.ge @!p0 [sflag:s0], s1  }
0x296: {  	s1 =	ssub.s32 @!p0 $0x0, s1;
	[sflag:s0] =	ssyncset.done @!p0 $0x0  }
0x297: {  	[sflag:s0] =	ssyncadd.s32 @!p0 s1  }
0x298: {  	[bflag:$0x3] =	sbarrier.arrive $0xFFFF  }
0x299: {  	_ =	shalt  }

</sc_bundles>
